<compile_context>
chip_gen: v7x
topology: tpu7x:2x2x1
jax: 0.10.2.dev20260603
libtpu: 0.0.44.dev20260713+nightly
codegen_flags: <defaults>
</compile_context>

<pallas_src>
import functools

import jax
import jax.numpy as jnp
from jax import lax
from jax.experimental import pallas as pl
from jax.experimental.pallas import tpu as pltpu
from jax.experimental.pallas import tpu_sc as plsc

NC = 2
NS = 16
NW = NC * NS
L = 16
PH = 2


def kernel(users, movies, user_emb, movie_emb, W, b):
    B = users.shape[0]
    D = user_emb.shape[1]
    KD = D // L
    bpw = B // NW
    ck = bpw // PH
    NGP = ck // L

    wb = jnp.concatenate([W.reshape(D), jnp.broadcast_to(b, (L,))])

    mesh = plsc.VectorSubcoreMesh(core_axis_name="c", subcore_axis_name="s")

    @functools.partial(
        pl.kernel,
        mesh=mesh,
        compiler_params=pltpu.CompilerParams(
            needs_layout_passes=False, use_tc_tiling_on_sc=True),
        out_type=jax.ShapeDtypeStruct((B,), jnp.float32),
        scratch_types=[
            pltpu.VMEM((bpw,), jnp.int32),
            pltpu.VMEM((bpw,), jnp.int32),
            pltpu.VMEM((ck, 64), jnp.float32),
            pltpu.VMEM((ck, 64), jnp.float32),
            pltpu.VMEM((bpw,), jnp.float32),
            pltpu.VMEM((D + L,), jnp.float32),
            pltpu.SemaphoreType.DMA,
            pltpu.SemaphoreType.DMA,
        ],
    )
    def gmf(users_h, movies_h, uemb_h, memb_h, wb_h, out_h,
            utid, mtid, ubuf, mbuf, outv, wv, usem, msem):
        wid = lax.axis_index("s") * NC + lax.axis_index("c")
        base = wid * bpw

        pltpu.sync_copy(users_h.at[pl.ds(base, bpw)], utid)
        pltpu.sync_copy(movies_h.at[pl.ds(base, bpw)], mtid)
        pltpu.sync_copy(wb_h, wv)

        wvec = [wv[pl.ds(k * L, L)] for k in range(KD)]
        bvec = wv[pl.ds(D, L)]
        lane = lax.iota(jnp.int32, L)

        def run_phase(p, _):
            off = p * ck

            def fire_body(g, _):
                uv = utid[pl.ds(off + g * L, L)]
                mv = mtid[pl.ds(off + g * L, L)]
                for r in range(L):
                    row = g * L + r
                    pltpu.make_async_copy(
                        uemb_h.at[uv[r]], ubuf.at[row], usem).start()
                    pltpu.make_async_copy(
                        memb_h.at[mv[r]], mbuf.at[row], msem).start()
                return 0

            lax.fori_loop(0, NGP, fire_body, 0)

            def drain_body(g, _):
                for r in range(L):
                    row = g * L + r
                    pltpu.make_async_copy(
                        uemb_h.at[0], ubuf.at[row], usem).wait()
                    pltpu.make_async_copy(
                        memb_h.at[0], mbuf.at[row], msem).wait()
                return 0

            lax.fori_loop(0, NGP, drain_body, 0)

            def group_body(g, _):
                rows = g * L + lane
                acc = bvec
                for d in range(D):
                    dsplat = jnp.full((L,), d, jnp.int32)
                    u_d = plsc.load_gather(ubuf, [rows, dsplat])
                    m_d = plsc.load_gather(mbuf, [rows, dsplat])
                    acc = acc + (u_d * m_d) * wvec[d // L][d % L]
                outv[pl.ds(off + g * L, L)] = acc
                return 0

            lax.fori_loop(0, NGP, group_body, 0)
            return 0

        lax.fori_loop(0, PH, run_phase, 0)

        pltpu.sync_copy(outv, out_h.at[pl.ds(base, bpw)])

    out = gmf(users, movies, user_emb, movie_emb, wb)
    return out.reshape(B, 1)

# --- scband reference (transcript-rebuilt; emitter-appended) ---
"""Pipeline reference for scband-gmf-78700980731963 (READ-ONLY COPY).

The authoritative reference and input builder live on the scoring server;
editing this copy changes nothing except your own understanding.
"""

import jax, jax.numpy as jnp
import numpy as np

NUM_USERS = 1000000
NUM_ITEMS = 100000
EMBED_DIM = 64
BATCH = 16384


def setup_inputs(seed: int = 0) -> dict:
    key = jax.random.key(seed)
    k1, k2, k3, k4, k5, k6 = jax.random.split(key, 6)
    users = jax.random.randint(k1, (BATCH,), 0, NUM_USERS, dtype=jnp.int64 if jax.config.jax_enable_x64 else jnp.int32)
    movies = jax.random.randint(k2, (BATCH,), 0, NUM_ITEMS, dtype=jnp.int64 if jax.config.jax_enable_x64 else jnp.int32)
    user_emb = jax.random.normal(k3, (NUM_USERS, EMBED_DIM), dtype=jnp.float32)
    movie_emb = jax.random.normal(k4, (NUM_ITEMS, EMBED_DIM), dtype=jnp.float32)
    W = jax.random.normal(k5, (1, EMBED_DIM), dtype=jnp.float32) * (1.0 / np.sqrt(EMBED_DIM))
    b = jax.random.normal(k6, (1,), dtype=jnp.float32) * 0.01
    return {"users": users, "movies": movies, "user_emb": user_emb, "movie_emb": movie_emb, "W": W, "b": b}


def reference(users, movies, user_emb, movie_emb, W, b):
    # GMF: elementwise product of user and item embeddings, then linear head
    u = jnp.take(user_emb, users, axis=0)   # [B, D] gather
    m = jnp.take(movie_emb, movies, axis=0) # [B, D] gather
    gmf = u * m                              # [B, D]
    x = gmf @ W.T + b                        # [B, 1]
    return x

if __name__ == "__main__":
    import jax
    _d = setup_inputs()
    print(jax.jit(kernel)(*tuple(_d.values())))

</pallas_src>

<mosaic_0001>
#map = affine_map<(d0, d1) -> (0)>
#map1 = affine_map<(d0, d1) -> (0, 0)>
module attributes {stable_mosaic.version = 14 : i64} {
  func.func @gmf(%arg0: i32, %arg1: i32, %arg2: memref<16384xi32, #tpu.memory_space<hbm>>, %arg3: memref<16384xi32, #tpu.memory_space<hbm>>, %arg4: memref<1000000x64xf32, #tpu.memory_space<hbm>>, %arg5: memref<100000x64xf32, #tpu.memory_space<hbm>>, %arg6: memref<80xf32, #tpu.memory_space<hbm>>, %arg7: memref<16384xf32, #tpu.memory_space<hbm>>, %arg8: memref<512xi32, #tpu.memory_space<vmem>>, %arg9: memref<512xi32, #tpu.memory_space<vmem>>, %arg10: memref<256x64xf32, #tpu.memory_space<vmem>>, %arg11: memref<256x64xf32, #tpu.memory_space<vmem>>, %arg12: memref<512xf32, #tpu.memory_space<vmem>>, %arg13: memref<80xf32, #tpu.memory_space<vmem>>, %arg14: memref<!tpu.dma_semaphore, #tpu.memory_space<semaphore_mem>>, %arg15: memref<!tpu.dma_semaphore, #tpu.memory_space<semaphore_mem>>) attributes {dimension_semantics = [#tpu.dimension_semantics<core_parallel>, #tpu.dimension_semantics<subcore_parallel>], iteration_bounds = array<i64: 2, 16>, scalar_prefetch = 0 : i64, scratch_operands = 8 : i64, tpu.core_type = #tpu.core_type<sc_vector_subcore>, window_params = [{transform_indices = #map}, {transform_indices = #map}, {transform_indices = #map1}, {transform_indices = #map1}, {transform_indices = #map}, {transform_indices = #map}]} {
    %mul3A = arith.constant 2 : i32
    %mul3A_0 = arith.muli %arg1, %mul3A : i32
    %add3A = arith.addi %mul3A_0, %arg0 : i32
    %mul3A_1 = arith.constant 512 : i32
    %mul3A_2 = arith.muli %add3A, %mul3A_1 : i32
    "tpu.region"() ({
      %run_scoped3A = tpu.sem_alloc : memref<!tpu.dma_semaphore, #tpu.memory_space<semaphore_mem>>
      %dma_start3A = tpu.memref_slice %arg2[%mul3A_2] : memref<16384xi32, #tpu.memory_space<hbm>> -> memref<512xi32, #tpu.memory_space<hbm>>
      %dma_start3A_18 = tpu.memref_slice %arg2[%mul3A_2] : memref<16384xi32, #tpu.memory_space<hbm>> -> memref<512xi32, #tpu.memory_space<hbm>>
      tpu.enqueue_dma source(%dma_start3A_18 : memref<512xi32, #tpu.memory_space<hbm>>) target(%arg8 : memref<512xi32, #tpu.memory_space<vmem>>) target_semaphore(%run_scoped3A : memref<!tpu.dma_semaphore, #tpu.memory_space<semaphore_mem>>)
      %dma_wait3A = tpu.memref_slice %arg2[%mul3A_2] : memref<16384xi32, #tpu.memory_space<hbm>> -> memref<512xi32, #tpu.memory_space<hbm>>
      %dma_wait3A_19 = tpu.memref_slice %arg2[%mul3A_2] : memref<16384xi32, #tpu.memory_space<hbm>> -> memref<512xi32, #tpu.memory_space<hbm>>
      tpu.wait_dma2 semaphore(%run_scoped3A : memref<!tpu.dma_semaphore, #tpu.memory_space<semaphore_mem>>) src(%dma_wait3A_19 : memref<512xi32, #tpu.memory_space<hbm>>) dst(%arg8 : memref<512xi32, #tpu.memory_space<vmem>>)
      tpu.yield
    }) : () -> ()
    "tpu.region"() ({
      %run_scoped3A = tpu.sem_alloc : memref<!tpu.dma_semaphore, #tpu.memory_space<semaphore_mem>>
      %dma_start3A = tpu.memref_slice %arg3[%mul3A_2] : memref<16384xi32, #tpu.memory_space<hbm>> -> memref<512xi32, #tpu.memory_space<hbm>>
      %dma_start3A_18 = tpu.memref_slice %arg3[%mul3A_2] : memref<16384xi32, #tpu.memory_space<hbm>> -> memref<512xi32, #tpu.memory_space<hbm>>
      tpu.enqueue_dma source(%dma_start3A_18 : memref<512xi32, #tpu.memory_space<hbm>>) target(%arg9 : memref<512xi32, #tpu.memory_space<vmem>>) target_semaphore(%run_scoped3A : memref<!tpu.dma_semaphore, #tpu.memory_space<semaphore_mem>>)
      %dma_wait3A = tpu.memref_slice %arg3[%mul3A_2] : memref<16384xi32, #tpu.memory_space<hbm>> -> memref<512xi32, #tpu.memory_space<hbm>>
      %dma_wait3A_19 = tpu.memref_slice %arg3[%mul3A_2] : memref<16384xi32, #tpu.memory_space<hbm>> -> memref<512xi32, #tpu.memory_space<hbm>>
      tpu.wait_dma2 semaphore(%run_scoped3A : memref<!tpu.dma_semaphore, #tpu.memory_space<semaphore_mem>>) src(%dma_wait3A_19 : memref<512xi32, #tpu.memory_space<hbm>>) dst(%arg9 : memref<512xi32, #tpu.memory_space<vmem>>)
      tpu.yield
    }) : () -> ()
    "tpu.region"() ({
      %run_scoped3A = tpu.sem_alloc : memref<!tpu.dma_semaphore, #tpu.memory_space<semaphore_mem>>
      tpu.enqueue_dma source(%arg6 : memref<80xf32, #tpu.memory_space<hbm>>) target(%arg13 : memref<80xf32, #tpu.memory_space<vmem>>) target_semaphore(%run_scoped3A : memref<!tpu.dma_semaphore, #tpu.memory_space<semaphore_mem>>)
      tpu.wait_dma2 semaphore(%run_scoped3A : memref<!tpu.dma_semaphore, #tpu.memory_space<semaphore_mem>>) src(%arg6 : memref<80xf32, #tpu.memory_space<hbm>>) dst(%arg13 : memref<80xf32, #tpu.memory_space<vmem>>)
      tpu.yield
    }) : () -> ()
    %get3A = arith.constant 0 : index
    %get3A_3 = tpu.vector_load %arg13[%get3A] {strides = array<i32>} : memref<80xf32, #tpu.memory_space<vmem>>, vector<16xf32>,
    %get3A_4 = arith.constant 16 : index
    %get3A_5 = tpu.vector_load %arg13[%get3A_4] {strides = array<i32>} : memref<80xf32, #tpu.memory_space<vmem>>, vector<16xf32>,
    %get3A_6 = arith.constant 32 : index
    %get3A_7 = tpu.vector_load %arg13[%get3A_6] {strides = array<i32>} : memref<80xf32, #tpu.memory_space<vmem>>, vector<16xf32>,
    %get3A_8 = arith.constant 48 : index
    %get3A_9 = tpu.vector_load %arg13[%get3A_8] {strides = array<i32>} : memref<80xf32, #tpu.memory_space<vmem>>, vector<16xf32>,
    %get3A_10 = arith.constant 64 : index
    %get3A_11 = tpu.vector_load %arg13[%get3A_10] {strides = array<i32>} : memref<80xf32, #tpu.memory_space<vmem>>, vector<16xf32>,
    %iota3A = tpu.iota {dimensions = array<i32: 0>} : vector<16xi32>
    %scan3A = arith.constant 0 : i32
    %scan3A_12 = arith.constant 0 : i32
    %scan3A_13 = arith.constant 2 : i32
    %scan3A_14 = arith.addi %scan3A_12, %scan3A_13 : i32
    %scan3A_15 = arith.constant 1 : i32
    %scan3A_16 = scf.for %scan3A_18 = %scan3A_12 to %scan3A_14 step %scan3A_15 iter_args(%scan3A_19 = %scan3A) -> (i32)  : i32 {
      %mul3A_20 = arith.constant 256 : i32
      %mul3A_21 = arith.muli %scan3A_18, %mul3A_20 : i32
      %scan3A_22 = arith.constant 0 : i32
      %scan3A_23 = arith.constant 0 : i32
      %scan3A_24 = arith.constant 16 : i32
      %scan3A_25 = arith.addi %scan3A_23, %scan3A_24 : i32
      %scan3A_26 = arith.constant 1 : i32
      %scan3A_27 = scf.for %scan3A_44 = %scan3A_23 to %scan3A_25 step %scan3A_26 iter_args(%scan3A_45 = %scan3A_22) -> (i32)  : i32 {
        %mul3A_46 = arith.constant 16 : i32
        %mul3A_47 = arith.muli %scan3A_44, %mul3A_46 : i32
        %add3A_48 = arith.addi %mul3A_21, %mul3A_47 : i32
        %get3A_49 = arith.index_cast %add3A_48 : i32 to index
        %get3A_50 = tpu.vector_load %arg8[%get3A_49] {strides = array<i32>} : memref<512xi32, #tpu.memory_space<vmem>>, vector<16xi32>,
        %mul3A_51 = arith.constant 16 : i32
        %mul3A_52 = arith.muli %scan3A_44, %mul3A_51 : i32
        %add3A_53 = arith.addi %mul3A_21, %mul3A_52 : i32
        %get3A_54 = arith.index_cast %add3A_53 : i32 to index
        %get3A_55 = tpu.vector_load %arg9[%get3A_54] {strides = array<i32>} : memref<512xi32, #tpu.memory_space<vmem>>, vector<16xi32>,
        %mul3A_56 = arith.constant 16 : i32
        %mul3A_57 = arith.muli %scan3A_44, %mul3A_56 : i32
        %add3A_58 = arith.constant 0 : i32
        %add3A_59 = arith.addi %mul3A_57, %add3A_58 : i32
        %slice3A = vector.extract_strided_slice %get3A_50 {offsets = [0], sizes = [1], strides = [1]} : vector<16xi32> to vector<1xi32>
        %squeeze3A = vector.extract %slice3A[0] : i32 from vector<1xi32>
        %dma_start3A = arith.constant 0 : i32
        %dma_start3A_60 = tpu.memref_slice %arg10[%add3A_59, %dma_start3A] : memref<256x64xf32, #tpu.memory_space<vmem>> -> memref<1x64xf32, #tpu.memory_space<vmem>>
        %dma_start3A_61 = tpu.memref_squeeze %dma_start3A_60 : memref<1x64xf32, #tpu.memory_space<vmem>> -> memref<64xf32, #tpu.memory_space<vmem>>
        %dma_start3A_62 = arith.constant 0 : i32
        %dma_start3A_63 = tpu.memref_slice %arg4[%squeeze3A, %dma_start3A_62] : memref<1000000x64xf32, #tpu.memory_space<hbm>> -> memref<1x64xf32, #tpu.memory_space<hbm>>
        %dma_start3A_64 = tpu.memref_squeeze %dma_start3A_63 : memref<1x64xf32, #tpu.memory_space<hbm>> -> memref<64xf32, #tpu.memory_space<hbm>>
        %dma_start3A_65 = arith.constant 0 : i32
        %dma_start3A_66 = tpu.memref_slice %arg10[%add3A_59, %dma_start3A_65] : memref<256x64xf32, #tpu.memory_space<vmem>> -> memref<1x64xf32, #tpu.memory_space<vmem>>
        %dma_start3A_67 = tpu.memref_squeeze %dma_start3A_66 : memref<1x64xf32, #tpu.memory_space<vmem>> -> memref<64xf32, #tpu.memory_space<vmem>>
        %dma_start3A_68 = arith.constant 0 : i32
        %dma_start3A_69 = tpu.memref_slice %arg4[%squeeze3A, %dma_start3A_68] : memref<1000000x64xf32, #tpu.memory_space<hbm>> -> memref<1x64xf32, #tpu.memory_space<hbm>>
        %dma_start3A_70 = tpu.memref_squeeze %dma_start3A_69 : memref<1x64xf32, #tpu.memory_space<hbm>> -> memref<64xf32, #tpu.memory_space<hbm>>
        tpu.enqueue_dma source(%dma_start3A_70 : memref<64xf32, #tpu.memory_space<hbm>>) target(%dma_start3A_67 : memref<64xf32, #tpu.memory_space<vmem>>) target_semaphore(%arg14 : memref<!tpu.dma_semaphore, #tpu.memory_space<semaphore_mem>>)
        %slice3A_71 = vector.extract_strided_slice %get3A_55 {offsets = [0], sizes = [1], strides = [1]} : vector<16xi32> to vector<1xi32>
        %squeeze3A_72 = vector.extract %slice3A_71[0] : i32 from vector<1xi32>
        %dma_start3A_73 = arith.constant 0 : i32
        %dma_start3A_74 = tpu.memref_slice %arg11[%add3A_59, %dma_start3A_73] : memref<256x64xf32, #tpu.memory_space<vmem>> -> memref<1x64xf32, #tpu.memory_space<vmem>>
        %dma_start3A_75 = tpu.memref_squeeze %dma_start3A_74 : memref<1x64xf32, #tpu.memory_space<vmem>> -> memref<64xf32, #tpu.memory_space<vmem>>
        %dma_start3A_76 = arith.constant 0 : i32
        %dma_start3A_77 = tpu.memref_slice %arg5[%squeeze3A_72, %dma_start3A_76] : memref<100000x64xf32, #tpu.memory_space<hbm>> -> memref<1x64xf32, #tpu.memory_space<hbm>>
        %dma_start3A_78 = tpu.memref_squeeze %dma_start3A_77 : memref<1x64xf32, #tpu.memory_space<hbm>> -> memref<64xf32, #tpu.memory_space<hbm>>
        %dma_start3A_79 = arith.constant 0 : i32
        %dma_start3A_80 = tpu.memref_slice %arg11[%add3A_59, %dma_start3A_79] : memref<256x64xf32, #tpu.memory_space<vmem>> -> memref<1x64xf32, #tpu.memory_space<vmem>>
        %dma_start3A_81 = tpu.memref_squeeze %dma_start3A_80 : memref<1x64xf32, #tpu.memory_space<vmem>> -> memref<64xf32, #tpu.memory_space<vmem>>
        %dma_start3A_82 = arith.constant 0 : i32
        %dma_start3A_83 = tpu.memref_slice %arg5[%squeeze3A_72, %dma_start3A_82] : memref<100000x64xf32, #tpu.memory_space<hbm>> -> memref<1x64xf32, #tpu.memory_space<hbm>>
        %dma_start3A_84 = tpu.memref_squeeze %dma_start3A_83 : memref<1x64xf32, #tpu.memory_space<hbm>> -> memref<64xf32, #tpu.memory_space<hbm>>
        tpu.enqueue_dma source(%dma_start3A_84 : memref<64xf32, #tpu.memory_space<hbm>>) target(%dma_start3A_81 : memref<64xf32, #tpu.memory_space<vmem>>) target_semaphore(%arg15 : memref<!tpu.dma_semaphore, #tpu.memory_space<semaphore_mem>>)
        %mul3A_85 = arith.constant 16 : i32
        %mul3A_86 = arith.muli %scan3A_44, %mul3A_85 : i32
        %add3A_87 = arith.constant 1 : i32
        %add3A_88 = arith.addi %mul3A_86, %add3A_87 : i32
        %slice3A_89 = vector.extract_strided_slice %get3A_50 {offsets = [1], sizes = [1], strides = [1]} : vector<16xi32> to vector<1xi32>
        %squeeze3A_90 = vector.extract %slice3A_89[0] : i32 from vector<1xi32>
        %dma_start3A_91 = arith.constant 0 : i32
        %dma_start3A_92 = tpu.memref_slice %arg10[%add3A_88, %dma_start3A_91] : memref<256x64xf32, #tpu.memory_space<vmem>> -> memref<1x64xf32, #tpu.memory_space<vmem>>
        %dma_start3A_93 = tpu.memref_squeeze %dma_start3A_92 : memref<1x64xf32, #tpu.memory_space<vmem>> -> memref<64xf32, #tpu.memory_space<vmem>>
        %dma_start3A_94 = arith.constant 0 : i32
        %dma_start3A_95 = tpu.memref_slice %arg4[%squeeze3A_90, %dma_start3A_94] : memref<1000000x64xf32, #tpu.memory_space<hbm>> -> memref<1x64xf32, #tpu.memory_space<hbm>>
        %dma_start3A_96 = tpu.memref_squeeze %dma_start3A_95 : memref<1x64xf32, #tpu.memory_space<hbm>> -> memref<64xf32, #tpu.memory_space<hbm>>
        %dma_start3A_97 = arith.constant 0 : i32
        %dma_start3A_98 = tpu.memref_slice %arg10[%add3A_88, %dma_start3A_97] : memref<256x64xf32, #tpu.memory_space<vmem>> -> memref<1x64xf32, #tpu.memory_space<vmem>>
        %dma_start3A_99 = tpu.memref_squeeze %dma_start3A_98 : memref<1x64xf32, #tpu.memory_space<vmem>> -> memref<64xf32, #tpu.memory_space<vmem>>
        %dma_start3A_100 = arith.constant 0 : i32
        %dma_start3A_101 = tpu.memref_slice %arg4[%squeeze3A_90, %dma_start3A_100] : memref<1000000x64xf32, #tpu.memory_space<hbm>> -> memref<1x64xf32, #tpu.memory_space<hbm>>
        %dma_start3A_102 = tpu.memref_squeeze %dma_start3A_101 : memref<1x64xf32, #tpu.memory_space<hbm>> -> memref<64xf32, #tpu.memory_space<hbm>>
        tpu.enqueue_dma source(%dma_start3A_102 : memref<64xf32, #tpu.memory_space<hbm>>) target(%dma_start3A_99 : memref<64xf32, #tpu.memory_space<vmem>>) target_semaphore(%arg14 : memref<!tpu.dma_semaphore, #tpu.memory_space<semaphore_mem>>)
        %slice3A_103 = vector.extract_strided_slice %get3A_55 {offsets = [1], sizes = [1], strides = [1]} : vector<16xi32> to vector<1xi32>
        %squeeze3A_104 = vector.extract %slice3A_103[0] : i32 from vector<1xi32>
        %dma_start3A_105 = arith.constant 0 : i32
        %dma_start3A_106 = tpu.memref_slice %arg11[%add3A_88, %dma_start3A_105] : memref<256x64xf32, #tpu.memory_space<vmem>> -> memref<1x64xf32, #tpu.memory_space<vmem>>
        %dma_start3A_107 = tpu.memref_squeeze %dma_start3A_106 : memref<1x64xf32, #tpu.memory_space<vmem>> -> memref<64xf32, #tpu.memory_space<vmem>>
        %dma_start3A_108 = arith.constant 0 : i32
        %dma_start3A_109 = tpu.memref_slice %arg5[%squeeze3A_104, %dma_start3A_108] : memref<100000x64xf32, #tpu.memory_space<hbm>> -> memref<1x64xf32, #tpu.memory_space<hbm>>
        %dma_start3A_110 = tpu.memref_squeeze %dma_start3A_109 : memref<1x64xf32, #tpu.memory_space<hbm>> -> memref<64xf32, #tpu.memory_space<hbm>>
        %dma_start3A_111 = arith.constant 0 : i32
        %dma_start3A_112 = tpu.memref_slice %arg11[%add3A_88, %dma_start3A_111] : memref<256x64xf32, #tpu.memory_space<vmem>> -> memref<1x64xf32, #tpu.memory_space<vmem>>
        %dma_start3A_113 = tpu.memref_squeeze %dma_start3A_112 : memref<1x64xf32, #tpu.memory_space<vmem>> -> memref<64xf32, #tpu.memory_space<vmem>>
        %dma_start3A_114 = arith.constant 0 : i32
        %dma_start3A_115 = tpu.memref_slice %arg5[%squeeze3A_104, %dma_start3A_114] : memref<100000x64xf32, #tpu.memory_space<hbm>> -> memref<1x64xf32, #tpu.memory_space<hbm>>
        %dma_start3A_116 = tpu.memref_squeeze %dma_start3A_115 : memref<1x64xf32, #tpu.memory_space<hbm>> -> memref<64xf32, #tpu.memory_space<hbm>>
        tpu.enqueue_dma source(%dma_start3A_116 : memref<64xf32, #tpu.memory_space<hbm>>) target(%dma_start3A_113 : memref<64xf32, #tpu.memory_space<vmem>>) target_semaphore(%arg15 : memref<!tpu.dma_semaphore, #tpu.memory_space<semaphore_mem>>)
        %mul3A_117 = arith.constant 16 : i32
        %mul3A_118 = arith.muli %scan3A_44, %mul3A_117 : i32
        %add3A_119 = arith.constant 2 : i32
        %add3A_120 = arith.addi %mul3A_118, %add3A_119 : i32
        %slice3A_121 = vector.extract_strided_slice %get3A_50 {offsets = [2], sizes = [1], strides = [1]} : vector<16xi32> to vector<1xi32>
        %squeeze3A_122 = vector.extract %slice3A_121[0] : i32 from vector<1xi32>
        %dma_start3A_123 = arith.constant 0 : i32
        %dma_start3A_124 = tpu.memref_slice %arg10[%add3A_120, %dma_start3A_123] : memref<256x64xf32, #tpu.memory_space<vmem>> -> memref<1x64xf32, #tpu.memory_space<vmem>>
        %dma_start3A_125 = tpu.memref_squeeze %dma_start3A_124 : memref<1x64xf32, #tpu.memory_space<vmem>> -> memref<64xf32, #tpu.memory_space<vmem>>
        %dma_start3A_126 = arith.constant 0 : i32
        %dma_start3A_127 = tpu.memref_slice %arg4[%squeeze3A_122, %dma_start3A_126] : memref<1000000x64xf32, #tpu.memory_space<hbm>> -> memref<1x64xf32, #tpu.memory_space<hbm>>
        %dma_start3A_128 = tpu.memref_squeeze %dma_start3A_127 : memref<1x64xf32, #tpu.memory_space<hbm>> -> memref<64xf32, #tpu.memory_space<hbm>>
        %dma_start3A_129 = arith.constant 0 : i32
        %dma_start3A_130 = tpu.memref_slice %arg10[%add3A_120, %dma_start3A_129] : memref<256x64xf32, #tpu.memory_space<vmem>> -> memref<1x64xf32, #tpu.memory_space<vmem>>
        %dma_start3A_131 = tpu.memref_squeeze %dma_start3A_130 : memref<1x64xf32, #tpu.memory_space<vmem>> -> memref<64xf32, #tpu.memory_space<vmem>>
        %dma_start3A_132 = arith.constant 0 : i32
        %dma_start3A_133 = tpu.memref_slice %arg4[%squeeze3A_122, %dma_start3A_132] : memref<1000000x64xf32, #tpu.memory_space<hbm>> -> memref<1x64xf32, #tpu.memory_space<hbm>>
        %dma_start3A_134 = tpu.memref_squeeze %dma_start3A_133 : memref<1x64xf32, #tpu.memory_space<hbm>> -> memref<64xf32, #tpu.memory_space<hbm>>
        tpu.enqueue_dma source(%dma_start3A_134 : memref<64xf32, #tpu.memory_space<hbm>>) target(%dma_start3A_131 : memref<64xf32, #tpu.memory_space<vmem>>) target_semaphore(%arg14 : memref<!tpu.dma_semaphore, #tpu.memory_space<semaphore_mem>>)
        %slice3A_135 = vector.extract_strided_slice %get3A_55 {offsets = [2], sizes = [1], strides = [1]} : vector<16xi32> to vector<1xi32>
        %squeeze3A_136 = vector.extract %slice3A_135[0] : i32 from vector<1xi32>
        %dma_start3A_137 = arith.constant 0 : i32
        %dma_start3A_138 = tpu.memref_slice %arg11[%add3A_120, %dma_start3A_137] : memref<256x64xf32, #tpu.memory_space<vmem>> -> memref<1x64xf32, #tpu.memory_space<vmem>>
        %dma_start3A_139 = tpu.memref_squeeze %dma_start3A_138 : memref<1x64xf32, #tpu.memory_space<vmem>> -> memref<64xf32, #tpu.memory_space<vmem>>
        %dma_start3A_140 = arith.constant 0 : i32
        %dma_start3A_141 = tpu.memref_slice %arg5[%squeeze3A_136, %dma_start3A_140] : memref<100000x64xf32, #tpu.memory_space<hbm>> -> memref<1x64xf32, #tpu.memory_space<hbm>>
        %dma_start3A_142 = tpu.memref_squeeze %dma_start3A_141 : memref<1x64xf32, #tpu.memory_space<hbm>> -> memref<64xf32, #tpu.memory_space<hbm>>
        %dma_start3A_143 = arith.constant 0 : i32
        %dma_start3A_144 = tpu.memref_slice %arg11[%add3A_120, %dma_start3A_143] : memref<256x64xf32, #tpu.memory_space<vmem>> -> memref<1x64xf32, #tpu.memory_space<vmem>>
        %dma_start3A_145 = tpu.memref_squeeze %dma_start3A_144 : memref<1x64xf32, #tpu.memory_space<vmem>> -> memref<64xf32, #tpu.memory_space<vmem>>
        %dma_start3A_146 = arith.constant 0 : i32
        %dma_start3A_147 = tpu.memref_slice %arg5[%squeeze3A_136, %dma_start3A_146] : memref<100000x64xf32, #tpu.memory_space<hbm>> -> memref<1x64xf32, #tpu.memory_space<hbm>>
        %dma_start3A_148 = tpu.memref_squeeze %dma_start3A_147 : memref<1x64xf32, #tpu.memory_space<hbm>> -> memref<64xf32, #tpu.memory_space<hbm>>
        tpu.enqueue_dma source(%dma_start3A_148 : memref<64xf32, #tpu.memory_space<hbm>>) target(%dma_start3A_145 : memref<64xf32, #tpu.memory_space<vmem>>) target_semaphore(%arg15 : memref<!tpu.dma_semaphore, #tpu.memory_space<semaphore_mem>>)
        %mul3A_149 = arith.constant 16 : i32
        %mul3A_150 = arith.muli %scan3A_44, %mul3A_149 : i32
        %add3A_151 = arith.constant 3 : i32
        %add3A_152 = arith.addi %mul3A_150, %add3A_151 : i32
        %slice3A_153 = vector.extract_strided_slice %get3A_50 {offsets = [3], sizes = [1], strides = [1]} : vector<16xi32> to vector<1xi32>
        %squeeze3A_154 = vector.extract %slice3A_153[0] : i32 from vector<1xi32>
        %dma_start3A_155 = arith.constant 0 : i32
        %dma_start3A_156 = tpu.memref_slice %arg10[%add3A_152, %dma_start3A_155] : memref<256x64xf32, #tpu.memory_space<vmem>> -> memref<1x64xf32, #tpu.memory_space<vmem>>
        %dma_start3A_157 = tpu.memref_squeeze %dma_start3A_156 : memref<1x64xf32, #tpu.memory_space<vmem>> -> memref<64xf32, #tpu.memory_space<vmem>>
        %dma_start3A_158 = arith.constant 0 : i32
        %dma_start3A_159 = tpu.memref_slice %arg4[%squeeze3A_154, %dma_start3A_158] : memref<1000000x64xf32, #tpu.memory_space<hbm>> -> memref<1x64xf32, #tpu.memory_space<hbm>>
        %dma_start3A_160 = tpu.memref_squeeze %dma_start3A_159 : memref<1x64xf32, #tpu.memory_space<hbm>> -> memref<64xf32, #tpu.memory_space<hbm>>
        %dma_start3A_161 = arith.constant 0 : i32
        %dma_start3A_162 = tpu.memref_slice %arg10[%add3A_152, %dma_start3A_161] : memref<256x64xf32, #tpu.memory_space<vmem>> -> memref<1x64xf32, #tpu.memory_space<vmem>>
        %dma_start3A_163 = tpu.memref_squeeze %dma_start3A_162 : memref<1x64xf32, #tpu.memory_space<vmem>> -> memref<64xf32, #tpu.memory_space<vmem>>
        %dma_start3A_164 = arith.constant 0 : i32
        %dma_start3A_165 = tpu.memref_slice %arg4[%squeeze3A_154, %dma_start3A_164] : memref<1000000x64xf32, #tpu.memory_space<hbm>> -> memref<1x64xf32, #tpu.memory_space<hbm>>
        %dma_start3A_166 = tpu.memref_squeeze %dma_start3A_165 : memref<1x64xf32, #tpu.memory_space<hbm>> -> memref<64xf32, #tpu.memory_space<hbm>>
        tpu.enqueue_dma source(%dma_start3A_166 : memref<64xf32, #tpu.memory_space<hbm>>) target(%dma_start3A_163 : memref<64xf32, #tpu.memory_space<vmem>>) target_semaphore(%arg14 : memref<!tpu.dma_semaphore, #tpu.memory_space<semaphore_mem>>)
        %slice3A_167 = vector.extract_strided_slice %get3A_55 {offsets = [3], sizes = [1], strides = [1]} : vector<16xi32> to vector<1xi32>
        %squeeze3A_168 = vector.extract %slice3A_167[0] : i32 from vector<1xi32>
        %dma_start3A_169 = arith.constant 0 : i32
        %dma_start3A_170 = tpu.memref_slice %arg11[%add3A_152, %dma_start3A_169] : memref<256x64xf32, #tpu.memory_space<vmem>> -> memref<1x64xf32, #tpu.memory_space<vmem>>
        %dma_start3A_171 = tpu.memref_squeeze %dma_start3A_170 : memref<1x64xf32, #tpu.memory_space<vmem>> -> memref<64xf32, #tpu.memory_space<vmem>>
        %dma_start3A_172 = arith.constant 0 : i32
        %dma_start3A_173 = tpu.memref_slice %arg5[%squeeze3A_168, %dma_start3A_172] : memref<100000x64xf32, #tpu.memory_space<hbm>> -> memref<1x64xf32, #tpu.memory_space<hbm>>
        %dma_start3A_174 = tpu.memref_squeeze %dma_start3A_173 : memref<1x64xf32, #tpu.memory_space<hbm>> -> memref<64xf32, #tpu.memory_space<hbm>>
        %dma_start3A_175 = arith.constant 0 : i32
        %dma_start3A_176 = tpu.memref_slice %arg11[%add3A_152, %dma_start3A_175] : memref<256x64xf32, #tpu.memory_space<vmem>> -> memref<1x64xf32, #tpu.memory_space<vmem>>
        %dma_start3A_177 = tpu.memref_squeeze %dma_start3A_176 : memref<1x64xf32, #tpu.memory_space<vmem>> -> memref<64xf32, #tpu.memory_space<vmem>>
        %dma_start3A_178 = arith.constant 0 : i32
        %dma_start3A_179 = tpu.memref_slice %arg5[%squeeze3A_168, %dma_start3A_178] : memref<100000x64xf32, #tpu.memory_space<hbm>> -> memref<1x64xf32, #tpu.memory_space<hbm>>
        %dma_start3A_180 = tpu.memref_squeeze %dma_start3A_179 : memref<1x64xf32, #tpu.memory_space<hbm>> -> memref<64xf32, #tpu.memory_space<hbm>>
        tpu.enqueue_dma source(%dma_start3A_180 : memref<64xf32, #tpu.memory_space<hbm>>) target(%dma_start3A_177 : memref<64xf32, #tpu.memory_space<vmem>>) target_semaphore(%arg15 : memref<!tpu.dma_semaphore, #tpu.memory_space<semaphore_mem>>)
        %mul3A_181 = arith.constant 16 : i32
        %mul3A_182 = arith.muli %scan3A_44, %mul3A_181 : i32
        %add3A_183 = arith.constant 4 : i32
        %add3A_184 = arith.addi %mul3A_182, %add3A_183 : i32
        %slice3A_185 = vector.extract_strided_slice %get3A_50 {offsets = [4], sizes = [1], strides = [1]} : vector<16xi32> to vector<1xi32>
        %squeeze3A_186 = vector.extract %slice3A_185[0] : i32 from vector<1xi32>
        %dma_start3A_187 = arith.constant 0 : i32
        %dma_start3A_188 = tpu.memref_slice %arg10[%add3A_184, %dma_start3A_187] : memref<256x64xf32, #tpu.memory_space<vmem>> -> memref<1x64xf32, #tpu.memory_space<vmem>>
        %dma_start3A_189 = tpu.memref_squeeze %dma_start3A_188 : memref<1x64xf32, #tpu.memory_space<vmem>> -> memref<64xf32, #tpu.memory_space<vmem>>
        %dma_start3A_190 = arith.constant 0 : i32
        %dma_start3A_191 = tpu.memref_slice %arg4[%squeeze3A_186, %dma_start3A_190] : memref<1000000x64xf32, #tpu.memory_space<hbm>> -> memref<1x64xf32, #tpu.memory_space<hbm>>
        %dma_start3A_192 = tpu.memref_squeeze %dma_start3A_191 : memref<1x64xf32, #tpu.memory_space<hbm>> -> memref<64xf32, #tpu.memory_space<hbm>>
        %dma_start3A_193 = arith.constant 0 : i32
        %dma_start3A_194 = tpu.memref_slice %arg10[%add3A_184, %dma_start3A_193] : memref<256x64xf32, #tpu.memory_space<vmem>> -> memref<1x64xf32, #tpu.memory_space<vmem>>
        %dma_start3A_195 = tpu.memref_squeeze %dma_start3A_194 : memref<1x64xf32, #tpu.memory_space<vmem>> -> memref<64xf32, #tpu.memory_space<vmem>>
        %dma_start3A_196 = arith.constant 0 : i32
        %dma_start3A_197 = tpu.memref_slice %arg4[%squeeze3A_186, %dma_start3A_196] : memref<1000000x64xf32, #tpu.memory_space<hbm>> -> memref<1x64xf32, #tpu.memory_space<hbm>>
        %dma_start3A_198 = tpu.memref_squeeze %dma_start3A_197 : memref<1x64xf32, #tpu.memory_space<hbm>> -> memref<64xf32, #tpu.memory_space<hbm>>
        tpu.enqueue_dma source(%dma_start3A_198 : memref<64xf32, #tpu.memory_space<hbm>>) target(%dma_start3A_195 : memref<64xf32, #tpu.memory_space<vmem>>) target_semaphore(%arg14 : memref<!tpu.dma_semaphore, #tpu.memory_space<semaphore_mem>>)
        %slice3A_199 = vector.extract_strided_slice %get3A_55 {offsets = [4], sizes = [1], strides = [1]} : vector<16xi32> to vector<1xi32>
        %squeeze3A_200 = vector.extract %slice3A_199[0] : i32 from vector<1xi32>
        %dma_start3A_201 = arith.constant 0 : i32
        %dma_start3A_202 = tpu.memref_slice %arg11[%add3A_184, %dma_start3A_201] : memref<256x64xf32, #tpu.memory_space<vmem>> -> memref<1x64xf32, #tpu.memory_space<vmem>>
        %dma_start3A_203 = tpu.memref_squeeze %dma_start3A_202 : memref<1x64xf32, #tpu.memory_space<vmem>> -> memref<64xf32, #tpu.memory_space<vmem>>
        %dma_start3A_204 = arith.constant 0 : i32
        %dma_start3A_205 = tpu.memref_slice %arg5[%squeeze3A_200, %dma_start3A_204] : memref<100000x64xf32, #tpu.memory_space<hbm>> -> memref<1x64xf32, #tpu.memory_space<hbm>>
        %dma_start3A_206 = tpu.memref_squeeze %dma_start3A_205 : memref<1x64xf32, #tpu.memory_space<hbm>> -> memref<64xf32, #tpu.memory_space<hbm>>
        %dma_start3A_207 = arith.constant 0 : i32
        %dma_start3A_208 = tpu.memref_slice %arg11[%add3A_184, %dma_start3A_207] : memref<256x64xf32, #tpu.memory_space<vmem>> -> memref<1x64xf32, #tpu.memory_space<vmem>>
        %dma_start3A_209 = tpu.memref_squeeze %dma_start3A_208 : memref<1x64xf32, #tpu.memory_space<vmem>> -> memref<64xf32, #tpu.memory_space<vmem>>
        %dma_start3A_210 = arith.constant 0 : i32
        %dma_start3A_211 = tpu.memref_slice %arg5[%squeeze3A_200, %dma_start3A_210] : memref<100000x64xf32, #tpu.memory_space<hbm>> -> memref<1x64xf32, #tpu.memory_space<hbm>>
        %dma_start3A_212 = tpu.memref_squeeze %dma_start3A_211 : memref<1x64xf32, #tpu.memory_space<hbm>> -> memref<64xf32, #tpu.memory_space<hbm>>
        tpu.enqueue_dma source(%dma_start3A_212 : memref<64xf32, #tpu.memory_space<hbm>>) target(%dma_start3A_209 : memref<64xf32, #tpu.memory_space<vmem>>) target_semaphore(%arg15 : memref<!tpu.dma_semaphore, #tpu.memory_space<semaphore_mem>>)
        %mul3A_213 = arith.constant 16 : i32
        %mul3A_214 = arith.muli %scan3A_44, %mul3A_213 : i32
        %add3A_215 = arith.constant 5 : i32
        %add3A_216 = arith.addi %mul3A_214, %add3A_215 : i32
        %slice3A_217 = vector.extract_strided_slice %get3A_50 {offsets = [5], sizes = [1], strides = [1]} : vector<16xi32> to vector<1xi32>
        %squeeze3A_218 = vector.extract %slice3A_217[0] : i32 from vector<1xi32>
        %dma_start3A_219 = arith.constant 0 : i32
        %dma_start3A_220 = tpu.memref_slice %arg10[%add3A_216, %dma_start3A_219] : memref<256x64xf32, #tpu.memory_space<vmem>> -> memref<1x64xf32, #tpu.memory_space<vmem>>
        %dma_start3A_221 = tpu.memref_squeeze %dma_start3A_220 : memref<1x64xf32, #tpu.memory_space<vmem>> -> memref<64xf32, #tpu.memory_space<vmem>>
        %dma_start3A_222 = arith.constant 0 : i32
        %dma_start3A_223 = tpu.memref_slice %arg4[%squeeze3A_218, %dma_start3A_222] : memref<1000000x64xf32, #tpu.memory_space<hbm>> -> memref<1x64xf32, #tpu.memory_space<hbm>>
        %dma_start3A_224 = tpu.memref_squeeze %dma_start3A_223 : memref<1x64xf32, #tpu.memory_space<hbm>> -> memref<64xf32, #tpu.memory_space<hbm>>
        %dma_start3A_225 = arith.constant 0 : i32
        %dma_start3A_226 = tpu.memref_slice %arg10[%add3A_216, %dma_start3A_225] : memref<256x64xf32, #tpu.memory_space<vmem>> -> memref<1x64xf32, #tpu.memory_space<vmem>>
        %dma_start3A_227 = tpu.memref_squeeze %dma_start3A_226 : memref<1x64xf32, #tpu.memory_space<vmem>> -> memref<64xf32, #tpu.memory_space<vmem>>
        %dma_start3A_228 = arith.constant 0 : i32
        %dma_start3A_229 = tpu.memref_slice %arg4[%squeeze3A_218, %dma_start3A_228] : memref<1000000x64xf32, #tpu.memory_space<hbm>> -> memref<1x64xf32, #tpu.memory_space<hbm>>
        %dma_start3A_230 = tpu.memref_squeeze %dma_start3A_229 : memref<1x64xf32, #tpu.memory_space<hbm>> -> memref<64xf32, #tpu.memory_space<hbm>>
        tpu.enqueue_dma source(%dma_start3A_230 : memref<64xf32, #tpu.memory_space<hbm>>) target(%dma_start3A_227 : memref<64xf32, #tpu.memory_space<vmem>>) target_semaphore(%arg14 : memref<!tpu.dma_semaphore, #tpu.memory_space<semaphore_mem>>)
        %slice3A_231 = vector.extract_strided_slice %get3A_55 {offsets = [5], sizes = [1], strides = [1]} : vector<16xi32> to vector<1xi32>
        %squeeze3A_232 = vector.extract %slice3A_231[0] : i32 from vector<1xi32>
        %dma_start3A_233 = arith.constant 0 : i32
        %dma_start3A_234 = tpu.memref_slice %arg11[%add3A_216, %dma_start3A_233] : memref<256x64xf32, #tpu.memory_space<vmem>> -> memref<1x64xf32, #tpu.memory_space<vmem>>
        %dma_start3A_235 = tpu.memref_squeeze %dma_start3A_234 : memref<1x64xf32, #tpu.memory_space<vmem>> -> memref<64xf32, #tpu.memory_space<vmem>>
        %dma_start3A_236 = arith.constant 0 : i32
        %dma_start3A_237 = tpu.memref_slice %arg5[%squeeze3A_232, %dma_start3A_236] : memref<100000x64xf32, #tpu.memory_space<hbm>> -> memref<1x64xf32, #tpu.memory_space<hbm>>
        %dma_start3A_238 = tpu.memref_squeeze %dma_start3A_237 : memref<1x64xf32, #tpu.memory_space<hbm>> -> memref<64xf32, #tpu.memory_space<hbm>>
        %dma_start3A_239 = arith.constant 0 : i32
        %dma_start3A_240 = tpu.memref_slice %arg11[%add3A_216, %dma_start3A_239] : memref<256x64xf32, #tpu.memory_space<vmem>> -> memref<1x64xf32, #tpu.memory_space<vmem>>
        %dma_start3A_241 = tpu.memref_squeeze %dma_start3A_240 : memref<1x64xf32, #tpu.memory_space<vmem>> -> memref<64xf32, #tpu.memory_space<vmem>>
        %dma_start3A_242 = arith.constant 0 : i32
        %dma_start3A_243 = tpu.memref_slice %arg5[%squeeze3A_232, %dma_start3A_242] : memref<100000x64xf32, #tpu.memory_space<hbm>> -> memref<1x64xf32, #tpu.memory_space<hbm>>
        %dma_start3A_244 = tpu.memref_squeeze %dma_start3A_243 : memref<1x64xf32, #tpu.memory_space<hbm>> -> memref<64xf32, #tpu.memory_space<hbm>>
        tpu.enqueue_dma source(%dma_start3A_244 : memref<64xf32, #tpu.memory_space<hbm>>) target(%dma_start3A_241 : memref<64xf32, #tpu.memory_space<vmem>>) target_semaphore(%arg15 : memref<!tpu.dma_semaphore, #tpu.memory_space<semaphore_mem>>)
        %mul3A_245 = arith.constant 16 : i32
        %mul3A_246 = arith.muli %scan3A_44, %mul3A_245 : i32
        %add3A_247 = arith.constant 6 : i32
        %add3A_248 = arith.addi %mul3A_246, %add3A_247 : i32
        %slice3A_249 = vector.extract_strided_slice %get3A_50 {offsets = [6], sizes = [1], strides = [1]} : vector<16xi32> to vector<1xi32>
        %squeeze3A_250 = vector.extract %slice3A_249[0] : i32 from vector<1xi32>
        %dma_start3A_251 = arith.constant 0 : i32
        %dma_start3A_252 = tpu.memref_slice %arg10[%add3A_248, %dma_start3A_251] : memref<256x64xf32, #tpu.memory_space<vmem>> -> memref<1x64xf32, #tpu.memory_space<vmem>>
        %dma_start3A_253 = tpu.memref_squeeze %dma_start3A_252 : memref<1x64xf32, #tpu.memory_space<vmem>> -> memref<64xf32, #tpu.memory_space<vmem>>
        %dma_start3A_254 = arith.constant 0 : i32
        %dma_start3A_255 = tpu.memref_slice %arg4[%squeeze3A_250, %dma_start3A_254] : memref<1000000x64xf32, #tpu.memory_space<hbm>> -> memref<1x64xf32, #tpu.memory_space<hbm>>
        %dma_start3A_256 = tpu.memref_squeeze %dma_start3A_255 : memref<1x64xf32, #tpu.memory_space<hbm>> -> memref<64xf32, #tpu.memory_space<hbm>>
        %dma_start3A_257 = arith.constant 0 : i32
        %dma_start3A_258 = tpu.memref_slice %arg10[%add3A_248, %dma_start3A_257] : memref<256x64xf32, #tpu.memory_space<vmem>> -> memref<1x64xf32, #tpu.memory_space<vmem>>
        %dma_start3A_259 = tpu.memref_squeeze %dma_start3A_258 : memref<1x64xf32, #tpu.memory_space<vmem>> -> memref<64xf32, #tpu.memory_space<vmem>>
        %dma_start3A_260 = arith.constant 0 : i32
        %dma_start3A_261 = tpu.memref_slice %arg4[%squeeze3A_250, %dma_start3A_260] : memref<1000000x64xf32, #tpu.memory_space<hbm>> -> memref<1x64xf32, #tpu.memory_space<hbm>>
        %dma_start3A_262 = tpu.memref_squeeze %dma_start3A_261 : memref<1x64xf32, #tpu.memory_space<hbm>> -> memref<64xf32, #tpu.memory_space<hbm>>
        tpu.enqueue_dma source(%dma_start3A_262 : memref<64xf32, #tpu.memory_space<hbm>>) target(%dma_start3A_259 : memref<64xf32, #tpu.memory_space<vmem>>) target_semaphore(%arg14 : memref<!tpu.dma_semaphore, #tpu.memory_space<semaphore_mem>>)
        %slice3A_263 = vector.extract_strided_slice %get3A_55 {offsets = [6], sizes = [1], strides = [1]} : vector<16xi32> to vector<1xi32>
        %squeeze3A_264 = vector.extract %slice3A_263[0] : i32 from vector<1xi32>
        %dma_start3A_265 = arith.constant 0 : i32
        %dma_start3A_266 = tpu.memref_slice %arg11[%add3A_248, %dma_start3A_265] : memref<256x64xf32, #tpu.memory_space<vmem>> -> memref<1x64xf32, #tpu.memory_space<vmem>>
        %dma_start3A_267 = tpu.memref_squeeze %dma_start3A_266 : memref<1x64xf32, #tpu.memory_space<vmem>> -> memref<64xf32, #tpu.memory_space<vmem>>
        %dma_start3A_268 = arith.constant 0 : i32
        %dma_start3A_269 = tpu.memref_slice %arg5[%squeeze3A_264, %dma_start3A_268] : memref<100000x64xf32, #tpu.memory_space<hbm>> -> memref<1x64xf32, #tpu.memory_space<hbm>>
        %dma_start3A_270 = tpu.memref_squeeze %dma_start3A_269 : memref<1x64xf32, #tpu.memory_space<hbm>> -> memref<64xf32, #tpu.memory_space<hbm>>
        %dma_start3A_271 = arith.constant 0 : i32
        %dma_start3A_272 = tpu.memref_slice %arg11[%add3A_248, %dma_start3A_271] : memref<256x64xf32, #tpu.memory_space<vmem>> -> memref<1x64xf32, #tpu.memory_space<vmem>>
        %dma_start3A_273 = tpu.memref_squeeze %dma_start3A_272 : memref<1x64xf32, #tpu.memory_space<vmem>> -> memref<64xf32, #tpu.memory_space<vmem>>
        %dma_start3A_274 = arith.constant 0 : i32
        %dma_start3A_275 = tpu.memref_slice %arg5[%squeeze3A_264, %dma_start3A_274] : memref<100000x64xf32, #tpu.memory_space<hbm>> -> memref<1x64xf32, #tpu.memory_space<hbm>>
        %dma_start3A_276 = tpu.memref_squeeze %dma_start3A_275 : memref<1x64xf32, #tpu.memory_space<hbm>> -> memref<64xf32, #tpu.memory_space<hbm>>
        tpu.enqueue_dma source(%dma_start3A_276 : memref<64xf32, #tpu.memory_space<hbm>>) target(%dma_start3A_273 : memref<64xf32, #tpu.memory_space<vmem>>) target_semaphore(%arg15 : memref<!tpu.dma_semaphore, #tpu.memory_space<semaphore_mem>>)
        %mul3A_277 = arith.constant 16 : i32
        %mul3A_278 = arith.muli %scan3A_44, %mul3A_277 : i32
        %add3A_279 = arith.constant 7 : i32
        %add3A_280 = arith.addi %mul3A_278, %add3A_279 : i32
        %slice3A_281 = vector.extract_strided_slice %get3A_50 {offsets = [7], sizes = [1], strides = [1]} : vector<16xi32> to vector<1xi32>
        %squeeze3A_282 = vector.extract %slice3A_281[0] : i32 from vector<1xi32>
        %dma_start3A_283 = arith.constant 0 : i32
        %dma_start3A_284 = tpu.memref_slice %arg10[%add3A_280, %dma_start3A_283] : memref<256x64xf32, #tpu.memory_space<vmem>> -> memref<1x64xf32, #tpu.memory_space<vmem>>
        %dma_start3A_285 = tpu.memref_squeeze %dma_start3A_284 : memref<1x64xf32, #tpu.memory_space<vmem>> -> memref<64xf32, #tpu.memory_space<vmem>>
        %dma_start3A_286 = arith.constant 0 : i32
        %dma_start3A_287 = tpu.memref_slice %arg4[%squeeze3A_282, %dma_start3A_286] : memref<1000000x64xf32, #tpu.memory_space<hbm>> -> memref<1x64xf32, #tpu.memory_space<hbm>>
        %dma_start3A_288 = tpu.memref_squeeze %dma_start3A_287 : memref<1x64xf32, #tpu.memory_space<hbm>> -> memref<64xf32, #tpu.memory_space<hbm>>
        %dma_start3A_289 = arith.constant 0 : i32
        %dma_start3A_290 = tpu.memref_slice %arg10[%add3A_280, %dma_start3A_289] : memref<256x64xf32, #tpu.memory_space<vmem>> -> memref<1x64xf32, #tpu.memory_space<vmem>>
        %dma_start3A_291 = tpu.memref_squeeze %dma_start3A_290 : memref<1x64xf32, #tpu.memory_space<vmem>> -> memref<64xf32, #tpu.memory_space<vmem>>
        %dma_start3A_292 = arith.constant 0 : i32
        %dma_start3A_293 = tpu.memref_slice %arg4[%squeeze3A_282, %dma_start3A_292] : memref<1000000x64xf32, #tpu.memory_space<hbm>> -> memref<1x64xf32, #tpu.memory_space<hbm>>
        %dma_start3A_294 = tpu.memref_squeeze %dma_start3A_293 : memref<1x64xf32, #tpu.memory_space<hbm>> -> memref<64xf32, #tpu.memory_space<hbm>>
        tpu.enqueue_dma source(%dma_start3A_294 : memref<64xf32, #tpu.memory_space<hbm>>) target(%dma_start3A_291 : memref<64xf32, #tpu.memory_space<vmem>>) target_semaphore(%arg14 : memref<!tpu.dma_semaphore, #tpu.memory_space<semaphore_mem>>)
        %slice3A_295 = vector.extract_strided_slice %get3A_55 {offsets = [7], sizes = [1], strides = [1]} : vector<16xi32> to vector<1xi32>
        %squeeze3A_296 = vector.extract %slice3A_295[0] : i32 from vector<1xi32>
        %dma_start3A_297 = arith.constant 0 : i32
        %dma_start3A_298 = tpu.memref_slice %arg11[%add3A_280, %dma_start3A_297] : memref<256x64xf32, #tpu.memory_space<vmem>> -> memref<1x64xf32, #tpu.memory_space<vmem>>
        %dma_start3A_299 = tpu.memref_squeeze %dma_start3A_298 : memref<1x64xf32, #tpu.memory_space<vmem>> -> memref<64xf32, #tpu.memory_space<vmem>>
        %dma_start3A_300 = arith.constant 0 : i32
        %dma_start3A_301 = tpu.memref_slice %arg5[%squeeze3A_296, %dma_start3A_300] : memref<100000x64xf32, #tpu.memory_space<hbm>> -> memref<1x64xf32, #tpu.memory_space<hbm>>
        %dma_start3A_302 = tpu.memref_squeeze %dma_start3A_301 : memref<1x64xf32, #tpu.memory_space<hbm>> -> memref<64xf32, #tpu.memory_space<hbm>>
        %dma_start3A_303 = arith.constant 0 : i32
        %dma_start3A_304 = tpu.memref_slice %arg11[%add3A_280, %dma_start3A_303] : memref<256x64xf32, #tpu.memory_space<vmem>> -> memref<1x64xf32, #tpu.memory_space<vmem>>
        %dma_start3A_305 = tpu.memref_squeeze %dma_start3A_304 : memref<1x64xf32, #tpu.memory_space<vmem>> -> memref<64xf32, #tpu.memory_space<vmem>>
        %dma_start3A_306 = arith.constant 0 : i32
        %dma_start3A_307 = tpu.memref_slice %arg5[%squeeze3A_296, %dma_start3A_306] : memref<100000x64xf32, #tpu.memory_space<hbm>> -> memref<1x64xf32, #tpu.memory_space<hbm>>
        %dma_start3A_308 = tpu.memref_squeeze %dma_start3A_307 : memref<1x64xf32, #tpu.memory_space<hbm>> -> memref<64xf32, #tpu.memory_space<hbm>>
        tpu.enqueue_dma source(%dma_start3A_308 : memref<64xf32, #tpu.memory_space<hbm>>) target(%dma_start3A_305 : memref<64xf32, #tpu.memory_space<vmem>>) target_semaphore(%arg15 : memref<!tpu.dma_semaphore, #tpu.memory_space<semaphore_mem>>)
        %mul3A_309 = arith.constant 16 : i32
        %mul3A_310 = arith.muli %scan3A_44, %mul3A_309 : i32
        %add3A_311 = arith.constant 8 : i32
        %add3A_312 = arith.addi %mul3A_310, %add3A_311 : i32
        %slice3A_313 = vector.extract_strided_slice %get3A_50 {offsets = [8], sizes = [1], strides = [1]} : vector<16xi32> to vector<1xi32>
        %squeeze3A_314 = vector.extract %slice3A_313[0] : i32 from vector<1xi32>
        %dma_start3A_315 = arith.constant 0 : i32
        %dma_start3A_316 = tpu.memref_slice %arg10[%add3A_312, %dma_start3A_315] : memref<256x64xf32, #tpu.memory_space<vmem>> -> memref<1x64xf32, #tpu.memory_space<vmem>>
        %dma_start3A_317 = tpu.memref_squeeze %dma_start3A_316 : memref<1x64xf32, #tpu.memory_space<vmem>> -> memref<64xf32, #tpu.memory_space<vmem>>
        %dma_start3A_318 = arith.constant 0 : i32
        %dma_start3A_319 = tpu.memref_slice %arg4[%squeeze3A_314, %dma_start3A_318] : memref<1000000x64xf32, #tpu.memory_space<hbm>> -> memref<1x64xf32, #tpu.memory_space<hbm>>
        %dma_start3A_320 = tpu.memref_squeeze %dma_start3A_319 : memref<1x64xf32, #tpu.memory_space<hbm>> -> memref<64xf32, #tpu.memory_space<hbm>>
        %dma_start3A_321 = arith.constant 0 : i32
        %dma_start3A_322 = tpu.memref_slice %arg10[%add3A_312, %dma_start3A_321] : memref<256x64xf32, #tpu.memory_space<vmem>> -> memref<1x64xf32, #tpu.memory_space<vmem>>
        %dma_start3A_323 = tpu.memref_squeeze %dma_start3A_322 : memref<1x64xf32, #tpu.memory_space<vmem>> -> memref<64xf32, #tpu.memory_space<vmem>>
        %dma_start3A_324 = arith.constant 0 : i32
        %dma_start3A_325 = tpu.memref_slice %arg4[%squeeze3A_314, %dma_start3A_324] : memref<1000000x64xf32, #tpu.memory_space<hbm>> -> memref<1x64xf32, #tpu.memory_space<hbm>>
        %dma_start3A_326 = tpu.memref_squeeze %dma_start3A_325 : memref<1x64xf32, #tpu.memory_space<hbm>> -> memref<64xf32, #tpu.memory_space<hbm>>
        tpu.enqueue_dma source(%dma_start3A_326 : memref<64xf32, #tpu.memory_space<hbm>>) target(%dma_start3A_323 : memref<64xf32, #tpu.memory_space<vmem>>) target_semaphore(%arg14 : memref<!tpu.dma_semaphore, #tpu.memory_space<semaphore_mem>>)
        %slice3A_327 = vector.extract_strided_slice %get3A_55 {offsets = [8], sizes = [1], strides = [1]} : vector<16xi32> to vector<1xi32>
        %squeeze3A_328 = vector.extract %slice3A_327[0] : i32 from vector<1xi32>
        %dma_start3A_329 = arith.constant 0 : i32
        %dma_start3A_330 = tpu.memref_slice %arg11[%add3A_312, %dma_start3A_329] : memref<256x64xf32, #tpu.memory_space<vmem>> -> memref<1x64xf32, #tpu.memory_space<vmem>>
        %dma_start3A_331 = tpu.memref_squeeze %dma_start3A_330 : memref<1x64xf32, #tpu.memory_space<vmem>> -> memref<64xf32, #tpu.memory_space<vmem>>
        %dma_start3A_332 = arith.constant 0 : i32
        %dma_start3A_333 = tpu.memref_slice %arg5[%squeeze3A_328, %dma_start3A_332] : memref<100000x64xf32, #tpu.memory_space<hbm>> -> memref<1x64xf32, #tpu.memory_space<hbm>>
        %dma_start3A_334 = tpu.memref_squeeze %dma_start3A_333 : memref<1x64xf32, #tpu.memory_space<hbm>> -> memref<64xf32, #tpu.memory_space<hbm>>
        %dma_start3A_335 = arith.constant 0 : i32
        %dma_start3A_336 = tpu.memref_slice %arg11[%add3A_312, %dma_start3A_335] : memref<256x64xf32, #tpu.memory_space<vmem>> -> memref<1x64xf32, #tpu.memory_space<vmem>>
        %dma_start3A_337 = tpu.memref_squeeze %dma_start3A_336 : memref<1x64xf32, #tpu.memory_space<vmem>> -> memref<64xf32, #tpu.memory_space<vmem>>
        %dma_start3A_338 = arith.constant 0 : i32
        %dma_start3A_339 = tpu.memref_slice %arg5[%squeeze3A_328, %dma_start3A_338] : memref<100000x64xf32, #tpu.memory_space<hbm>> -> memref<1x64xf32, #tpu.memory_space<hbm>>
        %dma_start3A_340 = tpu.memref_squeeze %dma_start3A_339 : memref<1x64xf32, #tpu.memory_space<hbm>> -> memref<64xf32, #tpu.memory_space<hbm>>
        tpu.enqueue_dma source(%dma_start3A_340 : memref<64xf32, #tpu.memory_space<hbm>>) target(%dma_start3A_337 : memref<64xf32, #tpu.memory_space<vmem>>) target_semaphore(%arg15 : memref<!tpu.dma_semaphore, #tpu.memory_space<semaphore_mem>>)
        %mul3A_341 = arith.constant 16 : i32
        %mul3A_342 = arith.muli %scan3A_44, %mul3A_341 : i32
        %add3A_343 = arith.constant 9 : i32
        %add3A_344 = arith.addi %mul3A_342, %add3A_343 : i32
        %slice3A_345 = vector.extract_strided_slice %get3A_50 {offsets = [9], sizes = [1], strides = [1]} : vector<16xi32> to vector<1xi32>
        %squeeze3A_346 = vector.extract %slice3A_345[0] : i32 from vector<1xi32>
        %dma_start3A_347 = arith.constant 0 : i32
        %dma_start3A_348 = tpu.memref_slice %arg10[%add3A_344, %dma_start3A_347] : memref<256x64xf32, #tpu.memory_space<vmem>> -> memref<1x64xf32, #tpu.memory_space<vmem>>
        %dma_start3A_349 = tpu.memref_squeeze %dma_start3A_348 : memref<1x64xf32, #tpu.memory_space<vmem>> -> memref<64xf32, #tpu.memory_space<vmem>>
        %dma_start3A_350 = arith.constant 0 : i32
        %dma_start3A_351 = tpu.memref_slice %arg4[%squeeze3A_346, %dma_start3A_350] : memref<1000000x64xf32, #tpu.memory_space<hbm>> -> memref<1x64xf32, #tpu.memory_space<hbm>>
        %dma_start3A_352 = tpu.memref_squeeze %dma_start3A_351 : memref<1x64xf32, #tpu.memory_space<hbm>> -> memref<64xf32, #tpu.memory_space<hbm>>
        %dma_start3A_353 = arith.constant 0 : i32
        %dma_start3A_354 = tpu.memref_slice %arg10[%add3A_344, %dma_start3A_353] : memref<256x64xf32, #tpu.memory_space<vmem>> -> memref<1x64xf32, #tpu.memory_space<vmem>>
        %dma_start3A_355 = tpu.memref_squeeze %dma_start3A_354 : memref<1x64xf32, #tpu.memory_space<vmem>> -> memref<64xf32, #tpu.memory_space<vmem>>
        %dma_start3A_356 = arith.constant 0 : i32
        %dma_start3A_357 = tpu.memref_slice %arg4[%squeeze3A_346, %dma_start3A_356] : memref<1000000x64xf32, #tpu.memory_space<hbm>> -> memref<1x64xf32, #tpu.memory_space<hbm>>
        %dma_start3A_358 = tpu.memref_squeeze %dma_start3A_357 : memref<1x64xf32, #tpu.memory_space<hbm>> -> memref<64xf32, #tpu.memory_space<hbm>>
        tpu.enqueue_dma source(%dma_start3A_358 : memref<64xf32, #tpu.memory_space<hbm>>) target(%dma_start3A_355 : memref<64xf32, #tpu.memory_space<vmem>>) target_semaphore(%arg14 : memref<!tpu.dma_semaphore, #tpu.memory_space<semaphore_mem>>)
        %slice3A_359 = vector.extract_strided_slice %get3A_55 {offsets = [9], sizes = [1], strides = [1]} : vector<16xi32> to vector<1xi32>
        %squeeze3A_360 = vector.extract %slice3A_359[0] : i32 from vector<1xi32>
        %dma_start3A_361 = arith.constant 0 : i32
        %dma_start3A_362 = tpu.memref_slice %arg11[%add3A_344, %dma_start3A_361] : memref<256x64xf32, #tpu.memory_space<vmem>> -> memref<1x64xf32, #tpu.memory_space<vmem>>
        %dma_start3A_363 = tpu.memref_squeeze %dma_start3A_362 : memref<1x64xf32, #tpu.memory_space<vmem>> -> memref<64xf32, #tpu.memory_space<vmem>>
        %dma_start3A_364 = arith.constant 0 : i32
        %dma_start3A_365 = tpu.memref_slice %arg5[%squeeze3A_360, %dma_start3A_364] : memref<100000x64xf32, #tpu.memory_space<hbm>> -> memref<1x64xf32, #tpu.memory_space<hbm>>
        %dma_start3A_366 = tpu.memref_squeeze %dma_start3A_365 : memref<1x64xf32, #tpu.memory_space<hbm>> -> memref<64xf32, #tpu.memory_space<hbm>>
        %dma_start3A_367 = arith.constant 0 : i32
        %dma_start3A_368 = tpu.memref_slice %arg11[%add3A_344, %dma_start3A_367] : memref<256x64xf32, #tpu.memory_space<vmem>> -> memref<1x64xf32, #tpu.memory_space<vmem>>
        %dma_start3A_369 = tpu.memref_squeeze %dma_start3A_368 : memref<1x64xf32, #tpu.memory_space<vmem>> -> memref<64xf32, #tpu.memory_space<vmem>>
        %dma_start3A_370 = arith.constant 0 : i32
        %dma_start3A_371 = tpu.memref_slice %arg5[%squeeze3A_360, %dma_start3A_370] : memref<100000x64xf32, #tpu.memory_space<hbm>> -> memref<1x64xf32, #tpu.memory_space<hbm>>
        %dma_start3A_372 = tpu.memref_squeeze %dma_start3A_371 : memref<1x64xf32, #tpu.memory_space<hbm>> -> memref<64xf32, #tpu.memory_space<hbm>>
        tpu.enqueue_dma source(%dma_start3A_372 : memref<64xf32, #tpu.memory_space<hbm>>) target(%dma_start3A_369 : memref<64xf32, #tpu.memory_space<vmem>>) target_semaphore(%arg15 : memref<!tpu.dma_semaphore, #tpu.memory_space<semaphore_mem>>)
        %mul3A_373 = arith.constant 16 : i32
        %mul3A_374 = arith.muli %scan3A_44, %mul3A_373 : i32
        %add3A_375 = arith.constant 10 : i32
        %add3A_376 = arith.addi %mul3A_374, %add3A_375 : i32
        %slice3A_377 = vector.extract_strided_slice %get3A_50 {offsets = [10], sizes = [1], strides = [1]} : vector<16xi32> to vector<1xi32>
        %squeeze3A_378 = vector.extract %slice3A_377[0] : i32 from vector<1xi32>
        %dma_start3A_379 = arith.constant 0 : i32
        %dma_start3A_380 = tpu.memref_slice %arg10[%add3A_376, %dma_start3A_379] : memref<256x64xf32, #tpu.memory_space<vmem>> -> memref<1x64xf32, #tpu.memory_space<vmem>>
        %dma_start3A_381 = tpu.memref_squeeze %dma_start3A_380 : memref<1x64xf32, #tpu.memory_space<vmem>> -> memref<64xf32, #tpu.memory_space<vmem>>
        %dma_start3A_382 = arith.constant 0 : i32
        %dma_start3A_383 = tpu.memref_slice %arg4[%squeeze3A_378, %dma_start3A_382] : memref<1000000x64xf32, #tpu.memory_space<hbm>> -> memref<1x64xf32, #tpu.memory_space<hbm>>
        %dma_start3A_384 = tpu.memref_squeeze %dma_start3A_383 : memref<1x64xf32, #tpu.memory_space<hbm>> -> memref<64xf32, #tpu.memory_space<hbm>>
        %dma_start3A_385 = arith.constant 0 : i32
        %dma_start3A_386 = tpu.memref_slice %arg10[%add3A_376, %dma_start3A_385] : memref<256x64xf32, #tpu.memory_space<vmem>> -> memref<1x64xf32, #tpu.memory_space<vmem>>
        %dma_start3A_387 = tpu.memref_squeeze %dma_start3A_386 : memref<1x64xf32, #tpu.memory_space<vmem>> -> memref<64xf32, #tpu.memory_space<vmem>>
        %dma_start3A_388 = arith.constant 0 : i32
        %dma_start3A_389 = tpu.memref_slice %arg4[%squeeze3A_378, %dma_start3A_388] : memref<1000000x64xf32, #tpu.memory_space<hbm>> -> memref<1x64xf32, #tpu.memory_space<hbm>>
        %dma_start3A_390 = tpu.memref_squeeze %dma_start3A_389 : memref<1x64xf32, #tpu.memory_space<hbm>> -> memref<64xf32, #tpu.memory_space<hbm>>
        tpu.enqueue_dma source(%dma_start3A_390 : memref<64xf32, #tpu.memory_space<hbm>>) target(%dma_start3A_387 : memref<64xf32, #tpu.memory_space<vmem>>) target_semaphore(%arg14 : memref<!tpu.dma_semaphore, #tpu.memory_space<semaphore_mem>>)
        %slice3A_391 = vector.extract_strided_slice %get3A_55 {offsets = [10], sizes = [1], strides = [1]} : vector<16xi32> to vector<1xi32>
        %squeeze3A_392 = vector.extract %slice3A_391[0] : i32 from vector<1xi32>
        %dma_start3A_393 = arith.constant 0 : i32
        %dma_start3A_394 = tpu.memref_slice %arg11[%add3A_376, %dma_start3A_393] : memref<256x64xf32, #tpu.memory_space<vmem>> -> memref<1x64xf32, #tpu.memory_space<vmem>>
        %dma_start3A_395 = tpu.memref_squeeze %dma_start3A_394 : memref<1x64xf32, #tpu.memory_space<vmem>> -> memref<64xf32, #tpu.memory_space<vmem>>
        %dma_start3A_396 = arith.constant 0 : i32
        %dma_start3A_397 = tpu.memref_slice %arg5[%squeeze3A_392, %dma_start3A_396] : memref<100000x64xf32, #tpu.memory_space<hbm>> -> memref<1x64xf32, #tpu.memory_space<hbm>>
        %dma_start3A_398 = tpu.memref_squeeze %dma_start3A_397 : memref<1x64xf32, #tpu.memory_space<hbm>> -> memref<64xf32, #tpu.memory_space<hbm>>
        %dma_start3A_399 = arith.constant 0 : i32
        %dma_start3A_400 = tpu.memref_slice %arg11[%add3A_376, %dma_start3A_399] : memref<256x64xf32, #tpu.memory_space<vmem>> -> memref<1x64xf32, #tpu.memory_space<vmem>>
        %dma_start3A_401 = tpu.memref_squeeze %dma_start3A_400 : memref<1x64xf32, #tpu.memory_space<vmem>> -> memref<64xf32, #tpu.memory_space<vmem>>
        %dma_start3A_402 = arith.constant 0 : i32
        %dma_start3A_403 = tpu.memref_slice %arg5[%squeeze3A_392, %dma_start3A_402] : memref<100000x64xf32, #tpu.memory_space<hbm>> -> memref<1x64xf32, #tpu.memory_space<hbm>>
        %dma_start3A_404 = tpu.memref_squeeze %dma_start3A_403 : memref<1x64xf32, #tpu.memory_space<hbm>> -> memref<64xf32, #tpu.memory_space<hbm>>
        tpu.enqueue_dma source(%dma_start3A_404 : memref<64xf32, #tpu.memory_space<hbm>>) target(%dma_start3A_401 : memref<64xf32, #tpu.memory_space<vmem>>) target_semaphore(%arg15 : memref<!tpu.dma_semaphore, #tpu.memory_space<semaphore_mem>>)
        %mul3A_405 = arith.constant 16 : i32
        %mul3A_406 = arith.muli %scan3A_44, %mul3A_405 : i32
        %add3A_407 = arith.constant 11 : i32
        %add3A_408 = arith.addi %mul3A_406, %add3A_407 : i32
        %slice3A_409 = vector.extract_strided_slice %get3A_50 {offsets = [11], sizes = [1], strides = [1]} : vector<16xi32> to vector<1xi32>
        %squeeze3A_410 = vector.extract %slice3A_409[0] : i32 from vector<1xi32>
        %dma_start3A_411 = arith.constant 0 : i32
        %dma_start3A_412 = tpu.memref_slice %arg10[%add3A_408, %dma_start3A_411] : memref<256x64xf32, #tpu.memory_space<vmem>> -> memref<1x64xf32, #tpu.memory_space<vmem>>
        %dma_start3A_413 = tpu.memref_squeeze %dma_start3A_412 : memref<1x64xf32, #tpu.memory_space<vmem>> -> memref<64xf32, #tpu.memory_space<vmem>>
        %dma_start3A_414 = arith.constant 0 : i32
        %dma_start3A_415 = tpu.memref_slice %arg4[%squeeze3A_410, %dma_start3A_414] : memref<1000000x64xf32, #tpu.memory_space<hbm>> -> memref<1x64xf32, #tpu.memory_space<hbm>>
        %dma_start3A_416 = tpu.memref_squeeze %dma_start3A_415 : memref<1x64xf32, #tpu.memory_space<hbm>> -> memref<64xf32, #tpu.memory_space<hbm>>
        %dma_start3A_417 = arith.constant 0 : i32
        %dma_start3A_418 = tpu.memref_slice %arg10[%add3A_408, %dma_start3A_417] : memref<256x64xf32, #tpu.memory_space<vmem>> -> memref<1x64xf32, #tpu.memory_space<vmem>>
        %dma_start3A_419 = tpu.memref_squeeze %dma_start3A_418 : memref<1x64xf32, #tpu.memory_space<vmem>> -> memref<64xf32, #tpu.memory_space<vmem>>
        %dma_start3A_420 = arith.constant 0 : i32
        %dma_start3A_421 = tpu.memref_slice %arg4[%squeeze3A_410, %dma_start3A_420] : memref<1000000x64xf32, #tpu.memory_space<hbm>> -> memref<1x64xf32, #tpu.memory_space<hbm>>
        %dma_start3A_422 = tpu.memref_squeeze %dma_start3A_421 : memref<1x64xf32, #tpu.memory_space<hbm>> -> memref<64xf32, #tpu.memory_space<hbm>>
        tpu.enqueue_dma source(%dma_start3A_422 : memref<64xf32, #tpu.memory_space<hbm>>) target(%dma_start3A_419 : memref<64xf32, #tpu.memory_space<vmem>>) target_semaphore(%arg14 : memref<!tpu.dma_semaphore, #tpu.memory_space<semaphore_mem>>)
        %slice3A_423 = vector.extract_strided_slice %get3A_55 {offsets = [11], sizes = [1], strides = [1]} : vector<16xi32> to vector<1xi32>
        %squeeze3A_424 = vector.extract %slice3A_423[0] : i32 from vector<1xi32>
        %dma_start3A_425 = arith.constant 0 : i32
        %dma_start3A_426 = tpu.memref_slice %arg11[%add3A_408, %dma_start3A_425] : memref<256x64xf32, #tpu.memory_space<vmem>> -> memref<1x64xf32, #tpu.memory_space<vmem>>
        %dma_start3A_427 = tpu.memref_squeeze %dma_start3A_426 : memref<1x64xf32, #tpu.memory_space<vmem>> -> memref<64xf32, #tpu.memory_space<vmem>>
        %dma_start3A_428 = arith.constant 0 : i32
        %dma_start3A_429 = tpu.memref_slice %arg5[%squeeze3A_424, %dma_start3A_428] : memref<100000x64xf32, #tpu.memory_space<hbm>> -> memref<1x64xf32, #tpu.memory_space<hbm>>
        %dma_start3A_430 = tpu.memref_squeeze %dma_start3A_429 : memref<1x64xf32, #tpu.memory_space<hbm>> -> memref<64xf32, #tpu.memory_space<hbm>>
        %dma_start3A_431 = arith.constant 0 : i32
        %dma_start3A_432 = tpu.memref_slice %arg11[%add3A_408, %dma_start3A_431] : memref<256x64xf32, #tpu.memory_space<vmem>> -> memref<1x64xf32, #tpu.memory_space<vmem>>
        %dma_start3A_433 = tpu.memref_squeeze %dma_start3A_432 : memref<1x64xf32, #tpu.memory_space<vmem>> -> memref<64xf32, #tpu.memory_space<vmem>>
        %dma_start3A_434 = arith.constant 0 : i32
        %dma_start3A_435 = tpu.memref_slice %arg5[%squeeze3A_424, %dma_start3A_434] : memref<100000x64xf32, #tpu.memory_space<hbm>> -> memref<1x64xf32, #tpu.memory_space<hbm>>
        %dma_start3A_436 = tpu.memref_squeeze %dma_start3A_435 : memref<1x64xf32, #tpu.memory_space<hbm>> -> memref<64xf32, #tpu.memory_space<hbm>>
        tpu.enqueue_dma source(%dma_start3A_436 : memref<64xf32, #tpu.memory_space<hbm>>) target(%dma_start3A_433 : memref<64xf32, #tpu.memory_space<vmem>>) target_semaphore(%arg15 : memref<!tpu.dma_semaphore, #tpu.memory_space<semaphore_mem>>)
        %mul3A_437 = arith.constant 16 : i32
        %mul3A_438 = arith.muli %scan3A_44, %mul3A_437 : i32
        %add3A_439 = arith.constant 12 : i32
        %add3A_440 = arith.addi %mul3A_438, %add3A_439 : i32
        %slice3A_441 = vector.extract_strided_slice %get3A_50 {offsets = [12], sizes = [1], strides = [1]} : vector<16xi32> to vector<1xi32>
        %squeeze3A_442 = vector.extract %slice3A_441[0] : i32 from vector<1xi32>
        %dma_start3A_443 = arith.constant 0 : i32
        %dma_start3A_444 = tpu.memref_slice %arg10[%add3A_440, %dma_start3A_443] : memref<256x64xf32, #tpu.memory_space<vmem>> -> memref<1x64xf32, #tpu.memory_space<vmem>>
        %dma_start3A_445 = tpu.memref_squeeze %dma_start3A_444 : memref<1x64xf32, #tpu.memory_space<vmem>> -> memref<64xf32, #tpu.memory_space<vmem>>
        %dma_start3A_446 = arith.constant 0 : i32
        %dma_start3A_447 = tpu.memref_slice %arg4[%squeeze3A_442, %dma_start3A_446] : memref<1000000x64xf32, #tpu.memory_space<hbm>> -> memref<1x64xf32, #tpu.memory_space<hbm>>
        %dma_start3A_448 = tpu.memref_squeeze %dma_start3A_447 : memref<1x64xf32, #tpu.memory_space<hbm>> -> memref<64xf32, #tpu.memory_space<hbm>>
        %dma_start3A_449 = arith.constant 0 : i32
        %dma_start3A_450 = tpu.memref_slice %arg10[%add3A_440, %dma_start3A_449] : memref<256x64xf32, #tpu.memory_space<vmem>> -> memref<1x64xf32, #tpu.memory_space<vmem>>
        %dma_start3A_451 = tpu.memref_squeeze %dma_start3A_450 : memref<1x64xf32, #tpu.memory_space<vmem>> -> memref<64xf32, #tpu.memory_space<vmem>>
        %dma_start3A_452 = arith.constant 0 : i32
        %dma_start3A_453 = tpu.memref_slice %arg4[%squeeze3A_442, %dma_start3A_452] : memref<1000000x64xf32, #tpu.memory_space<hbm>> -> memref<1x64xf32, #tpu.memory_space<hbm>>
        %dma_start3A_454 = tpu.memref_squeeze %dma_start3A_453 : memref<1x64xf32, #tpu.memory_space<hbm>> -> memref<64xf32, #tpu.memory_space<hbm>>
        tpu.enqueue_dma source(%dma_start3A_454 : memref<64xf32, #tpu.memory_space<hbm>>) target(%dma_start3A_451 : memref<64xf32, #tpu.memory_space<vmem>>) target_semaphore(%arg14 : memref<!tpu.dma_semaphore, #tpu.memory_space<semaphore_mem>>)
        %slice3A_455 = vector.extract_strided_slice %get3A_55 {offsets = [12], sizes = [1], strides = [1]} : vector<16xi32> to vector<1xi32>
        %squeeze3A_456 = vector.extract %slice3A_455[0] : i32 from vector<1xi32>
        %dma_start3A_457 = arith.constant 0 : i32
        %dma_start3A_458 = tpu.memref_slice %arg11[%add3A_440, %dma_start3A_457] : memref<256x64xf32, #tpu.memory_space<vmem>> -> memref<1x64xf32, #tpu.memory_space<vmem>>
        %dma_start3A_459 = tpu.memref_squeeze %dma_start3A_458 : memref<1x64xf32, #tpu.memory_space<vmem>> -> memref<64xf32, #tpu.memory_space<vmem>>
        %dma_start3A_460 = arith.constant 0 : i32
        %dma_start3A_461 = tpu.memref_slice %arg5[%squeeze3A_456, %dma_start3A_460] : memref<100000x64xf32, #tpu.memory_space<hbm>> -> memref<1x64xf32, #tpu.memory_space<hbm>>
        %dma_start3A_462 = tpu.memref_squeeze %dma_start3A_461 : memref<1x64xf32, #tpu.memory_space<hbm>> -> memref<64xf32, #tpu.memory_space<hbm>>
        %dma_start3A_463 = arith.constant 0 : i32
        %dma_start3A_464 = tpu.memref_slice %arg11[%add3A_440, %dma_start3A_463] : memref<256x64xf32, #tpu.memory_space<vmem>> -> memref<1x64xf32, #tpu.memory_space<vmem>>
        %dma_start3A_465 = tpu.memref_squeeze %dma_start3A_464 : memref<1x64xf32, #tpu.memory_space<vmem>> -> memref<64xf32, #tpu.memory_space<vmem>>
        %dma_start3A_466 = arith.constant 0 : i32
        %dma_start3A_467 = tpu.memref_slice %arg5[%squeeze3A_456, %dma_start3A_466] : memref<100000x64xf32, #tpu.memory_space<hbm>> -> memref<1x64xf32, #tpu.memory_space<hbm>>
        %dma_start3A_468 = tpu.memref_squeeze %dma_start3A_467 : memref<1x64xf32, #tpu.memory_space<hbm>> -> memref<64xf32, #tpu.memory_space<hbm>>
        tpu.enqueue_dma source(%dma_start3A_468 : memref<64xf32, #tpu.memory_space<hbm>>) target(%dma_start3A_465 : memref<64xf32, #tpu.memory_space<vmem>>) target_semaphore(%arg15 : memref<!tpu.dma_semaphore, #tpu.memory_space<semaphore_mem>>)
        %mul3A_469 = arith.constant 16 : i32
        %mul3A_470 = arith.muli %scan3A_44, %mul3A_469 : i32
        %add3A_471 = arith.constant 13 : i32
        %add3A_472 = arith.addi %mul3A_470, %add3A_471 : i32
        %slice3A_473 = vector.extract_strided_slice %get3A_50 {offsets = [13], sizes = [1], strides = [1]} : vector<16xi32> to vector<1xi32>
        %squeeze3A_474 = vector.extract %slice3A_473[0] : i32 from vector<1xi32>
        %dma_start3A_475 = arith.constant 0 : i32
        %dma_start3A_476 = tpu.memref_slice %arg10[%add3A_472, %dma_start3A_475] : memref<256x64xf32, #tpu.memory_space<vmem>> -> memref<1x64xf32, #tpu.memory_space<vmem>>
        %dma_start3A_477 = tpu.memref_squeeze %dma_start3A_476 : memref<1x64xf32, #tpu.memory_space<vmem>> -> memref<64xf32, #tpu.memory_space<vmem>>
        %dma_start3A_478 = arith.constant 0 : i32
        %dma_start3A_479 = tpu.memref_slice %arg4[%squeeze3A_474, %dma_start3A_478] : memref<1000000x64xf32, #tpu.memory_space<hbm>> -> memref<1x64xf32, #tpu.memory_space<hbm>>
        %dma_start3A_480 = tpu.memref_squeeze %dma_start3A_479 : memref<1x64xf32, #tpu.memory_space<hbm>> -> memref<64xf32, #tpu.memory_space<hbm>>
        %dma_start3A_481 = arith.constant 0 : i32
        %dma_start3A_482 = tpu.memref_slice %arg10[%add3A_472, %dma_start3A_481] : memref<256x64xf32, #tpu.memory_space<vmem>> -> memref<1x64xf32, #tpu.memory_space<vmem>>
        %dma_start3A_483 = tpu.memref_squeeze %dma_start3A_482 : memref<1x64xf32, #tpu.memory_space<vmem>> -> memref<64xf32, #tpu.memory_space<vmem>>
        %dma_start3A_484 = arith.constant 0 : i32
        %dma_start3A_485 = tpu.memref_slice %arg4[%squeeze3A_474, %dma_start3A_484] : memref<1000000x64xf32, #tpu.memory_space<hbm>> -> memref<1x64xf32, #tpu.memory_space<hbm>>
        %dma_start3A_486 = tpu.memref_squeeze %dma_start3A_485 : memref<1x64xf32, #tpu.memory_space<hbm>> -> memref<64xf32, #tpu.memory_space<hbm>>
        tpu.enqueue_dma source(%dma_start3A_486 : memref<64xf32, #tpu.memory_space<hbm>>) target(%dma_start3A_483 : memref<64xf32, #tpu.memory_space<vmem>>) target_semaphore(%arg14 : memref<!tpu.dma_semaphore, #tpu.memory_space<semaphore_mem>>)
        %slice3A_487 = vector.extract_strided_slice %get3A_55 {offsets = [13], sizes = [1], strides = [1]} : vector<16xi32> to vector<1xi32>
        %squeeze3A_488 = vector.extract %slice3A_487[0] : i32 from vector<1xi32>
        %dma_start3A_489 = arith.constant 0 : i32
        %dma_start3A_490 = tpu.memref_slice %arg11[%add3A_472, %dma_start3A_489] : memref<256x64xf32, #tpu.memory_space<vmem>> -> memref<1x64xf32, #tpu.memory_space<vmem>>
        %dma_start3A_491 = tpu.memref_squeeze %dma_start3A_490 : memref<1x64xf32, #tpu.memory_space<vmem>> -> memref<64xf32, #tpu.memory_space<vmem>>
        %dma_start3A_492 = arith.constant 0 : i32
        %dma_start3A_493 = tpu.memref_slice %arg5[%squeeze3A_488, %dma_start3A_492] : memref<100000x64xf32, #tpu.memory_space<hbm>> -> memref<1x64xf32, #tpu.memory_space<hbm>>
        %dma_start3A_494 = tpu.memref_squeeze %dma_start3A_493 : memref<1x64xf32, #tpu.memory_space<hbm>> -> memref<64xf32, #tpu.memory_space<hbm>>
        %dma_start3A_495 = arith.constant 0 : i32
        %dma_start3A_496 = tpu.memref_slice %arg11[%add3A_472, %dma_start3A_495] : memref<256x64xf32, #tpu.memory_space<vmem>> -> memref<1x64xf32, #tpu.memory_space<vmem>>
        %dma_start3A_497 = tpu.memref_squeeze %dma_start3A_496 : memref<1x64xf32, #tpu.memory_space<vmem>> -> memref<64xf32, #tpu.memory_space<vmem>>
        %dma_start3A_498 = arith.constant 0 : i32
        %dma_start3A_499 = tpu.memref_slice %arg5[%squeeze3A_488, %dma_start3A_498] : memref<100000x64xf32, #tpu.memory_space<hbm>> -> memref<1x64xf32, #tpu.memory_space<hbm>>
        %dma_start3A_500 = tpu.memref_squeeze %dma_start3A_499 : memref<1x64xf32, #tpu.memory_space<hbm>> -> memref<64xf32, #tpu.memory_space<hbm>>
        tpu.enqueue_dma source(%dma_start3A_500 : memref<64xf32, #tpu.memory_space<hbm>>) target(%dma_start3A_497 : memref<64xf32, #tpu.memory_space<vmem>>) target_semaphore(%arg15 : memref<!tpu.dma_semaphore, #tpu.memory_space<semaphore_mem>>)
        %mul3A_501 = arith.constant 16 : i32
        %mul3A_502 = arith.muli %scan3A_44, %mul3A_501 : i32
        %add3A_503 = arith.constant 14 : i32
        %add3A_504 = arith.addi %mul3A_502, %add3A_503 : i32
        %slice3A_505 = vector.extract_strided_slice %get3A_50 {offsets = [14], sizes = [1], strides = [1]} : vector<16xi32> to vector<1xi32>
        %squeeze3A_506 = vector.extract %slice3A_505[0] : i32 from vector<1xi32>
        %dma_start3A_507 = arith.constant 0 : i32
        %dma_start3A_508 = tpu.memref_slice %arg10[%add3A_504, %dma_start3A_507] : memref<256x64xf32, #tpu.memory_space<vmem>> -> memref<1x64xf32, #tpu.memory_space<vmem>>
        %dma_start3A_509 = tpu.memref_squeeze %dma_start3A_508 : memref<1x64xf32, #tpu.memory_space<vmem>> -> memref<64xf32, #tpu.memory_space<vmem>>
        %dma_start3A_510 = arith.constant 0 : i32
        %dma_start3A_511 = tpu.memref_slice %arg4[%squeeze3A_506, %dma_start3A_510] : memref<1000000x64xf32, #tpu.memory_space<hbm>> -> memref<1x64xf32, #tpu.memory_space<hbm>>
        %dma_start3A_512 = tpu.memref_squeeze %dma_start3A_511 : memref<1x64xf32, #tpu.memory_space<hbm>> -> memref<64xf32, #tpu.memory_space<hbm>>
        %dma_start3A_513 = arith.constant 0 : i32
        %dma_start3A_514 = tpu.memref_slice %arg10[%add3A_504, %dma_start3A_513] : memref<256x64xf32, #tpu.memory_space<vmem>> -> memref<1x64xf32, #tpu.memory_space<vmem>>
        %dma_start3A_515 = tpu.memref_squeeze %dma_start3A_514 : memref<1x64xf32, #tpu.memory_space<vmem>> -> memref<64xf32, #tpu.memory_space<vmem>>
        %dma_start3A_516 = arith.constant 0 : i32
        %dma_start3A_517 = tpu.memref_slice %arg4[%squeeze3A_506, %dma_start3A_516] : memref<1000000x64xf32, #tpu.memory_space<hbm>> -> memref<1x64xf32, #tpu.memory_space<hbm>>
        %dma_start3A_518 = tpu.memref_squeeze %dma_start3A_517 : memref<1x64xf32, #tpu.memory_space<hbm>> -> memref<64xf32, #tpu.memory_space<hbm>>
        tpu.enqueue_dma source(%dma_start3A_518 : memref<64xf32, #tpu.memory_space<hbm>>) target(%dma_start3A_515 : memref<64xf32, #tpu.memory_space<vmem>>) target_semaphore(%arg14 : memref<!tpu.dma_semaphore, #tpu.memory_space<semaphore_mem>>)
        %slice3A_519 = vector.extract_strided_slice %get3A_55 {offsets = [14], sizes = [1], strides = [1]} : vector<16xi32> to vector<1xi32>
        %squeeze3A_520 = vector.extract %slice3A_519[0] : i32 from vector<1xi32>
        %dma_start3A_521 = arith.constant 0 : i32
        %dma_start3A_522 = tpu.memref_slice %arg11[%add3A_504, %dma_start3A_521] : memref<256x64xf32, #tpu.memory_space<vmem>> -> memref<1x64xf32, #tpu.memory_space<vmem>>
        %dma_start3A_523 = tpu.memref_squeeze %dma_start3A_522 : memref<1x64xf32, #tpu.memory_space<vmem>> -> memref<64xf32, #tpu.memory_space<vmem>>
        %dma_start3A_524 = arith.constant 0 : i32
        %dma_start3A_525 = tpu.memref_slice %arg5[%squeeze3A_520, %dma_start3A_524] : memref<100000x64xf32, #tpu.memory_space<hbm>> -> memref<1x64xf32, #tpu.memory_space<hbm>>
        %dma_start3A_526 = tpu.memref_squeeze %dma_start3A_525 : memref<1x64xf32, #tpu.memory_space<hbm>> -> memref<64xf32, #tpu.memory_space<hbm>>
        %dma_start3A_527 = arith.constant 0 : i32
        %dma_start3A_528 = tpu.memref_slice %arg11[%add3A_504, %dma_start3A_527] : memref<256x64xf32, #tpu.memory_space<vmem>> -> memref<1x64xf32, #tpu.memory_space<vmem>>
        %dma_start3A_529 = tpu.memref_squeeze %dma_start3A_528 : memref<1x64xf32, #tpu.memory_space<vmem>> -> memref<64xf32, #tpu.memory_space<vmem>>
        %dma_start3A_530 = arith.constant 0 : i32
        %dma_start3A_531 = tpu.memref_slice %arg5[%squeeze3A_520, %dma_start3A_530] : memref<100000x64xf32, #tpu.memory_space<hbm>> -> memref<1x64xf32, #tpu.memory_space<hbm>>
        %dma_start3A_532 = tpu.memref_squeeze %dma_start3A_531 : memref<1x64xf32, #tpu.memory_space<hbm>> -> memref<64xf32, #tpu.memory_space<hbm>>
        tpu.enqueue_dma source(%dma_start3A_532 : memref<64xf32, #tpu.memory_space<hbm>>) target(%dma_start3A_529 : memref<64xf32, #tpu.memory_space<vmem>>) target_semaphore(%arg15 : memref<!tpu.dma_semaphore, #tpu.memory_space<semaphore_mem>>)
        %mul3A_533 = arith.constant 16 : i32
        %mul3A_534 = arith.muli %scan3A_44, %mul3A_533 : i32
        %add3A_535 = arith.constant 15 : i32
        %add3A_536 = arith.addi %mul3A_534, %add3A_535 : i32
        %slice3A_537 = vector.extract_strided_slice %get3A_50 {offsets = [15], sizes = [1], strides = [1]} : vector<16xi32> to vector<1xi32>
        %squeeze3A_538 = vector.extract %slice3A_537[0] : i32 from vector<1xi32>
        %dma_start3A_539 = arith.constant 0 : i32
        %dma_start3A_540 = tpu.memref_slice %arg10[%add3A_536, %dma_start3A_539] : memref<256x64xf32, #tpu.memory_space<vmem>> -> memref<1x64xf32, #tpu.memory_space<vmem>>
        %dma_start3A_541 = tpu.memref_squeeze %dma_start3A_540 : memref<1x64xf32, #tpu.memory_space<vmem>> -> memref<64xf32, #tpu.memory_space<vmem>>
        %dma_start3A_542 = arith.constant 0 : i32
        %dma_start3A_543 = tpu.memref_slice %arg4[%squeeze3A_538, %dma_start3A_542] : memref<1000000x64xf32, #tpu.memory_space<hbm>> -> memref<1x64xf32, #tpu.memory_space<hbm>>
        %dma_start3A_544 = tpu.memref_squeeze %dma_start3A_543 : memref<1x64xf32, #tpu.memory_space<hbm>> -> memref<64xf32, #tpu.memory_space<hbm>>
        %dma_start3A_545 = arith.constant 0 : i32
        %dma_start3A_546 = tpu.memref_slice %arg10[%add3A_536, %dma_start3A_545] : memref<256x64xf32, #tpu.memory_space<vmem>> -> memref<1x64xf32, #tpu.memory_space<vmem>>
        %dma_start3A_547 = tpu.memref_squeeze %dma_start3A_546 : memref<1x64xf32, #tpu.memory_space<vmem>> -> memref<64xf32, #tpu.memory_space<vmem>>
        %dma_start3A_548 = arith.constant 0 : i32
        %dma_start3A_549 = tpu.memref_slice %arg4[%squeeze3A_538, %dma_start3A_548] : memref<1000000x64xf32, #tpu.memory_space<hbm>> -> memref<1x64xf32, #tpu.memory_space<hbm>>
        %dma_start3A_550 = tpu.memref_squeeze %dma_start3A_549 : memref<1x64xf32, #tpu.memory_space<hbm>> -> memref<64xf32, #tpu.memory_space<hbm>>
        tpu.enqueue_dma source(%dma_start3A_550 : memref<64xf32, #tpu.memory_space<hbm>>) target(%dma_start3A_547 : memref<64xf32, #tpu.memory_space<vmem>>) target_semaphore(%arg14 : memref<!tpu.dma_semaphore, #tpu.memory_space<semaphore_mem>>)
        %slice3A_551 = vector.extract_strided_slice %get3A_55 {offsets = [15], sizes = [1], strides = [1]} : vector<16xi32> to vector<1xi32>
        %squeeze3A_552 = vector.extract %slice3A_551[0] : i32 from vector<1xi32>
        %dma_start3A_553 = arith.constant 0 : i32
        %dma_start3A_554 = tpu.memref_slice %arg11[%add3A_536, %dma_start3A_553] : memref<256x64xf32, #tpu.memory_space<vmem>> -> memref<1x64xf32, #tpu.memory_space<vmem>>
        %dma_start3A_555 = tpu.memref_squeeze %dma_start3A_554 : memref<1x64xf32, #tpu.memory_space<vmem>> -> memref<64xf32, #tpu.memory_space<vmem>>
        %dma_start3A_556 = arith.constant 0 : i32
        %dma_start3A_557 = tpu.memref_slice %arg5[%squeeze3A_552, %dma_start3A_556] : memref<100000x64xf32, #tpu.memory_space<hbm>> -> memref<1x64xf32, #tpu.memory_space<hbm>>
        %dma_start3A_558 = tpu.memref_squeeze %dma_start3A_557 : memref<1x64xf32, #tpu.memory_space<hbm>> -> memref<64xf32, #tpu.memory_space<hbm>>
        %dma_start3A_559 = arith.constant 0 : i32
        %dma_start3A_560 = tpu.memref_slice %arg11[%add3A_536, %dma_start3A_559] : memref<256x64xf32, #tpu.memory_space<vmem>> -> memref<1x64xf32, #tpu.memory_space<vmem>>
        %dma_start3A_561 = tpu.memref_squeeze %dma_start3A_560 : memref<1x64xf32, #tpu.memory_space<vmem>> -> memref<64xf32, #tpu.memory_space<vmem>>
        %dma_start3A_562 = arith.constant 0 : i32
        %dma_start3A_563 = tpu.memref_slice %arg5[%squeeze3A_552, %dma_start3A_562] : memref<100000x64xf32, #tpu.memory_space<hbm>> -> memref<1x64xf32, #tpu.memory_space<hbm>>
        %dma_start3A_564 = tpu.memref_squeeze %dma_start3A_563 : memref<1x64xf32, #tpu.memory_space<hbm>> -> memref<64xf32, #tpu.memory_space<hbm>>
        tpu.enqueue_dma source(%dma_start3A_564 : memref<64xf32, #tpu.memory_space<hbm>>) target(%dma_start3A_561 : memref<64xf32, #tpu.memory_space<vmem>>) target_semaphore(%arg15 : memref<!tpu.dma_semaphore, #tpu.memory_space<semaphore_mem>>)
        %scan3A_565 = arith.constant 0 : i32
        scf.yield %scan3A_565 : i32
      }
      %scan3A_28 = arith.constant 16 : i32
      %scan3A_29 = arith.constant 0 : i32
      %scan3A_30 = arith.constant 0 : i32
      %scan3A_31 = arith.constant 16 : i32
      %scan3A_32 = arith.addi %scan3A_30, %scan3A_31 : i32
      %scan3A_33 = arith.constant 1 : i32
      %scan3A_34 = scf.for %scan3A_44 = %scan3A_30 to %scan3A_32 step %scan3A_33 iter_args(%scan3A_45 = %scan3A_29) -> (i32)  : i32 {
        %mul3A_46 = arith.constant 16 : i32
        %mul3A_47 = arith.muli %scan3A_44, %mul3A_46 : i32
        %add3A_48 = arith.constant 0 : i32
        %add3A_49 = arith.addi %mul3A_47, %add3A_48 : i32
        %dma_wait3A = arith.constant 0 : i32
        %dma_wait3A_50 = arith.constant 0 : i32
        %dma_wait3A_51 = tpu.memref_slice %arg10[%add3A_49, %dma_wait3A_50] : memref<256x64xf32, #tpu.memory_space<vmem>> -> memref<1x64xf32, #tpu.memory_space<vmem>>
        %dma_wait3A_52 = tpu.memref_squeeze %dma_wait3A_51 : memref<1x64xf32, #tpu.memory_space<vmem>> -> memref<64xf32, #tpu.memory_space<vmem>>
        %dma_wait3A_53 = arith.constant 0 : i32
        %dma_wait3A_54 = tpu.memref_slice %arg4[%dma_wait3A, %dma_wait3A_53] : memref<1000000x64xf32, #tpu.memory_space<hbm>> -> memref<1x64xf32, #tpu.memory_space<hbm>>
        %dma_wait3A_55 = tpu.memref_squeeze %dma_wait3A_54 : memref<1x64xf32, #tpu.memory_space<hbm>> -> memref<64xf32, #tpu.memory_space<hbm>>
        %dma_wait3A_56 = arith.constant 0 : i32
        %dma_wait3A_57 = tpu.memref_slice %arg10[%add3A_49, %dma_wait3A_56] : memref<256x64xf32, #tpu.memory_space<vmem>> -> memref<1x64xf32, #tpu.memory_space<vmem>>
        %dma_wait3A_58 = tpu.memref_squeeze %dma_wait3A_57 : memref<1x64xf32, #tpu.memory_space<vmem>> -> memref<64xf32, #tpu.memory_space<vmem>>
        %dma_wait3A_59 = arith.constant 0 : i32
        %dma_wait3A_60 = tpu.memref_slice %arg4[%dma_wait3A, %dma_wait3A_59] : memref<1000000x64xf32, #tpu.memory_space<hbm>> -> memref<1x64xf32, #tpu.memory_space<hbm>>
        %dma_wait3A_61 = tpu.memref_squeeze %dma_wait3A_60 : memref<1x64xf32, #tpu.memory_space<hbm>> -> memref<64xf32, #tpu.memory_space<hbm>>
        tpu.wait_dma2 semaphore(%arg14 : memref<!tpu.dma_semaphore, #tpu.memory_space<semaphore_mem>>) src(%dma_wait3A_61 : memref<64xf32, #tpu.memory_space<hbm>>) dst(%dma_wait3A_58 : memref<64xf32, #tpu.memory_space<vmem>>)
        %dma_wait3A_62 = arith.constant 0 : i32
        %dma_wait3A_63 = arith.constant 0 : i32
        %dma_wait3A_64 = tpu.memref_slice %arg11[%add3A_49, %dma_wait3A_63] : memref<256x64xf32, #tpu.memory_space<vmem>> -> memref<1x64xf32, #tpu.memory_space<vmem>>
        %dma_wait3A_65 = tpu.memref_squeeze %dma_wait3A_64 : memref<1x64xf32, #tpu.memory_space<vmem>> -> memref<64xf32, #tpu.memory_space<vmem>>
        %dma_wait3A_66 = arith.constant 0 : i32
        %dma_wait3A_67 = tpu.memref_slice %arg5[%dma_wait3A_62, %dma_wait3A_66] : memref<100000x64xf32, #tpu.memory_space<hbm>> -> memref<1x64xf32, #tpu.memory_space<hbm>>
        %dma_wait3A_68 = tpu.memref_squeeze %dma_wait3A_67 : memref<1x64xf32, #tpu.memory_space<hbm>> -> memref<64xf32, #tpu.memory_space<hbm>>
        %dma_wait3A_69 = arith.constant 0 : i32
        %dma_wait3A_70 = tpu.memref_slice %arg11[%add3A_49, %dma_wait3A_69] : memref<256x64xf32, #tpu.memory_space<vmem>> -> memref<1x64xf32, #tpu.memory_space<vmem>>
        %dma_wait3A_71 = tpu.memref_squeeze %dma_wait3A_70 : memref<1x64xf32, #tpu.memory_space<vmem>> -> memref<64xf32, #tpu.memory_space<vmem>>
        %dma_wait3A_72 = arith.constant 0 : i32
        %dma_wait3A_73 = tpu.memref_slice %arg5[%dma_wait3A_62, %dma_wait3A_72] : memref<100000x64xf32, #tpu.memory_space<hbm>> -> memref<1x64xf32, #tpu.memory_space<hbm>>
        %dma_wait3A_74 = tpu.memref_squeeze %dma_wait3A_73 : memref<1x64xf32, #tpu.memory_space<hbm>> -> memref<64xf32, #tpu.memory_space<hbm>>
        tpu.wait_dma2 semaphore(%arg15 : memref<!tpu.dma_semaphore, #tpu.memory_space<semaphore_mem>>) src(%dma_wait3A_74 : memref<64xf32, #tpu.memory_space<hbm>>) dst(%dma_wait3A_71 : memref<64xf32, #tpu.memory_space<vmem>>)
        %mul3A_75 = arith.constant 16 : i32
        %mul3A_76 = arith.muli %scan3A_44, %mul3A_75 : i32
        %add3A_77 = arith.constant 1 : i32
        %add3A_78 = arith.addi %mul3A_76, %add3A_77 : i32
        %dma_wait3A_79 = arith.constant 0 : i32
        %dma_wait3A_80 = arith.constant 0 : i32
        %dma_wait3A_81 = tpu.memref_slice %arg10[%add3A_78, %dma_wait3A_80] : memref<256x64xf32, #tpu.memory_space<vmem>> -> memref<1x64xf32, #tpu.memory_space<vmem>>
        %dma_wait3A_82 = tpu.memref_squeeze %dma_wait3A_81 : memref<1x64xf32, #tpu.memory_space<vmem>> -> memref<64xf32, #tpu.memory_space<vmem>>
        %dma_wait3A_83 = arith.constant 0 : i32
        %dma_wait3A_84 = tpu.memref_slice %arg4[%dma_wait3A_79, %dma_wait3A_83] : memref<1000000x64xf32, #tpu.memory_space<hbm>> -> memref<1x64xf32, #tpu.memory_space<hbm>>
        %dma_wait3A_85 = tpu.memref_squeeze %dma_wait3A_84 : memref<1x64xf32, #tpu.memory_space<hbm>> -> memref<64xf32, #tpu.memory_space<hbm>>
        %dma_wait3A_86 = arith.constant 0 : i32
        %dma_wait3A_87 = tpu.memref_slice %arg10[%add3A_78, %dma_wait3A_86] : memref<256x64xf32, #tpu.memory_space<vmem>> -> memref<1x64xf32, #tpu.memory_space<vmem>>
        %dma_wait3A_88 = tpu.memref_squeeze %dma_wait3A_87 : memref<1x64xf32, #tpu.memory_space<vmem>> -> memref<64xf32, #tpu.memory_space<vmem>>
        %dma_wait3A_89 = arith.constant 0 : i32
        %dma_wait3A_90 = tpu.memref_slice %arg4[%dma_wait3A_79, %dma_wait3A_89] : memref<1000000x64xf32, #tpu.memory_space<hbm>> -> memref<1x64xf32, #tpu.memory_space<hbm>>
        %dma_wait3A_91 = tpu.memref_squeeze %dma_wait3A_90 : memref<1x64xf32, #tpu.memory_space<hbm>> -> memref<64xf32, #tpu.memory_space<hbm>>
        tpu.wait_dma2 semaphore(%arg14 : memref<!tpu.dma_semaphore, #tpu.memory_space<semaphore_mem>>) src(%dma_wait3A_91 : memref<64xf32, #tpu.memory_space<hbm>>) dst(%dma_wait3A_88 : memref<64xf32, #tpu.memory_space<vmem>>)
        %dma_wait3A_92 = arith.constant 0 : i32
        %dma_wait3A_93 = arith.constant 0 : i32
        %dma_wait3A_94 = tpu.memref_slice %arg11[%add3A_78, %dma_wait3A_93] : memref<256x64xf32, #tpu.memory_space<vmem>> -> memref<1x64xf32, #tpu.memory_space<vmem>>
        %dma_wait3A_95 = tpu.memref_squeeze %dma_wait3A_94 : memref<1x64xf32, #tpu.memory_space<vmem>> -> memref<64xf32, #tpu.memory_space<vmem>>
        %dma_wait3A_96 = arith.constant 0 : i32
        %dma_wait3A_97 = tpu.memref_slice %arg5[%dma_wait3A_92, %dma_wait3A_96] : memref<100000x64xf32, #tpu.memory_space<hbm>> -> memref<1x64xf32, #tpu.memory_space<hbm>>
        %dma_wait3A_98 = tpu.memref_squeeze %dma_wait3A_97 : memref<1x64xf32, #tpu.memory_space<hbm>> -> memref<64xf32, #tpu.memory_space<hbm>>
        %dma_wait3A_99 = arith.constant 0 : i32
        %dma_wait3A_100 = tpu.memref_slice %arg11[%add3A_78, %dma_wait3A_99] : memref<256x64xf32, #tpu.memory_space<vmem>> -> memref<1x64xf32, #tpu.memory_space<vmem>>
        %dma_wait3A_101 = tpu.memref_squeeze %dma_wait3A_100 : memref<1x64xf32, #tpu.memory_space<vmem>> -> memref<64xf32, #tpu.memory_space<vmem>>
        %dma_wait3A_102 = arith.constant 0 : i32
        %dma_wait3A_103 = tpu.memref_slice %arg5[%dma_wait3A_92, %dma_wait3A_102] : memref<100000x64xf32, #tpu.memory_space<hbm>> -> memref<1x64xf32, #tpu.memory_space<hbm>>
        %dma_wait3A_104 = tpu.memref_squeeze %dma_wait3A_103 : memref<1x64xf32, #tpu.memory_space<hbm>> -> memref<64xf32, #tpu.memory_space<hbm>>
        tpu.wait_dma2 semaphore(%arg15 : memref<!tpu.dma_semaphore, #tpu.memory_space<semaphore_mem>>) src(%dma_wait3A_104 : memref<64xf32, #tpu.memory_space<hbm>>) dst(%dma_wait3A_101 : memref<64xf32, #tpu.memory_space<vmem>>)
        %mul3A_105 = arith.constant 16 : i32
        %mul3A_106 = arith.muli %scan3A_44, %mul3A_105 : i32
        %add3A_107 = arith.constant 2 : i32
        %add3A_108 = arith.addi %mul3A_106, %add3A_107 : i32
        %dma_wait3A_109 = arith.constant 0 : i32
        %dma_wait3A_110 = arith.constant 0 : i32
        %dma_wait3A_111 = tpu.memref_slice %arg10[%add3A_108, %dma_wait3A_110] : memref<256x64xf32, #tpu.memory_space<vmem>> -> memref<1x64xf32, #tpu.memory_space<vmem>>
        %dma_wait3A_112 = tpu.memref_squeeze %dma_wait3A_111 : memref<1x64xf32, #tpu.memory_space<vmem>> -> memref<64xf32, #tpu.memory_space<vmem>>
        %dma_wait3A_113 = arith.constant 0 : i32
        %dma_wait3A_114 = tpu.memref_slice %arg4[%dma_wait3A_109, %dma_wait3A_113] : memref<1000000x64xf32, #tpu.memory_space<hbm>> -> memref<1x64xf32, #tpu.memory_space<hbm>>
        %dma_wait3A_115 = tpu.memref_squeeze %dma_wait3A_114 : memref<1x64xf32, #tpu.memory_space<hbm>> -> memref<64xf32, #tpu.memory_space<hbm>>
        %dma_wait3A_116 = arith.constant 0 : i32
        %dma_wait3A_117 = tpu.memref_slice %arg10[%add3A_108, %dma_wait3A_116] : memref<256x64xf32, #tpu.memory_space<vmem>> -> memref<1x64xf32, #tpu.memory_space<vmem>>
        %dma_wait3A_118 = tpu.memref_squeeze %dma_wait3A_117 : memref<1x64xf32, #tpu.memory_space<vmem>> -> memref<64xf32, #tpu.memory_space<vmem>>
        %dma_wait3A_119 = arith.constant 0 : i32
        %dma_wait3A_120 = tpu.memref_slice %arg4[%dma_wait3A_109, %dma_wait3A_119] : memref<1000000x64xf32, #tpu.memory_space<hbm>> -> memref<1x64xf32, #tpu.memory_space<hbm>>
        %dma_wait3A_121 = tpu.memref_squeeze %dma_wait3A_120 : memref<1x64xf32, #tpu.memory_space<hbm>> -> memref<64xf32, #tpu.memory_space<hbm>>
        tpu.wait_dma2 semaphore(%arg14 : memref<!tpu.dma_semaphore, #tpu.memory_space<semaphore_mem>>) src(%dma_wait3A_121 : memref<64xf32, #tpu.memory_space<hbm>>) dst(%dma_wait3A_118 : memref<64xf32, #tpu.memory_space<vmem>>)
        %dma_wait3A_122 = arith.constant 0 : i32
        %dma_wait3A_123 = arith.constant 0 : i32
        %dma_wait3A_124 = tpu.memref_slice %arg11[%add3A_108, %dma_wait3A_123] : memref<256x64xf32, #tpu.memory_space<vmem>> -> memref<1x64xf32, #tpu.memory_space<vmem>>
        %dma_wait3A_125 = tpu.memref_squeeze %dma_wait3A_124 : memref<1x64xf32, #tpu.memory_space<vmem>> -> memref<64xf32, #tpu.memory_space<vmem>>
        %dma_wait3A_126 = arith.constant 0 : i32
        %dma_wait3A_127 = tpu.memref_slice %arg5[%dma_wait3A_122, %dma_wait3A_126] : memref<100000x64xf32, #tpu.memory_space<hbm>> -> memref<1x64xf32, #tpu.memory_space<hbm>>
        %dma_wait3A_128 = tpu.memref_squeeze %dma_wait3A_127 : memref<1x64xf32, #tpu.memory_space<hbm>> -> memref<64xf32, #tpu.memory_space<hbm>>
        %dma_wait3A_129 = arith.constant 0 : i32
        %dma_wait3A_130 = tpu.memref_slice %arg11[%add3A_108, %dma_wait3A_129] : memref<256x64xf32, #tpu.memory_space<vmem>> -> memref<1x64xf32, #tpu.memory_space<vmem>>
        %dma_wait3A_131 = tpu.memref_squeeze %dma_wait3A_130 : memref<1x64xf32, #tpu.memory_space<vmem>> -> memref<64xf32, #tpu.memory_space<vmem>>
        %dma_wait3A_132 = arith.constant 0 : i32
        %dma_wait3A_133 = tpu.memref_slice %arg5[%dma_wait3A_122, %dma_wait3A_132] : memref<100000x64xf32, #tpu.memory_space<hbm>> -> memref<1x64xf32, #tpu.memory_space<hbm>>
        %dma_wait3A_134 = tpu.memref_squeeze %dma_wait3A_133 : memref<1x64xf32, #tpu.memory_space<hbm>> -> memref<64xf32, #tpu.memory_space<hbm>>
        tpu.wait_dma2 semaphore(%arg15 : memref<!tpu.dma_semaphore, #tpu.memory_space<semaphore_mem>>) src(%dma_wait3A_134 : memref<64xf32, #tpu.memory_space<hbm>>) dst(%dma_wait3A_131 : memref<64xf32, #tpu.memory_space<vmem>>)
        %mul3A_135 = arith.constant 16 : i32
        %mul3A_136 = arith.muli %scan3A_44, %mul3A_135 : i32
        %add3A_137 = arith.constant 3 : i32
        %add3A_138 = arith.addi %mul3A_136, %add3A_137 : i32
        %dma_wait3A_139 = arith.constant 0 : i32
        %dma_wait3A_140 = arith.constant 0 : i32
        %dma_wait3A_141 = tpu.memref_slice %arg10[%add3A_138, %dma_wait3A_140] : memref<256x64xf32, #tpu.memory_space<vmem>> -> memref<1x64xf32, #tpu.memory_space<vmem>>
        %dma_wait3A_142 = tpu.memref_squeeze %dma_wait3A_141 : memref<1x64xf32, #tpu.memory_space<vmem>> -> memref<64xf32, #tpu.memory_space<vmem>>
        %dma_wait3A_143 = arith.constant 0 : i32
        %dma_wait3A_144 = tpu.memref_slice %arg4[%dma_wait3A_139, %dma_wait3A_143] : memref<1000000x64xf32, #tpu.memory_space<hbm>> -> memref<1x64xf32, #tpu.memory_space<hbm>>
        %dma_wait3A_145 = tpu.memref_squeeze %dma_wait3A_144 : memref<1x64xf32, #tpu.memory_space<hbm>> -> memref<64xf32, #tpu.memory_space<hbm>>
        %dma_wait3A_146 = arith.constant 0 : i32
        %dma_wait3A_147 = tpu.memref_slice %arg10[%add3A_138, %dma_wait3A_146] : memref<256x64xf32, #tpu.memory_space<vmem>> -> memref<1x64xf32, #tpu.memory_space<vmem>>
        %dma_wait3A_148 = tpu.memref_squeeze %dma_wait3A_147 : memref<1x64xf32, #tpu.memory_space<vmem>> -> memref<64xf32, #tpu.memory_space<vmem>>
        %dma_wait3A_149 = arith.constant 0 : i32
        %dma_wait3A_150 = tpu.memref_slice %arg4[%dma_wait3A_139, %dma_wait3A_149] : memref<1000000x64xf32, #tpu.memory_space<hbm>> -> memref<1x64xf32, #tpu.memory_space<hbm>>
        %dma_wait3A_151 = tpu.memref_squeeze %dma_wait3A_150 : memref<1x64xf32, #tpu.memory_space<hbm>> -> memref<64xf32, #tpu.memory_space<hbm>>
        tpu.wait_dma2 semaphore(%arg14 : memref<!tpu.dma_semaphore, #tpu.memory_space<semaphore_mem>>) src(%dma_wait3A_151 : memref<64xf32, #tpu.memory_space<hbm>>) dst(%dma_wait3A_148 : memref<64xf32, #tpu.memory_space<vmem>>)
        %dma_wait3A_152 = arith.constant 0 : i32
        %dma_wait3A_153 = arith.constant 0 : i32
        %dma_wait3A_154 = tpu.memref_slice %arg11[%add3A_138, %dma_wait3A_153] : memref<256x64xf32, #tpu.memory_space<vmem>> -> memref<1x64xf32, #tpu.memory_space<vmem>>
        %dma_wait3A_155 = tpu.memref_squeeze %dma_wait3A_154 : memref<1x64xf32, #tpu.memory_space<vmem>> -> memref<64xf32, #tpu.memory_space<vmem>>
        %dma_wait3A_156 = arith.constant 0 : i32
        %dma_wait3A_157 = tpu.memref_slice %arg5[%dma_wait3A_152, %dma_wait3A_156] : memref<100000x64xf32, #tpu.memory_space<hbm>> -> memref<1x64xf32, #tpu.memory_space<hbm>>
        %dma_wait3A_158 = tpu.memref_squeeze %dma_wait3A_157 : memref<1x64xf32, #tpu.memory_space<hbm>> -> memref<64xf32, #tpu.memory_space<hbm>>
        %dma_wait3A_159 = arith.constant 0 : i32
        %dma_wait3A_160 = tpu.memref_slice %arg11[%add3A_138, %dma_wait3A_159] : memref<256x64xf32, #tpu.memory_space<vmem>> -> memref<1x64xf32, #tpu.memory_space<vmem>>
        %dma_wait3A_161 = tpu.memref_squeeze %dma_wait3A_160 : memref<1x64xf32, #tpu.memory_space<vmem>> -> memref<64xf32, #tpu.memory_space<vmem>>
        %dma_wait3A_162 = arith.constant 0 : i32
        %dma_wait3A_163 = tpu.memref_slice %arg5[%dma_wait3A_152, %dma_wait3A_162] : memref<100000x64xf32, #tpu.memory_space<hbm>> -> memref<1x64xf32, #tpu.memory_space<hbm>>
        %dma_wait3A_164 = tpu.memref_squeeze %dma_wait3A_163 : memref<1x64xf32, #tpu.memory_space<hbm>> -> memref<64xf32, #tpu.memory_space<hbm>>
        tpu.wait_dma2 semaphore(%arg15 : memref<!tpu.dma_semaphore, #tpu.memory_space<semaphore_mem>>) src(%dma_wait3A_164 : memref<64xf32, #tpu.memory_space<hbm>>) dst(%dma_wait3A_161 : memref<64xf32, #tpu.memory_space<vmem>>)
        %mul3A_165 = arith.constant 16 : i32
        %mul3A_166 = arith.muli %scan3A_44, %mul3A_165 : i32
        %add3A_167 = arith.constant 4 : i32
        %add3A_168 = arith.addi %mul3A_166, %add3A_167 : i32
        %dma_wait3A_169 = arith.constant 0 : i32
        %dma_wait3A_170 = arith.constant 0 : i32
        %dma_wait3A_171 = tpu.memref_slice %arg10[%add3A_168, %dma_wait3A_170] : memref<256x64xf32, #tpu.memory_space<vmem>> -> memref<1x64xf32, #tpu.memory_space<vmem>>
        %dma_wait3A_172 = tpu.memref_squeeze %dma_wait3A_171 : memref<1x64xf32, #tpu.memory_space<vmem>> -> memref<64xf32, #tpu.memory_space<vmem>>
        %dma_wait3A_173 = arith.constant 0 : i32
        %dma_wait3A_174 = tpu.memref_slice %arg4[%dma_wait3A_169, %dma_wait3A_173] : memref<1000000x64xf32, #tpu.memory_space<hbm>> -> memref<1x64xf32, #tpu.memory_space<hbm>>
        %dma_wait3A_175 = tpu.memref_squeeze %dma_wait3A_174 : memref<1x64xf32, #tpu.memory_space<hbm>> -> memref<64xf32, #tpu.memory_space<hbm>>
        %dma_wait3A_176 = arith.constant 0 : i32
        %dma_wait3A_177 = tpu.memref_slice %arg10[%add3A_168, %dma_wait3A_176] : memref<256x64xf32, #tpu.memory_space<vmem>> -> memref<1x64xf32, #tpu.memory_space<vmem>>
        %dma_wait3A_178 = tpu.memref_squeeze %dma_wait3A_177 : memref<1x64xf32, #tpu.memory_space<vmem>> -> memref<64xf32, #tpu.memory_space<vmem>>
        %dma_wait3A_179 = arith.constant 0 : i32
        %dma_wait3A_180 = tpu.memref_slice %arg4[%dma_wait3A_169, %dma_wait3A_179] : memref<1000000x64xf32, #tpu.memory_space<hbm>> -> memref<1x64xf32, #tpu.memory_space<hbm>>
        %dma_wait3A_181 = tpu.memref_squeeze %dma_wait3A_180 : memref<1x64xf32, #tpu.memory_space<hbm>> -> memref<64xf32, #tpu.memory_space<hbm>>
        tpu.wait_dma2 semaphore(%arg14 : memref<!tpu.dma_semaphore, #tpu.memory_space<semaphore_mem>>) src(%dma_wait3A_181 : memref<64xf32, #tpu.memory_space<hbm>>) dst(%dma_wait3A_178 : memref<64xf32, #tpu.memory_space<vmem>>)
        %dma_wait3A_182 = arith.constant 0 : i32
        %dma_wait3A_183 = arith.constant 0 : i32
        %dma_wait3A_184 = tpu.memref_slice %arg11[%add3A_168, %dma_wait3A_183] : memref<256x64xf32, #tpu.memory_space<vmem>> -> memref<1x64xf32, #tpu.memory_space<vmem>>
        %dma_wait3A_185 = tpu.memref_squeeze %dma_wait3A_184 : memref<1x64xf32, #tpu.memory_space<vmem>> -> memref<64xf32, #tpu.memory_space<vmem>>
        %dma_wait3A_186 = arith.constant 0 : i32
        %dma_wait3A_187 = tpu.memref_slice %arg5[%dma_wait3A_182, %dma_wait3A_186] : memref<100000x64xf32, #tpu.memory_space<hbm>> -> memref<1x64xf32, #tpu.memory_space<hbm>>
        %dma_wait3A_188 = tpu.memref_squeeze %dma_wait3A_187 : memref<1x64xf32, #tpu.memory_space<hbm>> -> memref<64xf32, #tpu.memory_space<hbm>>
        %dma_wait3A_189 = arith.constant 0 : i32
        %dma_wait3A_190 = tpu.memref_slice %arg11[%add3A_168, %dma_wait3A_189] : memref<256x64xf32, #tpu.memory_space<vmem>> -> memref<1x64xf32, #tpu.memory_space<vmem>>
        %dma_wait3A_191 = tpu.memref_squeeze %dma_wait3A_190 : memref<1x64xf32, #tpu.memory_space<vmem>> -> memref<64xf32, #tpu.memory_space<vmem>>
        %dma_wait3A_192 = arith.constant 0 : i32
        %dma_wait3A_193 = tpu.memref_slice %arg5[%dma_wait3A_182, %dma_wait3A_192] : memref<100000x64xf32, #tpu.memory_space<hbm>> -> memref<1x64xf32, #tpu.memory_space<hbm>>
        %dma_wait3A_194 = tpu.memref_squeeze %dma_wait3A_193 : memref<1x64xf32, #tpu.memory_space<hbm>> -> memref<64xf32, #tpu.memory_space<hbm>>
        tpu.wait_dma2 semaphore(%arg15 : memref<!tpu.dma_semaphore, #tpu.memory_space<semaphore_mem>>) src(%dma_wait3A_194 : memref<64xf32, #tpu.memory_space<hbm>>) dst(%dma_wait3A_191 : memref<64xf32, #tpu.memory_space<vmem>>)
        %mul3A_195 = arith.constant 16 : i32
        %mul3A_196 = arith.muli %scan3A_44, %mul3A_195 : i32
        %add3A_197 = arith.constant 5 : i32
        %add3A_198 = arith.addi %mul3A_196, %add3A_197 : i32
        %dma_wait3A_199 = arith.constant 0 : i32
        %dma_wait3A_200 = arith.constant 0 : i32
        %dma_wait3A_201 = tpu.memref_slice %arg10[%add3A_198, %dma_wait3A_200] : memref<256x64xf32, #tpu.memory_space<vmem>> -> memref<1x64xf32, #tpu.memory_space<vmem>>
        %dma_wait3A_202 = tpu.memref_squeeze %dma_wait3A_201 : memref<1x64xf32, #tpu.memory_space<vmem>> -> memref<64xf32, #tpu.memory_space<vmem>>
        %dma_wait3A_203 = arith.constant 0 : i32
        %dma_wait3A_204 = tpu.memref_slice %arg4[%dma_wait3A_199, %dma_wait3A_203] : memref<1000000x64xf32, #tpu.memory_space<hbm>> -> memref<1x64xf32, #tpu.memory_space<hbm>>
        %dma_wait3A_205 = tpu.memref_squeeze %dma_wait3A_204 : memref<1x64xf32, #tpu.memory_space<hbm>> -> memref<64xf32, #tpu.memory_space<hbm>>
        %dma_wait3A_206 = arith.constant 0 : i32
        %dma_wait3A_207 = tpu.memref_slice %arg10[%add3A_198, %dma_wait3A_206] : memref<256x64xf32, #tpu.memory_space<vmem>> -> memref<1x64xf32, #tpu.memory_space<vmem>>
        %dma_wait3A_208 = tpu.memref_squeeze %dma_wait3A_207 : memref<1x64xf32, #tpu.memory_space<vmem>> -> memref<64xf32, #tpu.memory_space<vmem>>
        %dma_wait3A_209 = arith.constant 0 : i32
        %dma_wait3A_210 = tpu.memref_slice %arg4[%dma_wait3A_199, %dma_wait3A_209] : memref<1000000x64xf32, #tpu.memory_space<hbm>> -> memref<1x64xf32, #tpu.memory_space<hbm>>
        %dma_wait3A_211 = tpu.memref_squeeze %dma_wait3A_210 : memref<1x64xf32, #tpu.memory_space<hbm>> -> memref<64xf32, #tpu.memory_space<hbm>>
        tpu.wait_dma2 semaphore(%arg14 : memref<!tpu.dma_semaphore, #tpu.memory_space<semaphore_mem>>) src(%dma_wait3A_211 : memref<64xf32, #tpu.memory_space<hbm>>) dst(%dma_wait3A_208 : memref<64xf32, #tpu.memory_space<vmem>>)
        %dma_wait3A_212 = arith.constant 0 : i32
        %dma_wait3A_213 = arith.constant 0 : i32
        %dma_wait3A_214 = tpu.memref_slice %arg11[%add3A_198, %dma_wait3A_213] : memref<256x64xf32, #tpu.memory_space<vmem>> -> memref<1x64xf32, #tpu.memory_space<vmem>>
        %dma_wait3A_215 = tpu.memref_squeeze %dma_wait3A_214 : memref<1x64xf32, #tpu.memory_space<vmem>> -> memref<64xf32, #tpu.memory_space<vmem>>
        %dma_wait3A_216 = arith.constant 0 : i32
        %dma_wait3A_217 = tpu.memref_slice %arg5[%dma_wait3A_212, %dma_wait3A_216] : memref<100000x64xf32, #tpu.memory_space<hbm>> -> memref<1x64xf32, #tpu.memory_space<hbm>>
        %dma_wait3A_218 = tpu.memref_squeeze %dma_wait3A_217 : memref<1x64xf32, #tpu.memory_space<hbm>> -> memref<64xf32, #tpu.memory_space<hbm>>
        %dma_wait3A_219 = arith.constant 0 : i32
        %dma_wait3A_220 = tpu.memref_slice %arg11[%add3A_198, %dma_wait3A_219] : memref<256x64xf32, #tpu.memory_space<vmem>> -> memref<1x64xf32, #tpu.memory_space<vmem>>
        %dma_wait3A_221 = tpu.memref_squeeze %dma_wait3A_220 : memref<1x64xf32, #tpu.memory_space<vmem>> -> memref<64xf32, #tpu.memory_space<vmem>>
        %dma_wait3A_222 = arith.constant 0 : i32
        %dma_wait3A_223 = tpu.memref_slice %arg5[%dma_wait3A_212, %dma_wait3A_222] : memref<100000x64xf32, #tpu.memory_space<hbm>> -> memref<1x64xf32, #tpu.memory_space<hbm>>
        %dma_wait3A_224 = tpu.memref_squeeze %dma_wait3A_223 : memref<1x64xf32, #tpu.memory_space<hbm>> -> memref<64xf32, #tpu.memory_space<hbm>>
        tpu.wait_dma2 semaphore(%arg15 : memref<!tpu.dma_semaphore, #tpu.memory_space<semaphore_mem>>) src(%dma_wait3A_224 : memref<64xf32, #tpu.memory_space<hbm>>) dst(%dma_wait3A_221 : memref<64xf32, #tpu.memory_space<vmem>>)
        %mul3A_225 = arith.constant 16 : i32
        %mul3A_226 = arith.muli %scan3A_44, %mul3A_225 : i32
        %add3A_227 = arith.constant 6 : i32
        %add3A_228 = arith.addi %mul3A_226, %add3A_227 : i32
        %dma_wait3A_229 = arith.constant 0 : i32
        %dma_wait3A_230 = arith.constant 0 : i32
        %dma_wait3A_231 = tpu.memref_slice %arg10[%add3A_228, %dma_wait3A_230] : memref<256x64xf32, #tpu.memory_space<vmem>> -> memref<1x64xf32, #tpu.memory_space<vmem>>
        %dma_wait3A_232 = tpu.memref_squeeze %dma_wait3A_231 : memref<1x64xf32, #tpu.memory_space<vmem>> -> memref<64xf32, #tpu.memory_space<vmem>>
        %dma_wait3A_233 = arith.constant 0 : i32
        %dma_wait3A_234 = tpu.memref_slice %arg4[%dma_wait3A_229, %dma_wait3A_233] : memref<1000000x64xf32, #tpu.memory_space<hbm>> -> memref<1x64xf32, #tpu.memory_space<hbm>>
        %dma_wait3A_235 = tpu.memref_squeeze %dma_wait3A_234 : memref<1x64xf32, #tpu.memory_space<hbm>> -> memref<64xf32, #tpu.memory_space<hbm>>
        %dma_wait3A_236 = arith.constant 0 : i32
        %dma_wait3A_237 = tpu.memref_slice %arg10[%add3A_228, %dma_wait3A_236] : memref<256x64xf32, #tpu.memory_space<vmem>> -> memref<1x64xf32, #tpu.memory_space<vmem>>
        %dma_wait3A_238 = tpu.memref_squeeze %dma_wait3A_237 : memref<1x64xf32, #tpu.memory_space<vmem>> -> memref<64xf32, #tpu.memory_space<vmem>>
        %dma_wait3A_239 = arith.constant 0 : i32
        %dma_wait3A_240 = tpu.memref_slice %arg4[%dma_wait3A_229, %dma_wait3A_239] : memref<1000000x64xf32, #tpu.memory_space<hbm>> -> memref<1x64xf32, #tpu.memory_space<hbm>>
        %dma_wait3A_241 = tpu.memref_squeeze %dma_wait3A_240 : memref<1x64xf32, #tpu.memory_space<hbm>> -> memref<64xf32, #tpu.memory_space<hbm>>
        tpu.wait_dma2 semaphore(%arg14 : memref<!tpu.dma_semaphore, #tpu.memory_space<semaphore_mem>>) src(%dma_wait3A_241 : memref<64xf32, #tpu.memory_space<hbm>>) dst(%dma_wait3A_238 : memref<64xf32, #tpu.memory_space<vmem>>)
        %dma_wait3A_242 = arith.constant 0 : i32
        %dma_wait3A_243 = arith.constant 0 : i32
        %dma_wait3A_244 = tpu.memref_slice %arg11[%add3A_228, %dma_wait3A_243] : memref<256x64xf32, #tpu.memory_space<vmem>> -> memref<1x64xf32, #tpu.memory_space<vmem>>
        %dma_wait3A_245 = tpu.memref_squeeze %dma_wait3A_244 : memref<1x64xf32, #tpu.memory_space<vmem>> -> memref<64xf32, #tpu.memory_space<vmem>>
        %dma_wait3A_246 = arith.constant 0 : i32
        %dma_wait3A_247 = tpu.memref_slice %arg5[%dma_wait3A_242, %dma_wait3A_246] : memref<100000x64xf32, #tpu.memory_space<hbm>> -> memref<1x64xf32, #tpu.memory_space<hbm>>
        %dma_wait3A_248 = tpu.memref_squeeze %dma_wait3A_247 : memref<1x64xf32, #tpu.memory_space<hbm>> -> memref<64xf32, #tpu.memory_space<hbm>>
        %dma_wait3A_249 = arith.constant 0 : i32
        %dma_wait3A_250 = tpu.memref_slice %arg11[%add3A_228, %dma_wait3A_249] : memref<256x64xf32, #tpu.memory_space<vmem>> -> memref<1x64xf32, #tpu.memory_space<vmem>>
        %dma_wait3A_251 = tpu.memref_squeeze %dma_wait3A_250 : memref<1x64xf32, #tpu.memory_space<vmem>> -> memref<64xf32, #tpu.memory_space<vmem>>
        %dma_wait3A_252 = arith.constant 0 : i32
        %dma_wait3A_253 = tpu.memref_slice %arg5[%dma_wait3A_242, %dma_wait3A_252] : memref<100000x64xf32, #tpu.memory_space<hbm>> -> memref<1x64xf32, #tpu.memory_space<hbm>>
        %dma_wait3A_254 = tpu.memref_squeeze %dma_wait3A_253 : memref<1x64xf32, #tpu.memory_space<hbm>> -> memref<64xf32, #tpu.memory_space<hbm>>
        tpu.wait_dma2 semaphore(%arg15 : memref<!tpu.dma_semaphore, #tpu.memory_space<semaphore_mem>>) src(%dma_wait3A_254 : memref<64xf32, #tpu.memory_space<hbm>>) dst(%dma_wait3A_251 : memref<64xf32, #tpu.memory_space<vmem>>)
        %mul3A_255 = arith.constant 16 : i32
        %mul3A_256 = arith.muli %scan3A_44, %mul3A_255 : i32
        %add3A_257 = arith.constant 7 : i32
        %add3A_258 = arith.addi %mul3A_256, %add3A_257 : i32
        %dma_wait3A_259 = arith.constant 0 : i32
        %dma_wait3A_260 = arith.constant 0 : i32
        %dma_wait3A_261 = tpu.memref_slice %arg10[%add3A_258, %dma_wait3A_260] : memref<256x64xf32, #tpu.memory_space<vmem>> -> memref<1x64xf32, #tpu.memory_space<vmem>>
        %dma_wait3A_262 = tpu.memref_squeeze %dma_wait3A_261 : memref<1x64xf32, #tpu.memory_space<vmem>> -> memref<64xf32, #tpu.memory_space<vmem>>
        %dma_wait3A_263 = arith.constant 0 : i32
        %dma_wait3A_264 = tpu.memref_slice %arg4[%dma_wait3A_259, %dma_wait3A_263] : memref<1000000x64xf32, #tpu.memory_space<hbm>> -> memref<1x64xf32, #tpu.memory_space<hbm>>
        %dma_wait3A_265 = tpu.memref_squeeze %dma_wait3A_264 : memref<1x64xf32, #tpu.memory_space<hbm>> -> memref<64xf32, #tpu.memory_space<hbm>>
        %dma_wait3A_266 = arith.constant 0 : i32
        %dma_wait3A_267 = tpu.memref_slice %arg10[%add3A_258, %dma_wait3A_266] : memref<256x64xf32, #tpu.memory_space<vmem>> -> memref<1x64xf32, #tpu.memory_space<vmem>>
        %dma_wait3A_268 = tpu.memref_squeeze %dma_wait3A_267 : memref<1x64xf32, #tpu.memory_space<vmem>> -> memref<64xf32, #tpu.memory_space<vmem>>
        %dma_wait3A_269 = arith.constant 0 : i32
        %dma_wait3A_270 = tpu.memref_slice %arg4[%dma_wait3A_259, %dma_wait3A_269] : memref<1000000x64xf32, #tpu.memory_space<hbm>> -> memref<1x64xf32, #tpu.memory_space<hbm>>
        %dma_wait3A_271 = tpu.memref_squeeze %dma_wait3A_270 : memref<1x64xf32, #tpu.memory_space<hbm>> -> memref<64xf32, #tpu.memory_space<hbm>>
        tpu.wait_dma2 semaphore(%arg14 : memref<!tpu.dma_semaphore, #tpu.memory_space<semaphore_mem>>) src(%dma_wait3A_271 : memref<64xf32, #tpu.memory_space<hbm>>) dst(%dma_wait3A_268 : memref<64xf32, #tpu.memory_space<vmem>>)
        %dma_wait3A_272 = arith.constant 0 : i32
        %dma_wait3A_273 = arith.constant 0 : i32
        %dma_wait3A_274 = tpu.memref_slice %arg11[%add3A_258, %dma_wait3A_273] : memref<256x64xf32, #tpu.memory_space<vmem>> -> memref<1x64xf32, #tpu.memory_space<vmem>>
        %dma_wait3A_275 = tpu.memref_squeeze %dma_wait3A_274 : memref<1x64xf32, #tpu.memory_space<vmem>> -> memref<64xf32, #tpu.memory_space<vmem>>
        %dma_wait3A_276 = arith.constant 0 : i32
        %dma_wait3A_277 = tpu.memref_slice %arg5[%dma_wait3A_272, %dma_wait3A_276] : memref<100000x64xf32, #tpu.memory_space<hbm>> -> memref<1x64xf32, #tpu.memory_space<hbm>>
        %dma_wait3A_278 = tpu.memref_squeeze %dma_wait3A_277 : memref<1x64xf32, #tpu.memory_space<hbm>> -> memref<64xf32, #tpu.memory_space<hbm>>
        %dma_wait3A_279 = arith.constant 0 : i32
        %dma_wait3A_280 = tpu.memref_slice %arg11[%add3A_258, %dma_wait3A_279] : memref<256x64xf32, #tpu.memory_space<vmem>> -> memref<1x64xf32, #tpu.memory_space<vmem>>
        %dma_wait3A_281 = tpu.memref_squeeze %dma_wait3A_280 : memref<1x64xf32, #tpu.memory_space<vmem>> -> memref<64xf32, #tpu.memory_space<vmem>>
        %dma_wait3A_282 = arith.constant 0 : i32
        %dma_wait3A_283 = tpu.memref_slice %arg5[%dma_wait3A_272, %dma_wait3A_282] : memref<100000x64xf32, #tpu.memory_space<hbm>> -> memref<1x64xf32, #tpu.memory_space<hbm>>
        %dma_wait3A_284 = tpu.memref_squeeze %dma_wait3A_283 : memref<1x64xf32, #tpu.memory_space<hbm>> -> memref<64xf32, #tpu.memory_space<hbm>>
        tpu.wait_dma2 semaphore(%arg15 : memref<!tpu.dma_semaphore, #tpu.memory_space<semaphore_mem>>) src(%dma_wait3A_284 : memref<64xf32, #tpu.memory_space<hbm>>) dst(%dma_wait3A_281 : memref<64xf32, #tpu.memory_space<vmem>>)
        %mul3A_285 = arith.constant 16 : i32
        %mul3A_286 = arith.muli %scan3A_44, %mul3A_285 : i32
        %add3A_287 = arith.constant 8 : i32
        %add3A_288 = arith.addi %mul3A_286, %add3A_287 : i32
        %dma_wait3A_289 = arith.constant 0 : i32
        %dma_wait3A_290 = arith.constant 0 : i32
        %dma_wait3A_291 = tpu.memref_slice %arg10[%add3A_288, %dma_wait3A_290] : memref<256x64xf32, #tpu.memory_space<vmem>> -> memref<1x64xf32, #tpu.memory_space<vmem>>
        %dma_wait3A_292 = tpu.memref_squeeze %dma_wait3A_291 : memref<1x64xf32, #tpu.memory_space<vmem>> -> memref<64xf32, #tpu.memory_space<vmem>>
        %dma_wait3A_293 = arith.constant 0 : i32
        %dma_wait3A_294 = tpu.memref_slice %arg4[%dma_wait3A_289, %dma_wait3A_293] : memref<1000000x64xf32, #tpu.memory_space<hbm>> -> memref<1x64xf32, #tpu.memory_space<hbm>>
        %dma_wait3A_295 = tpu.memref_squeeze %dma_wait3A_294 : memref<1x64xf32, #tpu.memory_space<hbm>> -> memref<64xf32, #tpu.memory_space<hbm>>
        %dma_wait3A_296 = arith.constant 0 : i32
        %dma_wait3A_297 = tpu.memref_slice %arg10[%add3A_288, %dma_wait3A_296] : memref<256x64xf32, #tpu.memory_space<vmem>> -> memref<1x64xf32, #tpu.memory_space<vmem>>
        %dma_wait3A_298 = tpu.memref_squeeze %dma_wait3A_297 : memref<1x64xf32, #tpu.memory_space<vmem>> -> memref<64xf32, #tpu.memory_space<vmem>>
        %dma_wait3A_299 = arith.constant 0 : i32
        %dma_wait3A_300 = tpu.memref_slice %arg4[%dma_wait3A_289, %dma_wait3A_299] : memref<1000000x64xf32, #tpu.memory_space<hbm>> -> memref<1x64xf32, #tpu.memory_space<hbm>>
        %dma_wait3A_301 = tpu.memref_squeeze %dma_wait3A_300 : memref<1x64xf32, #tpu.memory_space<hbm>> -> memref<64xf32, #tpu.memory_space<hbm>>
        tpu.wait_dma2 semaphore(%arg14 : memref<!tpu.dma_semaphore, #tpu.memory_space<semaphore_mem>>) src(%dma_wait3A_301 : memref<64xf32, #tpu.memory_space<hbm>>) dst(%dma_wait3A_298 : memref<64xf32, #tpu.memory_space<vmem>>)
        %dma_wait3A_302 = arith.constant 0 : i32
        %dma_wait3A_303 = arith.constant 0 : i32
        %dma_wait3A_304 = tpu.memref_slice %arg11[%add3A_288, %dma_wait3A_303] : memref<256x64xf32, #tpu.memory_space<vmem>> -> memref<1x64xf32, #tpu.memory_space<vmem>>
        %dma_wait3A_305 = tpu.memref_squeeze %dma_wait3A_304 : memref<1x64xf32, #tpu.memory_space<vmem>> -> memref<64xf32, #tpu.memory_space<vmem>>
        %dma_wait3A_306 = arith.constant 0 : i32
        %dma_wait3A_307 = tpu.memref_slice %arg5[%dma_wait3A_302, %dma_wait3A_306] : memref<100000x64xf32, #tpu.memory_space<hbm>> -> memref<1x64xf32, #tpu.memory_space<hbm>>
        %dma_wait3A_308 = tpu.memref_squeeze %dma_wait3A_307 : memref<1x64xf32, #tpu.memory_space<hbm>> -> memref<64xf32, #tpu.memory_space<hbm>>
        %dma_wait3A_309 = arith.constant 0 : i32
        %dma_wait3A_310 = tpu.memref_slice %arg11[%add3A_288, %dma_wait3A_309] : memref<256x64xf32, #tpu.memory_space<vmem>> -> memref<1x64xf32, #tpu.memory_space<vmem>>
        %dma_wait3A_311 = tpu.memref_squeeze %dma_wait3A_310 : memref<1x64xf32, #tpu.memory_space<vmem>> -> memref<64xf32, #tpu.memory_space<vmem>>
        %dma_wait3A_312 = arith.constant 0 : i32
        %dma_wait3A_313 = tpu.memref_slice %arg5[%dma_wait3A_302, %dma_wait3A_312] : memref<100000x64xf32, #tpu.memory_space<hbm>> -> memref<1x64xf32, #tpu.memory_space<hbm>>
        %dma_wait3A_314 = tpu.memref_squeeze %dma_wait3A_313 : memref<1x64xf32, #tpu.memory_space<hbm>> -> memref<64xf32, #tpu.memory_space<hbm>>
        tpu.wait_dma2 semaphore(%arg15 : memref<!tpu.dma_semaphore, #tpu.memory_space<semaphore_mem>>) src(%dma_wait3A_314 : memref<64xf32, #tpu.memory_space<hbm>>) dst(%dma_wait3A_311 : memref<64xf32, #tpu.memory_space<vmem>>)
        %mul3A_315 = arith.constant 16 : i32
        %mul3A_316 = arith.muli %scan3A_44, %mul3A_315 : i32
        %add3A_317 = arith.constant 9 : i32
        %add3A_318 = arith.addi %mul3A_316, %add3A_317 : i32
        %dma_wait3A_319 = arith.constant 0 : i32
        %dma_wait3A_320 = arith.constant 0 : i32
        %dma_wait3A_321 = tpu.memref_slice %arg10[%add3A_318, %dma_wait3A_320] : memref<256x64xf32, #tpu.memory_space<vmem>> -> memref<1x64xf32, #tpu.memory_space<vmem>>
        %dma_wait3A_322 = tpu.memref_squeeze %dma_wait3A_321 : memref<1x64xf32, #tpu.memory_space<vmem>> -> memref<64xf32, #tpu.memory_space<vmem>>
        %dma_wait3A_323 = arith.constant 0 : i32
        %dma_wait3A_324 = tpu.memref_slice %arg4[%dma_wait3A_319, %dma_wait3A_323] : memref<1000000x64xf32, #tpu.memory_space<hbm>> -> memref<1x64xf32, #tpu.memory_space<hbm>>
        %dma_wait3A_325 = tpu.memref_squeeze %dma_wait3A_324 : memref<1x64xf32, #tpu.memory_space<hbm>> -> memref<64xf32, #tpu.memory_space<hbm>>
        %dma_wait3A_326 = arith.constant 0 : i32
        %dma_wait3A_327 = tpu.memref_slice %arg10[%add3A_318, %dma_wait3A_326] : memref<256x64xf32, #tpu.memory_space<vmem>> -> memref<1x64xf32, #tpu.memory_space<vmem>>
        %dma_wait3A_328 = tpu.memref_squeeze %dma_wait3A_327 : memref<1x64xf32, #tpu.memory_space<vmem>> -> memref<64xf32, #tpu.memory_space<vmem>>
        %dma_wait3A_329 = arith.constant 0 : i32
        %dma_wait3A_330 = tpu.memref_slice %arg4[%dma_wait3A_319, %dma_wait3A_329] : memref<1000000x64xf32, #tpu.memory_space<hbm>> -> memref<1x64xf32, #tpu.memory_space<hbm>>
        %dma_wait3A_331 = tpu.memref_squeeze %dma_wait3A_330 : memref<1x64xf32, #tpu.memory_space<hbm>> -> memref<64xf32, #tpu.memory_space<hbm>>
        tpu.wait_dma2 semaphore(%arg14 : memref<!tpu.dma_semaphore, #tpu.memory_space<semaphore_mem>>) src(%dma_wait3A_331 : memref<64xf32, #tpu.memory_space<hbm>>) dst(%dma_wait3A_328 : memref<64xf32, #tpu.memory_space<vmem>>)
        %dma_wait3A_332 = arith.constant 0 : i32
        %dma_wait3A_333 = arith.constant 0 : i32
        %dma_wait3A_334 = tpu.memref_slice %arg11[%add3A_318, %dma_wait3A_333] : memref<256x64xf32, #tpu.memory_space<vmem>> -> memref<1x64xf32, #tpu.memory_space<vmem>>
        %dma_wait3A_335 = tpu.memref_squeeze %dma_wait3A_334 : memref<1x64xf32, #tpu.memory_space<vmem>> -> memref<64xf32, #tpu.memory_space<vmem>>
        %dma_wait3A_336 = arith.constant 0 : i32
        %dma_wait3A_337 = tpu.memref_slice %arg5[%dma_wait3A_332, %dma_wait3A_336] : memref<100000x64xf32, #tpu.memory_space<hbm>> -> memref<1x64xf32, #tpu.memory_space<hbm>>
        %dma_wait3A_338 = tpu.memref_squeeze %dma_wait3A_337 : memref<1x64xf32, #tpu.memory_space<hbm>> -> memref<64xf32, #tpu.memory_space<hbm>>
        %dma_wait3A_339 = arith.constant 0 : i32
        %dma_wait3A_340 = tpu.memref_slice %arg11[%add3A_318, %dma_wait3A_339] : memref<256x64xf32, #tpu.memory_space<vmem>> -> memref<1x64xf32, #tpu.memory_space<vmem>>
        %dma_wait3A_341 = tpu.memref_squeeze %dma_wait3A_340 : memref<1x64xf32, #tpu.memory_space<vmem>> -> memref<64xf32, #tpu.memory_space<vmem>>
        %dma_wait3A_342 = arith.constant 0 : i32
        %dma_wait3A_343 = tpu.memref_slice %arg5[%dma_wait3A_332, %dma_wait3A_342] : memref<100000x64xf32, #tpu.memory_space<hbm>> -> memref<1x64xf32, #tpu.memory_space<hbm>>
        %dma_wait3A_344 = tpu.memref_squeeze %dma_wait3A_343 : memref<1x64xf32, #tpu.memory_space<hbm>> -> memref<64xf32, #tpu.memory_space<hbm>>
        tpu.wait_dma2 semaphore(%arg15 : memref<!tpu.dma_semaphore, #tpu.memory_space<semaphore_mem>>) src(%dma_wait3A_344 : memref<64xf32, #tpu.memory_space<hbm>>) dst(%dma_wait3A_341 : memref<64xf32, #tpu.memory_space<vmem>>)
        %mul3A_345 = arith.constant 16 : i32
        %mul3A_346 = arith.muli %scan3A_44, %mul3A_345 : i32
        %add3A_347 = arith.constant 10 : i32
        %add3A_348 = arith.addi %mul3A_346, %add3A_347 : i32
        %dma_wait3A_349 = arith.constant 0 : i32
        %dma_wait3A_350 = arith.constant 0 : i32
        %dma_wait3A_351 = tpu.memref_slice %arg10[%add3A_348, %dma_wait3A_350] : memref<256x64xf32, #tpu.memory_space<vmem>> -> memref<1x64xf32, #tpu.memory_space<vmem>>
        %dma_wait3A_352 = tpu.memref_squeeze %dma_wait3A_351 : memref<1x64xf32, #tpu.memory_space<vmem>> -> memref<64xf32, #tpu.memory_space<vmem>>
        %dma_wait3A_353 = arith.constant 0 : i32
        %dma_wait3A_354 = tpu.memref_slice %arg4[%dma_wait3A_349, %dma_wait3A_353] : memref<1000000x64xf32, #tpu.memory_space<hbm>> -> memref<1x64xf32, #tpu.memory_space<hbm>>
        %dma_wait3A_355 = tpu.memref_squeeze %dma_wait3A_354 : memref<1x64xf32, #tpu.memory_space<hbm>> -> memref<64xf32, #tpu.memory_space<hbm>>
        %dma_wait3A_356 = arith.constant 0 : i32
        %dma_wait3A_357 = tpu.memref_slice %arg10[%add3A_348, %dma_wait3A_356] : memref<256x64xf32, #tpu.memory_space<vmem>> -> memref<1x64xf32, #tpu.memory_space<vmem>>
        %dma_wait3A_358 = tpu.memref_squeeze %dma_wait3A_357 : memref<1x64xf32, #tpu.memory_space<vmem>> -> memref<64xf32, #tpu.memory_space<vmem>>
        %dma_wait3A_359 = arith.constant 0 : i32
        %dma_wait3A_360 = tpu.memref_slice %arg4[%dma_wait3A_349, %dma_wait3A_359] : memref<1000000x64xf32, #tpu.memory_space<hbm>> -> memref<1x64xf32, #tpu.memory_space<hbm>>
        %dma_wait3A_361 = tpu.memref_squeeze %dma_wait3A_360 : memref<1x64xf32, #tpu.memory_space<hbm>> -> memref<64xf32, #tpu.memory_space<hbm>>
        tpu.wait_dma2 semaphore(%arg14 : memref<!tpu.dma_semaphore, #tpu.memory_space<semaphore_mem>>) src(%dma_wait3A_361 : memref<64xf32, #tpu.memory_space<hbm>>) dst(%dma_wait3A_358 : memref<64xf32, #tpu.memory_space<vmem>>)
        %dma_wait3A_362 = arith.constant 0 : i32
        %dma_wait3A_363 = arith.constant 0 : i32
        %dma_wait3A_364 = tpu.memref_slice %arg11[%add3A_348, %dma_wait3A_363] : memref<256x64xf32, #tpu.memory_space<vmem>> -> memref<1x64xf32, #tpu.memory_space<vmem>>
        %dma_wait3A_365 = tpu.memref_squeeze %dma_wait3A_364 : memref<1x64xf32, #tpu.memory_space<vmem>> -> memref<64xf32, #tpu.memory_space<vmem>>
        %dma_wait3A_366 = arith.constant 0 : i32
        %dma_wait3A_367 = tpu.memref_slice %arg5[%dma_wait3A_362, %dma_wait3A_366] : memref<100000x64xf32, #tpu.memory_space<hbm>> -> memref<1x64xf32, #tpu.memory_space<hbm>>
        %dma_wait3A_368 = tpu.memref_squeeze %dma_wait3A_367 : memref<1x64xf32, #tpu.memory_space<hbm>> -> memref<64xf32, #tpu.memory_space<hbm>>
        %dma_wait3A_369 = arith.constant 0 : i32
        %dma_wait3A_370 = tpu.memref_slice %arg11[%add3A_348, %dma_wait3A_369] : memref<256x64xf32, #tpu.memory_space<vmem>> -> memref<1x64xf32, #tpu.memory_space<vmem>>
        %dma_wait3A_371 = tpu.memref_squeeze %dma_wait3A_370 : memref<1x64xf32, #tpu.memory_space<vmem>> -> memref<64xf32, #tpu.memory_space<vmem>>
        %dma_wait3A_372 = arith.constant 0 : i32
        %dma_wait3A_373 = tpu.memref_slice %arg5[%dma_wait3A_362, %dma_wait3A_372] : memref<100000x64xf32, #tpu.memory_space<hbm>> -> memref<1x64xf32, #tpu.memory_space<hbm>>
        %dma_wait3A_374 = tpu.memref_squeeze %dma_wait3A_373 : memref<1x64xf32, #tpu.memory_space<hbm>> -> memref<64xf32, #tpu.memory_space<hbm>>
        tpu.wait_dma2 semaphore(%arg15 : memref<!tpu.dma_semaphore, #tpu.memory_space<semaphore_mem>>) src(%dma_wait3A_374 : memref<64xf32, #tpu.memory_space<hbm>>) dst(%dma_wait3A_371 : memref<64xf32, #tpu.memory_space<vmem>>)
        %mul3A_375 = arith.constant 16 : i32
        %mul3A_376 = arith.muli %scan3A_44, %mul3A_375 : i32
        %add3A_377 = arith.constant 11 : i32
        %add3A_378 = arith.addi %mul3A_376, %add3A_377 : i32
        %dma_wait3A_379 = arith.constant 0 : i32
        %dma_wait3A_380 = arith.constant 0 : i32
        %dma_wait3A_381 = tpu.memref_slice %arg10[%add3A_378, %dma_wait3A_380] : memref<256x64xf32, #tpu.memory_space<vmem>> -> memref<1x64xf32, #tpu.memory_space<vmem>>
        %dma_wait3A_382 = tpu.memref_squeeze %dma_wait3A_381 : memref<1x64xf32, #tpu.memory_space<vmem>> -> memref<64xf32, #tpu.memory_space<vmem>>
        %dma_wait3A_383 = arith.constant 0 : i32
        %dma_wait3A_384 = tpu.memref_slice %arg4[%dma_wait3A_379, %dma_wait3A_383] : memref<1000000x64xf32, #tpu.memory_space<hbm>> -> memref<1x64xf32, #tpu.memory_space<hbm>>
        %dma_wait3A_385 = tpu.memref_squeeze %dma_wait3A_384 : memref<1x64xf32, #tpu.memory_space<hbm>> -> memref<64xf32, #tpu.memory_space<hbm>>
        %dma_wait3A_386 = arith.constant 0 : i32
        %dma_wait3A_387 = tpu.memref_slice %arg10[%add3A_378, %dma_wait3A_386] : memref<256x64xf32, #tpu.memory_space<vmem>> -> memref<1x64xf32, #tpu.memory_space<vmem>>
        %dma_wait3A_388 = tpu.memref_squeeze %dma_wait3A_387 : memref<1x64xf32, #tpu.memory_space<vmem>> -> memref<64xf32, #tpu.memory_space<vmem>>
        %dma_wait3A_389 = arith.constant 0 : i32
        %dma_wait3A_390 = tpu.memref_slice %arg4[%dma_wait3A_379, %dma_wait3A_389] : memref<1000000x64xf32, #tpu.memory_space<hbm>> -> memref<1x64xf32, #tpu.memory_space<hbm>>
        %dma_wait3A_391 = tpu.memref_squeeze %dma_wait3A_390 : memref<1x64xf32, #tpu.memory_space<hbm>> -> memref<64xf32, #tpu.memory_space<hbm>>
        tpu.wait_dma2 semaphore(%arg14 : memref<!tpu.dma_semaphore, #tpu.memory_space<semaphore_mem>>) src(%dma_wait3A_391 : memref<64xf32, #tpu.memory_space<hbm>>) dst(%dma_wait3A_388 : memref<64xf32, #tpu.memory_space<vmem>>)
        %dma_wait3A_392 = arith.constant 0 : i32
        %dma_wait3A_393 = arith.constant 0 : i32
        %dma_wait3A_394 = tpu.memref_slice %arg11[%add3A_378, %dma_wait3A_393] : memref<256x64xf32, #tpu.memory_space<vmem>> -> memref<1x64xf32, #tpu.memory_space<vmem>>
        %dma_wait3A_395 = tpu.memref_squeeze %dma_wait3A_394 : memref<1x64xf32, #tpu.memory_space<vmem>> -> memref<64xf32, #tpu.memory_space<vmem>>
        %dma_wait3A_396 = arith.constant 0 : i32
        %dma_wait3A_397 = tpu.memref_slice %arg5[%dma_wait3A_392, %dma_wait3A_396] : memref<100000x64xf32, #tpu.memory_space<hbm>> -> memref<1x64xf32, #tpu.memory_space<hbm>>
        %dma_wait3A_398 = tpu.memref_squeeze %dma_wait3A_397 : memref<1x64xf32, #tpu.memory_space<hbm>> -> memref<64xf32, #tpu.memory_space<hbm>>
        %dma_wait3A_399 = arith.constant 0 : i32
        %dma_wait3A_400 = tpu.memref_slice %arg11[%add3A_378, %dma_wait3A_399] : memref<256x64xf32, #tpu.memory_space<vmem>> -> memref<1x64xf32, #tpu.memory_space<vmem>>
        %dma_wait3A_401 = tpu.memref_squeeze %dma_wait3A_400 : memref<1x64xf32, #tpu.memory_space<vmem>> -> memref<64xf32, #tpu.memory_space<vmem>>
        %dma_wait3A_402 = arith.constant 0 : i32
        %dma_wait3A_403 = tpu.memref_slice %arg5[%dma_wait3A_392, %dma_wait3A_402] : memref<100000x64xf32, #tpu.memory_space<hbm>> -> memref<1x64xf32, #tpu.memory_space<hbm>>
        %dma_wait3A_404 = tpu.memref_squeeze %dma_wait3A_403 : memref<1x64xf32, #tpu.memory_space<hbm>> -> memref<64xf32, #tpu.memory_space<hbm>>
        tpu.wait_dma2 semaphore(%arg15 : memref<!tpu.dma_semaphore, #tpu.memory_space<semaphore_mem>>) src(%dma_wait3A_404 : memref<64xf32, #tpu.memory_space<hbm>>) dst(%dma_wait3A_401 : memref<64xf32, #tpu.memory_space<vmem>>)
        %mul3A_405 = arith.constant 16 : i32
        %mul3A_406 = arith.muli %scan3A_44, %mul3A_405 : i32
        %add3A_407 = arith.constant 12 : i32
        %add3A_408 = arith.addi %mul3A_406, %add3A_407 : i32
        %dma_wait3A_409 = arith.constant 0 : i32
        %dma_wait3A_410 = arith.constant 0 : i32
        %dma_wait3A_411 = tpu.memref_slice %arg10[%add3A_408, %dma_wait3A_410] : memref<256x64xf32, #tpu.memory_space<vmem>> -> memref<1x64xf32, #tpu.memory_space<vmem>>
        %dma_wait3A_412 = tpu.memref_squeeze %dma_wait3A_411 : memref<1x64xf32, #tpu.memory_space<vmem>> -> memref<64xf32, #tpu.memory_space<vmem>>
        %dma_wait3A_413 = arith.constant 0 : i32
        %dma_wait3A_414 = tpu.memref_slice %arg4[%dma_wait3A_409, %dma_wait3A_413] : memref<1000000x64xf32, #tpu.memory_space<hbm>> -> memref<1x64xf32, #tpu.memory_space<hbm>>
        %dma_wait3A_415 = tpu.memref_squeeze %dma_wait3A_414 : memref<1x64xf32, #tpu.memory_space<hbm>> -> memref<64xf32, #tpu.memory_space<hbm>>
        %dma_wait3A_416 = arith.constant 0 : i32
        %dma_wait3A_417 = tpu.memref_slice %arg10[%add3A_408, %dma_wait3A_416] : memref<256x64xf32, #tpu.memory_space<vmem>> -> memref<1x64xf32, #tpu.memory_space<vmem>>
        %dma_wait3A_418 = tpu.memref_squeeze %dma_wait3A_417 : memref<1x64xf32, #tpu.memory_space<vmem>> -> memref<64xf32, #tpu.memory_space<vmem>>
        %dma_wait3A_419 = arith.constant 0 : i32
        %dma_wait3A_420 = tpu.memref_slice %arg4[%dma_wait3A_409, %dma_wait3A_419] : memref<1000000x64xf32, #tpu.memory_space<hbm>> -> memref<1x64xf32, #tpu.memory_space<hbm>>
        %dma_wait3A_421 = tpu.memref_squeeze %dma_wait3A_420 : memref<1x64xf32, #tpu.memory_space<hbm>> -> memref<64xf32, #tpu.memory_space<hbm>>
        tpu.wait_dma2 semaphore(%arg14 : memref<!tpu.dma_semaphore, #tpu.memory_space<semaphore_mem>>) src(%dma_wait3A_421 : memref<64xf32, #tpu.memory_space<hbm>>) dst(%dma_wait3A_418 : memref<64xf32, #tpu.memory_space<vmem>>)
        %dma_wait3A_422 = arith.constant 0 : i32
        %dma_wait3A_423 = arith.constant 0 : i32
        %dma_wait3A_424 = tpu.memref_slice %arg11[%add3A_408, %dma_wait3A_423] : memref<256x64xf32, #tpu.memory_space<vmem>> -> memref<1x64xf32, #tpu.memory_space<vmem>>
        %dma_wait3A_425 = tpu.memref_squeeze %dma_wait3A_424 : memref<1x64xf32, #tpu.memory_space<vmem>> -> memref<64xf32, #tpu.memory_space<vmem>>
        %dma_wait3A_426 = arith.constant 0 : i32
        %dma_wait3A_427 = tpu.memref_slice %arg5[%dma_wait3A_422, %dma_wait3A_426] : memref<100000x64xf32, #tpu.memory_space<hbm>> -> memref<1x64xf32, #tpu.memory_space<hbm>>
        %dma_wait3A_428 = tpu.memref_squeeze %dma_wait3A_427 : memref<1x64xf32, #tpu.memory_space<hbm>> -> memref<64xf32, #tpu.memory_space<hbm>>
        %dma_wait3A_429 = arith.constant 0 : i32
        %dma_wait3A_430 = tpu.memref_slice %arg11[%add3A_408, %dma_wait3A_429] : memref<256x64xf32, #tpu.memory_space<vmem>> -> memref<1x64xf32, #tpu.memory_space<vmem>>
        %dma_wait3A_431 = tpu.memref_squeeze %dma_wait3A_430 : memref<1x64xf32, #tpu.memory_space<vmem>> -> memref<64xf32, #tpu.memory_space<vmem>>
        %dma_wait3A_432 = arith.constant 0 : i32
        %dma_wait3A_433 = tpu.memref_slice %arg5[%dma_wait3A_422, %dma_wait3A_432] : memref<100000x64xf32, #tpu.memory_space<hbm>> -> memref<1x64xf32, #tpu.memory_space<hbm>>
        %dma_wait3A_434 = tpu.memref_squeeze %dma_wait3A_433 : memref<1x64xf32, #tpu.memory_space<hbm>> -> memref<64xf32, #tpu.memory_space<hbm>>
        tpu.wait_dma2 semaphore(%arg15 : memref<!tpu.dma_semaphore, #tpu.memory_space<semaphore_mem>>) src(%dma_wait3A_434 : memref<64xf32, #tpu.memory_space<hbm>>) dst(%dma_wait3A_431 : memref<64xf32, #tpu.memory_space<vmem>>)
        %mul3A_435 = arith.constant 16 : i32
        %mul3A_436 = arith.muli %scan3A_44, %mul3A_435 : i32
        %add3A_437 = arith.constant 13 : i32
        %add3A_438 = arith.addi %mul3A_436, %add3A_437 : i32
        %dma_wait3A_439 = arith.constant 0 : i32
        %dma_wait3A_440 = arith.constant 0 : i32
        %dma_wait3A_441 = tpu.memref_slice %arg10[%add3A_438, %dma_wait3A_440] : memref<256x64xf32, #tpu.memory_space<vmem>> -> memref<1x64xf32, #tpu.memory_space<vmem>>
        %dma_wait3A_442 = tpu.memref_squeeze %dma_wait3A_441 : memref<1x64xf32, #tpu.memory_space<vmem>> -> memref<64xf32, #tpu.memory_space<vmem>>
        %dma_wait3A_443 = arith.constant 0 : i32
        %dma_wait3A_444 = tpu.memref_slice %arg4[%dma_wait3A_439, %dma_wait3A_443] : memref<1000000x64xf32, #tpu.memory_space<hbm>> -> memref<1x64xf32, #tpu.memory_space<hbm>>
        %dma_wait3A_445 = tpu.memref_squeeze %dma_wait3A_444 : memref<1x64xf32, #tpu.memory_space<hbm>> -> memref<64xf32, #tpu.memory_space<hbm>>
        %dma_wait3A_446 = arith.constant 0 : i32
        %dma_wait3A_447 = tpu.memref_slice %arg10[%add3A_438, %dma_wait3A_446] : memref<256x64xf32, #tpu.memory_space<vmem>> -> memref<1x64xf32, #tpu.memory_space<vmem>>
        %dma_wait3A_448 = tpu.memref_squeeze %dma_wait3A_447 : memref<1x64xf32, #tpu.memory_space<vmem>> -> memref<64xf32, #tpu.memory_space<vmem>>
        %dma_wait3A_449 = arith.constant 0 : i32
        %dma_wait3A_450 = tpu.memref_slice %arg4[%dma_wait3A_439, %dma_wait3A_449] : memref<1000000x64xf32, #tpu.memory_space<hbm>> -> memref<1x64xf32, #tpu.memory_space<hbm>>
        %dma_wait3A_451 = tpu.memref_squeeze %dma_wait3A_450 : memref<1x64xf32, #tpu.memory_space<hbm>> -> memref<64xf32, #tpu.memory_space<hbm>>
        tpu.wait_dma2 semaphore(%arg14 : memref<!tpu.dma_semaphore, #tpu.memory_space<semaphore_mem>>) src(%dma_wait3A_451 : memref<64xf32, #tpu.memory_space<hbm>>) dst(%dma_wait3A_448 : memref<64xf32, #tpu.memory_space<vmem>>)
        %dma_wait3A_452 = arith.constant 0 : i32
        %dma_wait3A_453 = arith.constant 0 : i32
        %dma_wait3A_454 = tpu.memref_slice %arg11[%add3A_438, %dma_wait3A_453] : memref<256x64xf32, #tpu.memory_space<vmem>> -> memref<1x64xf32, #tpu.memory_space<vmem>>
        %dma_wait3A_455 = tpu.memref_squeeze %dma_wait3A_454 : memref<1x64xf32, #tpu.memory_space<vmem>> -> memref<64xf32, #tpu.memory_space<vmem>>
        %dma_wait3A_456 = arith.constant 0 : i32
        %dma_wait3A_457 = tpu.memref_slice %arg5[%dma_wait3A_452, %dma_wait3A_456] : memref<100000x64xf32, #tpu.memory_space<hbm>> -> memref<1x64xf32, #tpu.memory_space<hbm>>
        %dma_wait3A_458 = tpu.memref_squeeze %dma_wait3A_457 : memref<1x64xf32, #tpu.memory_space<hbm>> -> memref<64xf32, #tpu.memory_space<hbm>>
        %dma_wait3A_459 = arith.constant 0 : i32
        %dma_wait3A_460 = tpu.memref_slice %arg11[%add3A_438, %dma_wait3A_459] : memref<256x64xf32, #tpu.memory_space<vmem>> -> memref<1x64xf32, #tpu.memory_space<vmem>>
        %dma_wait3A_461 = tpu.memref_squeeze %dma_wait3A_460 : memref<1x64xf32, #tpu.memory_space<vmem>> -> memref<64xf32, #tpu.memory_space<vmem>>
        %dma_wait3A_462 = arith.constant 0 : i32
        %dma_wait3A_463 = tpu.memref_slice %arg5[%dma_wait3A_452, %dma_wait3A_462] : memref<100000x64xf32, #tpu.memory_space<hbm>> -> memref<1x64xf32, #tpu.memory_space<hbm>>
        %dma_wait3A_464 = tpu.memref_squeeze %dma_wait3A_463 : memref<1x64xf32, #tpu.memory_space<hbm>> -> memref<64xf32, #tpu.memory_space<hbm>>
        tpu.wait_dma2 semaphore(%arg15 : memref<!tpu.dma_semaphore, #tpu.memory_space<semaphore_mem>>) src(%dma_wait3A_464 : memref<64xf32, #tpu.memory_space<hbm>>) dst(%dma_wait3A_461 : memref<64xf32, #tpu.memory_space<vmem>>)
        %mul3A_465 = arith.constant 16 : i32
        %mul3A_466 = arith.muli %scan3A_44, %mul3A_465 : i32
        %add3A_467 = arith.constant 14 : i32
        %add3A_468 = arith.addi %mul3A_466, %add3A_467 : i32
        %dma_wait3A_469 = arith.constant 0 : i32
        %dma_wait3A_470 = arith.constant 0 : i32
        %dma_wait3A_471 = tpu.memref_slice %arg10[%add3A_468, %dma_wait3A_470] : memref<256x64xf32, #tpu.memory_space<vmem>> -> memref<1x64xf32, #tpu.memory_space<vmem>>
        %dma_wait3A_472 = tpu.memref_squeeze %dma_wait3A_471 : memref<1x64xf32, #tpu.memory_space<vmem>> -> memref<64xf32, #tpu.memory_space<vmem>>
        %dma_wait3A_473 = arith.constant 0 : i32
        %dma_wait3A_474 = tpu.memref_slice %arg4[%dma_wait3A_469, %dma_wait3A_473] : memref<1000000x64xf32, #tpu.memory_space<hbm>> -> memref<1x64xf32, #tpu.memory_space<hbm>>
        %dma_wait3A_475 = tpu.memref_squeeze %dma_wait3A_474 : memref<1x64xf32, #tpu.memory_space<hbm>> -> memref<64xf32, #tpu.memory_space<hbm>>
        %dma_wait3A_476 = arith.constant 0 : i32
        %dma_wait3A_477 = tpu.memref_slice %arg10[%add3A_468, %dma_wait3A_476] : memref<256x64xf32, #tpu.memory_space<vmem>> -> memref<1x64xf32, #tpu.memory_space<vmem>>
        %dma_wait3A_478 = tpu.memref_squeeze %dma_wait3A_477 : memref<1x64xf32, #tpu.memory_space<vmem>> -> memref<64xf32, #tpu.memory_space<vmem>>
        %dma_wait3A_479 = arith.constant 0 : i32
        %dma_wait3A_480 = tpu.memref_slice %arg4[%dma_wait3A_469, %dma_wait3A_479] : memref<1000000x64xf32, #tpu.memory_space<hbm>> -> memref<1x64xf32, #tpu.memory_space<hbm>>
        %dma_wait3A_481 = tpu.memref_squeeze %dma_wait3A_480 : memref<1x64xf32, #tpu.memory_space<hbm>> -> memref<64xf32, #tpu.memory_space<hbm>>
        tpu.wait_dma2 semaphore(%arg14 : memref<!tpu.dma_semaphore, #tpu.memory_space<semaphore_mem>>) src(%dma_wait3A_481 : memref<64xf32, #tpu.memory_space<hbm>>) dst(%dma_wait3A_478 : memref<64xf32, #tpu.memory_space<vmem>>)
        %dma_wait3A_482 = arith.constant 0 : i32
        %dma_wait3A_483 = arith.constant 0 : i32
        %dma_wait3A_484 = tpu.memref_slice %arg11[%add3A_468, %dma_wait3A_483] : memref<256x64xf32, #tpu.memory_space<vmem>> -> memref<1x64xf32, #tpu.memory_space<vmem>>
        %dma_wait3A_485 = tpu.memref_squeeze %dma_wait3A_484 : memref<1x64xf32, #tpu.memory_space<vmem>> -> memref<64xf32, #tpu.memory_space<vmem>>
        %dma_wait3A_486 = arith.constant 0 : i32
        %dma_wait3A_487 = tpu.memref_slice %arg5[%dma_wait3A_482, %dma_wait3A_486] : memref<100000x64xf32, #tpu.memory_space<hbm>> -> memref<1x64xf32, #tpu.memory_space<hbm>>
        %dma_wait3A_488 = tpu.memref_squeeze %dma_wait3A_487 : memref<1x64xf32, #tpu.memory_space<hbm>> -> memref<64xf32, #tpu.memory_space<hbm>>
        %dma_wait3A_489 = arith.constant 0 : i32
        %dma_wait3A_490 = tpu.memref_slice %arg11[%add3A_468, %dma_wait3A_489] : memref<256x64xf32, #tpu.memory_space<vmem>> -> memref<1x64xf32, #tpu.memory_space<vmem>>
        %dma_wait3A_491 = tpu.memref_squeeze %dma_wait3A_490 : memref<1x64xf32, #tpu.memory_space<vmem>> -> memref<64xf32, #tpu.memory_space<vmem>>
        %dma_wait3A_492 = arith.constant 0 : i32
        %dma_wait3A_493 = tpu.memref_slice %arg5[%dma_wait3A_482, %dma_wait3A_492] : memref<100000x64xf32, #tpu.memory_space<hbm>> -> memref<1x64xf32, #tpu.memory_space<hbm>>
        %dma_wait3A_494 = tpu.memref_squeeze %dma_wait3A_493 : memref<1x64xf32, #tpu.memory_space<hbm>> -> memref<64xf32, #tpu.memory_space<hbm>>
        tpu.wait_dma2 semaphore(%arg15 : memref<!tpu.dma_semaphore, #tpu.memory_space<semaphore_mem>>) src(%dma_wait3A_494 : memref<64xf32, #tpu.memory_space<hbm>>) dst(%dma_wait3A_491 : memref<64xf32, #tpu.memory_space<vmem>>)
        %mul3A_495 = arith.constant 16 : i32
        %mul3A_496 = arith.muli %scan3A_44, %mul3A_495 : i32
        %add3A_497 = arith.constant 15 : i32
        %add3A_498 = arith.addi %mul3A_496, %add3A_497 : i32
        %dma_wait3A_499 = arith.constant 0 : i32
        %dma_wait3A_500 = arith.constant 0 : i32
        %dma_wait3A_501 = tpu.memref_slice %arg10[%add3A_498, %dma_wait3A_500] : memref<256x64xf32, #tpu.memory_space<vmem>> -> memref<1x64xf32, #tpu.memory_space<vmem>>
        %dma_wait3A_502 = tpu.memref_squeeze %dma_wait3A_501 : memref<1x64xf32, #tpu.memory_space<vmem>> -> memref<64xf32, #tpu.memory_space<vmem>>
        %dma_wait3A_503 = arith.constant 0 : i32
        %dma_wait3A_504 = tpu.memref_slice %arg4[%dma_wait3A_499, %dma_wait3A_503] : memref<1000000x64xf32, #tpu.memory_space<hbm>> -> memref<1x64xf32, #tpu.memory_space<hbm>>
        %dma_wait3A_505 = tpu.memref_squeeze %dma_wait3A_504 : memref<1x64xf32, #tpu.memory_space<hbm>> -> memref<64xf32, #tpu.memory_space<hbm>>
        %dma_wait3A_506 = arith.constant 0 : i32
        %dma_wait3A_507 = tpu.memref_slice %arg10[%add3A_498, %dma_wait3A_506] : memref<256x64xf32, #tpu.memory_space<vmem>> -> memref<1x64xf32, #tpu.memory_space<vmem>>
        %dma_wait3A_508 = tpu.memref_squeeze %dma_wait3A_507 : memref<1x64xf32, #tpu.memory_space<vmem>> -> memref<64xf32, #tpu.memory_space<vmem>>
        %dma_wait3A_509 = arith.constant 0 : i32
        %dma_wait3A_510 = tpu.memref_slice %arg4[%dma_wait3A_499, %dma_wait3A_509] : memref<1000000x64xf32, #tpu.memory_space<hbm>> -> memref<1x64xf32, #tpu.memory_space<hbm>>
        %dma_wait3A_511 = tpu.memref_squeeze %dma_wait3A_510 : memref<1x64xf32, #tpu.memory_space<hbm>> -> memref<64xf32, #tpu.memory_space<hbm>>
        tpu.wait_dma2 semaphore(%arg14 : memref<!tpu.dma_semaphore, #tpu.memory_space<semaphore_mem>>) src(%dma_wait3A_511 : memref<64xf32, #tpu.memory_space<hbm>>) dst(%dma_wait3A_508 : memref<64xf32, #tpu.memory_space<vmem>>)
        %dma_wait3A_512 = arith.constant 0 : i32
        %dma_wait3A_513 = arith.constant 0 : i32
        %dma_wait3A_514 = tpu.memref_slice %arg11[%add3A_498, %dma_wait3A_513] : memref<256x64xf32, #tpu.memory_space<vmem>> -> memref<1x64xf32, #tpu.memory_space<vmem>>
        %dma_wait3A_515 = tpu.memref_squeeze %dma_wait3A_514 : memref<1x64xf32, #tpu.memory_space<vmem>> -> memref<64xf32, #tpu.memory_space<vmem>>
        %dma_wait3A_516 = arith.constant 0 : i32
        %dma_wait3A_517 = tpu.memref_slice %arg5[%dma_wait3A_512, %dma_wait3A_516] : memref<100000x64xf32, #tpu.memory_space<hbm>> -> memref<1x64xf32, #tpu.memory_space<hbm>>
        %dma_wait3A_518 = tpu.memref_squeeze %dma_wait3A_517 : memref<1x64xf32, #tpu.memory_space<hbm>> -> memref<64xf32, #tpu.memory_space<hbm>>
        %dma_wait3A_519 = arith.constant 0 : i32
        %dma_wait3A_520 = tpu.memref_slice %arg11[%add3A_498, %dma_wait3A_519] : memref<256x64xf32, #tpu.memory_space<vmem>> -> memref<1x64xf32, #tpu.memory_space<vmem>>
        %dma_wait3A_521 = tpu.memref_squeeze %dma_wait3A_520 : memref<1x64xf32, #tpu.memory_space<vmem>> -> memref<64xf32, #tpu.memory_space<vmem>>
        %dma_wait3A_522 = arith.constant 0 : i32
        %dma_wait3A_523 = tpu.memref_slice %arg5[%dma_wait3A_512, %dma_wait3A_522] : memref<100000x64xf32, #tpu.memory_space<hbm>> -> memref<1x64xf32, #tpu.memory_space<hbm>>
        %dma_wait3A_524 = tpu.memref_squeeze %dma_wait3A_523 : memref<1x64xf32, #tpu.memory_space<hbm>> -> memref<64xf32, #tpu.memory_space<hbm>>
        tpu.wait_dma2 semaphore(%arg15 : memref<!tpu.dma_semaphore, #tpu.memory_space<semaphore_mem>>) src(%dma_wait3A_524 : memref<64xf32, #tpu.memory_space<hbm>>) dst(%dma_wait3A_521 : memref<64xf32, #tpu.memory_space<vmem>>)
        %scan3A_525 = arith.constant 0 : i32
        scf.yield %scan3A_525 : i32
      }
      %scan3A_35 = arith.constant 16 : i32
      %scan3A_36 = arith.constant 0 : i32
      %scan3A_37 = arith.constant 0 : i32
      %scan3A_38 = arith.constant 16 : i32
      %scan3A_39 = arith.addi %scan3A_37, %scan3A_38 : i32
      %scan3A_40 = arith.constant 1 : i32
      %scan3A_41 = scf.for %scan3A_44 = %scan3A_37 to %scan3A_39 step %scan3A_40 iter_args(%scan3A_45 = %scan3A_36) -> (i32)  : i32 {
        %mul3A_46 = arith.constant 16 : i32
        %mul3A_47 = arith.muli %scan3A_44, %mul3A_46 : i32
        %add3A_48 = vector.broadcast %mul3A_47 : i32 to vector<16xi32>
        %add3A_49 = arith.addi %add3A_48, %iota3A : vector<16xi32>
        %broadcast_in_dim3A = arith.constant 0 : i32
        %broadcast_in_dim3A_50 = vector.broadcast %broadcast_in_dim3A : i32 to vector<16xi32>
        %gather3A = tpu.vector_load_idx %arg10[%add3A_49, %broadcast_in_dim3A_50] : memref<256x64xf32, #tpu.memory_space<vmem>>[vector<16xi32>, vector<16xi32>], vector<16xf32>,
        %gather3A_51 = tpu.vector_load_idx %arg11[%add3A_49, %broadcast_in_dim3A_50] : memref<256x64xf32, #tpu.memory_space<vmem>>[vector<16xi32>, vector<16xi32>], vector<16xf32>,
        %mul3A_52 = arith.mulf %gather3A, %gather3A_51 : vector<16xf32>
        %slice3A = vector.extract_strided_slice %get3A_3 {offsets = [0], sizes = [1], strides = [1]} : vector<16xf32> to vector<1xf32>
        %squeeze3A = vector.extract %slice3A[0] : f32 from vector<1xf32>
        %mul3A_53 = vector.broadcast %squeeze3A : f32 to vector<16xf32>
        %mul3A_54 = arith.mulf %mul3A_52, %mul3A_53 : vector<16xf32>
        %add3A_55 = arith.addf %get3A_11, %mul3A_54 : vector<16xf32>
        %broadcast_in_dim3A_56 = arith.constant 1 : i32
        %broadcast_in_dim3A_57 = vector.broadcast %broadcast_in_dim3A_56 : i32 to vector<16xi32>
        %gather3A_58 = tpu.vector_load_idx %arg10[%add3A_49, %broadcast_in_dim3A_57] : memref<256x64xf32, #tpu.memory_space<vmem>>[vector<16xi32>, vector<16xi32>], vector<16xf32>,
        %gather3A_59 = tpu.vector_load_idx %arg11[%add3A_49, %broadcast_in_dim3A_57] : memref<256x64xf32, #tpu.memory_space<vmem>>[vector<16xi32>, vector<16xi32>], vector<16xf32>,
        %mul3A_60 = arith.mulf %gather3A_58, %gather3A_59 : vector<16xf32>
        %slice3A_61 = vector.extract_strided_slice %get3A_3 {offsets = [1], sizes = [1], strides = [1]} : vector<16xf32> to vector<1xf32>
        %squeeze3A_62 = vector.extract %slice3A_61[0] : f32 from vector<1xf32>
        %mul3A_63 = vector.broadcast %squeeze3A_62 : f32 to vector<16xf32>
        %mul3A_64 = arith.mulf %mul3A_60, %mul3A_63 : vector<16xf32>
        %add3A_65 = arith.addf %add3A_55, %mul3A_64 : vector<16xf32>
        %broadcast_in_dim3A_66 = arith.constant 2 : i32
        %broadcast_in_dim3A_67 = vector.broadcast %broadcast_in_dim3A_66 : i32 to vector<16xi32>
        %gather3A_68 = tpu.vector_load_idx %arg10[%add3A_49, %broadcast_in_dim3A_67] : memref<256x64xf32, #tpu.memory_space<vmem>>[vector<16xi32>, vector<16xi32>], vector<16xf32>,
        %gather3A_69 = tpu.vector_load_idx %arg11[%add3A_49, %broadcast_in_dim3A_67] : memref<256x64xf32, #tpu.memory_space<vmem>>[vector<16xi32>, vector<16xi32>], vector<16xf32>,
        %mul3A_70 = arith.mulf %gather3A_68, %gather3A_69 : vector<16xf32>
        %slice3A_71 = vector.extract_strided_slice %get3A_3 {offsets = [2], sizes = [1], strides = [1]} : vector<16xf32> to vector<1xf32>
        %squeeze3A_72 = vector.extract %slice3A_71[0] : f32 from vector<1xf32>
        %mul3A_73 = vector.broadcast %squeeze3A_72 : f32 to vector<16xf32>
        %mul3A_74 = arith.mulf %mul3A_70, %mul3A_73 : vector<16xf32>
        %add3A_75 = arith.addf %add3A_65, %mul3A_74 : vector<16xf32>
        %broadcast_in_dim3A_76 = arith.constant 3 : i32
        %broadcast_in_dim3A_77 = vector.broadcast %broadcast_in_dim3A_76 : i32 to vector<16xi32>
        %gather3A_78 = tpu.vector_load_idx %arg10[%add3A_49, %broadcast_in_dim3A_77] : memref<256x64xf32, #tpu.memory_space<vmem>>[vector<16xi32>, vector<16xi32>], vector<16xf32>,
        %gather3A_79 = tpu.vector_load_idx %arg11[%add3A_49, %broadcast_in_dim3A_77] : memref<256x64xf32, #tpu.memory_space<vmem>>[vector<16xi32>, vector<16xi32>], vector<16xf32>,
        %mul3A_80 = arith.mulf %gather3A_78, %gather3A_79 : vector<16xf32>
        %slice3A_81 = vector.extract_strided_slice %get3A_3 {offsets = [3], sizes = [1], strides = [1]} : vector<16xf32> to vector<1xf32>
        %squeeze3A_82 = vector.extract %slice3A_81[0] : f32 from vector<1xf32>
        %mul3A_83 = vector.broadcast %squeeze3A_82 : f32 to vector<16xf32>
        %mul3A_84 = arith.mulf %mul3A_80, %mul3A_83 : vector<16xf32>
        %add3A_85 = arith.addf %add3A_75, %mul3A_84 : vector<16xf32>
        %broadcast_in_dim3A_86 = arith.constant 4 : i32
        %broadcast_in_dim3A_87 = vector.broadcast %broadcast_in_dim3A_86 : i32 to vector<16xi32>
        %gather3A_88 = tpu.vector_load_idx %arg10[%add3A_49, %broadcast_in_dim3A_87] : memref<256x64xf32, #tpu.memory_space<vmem>>[vector<16xi32>, vector<16xi32>], vector<16xf32>,
        %gather3A_89 = tpu.vector_load_idx %arg11[%add3A_49, %broadcast_in_dim3A_87] : memref<256x64xf32, #tpu.memory_space<vmem>>[vector<16xi32>, vector<16xi32>], vector<16xf32>,
        %mul3A_90 = arith.mulf %gather3A_88, %gather3A_89 : vector<16xf32>
        %slice3A_91 = vector.extract_strided_slice %get3A_3 {offsets = [4], sizes = [1], strides = [1]} : vector<16xf32> to vector<1xf32>
        %squeeze3A_92 = vector.extract %slice3A_91[0] : f32 from vector<1xf32>
        %mul3A_93 = vector.broadcast %squeeze3A_92 : f32 to vector<16xf32>
        %mul3A_94 = arith.mulf %mul3A_90, %mul3A_93 : vector<16xf32>
        %add3A_95 = arith.addf %add3A_85, %mul3A_94 : vector<16xf32>
        %broadcast_in_dim3A_96 = arith.constant 5 : i32
        %broadcast_in_dim3A_97 = vector.broadcast %broadcast_in_dim3A_96 : i32 to vector<16xi32>
        %gather3A_98 = tpu.vector_load_idx %arg10[%add3A_49, %broadcast_in_dim3A_97] : memref<256x64xf32, #tpu.memory_space<vmem>>[vector<16xi32>, vector<16xi32>], vector<16xf32>,
        %gather3A_99 = tpu.vector_load_idx %arg11[%add3A_49, %broadcast_in_dim3A_97] : memref<256x64xf32, #tpu.memory_space<vmem>>[vector<16xi32>, vector<16xi32>], vector<16xf32>,
        %mul3A_100 = arith.mulf %gather3A_98, %gather3A_99 : vector<16xf32>
        %slice3A_101 = vector.extract_strided_slice %get3A_3 {offsets = [5], sizes = [1], strides = [1]} : vector<16xf32> to vector<1xf32>
        %squeeze3A_102 = vector.extract %slice3A_101[0] : f32 from vector<1xf32>
        %mul3A_103 = vector.broadcast %squeeze3A_102 : f32 to vector<16xf32>
        %mul3A_104 = arith.mulf %mul3A_100, %mul3A_103 : vector<16xf32>
        %add3A_105 = arith.addf %add3A_95, %mul3A_104 : vector<16xf32>
        %broadcast_in_dim3A_106 = arith.constant 6 : i32
        %broadcast_in_dim3A_107 = vector.broadcast %broadcast_in_dim3A_106 : i32 to vector<16xi32>
        %gather3A_108 = tpu.vector_load_idx %arg10[%add3A_49, %broadcast_in_dim3A_107] : memref<256x64xf32, #tpu.memory_space<vmem>>[vector<16xi32>, vector<16xi32>], vector<16xf32>,
        %gather3A_109 = tpu.vector_load_idx %arg11[%add3A_49, %broadcast_in_dim3A_107] : memref<256x64xf32, #tpu.memory_space<vmem>>[vector<16xi32>, vector<16xi32>], vector<16xf32>,
        %mul3A_110 = arith.mulf %gather3A_108, %gather3A_109 : vector<16xf32>
        %slice3A_111 = vector.extract_strided_slice %get3A_3 {offsets = [6], sizes = [1], strides = [1]} : vector<16xf32> to vector<1xf32>
        %squeeze3A_112 = vector.extract %slice3A_111[0] : f32 from vector<1xf32>
        %mul3A_113 = vector.broadcast %squeeze3A_112 : f32 to vector<16xf32>
        %mul3A_114 = arith.mulf %mul3A_110, %mul3A_113 : vector<16xf32>
        %add3A_115 = arith.addf %add3A_105, %mul3A_114 : vector<16xf32>
        %broadcast_in_dim3A_116 = arith.constant 7 : i32
        %broadcast_in_dim3A_117 = vector.broadcast %broadcast_in_dim3A_116 : i32 to vector<16xi32>
        %gather3A_118 = tpu.vector_load_idx %arg10[%add3A_49, %broadcast_in_dim3A_117] : memref<256x64xf32, #tpu.memory_space<vmem>>[vector<16xi32>, vector<16xi32>], vector<16xf32>,
        %gather3A_119 = tpu.vector_load_idx %arg11[%add3A_49, %broadcast_in_dim3A_117] : memref<256x64xf32, #tpu.memory_space<vmem>>[vector<16xi32>, vector<16xi32>], vector<16xf32>,
        %mul3A_120 = arith.mulf %gather3A_118, %gather3A_119 : vector<16xf32>
        %slice3A_121 = vector.extract_strided_slice %get3A_3 {offsets = [7], sizes = [1], strides = [1]} : vector<16xf32> to vector<1xf32>
        %squeeze3A_122 = vector.extract %slice3A_121[0] : f32 from vector<1xf32>
        %mul3A_123 = vector.broadcast %squeeze3A_122 : f32 to vector<16xf32>
        %mul3A_124 = arith.mulf %mul3A_120, %mul3A_123 : vector<16xf32>
        %add3A_125 = arith.addf %add3A_115, %mul3A_124 : vector<16xf32>
        %broadcast_in_dim3A_126 = arith.constant 8 : i32
        %broadcast_in_dim3A_127 = vector.broadcast %broadcast_in_dim3A_126 : i32 to vector<16xi32>
        %gather3A_128 = tpu.vector_load_idx %arg10[%add3A_49, %broadcast_in_dim3A_127] : memref<256x64xf32, #tpu.memory_space<vmem>>[vector<16xi32>, vector<16xi32>], vector<16xf32>,
        %gather3A_129 = tpu.vector_load_idx %arg11[%add3A_49, %broadcast_in_dim3A_127] : memref<256x64xf32, #tpu.memory_space<vmem>>[vector<16xi32>, vector<16xi32>], vector<16xf32>,
        %mul3A_130 = arith.mulf %gather3A_128, %gather3A_129 : vector<16xf32>
        %slice3A_131 = vector.extract_strided_slice %get3A_3 {offsets = [8], sizes = [1], strides = [1]} : vector<16xf32> to vector<1xf32>
        %squeeze3A_132 = vector.extract %slice3A_131[0] : f32 from vector<1xf32>
        %mul3A_133 = vector.broadcast %squeeze3A_132 : f32 to vector<16xf32>
        %mul3A_134 = arith.mulf %mul3A_130, %mul3A_133 : vector<16xf32>
        %add3A_135 = arith.addf %add3A_125, %mul3A_134 : vector<16xf32>
        %broadcast_in_dim3A_136 = arith.constant 9 : i32
        %broadcast_in_dim3A_137 = vector.broadcast %broadcast_in_dim3A_136 : i32 to vector<16xi32>
        %gather3A_138 = tpu.vector_load_idx %arg10[%add3A_49, %broadcast_in_dim3A_137] : memref<256x64xf32, #tpu.memory_space<vmem>>[vector<16xi32>, vector<16xi32>], vector<16xf32>,
        %gather3A_139 = tpu.vector_load_idx %arg11[%add3A_49, %broadcast_in_dim3A_137] : memref<256x64xf32, #tpu.memory_space<vmem>>[vector<16xi32>, vector<16xi32>], vector<16xf32>,
        %mul3A_140 = arith.mulf %gather3A_138, %gather3A_139 : vector<16xf32>
        %slice3A_141 = vector.extract_strided_slice %get3A_3 {offsets = [9], sizes = [1], strides = [1]} : vector<16xf32> to vector<1xf32>
        %squeeze3A_142 = vector.extract %slice3A_141[0] : f32 from vector<1xf32>
        %mul3A_143 = vector.broadcast %squeeze3A_142 : f32 to vector<16xf32>
        %mul3A_144 = arith.mulf %mul3A_140, %mul3A_143 : vector<16xf32>
        %add3A_145 = arith.addf %add3A_135, %mul3A_144 : vector<16xf32>
        %broadcast_in_dim3A_146 = arith.constant 10 : i32
        %broadcast_in_dim3A_147 = vector.broadcast %broadcast_in_dim3A_146 : i32 to vector<16xi32>
        %gather3A_148 = tpu.vector_load_idx %arg10[%add3A_49, %broadcast_in_dim3A_147] : memref<256x64xf32, #tpu.memory_space<vmem>>[vector<16xi32>, vector<16xi32>], vector<16xf32>,
        %gather3A_149 = tpu.vector_load_idx %arg11[%add3A_49, %broadcast_in_dim3A_147] : memref<256x64xf32, #tpu.memory_space<vmem>>[vector<16xi32>, vector<16xi32>], vector<16xf32>,
        %mul3A_150 = arith.mulf %gather3A_148, %gather3A_149 : vector<16xf32>
        %slice3A_151 = vector.extract_strided_slice %get3A_3 {offsets = [10], sizes = [1], strides = [1]} : vector<16xf32> to vector<1xf32>
        %squeeze3A_152 = vector.extract %slice3A_151[0] : f32 from vector<1xf32>
        %mul3A_153 = vector.broadcast %squeeze3A_152 : f32 to vector<16xf32>
        %mul3A_154 = arith.mulf %mul3A_150, %mul3A_153 : vector<16xf32>
        %add3A_155 = arith.addf %add3A_145, %mul3A_154 : vector<16xf32>
        %broadcast_in_dim3A_156 = arith.constant 11 : i32
        %broadcast_in_dim3A_157 = vector.broadcast %broadcast_in_dim3A_156 : i32 to vector<16xi32>
        %gather3A_158 = tpu.vector_load_idx %arg10[%add3A_49, %broadcast_in_dim3A_157] : memref<256x64xf32, #tpu.memory_space<vmem>>[vector<16xi32>, vector<16xi32>], vector<16xf32>,
        %gather3A_159 = tpu.vector_load_idx %arg11[%add3A_49, %broadcast_in_dim3A_157] : memref<256x64xf32, #tpu.memory_space<vmem>>[vector<16xi32>, vector<16xi32>], vector<16xf32>,
        %mul3A_160 = arith.mulf %gather3A_158, %gather3A_159 : vector<16xf32>
        %slice3A_161 = vector.extract_strided_slice %get3A_3 {offsets = [11], sizes = [1], strides = [1]} : vector<16xf32> to vector<1xf32>
        %squeeze3A_162 = vector.extract %slice3A_161[0] : f32 from vector<1xf32>
        %mul3A_163 = vector.broadcast %squeeze3A_162 : f32 to vector<16xf32>
        %mul3A_164 = arith.mulf %mul3A_160, %mul3A_163 : vector<16xf32>
        %add3A_165 = arith.addf %add3A_155, %mul3A_164 : vector<16xf32>
        %broadcast_in_dim3A_166 = arith.constant 12 : i32
        %broadcast_in_dim3A_167 = vector.broadcast %broadcast_in_dim3A_166 : i32 to vector<16xi32>
        %gather3A_168 = tpu.vector_load_idx %arg10[%add3A_49, %broadcast_in_dim3A_167] : memref<256x64xf32, #tpu.memory_space<vmem>>[vector<16xi32>, vector<16xi32>], vector<16xf32>,
        %gather3A_169 = tpu.vector_load_idx %arg11[%add3A_49, %broadcast_in_dim3A_167] : memref<256x64xf32, #tpu.memory_space<vmem>>[vector<16xi32>, vector<16xi32>], vector<16xf32>,
        %mul3A_170 = arith.mulf %gather3A_168, %gather3A_169 : vector<16xf32>
        %slice3A_171 = vector.extract_strided_slice %get3A_3 {offsets = [12], sizes = [1], strides = [1]} : vector<16xf32> to vector<1xf32>
        %squeeze3A_172 = vector.extract %slice3A_171[0] : f32 from vector<1xf32>
        %mul3A_173 = vector.broadcast %squeeze3A_172 : f32 to vector<16xf32>
        %mul3A_174 = arith.mulf %mul3A_170, %mul3A_173 : vector<16xf32>
        %add3A_175 = arith.addf %add3A_165, %mul3A_174 : vector<16xf32>
        %broadcast_in_dim3A_176 = arith.constant 13 : i32
        %broadcast_in_dim3A_177 = vector.broadcast %broadcast_in_dim3A_176 : i32 to vector<16xi32>
        %gather3A_178 = tpu.vector_load_idx %arg10[%add3A_49, %broadcast_in_dim3A_177] : memref<256x64xf32, #tpu.memory_space<vmem>>[vector<16xi32>, vector<16xi32>], vector<16xf32>,
        %gather3A_179 = tpu.vector_load_idx %arg11[%add3A_49, %broadcast_in_dim3A_177] : memref<256x64xf32, #tpu.memory_space<vmem>>[vector<16xi32>, vector<16xi32>], vector<16xf32>,
        %mul3A_180 = arith.mulf %gather3A_178, %gather3A_179 : vector<16xf32>
        %slice3A_181 = vector.extract_strided_slice %get3A_3 {offsets = [13], sizes = [1], strides = [1]} : vector<16xf32> to vector<1xf32>
        %squeeze3A_182 = vector.extract %slice3A_181[0] : f32 from vector<1xf32>
        %mul3A_183 = vector.broadcast %squeeze3A_182 : f32 to vector<16xf32>
        %mul3A_184 = arith.mulf %mul3A_180, %mul3A_183 : vector<16xf32>
        %add3A_185 = arith.addf %add3A_175, %mul3A_184 : vector<16xf32>
        %broadcast_in_dim3A_186 = arith.constant 14 : i32
        %broadcast_in_dim3A_187 = vector.broadcast %broadcast_in_dim3A_186 : i32 to vector<16xi32>
        %gather3A_188 = tpu.vector_load_idx %arg10[%add3A_49, %broadcast_in_dim3A_187] : memref<256x64xf32, #tpu.memory_space<vmem>>[vector<16xi32>, vector<16xi32>], vector<16xf32>,
        %gather3A_189 = tpu.vector_load_idx %arg11[%add3A_49, %broadcast_in_dim3A_187] : memref<256x64xf32, #tpu.memory_space<vmem>>[vector<16xi32>, vector<16xi32>], vector<16xf32>,
        %mul3A_190 = arith.mulf %gather3A_188, %gather3A_189 : vector<16xf32>
        %slice3A_191 = vector.extract_strided_slice %get3A_3 {offsets = [14], sizes = [1], strides = [1]} : vector<16xf32> to vector<1xf32>
        %squeeze3A_192 = vector.extract %slice3A_191[0] : f32 from vector<1xf32>
        %mul3A_193 = vector.broadcast %squeeze3A_192 : f32 to vector<16xf32>
        %mul3A_194 = arith.mulf %mul3A_190, %mul3A_193 : vector<16xf32>
        %add3A_195 = arith.addf %add3A_185, %mul3A_194 : vector<16xf32>
        %broadcast_in_dim3A_196 = arith.constant 15 : i32
        %broadcast_in_dim3A_197 = vector.broadcast %broadcast_in_dim3A_196 : i32 to vector<16xi32>
        %gather3A_198 = tpu.vector_load_idx %arg10[%add3A_49, %broadcast_in_dim3A_197] : memref<256x64xf32, #tpu.memory_space<vmem>>[vector<16xi32>, vector<16xi32>], vector<16xf32>,
        %gather3A_199 = tpu.vector_load_idx %arg11[%add3A_49, %broadcast_in_dim3A_197] : memref<256x64xf32, #tpu.memory_space<vmem>>[vector<16xi32>, vector<16xi32>], vector<16xf32>,
        %mul3A_200 = arith.mulf %gather3A_198, %gather3A_199 : vector<16xf32>
        %slice3A_201 = vector.extract_strided_slice %get3A_3 {offsets = [15], sizes = [1], strides = [1]} : vector<16xf32> to vector<1xf32>
        %squeeze3A_202 = vector.extract %slice3A_201[0] : f32 from vector<1xf32>
        %mul3A_203 = vector.broadcast %squeeze3A_202 : f32 to vector<16xf32>
        %mul3A_204 = arith.mulf %mul3A_200, %mul3A_203 : vector<16xf32>
        %add3A_205 = arith.addf %add3A_195, %mul3A_204 : vector<16xf32>
        %broadcast_in_dim3A_206 = arith.constant 16 : i32
        %broadcast_in_dim3A_207 = vector.broadcast %broadcast_in_dim3A_206 : i32 to vector<16xi32>
        %gather3A_208 = tpu.vector_load_idx %arg10[%add3A_49, %broadcast_in_dim3A_207] : memref<256x64xf32, #tpu.memory_space<vmem>>[vector<16xi32>, vector<16xi32>], vector<16xf32>,
        %gather3A_209 = tpu.vector_load_idx %arg11[%add3A_49, %broadcast_in_dim3A_207] : memref<256x64xf32, #tpu.memory_space<vmem>>[vector<16xi32>, vector<16xi32>], vector<16xf32>,
        %mul3A_210 = arith.mulf %gather3A_208, %gather3A_209 : vector<16xf32>
        %slice3A_211 = vector.extract_strided_slice %get3A_5 {offsets = [0], sizes = [1], strides = [1]} : vector<16xf32> to vector<1xf32>
        %squeeze3A_212 = vector.extract %slice3A_211[0] : f32 from vector<1xf32>
        %mul3A_213 = vector.broadcast %squeeze3A_212 : f32 to vector<16xf32>
        %mul3A_214 = arith.mulf %mul3A_210, %mul3A_213 : vector<16xf32>
        %add3A_215 = arith.addf %add3A_205, %mul3A_214 : vector<16xf32>
        %broadcast_in_dim3A_216 = arith.constant 17 : i32
        %broadcast_in_dim3A_217 = vector.broadcast %broadcast_in_dim3A_216 : i32 to vector<16xi32>
        %gather3A_218 = tpu.vector_load_idx %arg10[%add3A_49, %broadcast_in_dim3A_217] : memref<256x64xf32, #tpu.memory_space<vmem>>[vector<16xi32>, vector<16xi32>], vector<16xf32>,
        %gather3A_219 = tpu.vector_load_idx %arg11[%add3A_49, %broadcast_in_dim3A_217] : memref<256x64xf32, #tpu.memory_space<vmem>>[vector<16xi32>, vector<16xi32>], vector<16xf32>,
        %mul3A_220 = arith.mulf %gather3A_218, %gather3A_219 : vector<16xf32>
        %slice3A_221 = vector.extract_strided_slice %get3A_5 {offsets = [1], sizes = [1], strides = [1]} : vector<16xf32> to vector<1xf32>
        %squeeze3A_222 = vector.extract %slice3A_221[0] : f32 from vector<1xf32>
        %mul3A_223 = vector.broadcast %squeeze3A_222 : f32 to vector<16xf32>
        %mul3A_224 = arith.mulf %mul3A_220, %mul3A_223 : vector<16xf32>
        %add3A_225 = arith.addf %add3A_215, %mul3A_224 : vector<16xf32>
        %broadcast_in_dim3A_226 = arith.constant 18 : i32
        %broadcast_in_dim3A_227 = vector.broadcast %broadcast_in_dim3A_226 : i32 to vector<16xi32>
        %gather3A_228 = tpu.vector_load_idx %arg10[%add3A_49, %broadcast_in_dim3A_227] : memref<256x64xf32, #tpu.memory_space<vmem>>[vector<16xi32>, vector<16xi32>], vector<16xf32>,
        %gather3A_229 = tpu.vector_load_idx %arg11[%add3A_49, %broadcast_in_dim3A_227] : memref<256x64xf32, #tpu.memory_space<vmem>>[vector<16xi32>, vector<16xi32>], vector<16xf32>,
        %mul3A_230 = arith.mulf %gather3A_228, %gather3A_229 : vector<16xf32>
        %slice3A_231 = vector.extract_strided_slice %get3A_5 {offsets = [2], sizes = [1], strides = [1]} : vector<16xf32> to vector<1xf32>
        %squeeze3A_232 = vector.extract %slice3A_231[0] : f32 from vector<1xf32>
        %mul3A_233 = vector.broadcast %squeeze3A_232 : f32 to vector<16xf32>
        %mul3A_234 = arith.mulf %mul3A_230, %mul3A_233 : vector<16xf32>
        %add3A_235 = arith.addf %add3A_225, %mul3A_234 : vector<16xf32>
        %broadcast_in_dim3A_236 = arith.constant 19 : i32
        %broadcast_in_dim3A_237 = vector.broadcast %broadcast_in_dim3A_236 : i32 to vector<16xi32>
        %gather3A_238 = tpu.vector_load_idx %arg10[%add3A_49, %broadcast_in_dim3A_237] : memref<256x64xf32, #tpu.memory_space<vmem>>[vector<16xi32>, vector<16xi32>], vector<16xf32>,
        %gather3A_239 = tpu.vector_load_idx %arg11[%add3A_49, %broadcast_in_dim3A_237] : memref<256x64xf32, #tpu.memory_space<vmem>>[vector<16xi32>, vector<16xi32>], vector<16xf32>,
        %mul3A_240 = arith.mulf %gather3A_238, %gather3A_239 : vector<16xf32>
        %slice3A_241 = vector.extract_strided_slice %get3A_5 {offsets = [3], sizes = [1], strides = [1]} : vector<16xf32> to vector<1xf32>
        %squeeze3A_242 = vector.extract %slice3A_241[0] : f32 from vector<1xf32>
        %mul3A_243 = vector.broadcast %squeeze3A_242 : f32 to vector<16xf32>
        %mul3A_244 = arith.mulf %mul3A_240, %mul3A_243 : vector<16xf32>
        %add3A_245 = arith.addf %add3A_235, %mul3A_244 : vector<16xf32>
        %broadcast_in_dim3A_246 = arith.constant 20 : i32
        %broadcast_in_dim3A_247 = vector.broadcast %broadcast_in_dim3A_246 : i32 to vector<16xi32>
        %gather3A_248 = tpu.vector_load_idx %arg10[%add3A_49, %broadcast_in_dim3A_247] : memref<256x64xf32, #tpu.memory_space<vmem>>[vector<16xi32>, vector<16xi32>], vector<16xf32>,
        %gather3A_249 = tpu.vector_load_idx %arg11[%add3A_49, %broadcast_in_dim3A_247] : memref<256x64xf32, #tpu.memory_space<vmem>>[vector<16xi32>, vector<16xi32>], vector<16xf32>,
        %mul3A_250 = arith.mulf %gather3A_248, %gather3A_249 : vector<16xf32>
        %slice3A_251 = vector.extract_strided_slice %get3A_5 {offsets = [4], sizes = [1], strides = [1]} : vector<16xf32> to vector<1xf32>
        %squeeze3A_252 = vector.extract %slice3A_251[0] : f32 from vector<1xf32>
        %mul3A_253 = vector.broadcast %squeeze3A_252 : f32 to vector<16xf32>
        %mul3A_254 = arith.mulf %mul3A_250, %mul3A_253 : vector<16xf32>
        %add3A_255 = arith.addf %add3A_245, %mul3A_254 : vector<16xf32>
        %broadcast_in_dim3A_256 = arith.constant 21 : i32
        %broadcast_in_dim3A_257 = vector.broadcast %broadcast_in_dim3A_256 : i32 to vector<16xi32>
        %gather3A_258 = tpu.vector_load_idx %arg10[%add3A_49, %broadcast_in_dim3A_257] : memref<256x64xf32, #tpu.memory_space<vmem>>[vector<16xi32>, vector<16xi32>], vector<16xf32>,
        %gather3A_259 = tpu.vector_load_idx %arg11[%add3A_49, %broadcast_in_dim3A_257] : memref<256x64xf32, #tpu.memory_space<vmem>>[vector<16xi32>, vector<16xi32>], vector<16xf32>,
        %mul3A_260 = arith.mulf %gather3A_258, %gather3A_259 : vector<16xf32>
        %slice3A_261 = vector.extract_strided_slice %get3A_5 {offsets = [5], sizes = [1], strides = [1]} : vector<16xf32> to vector<1xf32>
        %squeeze3A_262 = vector.extract %slice3A_261[0] : f32 from vector<1xf32>
        %mul3A_263 = vector.broadcast %squeeze3A_262 : f32 to vector<16xf32>
        %mul3A_264 = arith.mulf %mul3A_260, %mul3A_263 : vector<16xf32>
        %add3A_265 = arith.addf %add3A_255, %mul3A_264 : vector<16xf32>
        %broadcast_in_dim3A_266 = arith.constant 22 : i32
        %broadcast_in_dim3A_267 = vector.broadcast %broadcast_in_dim3A_266 : i32 to vector<16xi32>
        %gather3A_268 = tpu.vector_load_idx %arg10[%add3A_49, %broadcast_in_dim3A_267] : memref<256x64xf32, #tpu.memory_space<vmem>>[vector<16xi32>, vector<16xi32>], vector<16xf32>,
        %gather3A_269 = tpu.vector_load_idx %arg11[%add3A_49, %broadcast_in_dim3A_267] : memref<256x64xf32, #tpu.memory_space<vmem>>[vector<16xi32>, vector<16xi32>], vector<16xf32>,
        %mul3A_270 = arith.mulf %gather3A_268, %gather3A_269 : vector<16xf32>
        %slice3A_271 = vector.extract_strided_slice %get3A_5 {offsets = [6], sizes = [1], strides = [1]} : vector<16xf32> to vector<1xf32>
        %squeeze3A_272 = vector.extract %slice3A_271[0] : f32 from vector<1xf32>
        %mul3A_273 = vector.broadcast %squeeze3A_272 : f32 to vector<16xf32>
        %mul3A_274 = arith.mulf %mul3A_270, %mul3A_273 : vector<16xf32>
        %add3A_275 = arith.addf %add3A_265, %mul3A_274 : vector<16xf32>
        %broadcast_in_dim3A_276 = arith.constant 23 : i32
        %broadcast_in_dim3A_277 = vector.broadcast %broadcast_in_dim3A_276 : i32 to vector<16xi32>
        %gather3A_278 = tpu.vector_load_idx %arg10[%add3A_49, %broadcast_in_dim3A_277] : memref<256x64xf32, #tpu.memory_space<vmem>>[vector<16xi32>, vector<16xi32>], vector<16xf32>,
        %gather3A_279 = tpu.vector_load_idx %arg11[%add3A_49, %broadcast_in_dim3A_277] : memref<256x64xf32, #tpu.memory_space<vmem>>[vector<16xi32>, vector<16xi32>], vector<16xf32>,
        %mul3A_280 = arith.mulf %gather3A_278, %gather3A_279 : vector<16xf32>
        %slice3A_281 = vector.extract_strided_slice %get3A_5 {offsets = [7], sizes = [1], strides = [1]} : vector<16xf32> to vector<1xf32>
        %squeeze3A_282 = vector.extract %slice3A_281[0] : f32 from vector<1xf32>
        %mul3A_283 = vector.broadcast %squeeze3A_282 : f32 to vector<16xf32>
        %mul3A_284 = arith.mulf %mul3A_280, %mul3A_283 : vector<16xf32>
        %add3A_285 = arith.addf %add3A_275, %mul3A_284 : vector<16xf32>
        %broadcast_in_dim3A_286 = arith.constant 24 : i32
        %broadcast_in_dim3A_287 = vector.broadcast %broadcast_in_dim3A_286 : i32 to vector<16xi32>
        %gather3A_288 = tpu.vector_load_idx %arg10[%add3A_49, %broadcast_in_dim3A_287] : memref<256x64xf32, #tpu.memory_space<vmem>>[vector<16xi32>, vector<16xi32>], vector<16xf32>,
        %gather3A_289 = tpu.vector_load_idx %arg11[%add3A_49, %broadcast_in_dim3A_287] : memref<256x64xf32, #tpu.memory_space<vmem>>[vector<16xi32>, vector<16xi32>], vector<16xf32>,
        %mul3A_290 = arith.mulf %gather3A_288, %gather3A_289 : vector<16xf32>
        %slice3A_291 = vector.extract_strided_slice %get3A_5 {offsets = [8], sizes = [1], strides = [1]} : vector<16xf32> to vector<1xf32>
        %squeeze3A_292 = vector.extract %slice3A_291[0] : f32 from vector<1xf32>
        %mul3A_293 = vector.broadcast %squeeze3A_292 : f32 to vector<16xf32>
        %mul3A_294 = arith.mulf %mul3A_290, %mul3A_293 : vector<16xf32>
        %add3A_295 = arith.addf %add3A_285, %mul3A_294 : vector<16xf32>
        %broadcast_in_dim3A_296 = arith.constant 25 : i32
        %broadcast_in_dim3A_297 = vector.broadcast %broadcast_in_dim3A_296 : i32 to vector<16xi32>
        %gather3A_298 = tpu.vector_load_idx %arg10[%add3A_49, %broadcast_in_dim3A_297] : memref<256x64xf32, #tpu.memory_space<vmem>>[vector<16xi32>, vector<16xi32>], vector<16xf32>,
        %gather3A_299 = tpu.vector_load_idx %arg11[%add3A_49, %broadcast_in_dim3A_297] : memref<256x64xf32, #tpu.memory_space<vmem>>[vector<16xi32>, vector<16xi32>], vector<16xf32>,
        %mul3A_300 = arith.mulf %gather3A_298, %gather3A_299 : vector<16xf32>
        %slice3A_301 = vector.extract_strided_slice %get3A_5 {offsets = [9], sizes = [1], strides = [1]} : vector<16xf32> to vector<1xf32>
        %squeeze3A_302 = vector.extract %slice3A_301[0] : f32 from vector<1xf32>
        %mul3A_303 = vector.broadcast %squeeze3A_302 : f32 to vector<16xf32>
        %mul3A_304 = arith.mulf %mul3A_300, %mul3A_303 : vector<16xf32>
        %add3A_305 = arith.addf %add3A_295, %mul3A_304 : vector<16xf32>
        %broadcast_in_dim3A_306 = arith.constant 26 : i32
        %broadcast_in_dim3A_307 = vector.broadcast %broadcast_in_dim3A_306 : i32 to vector<16xi32>
        %gather3A_308 = tpu.vector_load_idx %arg10[%add3A_49, %broadcast_in_dim3A_307] : memref<256x64xf32, #tpu.memory_space<vmem>>[vector<16xi32>, vector<16xi32>], vector<16xf32>,
        %gather3A_309 = tpu.vector_load_idx %arg11[%add3A_49, %broadcast_in_dim3A_307] : memref<256x64xf32, #tpu.memory_space<vmem>>[vector<16xi32>, vector<16xi32>], vector<16xf32>,
        %mul3A_310 = arith.mulf %gather3A_308, %gather3A_309 : vector<16xf32>
        %slice3A_311 = vector.extract_strided_slice %get3A_5 {offsets = [10], sizes = [1], strides = [1]} : vector<16xf32> to vector<1xf32>
        %squeeze3A_312 = vector.extract %slice3A_311[0] : f32 from vector<1xf32>
        %mul3A_313 = vector.broadcast %squeeze3A_312 : f32 to vector<16xf32>
        %mul3A_314 = arith.mulf %mul3A_310, %mul3A_313 : vector<16xf32>
        %add3A_315 = arith.addf %add3A_305, %mul3A_314 : vector<16xf32>
        %broadcast_in_dim3A_316 = arith.constant 27 : i32
        %broadcast_in_dim3A_317 = vector.broadcast %broadcast_in_dim3A_316 : i32 to vector<16xi32>
        %gather3A_318 = tpu.vector_load_idx %arg10[%add3A_49, %broadcast_in_dim3A_317] : memref<256x64xf32, #tpu.memory_space<vmem>>[vector<16xi32>, vector<16xi32>], vector<16xf32>,
        %gather3A_319 = tpu.vector_load_idx %arg11[%add3A_49, %broadcast_in_dim3A_317] : memref<256x64xf32, #tpu.memory_space<vmem>>[vector<16xi32>, vector<16xi32>], vector<16xf32>,
        %mul3A_320 = arith.mulf %gather3A_318, %gather3A_319 : vector<16xf32>
        %slice3A_321 = vector.extract_strided_slice %get3A_5 {offsets = [11], sizes = [1], strides = [1]} : vector<16xf32> to vector<1xf32>
        %squeeze3A_322 = vector.extract %slice3A_321[0] : f32 from vector<1xf32>
        %mul3A_323 = vector.broadcast %squeeze3A_322 : f32 to vector<16xf32>
        %mul3A_324 = arith.mulf %mul3A_320, %mul3A_323 : vector<16xf32>
        %add3A_325 = arith.addf %add3A_315, %mul3A_324 : vector<16xf32>
        %broadcast_in_dim3A_326 = arith.constant 28 : i32
        %broadcast_in_dim3A_327 = vector.broadcast %broadcast_in_dim3A_326 : i32 to vector<16xi32>
        %gather3A_328 = tpu.vector_load_idx %arg10[%add3A_49, %broadcast_in_dim3A_327] : memref<256x64xf32, #tpu.memory_space<vmem>>[vector<16xi32>, vector<16xi32>], vector<16xf32>,
        %gather3A_329 = tpu.vector_load_idx %arg11[%add3A_49, %broadcast_in_dim3A_327] : memref<256x64xf32, #tpu.memory_space<vmem>>[vector<16xi32>, vector<16xi32>], vector<16xf32>,
        %mul3A_330 = arith.mulf %gather3A_328, %gather3A_329 : vector<16xf32>
        %slice3A_331 = vector.extract_strided_slice %get3A_5 {offsets = [12], sizes = [1], strides = [1]} : vector<16xf32> to vector<1xf32>
        %squeeze3A_332 = vector.extract %slice3A_331[0] : f32 from vector<1xf32>
        %mul3A_333 = vector.broadcast %squeeze3A_332 : f32 to vector<16xf32>
        %mul3A_334 = arith.mulf %mul3A_330, %mul3A_333 : vector<16xf32>
        %add3A_335 = arith.addf %add3A_325, %mul3A_334 : vector<16xf32>
        %broadcast_in_dim3A_336 = arith.constant 29 : i32
        %broadcast_in_dim3A_337 = vector.broadcast %broadcast_in_dim3A_336 : i32 to vector<16xi32>
        %gather3A_338 = tpu.vector_load_idx %arg10[%add3A_49, %broadcast_in_dim3A_337] : memref<256x64xf32, #tpu.memory_space<vmem>>[vector<16xi32>, vector<16xi32>], vector<16xf32>,
        %gather3A_339 = tpu.vector_load_idx %arg11[%add3A_49, %broadcast_in_dim3A_337] : memref<256x64xf32, #tpu.memory_space<vmem>>[vector<16xi32>, vector<16xi32>], vector<16xf32>,
        %mul3A_340 = arith.mulf %gather3A_338, %gather3A_339 : vector<16xf32>
        %slice3A_341 = vector.extract_strided_slice %get3A_5 {offsets = [13], sizes = [1], strides = [1]} : vector<16xf32> to vector<1xf32>
        %squeeze3A_342 = vector.extract %slice3A_341[0] : f32 from vector<1xf32>
        %mul3A_343 = vector.broadcast %squeeze3A_342 : f32 to vector<16xf32>
        %mul3A_344 = arith.mulf %mul3A_340, %mul3A_343 : vector<16xf32>
        %add3A_345 = arith.addf %add3A_335, %mul3A_344 : vector<16xf32>
        %broadcast_in_dim3A_346 = arith.constant 30 : i32
        %broadcast_in_dim3A_347 = vector.broadcast %broadcast_in_dim3A_346 : i32 to vector<16xi32>
        %gather3A_348 = tpu.vector_load_idx %arg10[%add3A_49, %broadcast_in_dim3A_347] : memref<256x64xf32, #tpu.memory_space<vmem>>[vector<16xi32>, vector<16xi32>], vector<16xf32>,
        %gather3A_349 = tpu.vector_load_idx %arg11[%add3A_49, %broadcast_in_dim3A_347] : memref<256x64xf32, #tpu.memory_space<vmem>>[vector<16xi32>, vector<16xi32>], vector<16xf32>,
        %mul3A_350 = arith.mulf %gather3A_348, %gather3A_349 : vector<16xf32>
        %slice3A_351 = vector.extract_strided_slice %get3A_5 {offsets = [14], sizes = [1], strides = [1]} : vector<16xf32> to vector<1xf32>
        %squeeze3A_352 = vector.extract %slice3A_351[0] : f32 from vector<1xf32>
        %mul3A_353 = vector.broadcast %squeeze3A_352 : f32 to vector<16xf32>
        %mul3A_354 = arith.mulf %mul3A_350, %mul3A_353 : vector<16xf32>
        %add3A_355 = arith.addf %add3A_345, %mul3A_354 : vector<16xf32>
        %broadcast_in_dim3A_356 = arith.constant 31 : i32
        %broadcast_in_dim3A_357 = vector.broadcast %broadcast_in_dim3A_356 : i32 to vector<16xi32>
        %gather3A_358 = tpu.vector_load_idx %arg10[%add3A_49, %broadcast_in_dim3A_357] : memref<256x64xf32, #tpu.memory_space<vmem>>[vector<16xi32>, vector<16xi32>], vector<16xf32>,
        %gather3A_359 = tpu.vector_load_idx %arg11[%add3A_49, %broadcast_in_dim3A_357] : memref<256x64xf32, #tpu.memory_space<vmem>>[vector<16xi32>, vector<16xi32>], vector<16xf32>,
        %mul3A_360 = arith.mulf %gather3A_358, %gather3A_359 : vector<16xf32>
        %slice3A_361 = vector.extract_strided_slice %get3A_5 {offsets = [15], sizes = [1], strides = [1]} : vector<16xf32> to vector<1xf32>
        %squeeze3A_362 = vector.extract %slice3A_361[0] : f32 from vector<1xf32>
        %mul3A_363 = vector.broadcast %squeeze3A_362 : f32 to vector<16xf32>
        %mul3A_364 = arith.mulf %mul3A_360, %mul3A_363 : vector<16xf32>
        %add3A_365 = arith.addf %add3A_355, %mul3A_364 : vector<16xf32>
        %broadcast_in_dim3A_366 = arith.constant 32 : i32
        %broadcast_in_dim3A_367 = vector.broadcast %broadcast_in_dim3A_366 : i32 to vector<16xi32>
        %gather3A_368 = tpu.vector_load_idx %arg10[%add3A_49, %broadcast_in_dim3A_367] : memref<256x64xf32, #tpu.memory_space<vmem>>[vector<16xi32>, vector<16xi32>], vector<16xf32>,
        %gather3A_369 = tpu.vector_load_idx %arg11[%add3A_49, %broadcast_in_dim3A_367] : memref<256x64xf32, #tpu.memory_space<vmem>>[vector<16xi32>, vector<16xi32>], vector<16xf32>,
        %mul3A_370 = arith.mulf %gather3A_368, %gather3A_369 : vector<16xf32>
        %slice3A_371 = vector.extract_strided_slice %get3A_7 {offsets = [0], sizes = [1], strides = [1]} : vector<16xf32> to vector<1xf32>
        %squeeze3A_372 = vector.extract %slice3A_371[0] : f32 from vector<1xf32>
        %mul3A_373 = vector.broadcast %squeeze3A_372 : f32 to vector<16xf32>
        %mul3A_374 = arith.mulf %mul3A_370, %mul3A_373 : vector<16xf32>
        %add3A_375 = arith.addf %add3A_365, %mul3A_374 : vector<16xf32>
        %broadcast_in_dim3A_376 = arith.constant 33 : i32
        %broadcast_in_dim3A_377 = vector.broadcast %broadcast_in_dim3A_376 : i32 to vector<16xi32>
        %gather3A_378 = tpu.vector_load_idx %arg10[%add3A_49, %broadcast_in_dim3A_377] : memref<256x64xf32, #tpu.memory_space<vmem>>[vector<16xi32>, vector<16xi32>], vector<16xf32>,
        %gather3A_379 = tpu.vector_load_idx %arg11[%add3A_49, %broadcast_in_dim3A_377] : memref<256x64xf32, #tpu.memory_space<vmem>>[vector<16xi32>, vector<16xi32>], vector<16xf32>,
        %mul3A_380 = arith.mulf %gather3A_378, %gather3A_379 : vector<16xf32>
        %slice3A_381 = vector.extract_strided_slice %get3A_7 {offsets = [1], sizes = [1], strides = [1]} : vector<16xf32> to vector<1xf32>
        %squeeze3A_382 = vector.extract %slice3A_381[0] : f32 from vector<1xf32>
        %mul3A_383 = vector.broadcast %squeeze3A_382 : f32 to vector<16xf32>
        %mul3A_384 = arith.mulf %mul3A_380, %mul3A_383 : vector<16xf32>
        %add3A_385 = arith.addf %add3A_375, %mul3A_384 : vector<16xf32>
        %broadcast_in_dim3A_386 = arith.constant 34 : i32
        %broadcast_in_dim3A_387 = vector.broadcast %broadcast_in_dim3A_386 : i32 to vector<16xi32>
        %gather3A_388 = tpu.vector_load_idx %arg10[%add3A_49, %broadcast_in_dim3A_387] : memref<256x64xf32, #tpu.memory_space<vmem>>[vector<16xi32>, vector<16xi32>], vector<16xf32>,
        %gather3A_389 = tpu.vector_load_idx %arg11[%add3A_49, %broadcast_in_dim3A_387] : memref<256x64xf32, #tpu.memory_space<vmem>>[vector<16xi32>, vector<16xi32>], vector<16xf32>,
        %mul3A_390 = arith.mulf %gather3A_388, %gather3A_389 : vector<16xf32>
        %slice3A_391 = vector.extract_strided_slice %get3A_7 {offsets = [2], sizes = [1], strides = [1]} : vector<16xf32> to vector<1xf32>
        %squeeze3A_392 = vector.extract %slice3A_391[0] : f32 from vector<1xf32>
        %mul3A_393 = vector.broadcast %squeeze3A_392 : f32 to vector<16xf32>
        %mul3A_394 = arith.mulf %mul3A_390, %mul3A_393 : vector<16xf32>
        %add3A_395 = arith.addf %add3A_385, %mul3A_394 : vector<16xf32>
        %broadcast_in_dim3A_396 = arith.constant 35 : i32
        %broadcast_in_dim3A_397 = vector.broadcast %broadcast_in_dim3A_396 : i32 to vector<16xi32>
        %gather3A_398 = tpu.vector_load_idx %arg10[%add3A_49, %broadcast_in_dim3A_397] : memref<256x64xf32, #tpu.memory_space<vmem>>[vector<16xi32>, vector<16xi32>], vector<16xf32>,
        %gather3A_399 = tpu.vector_load_idx %arg11[%add3A_49, %broadcast_in_dim3A_397] : memref<256x64xf32, #tpu.memory_space<vmem>>[vector<16xi32>, vector<16xi32>], vector<16xf32>,
        %mul3A_400 = arith.mulf %gather3A_398, %gather3A_399 : vector<16xf32>
        %slice3A_401 = vector.extract_strided_slice %get3A_7 {offsets = [3], sizes = [1], strides = [1]} : vector<16xf32> to vector<1xf32>
        %squeeze3A_402 = vector.extract %slice3A_401[0] : f32 from vector<1xf32>
        %mul3A_403 = vector.broadcast %squeeze3A_402 : f32 to vector<16xf32>
        %mul3A_404 = arith.mulf %mul3A_400, %mul3A_403 : vector<16xf32>
        %add3A_405 = arith.addf %add3A_395, %mul3A_404 : vector<16xf32>
        %broadcast_in_dim3A_406 = arith.constant 36 : i32
        %broadcast_in_dim3A_407 = vector.broadcast %broadcast_in_dim3A_406 : i32 to vector<16xi32>
        %gather3A_408 = tpu.vector_load_idx %arg10[%add3A_49, %broadcast_in_dim3A_407] : memref<256x64xf32, #tpu.memory_space<vmem>>[vector<16xi32>, vector<16xi32>], vector<16xf32>,
        %gather3A_409 = tpu.vector_load_idx %arg11[%add3A_49, %broadcast_in_dim3A_407] : memref<256x64xf32, #tpu.memory_space<vmem>>[vector<16xi32>, vector<16xi32>], vector<16xf32>,
        %mul3A_410 = arith.mulf %gather3A_408, %gather3A_409 : vector<16xf32>
        %slice3A_411 = vector.extract_strided_slice %get3A_7 {offsets = [4], sizes = [1], strides = [1]} : vector<16xf32> to vector<1xf32>
        %squeeze3A_412 = vector.extract %slice3A_411[0] : f32 from vector<1xf32>
        %mul3A_413 = vector.broadcast %squeeze3A_412 : f32 to vector<16xf32>
        %mul3A_414 = arith.mulf %mul3A_410, %mul3A_413 : vector<16xf32>
        %add3A_415 = arith.addf %add3A_405, %mul3A_414 : vector<16xf32>
        %broadcast_in_dim3A_416 = arith.constant 37 : i32
        %broadcast_in_dim3A_417 = vector.broadcast %broadcast_in_dim3A_416 : i32 to vector<16xi32>
        %gather3A_418 = tpu.vector_load_idx %arg10[%add3A_49, %broadcast_in_dim3A_417] : memref<256x64xf32, #tpu.memory_space<vmem>>[vector<16xi32>, vector<16xi32>], vector<16xf32>,
        %gather3A_419 = tpu.vector_load_idx %arg11[%add3A_49, %broadcast_in_dim3A_417] : memref<256x64xf32, #tpu.memory_space<vmem>>[vector<16xi32>, vector<16xi32>], vector<16xf32>,
        %mul3A_420 = arith.mulf %gather3A_418, %gather3A_419 : vector<16xf32>
        %slice3A_421 = vector.extract_strided_slice %get3A_7 {offsets = [5], sizes = [1], strides = [1]} : vector<16xf32> to vector<1xf32>
        %squeeze3A_422 = vector.extract %slice3A_421[0] : f32 from vector<1xf32>
        %mul3A_423 = vector.broadcast %squeeze3A_422 : f32 to vector<16xf32>
        %mul3A_424 = arith.mulf %mul3A_420, %mul3A_423 : vector<16xf32>
        %add3A_425 = arith.addf %add3A_415, %mul3A_424 : vector<16xf32>
        %broadcast_in_dim3A_426 = arith.constant 38 : i32
        %broadcast_in_dim3A_427 = vector.broadcast %broadcast_in_dim3A_426 : i32 to vector<16xi32>
        %gather3A_428 = tpu.vector_load_idx %arg10[%add3A_49, %broadcast_in_dim3A_427] : memref<256x64xf32, #tpu.memory_space<vmem>>[vector<16xi32>, vector<16xi32>], vector<16xf32>,
        %gather3A_429 = tpu.vector_load_idx %arg11[%add3A_49, %broadcast_in_dim3A_427] : memref<256x64xf32, #tpu.memory_space<vmem>>[vector<16xi32>, vector<16xi32>], vector<16xf32>,
        %mul3A_430 = arith.mulf %gather3A_428, %gather3A_429 : vector<16xf32>
        %slice3A_431 = vector.extract_strided_slice %get3A_7 {offsets = [6], sizes = [1], strides = [1]} : vector<16xf32> to vector<1xf32>
        %squeeze3A_432 = vector.extract %slice3A_431[0] : f32 from vector<1xf32>
        %mul3A_433 = vector.broadcast %squeeze3A_432 : f32 to vector<16xf32>
        %mul3A_434 = arith.mulf %mul3A_430, %mul3A_433 : vector<16xf32>
        %add3A_435 = arith.addf %add3A_425, %mul3A_434 : vector<16xf32>
        %broadcast_in_dim3A_436 = arith.constant 39 : i32
        %broadcast_in_dim3A_437 = vector.broadcast %broadcast_in_dim3A_436 : i32 to vector<16xi32>
        %gather3A_438 = tpu.vector_load_idx %arg10[%add3A_49, %broadcast_in_dim3A_437] : memref<256x64xf32, #tpu.memory_space<vmem>>[vector<16xi32>, vector<16xi32>], vector<16xf32>,
        %gather3A_439 = tpu.vector_load_idx %arg11[%add3A_49, %broadcast_in_dim3A_437] : memref<256x64xf32, #tpu.memory_space<vmem>>[vector<16xi32>, vector<16xi32>], vector<16xf32>,
        %mul3A_440 = arith.mulf %gather3A_438, %gather3A_439 : vector<16xf32>
        %slice3A_441 = vector.extract_strided_slice %get3A_7 {offsets = [7], sizes = [1], strides = [1]} : vector<16xf32> to vector<1xf32>
        %squeeze3A_442 = vector.extract %slice3A_441[0] : f32 from vector<1xf32>
        %mul3A_443 = vector.broadcast %squeeze3A_442 : f32 to vector<16xf32>
        %mul3A_444 = arith.mulf %mul3A_440, %mul3A_443 : vector<16xf32>
        %add3A_445 = arith.addf %add3A_435, %mul3A_444 : vector<16xf32>
        %broadcast_in_dim3A_446 = arith.constant 40 : i32
        %broadcast_in_dim3A_447 = vector.broadcast %broadcast_in_dim3A_446 : i32 to vector<16xi32>
        %gather3A_448 = tpu.vector_load_idx %arg10[%add3A_49, %broadcast_in_dim3A_447] : memref<256x64xf32, #tpu.memory_space<vmem>>[vector<16xi32>, vector<16xi32>], vector<16xf32>,
        %gather3A_449 = tpu.vector_load_idx %arg11[%add3A_49, %broadcast_in_dim3A_447] : memref<256x64xf32, #tpu.memory_space<vmem>>[vector<16xi32>, vector<16xi32>], vector<16xf32>,
        %mul3A_450 = arith.mulf %gather3A_448, %gather3A_449 : vector<16xf32>
        %slice3A_451 = vector.extract_strided_slice %get3A_7 {offsets = [8], sizes = [1], strides = [1]} : vector<16xf32> to vector<1xf32>
        %squeeze3A_452 = vector.extract %slice3A_451[0] : f32 from vector<1xf32>
        %mul3A_453 = vector.broadcast %squeeze3A_452 : f32 to vector<16xf32>
        %mul3A_454 = arith.mulf %mul3A_450, %mul3A_453 : vector<16xf32>
        %add3A_455 = arith.addf %add3A_445, %mul3A_454 : vector<16xf32>
        %broadcast_in_dim3A_456 = arith.constant 41 : i32
        %broadcast_in_dim3A_457 = vector.broadcast %broadcast_in_dim3A_456 : i32 to vector<16xi32>
        %gather3A_458 = tpu.vector_load_idx %arg10[%add3A_49, %broadcast_in_dim3A_457] : memref<256x64xf32, #tpu.memory_space<vmem>>[vector<16xi32>, vector<16xi32>], vector<16xf32>,
        %gather3A_459 = tpu.vector_load_idx %arg11[%add3A_49, %broadcast_in_dim3A_457] : memref<256x64xf32, #tpu.memory_space<vmem>>[vector<16xi32>, vector<16xi32>], vector<16xf32>,
        %mul3A_460 = arith.mulf %gather3A_458, %gather3A_459 : vector<16xf32>
        %slice3A_461 = vector.extract_strided_slice %get3A_7 {offsets = [9], sizes = [1], strides = [1]} : vector<16xf32> to vector<1xf32>
        %squeeze3A_462 = vector.extract %slice3A_461[0] : f32 from vector<1xf32>
        %mul3A_463 = vector.broadcast %squeeze3A_462 : f32 to vector<16xf32>
        %mul3A_464 = arith.mulf %mul3A_460, %mul3A_463 : vector<16xf32>
        %add3A_465 = arith.addf %add3A_455, %mul3A_464 : vector<16xf32>
        %broadcast_in_dim3A_466 = arith.constant 42 : i32
        %broadcast_in_dim3A_467 = vector.broadcast %broadcast_in_dim3A_466 : i32 to vector<16xi32>
        %gather3A_468 = tpu.vector_load_idx %arg10[%add3A_49, %broadcast_in_dim3A_467] : memref<256x64xf32, #tpu.memory_space<vmem>>[vector<16xi32>, vector<16xi32>], vector<16xf32>,
        %gather3A_469 = tpu.vector_load_idx %arg11[%add3A_49, %broadcast_in_dim3A_467] : memref<256x64xf32, #tpu.memory_space<vmem>>[vector<16xi32>, vector<16xi32>], vector<16xf32>,
        %mul3A_470 = arith.mulf %gather3A_468, %gather3A_469 : vector<16xf32>
        %slice3A_471 = vector.extract_strided_slice %get3A_7 {offsets = [10], sizes = [1], strides = [1]} : vector<16xf32> to vector<1xf32>
        %squeeze3A_472 = vector.extract %slice3A_471[0] : f32 from vector<1xf32>
        %mul3A_473 = vector.broadcast %squeeze3A_472 : f32 to vector<16xf32>
        %mul3A_474 = arith.mulf %mul3A_470, %mul3A_473 : vector<16xf32>
        %add3A_475 = arith.addf %add3A_465, %mul3A_474 : vector<16xf32>
        %broadcast_in_dim3A_476 = arith.constant 43 : i32
        %broadcast_in_dim3A_477 = vector.broadcast %broadcast_in_dim3A_476 : i32 to vector<16xi32>
        %gather3A_478 = tpu.vector_load_idx %arg10[%add3A_49, %broadcast_in_dim3A_477] : memref<256x64xf32, #tpu.memory_space<vmem>>[vector<16xi32>, vector<16xi32>], vector<16xf32>,
        %gather3A_479 = tpu.vector_load_idx %arg11[%add3A_49, %broadcast_in_dim3A_477] : memref<256x64xf32, #tpu.memory_space<vmem>>[vector<16xi32>, vector<16xi32>], vector<16xf32>,
        %mul3A_480 = arith.mulf %gather3A_478, %gather3A_479 : vector<16xf32>
        %slice3A_481 = vector.extract_strided_slice %get3A_7 {offsets = [11], sizes = [1], strides = [1]} : vector<16xf32> to vector<1xf32>
        %squeeze3A_482 = vector.extract %slice3A_481[0] : f32 from vector<1xf32>
        %mul3A_483 = vector.broadcast %squeeze3A_482 : f32 to vector<16xf32>
        %mul3A_484 = arith.mulf %mul3A_480, %mul3A_483 : vector<16xf32>
        %add3A_485 = arith.addf %add3A_475, %mul3A_484 : vector<16xf32>
        %broadcast_in_dim3A_486 = arith.constant 44 : i32
        %broadcast_in_dim3A_487 = vector.broadcast %broadcast_in_dim3A_486 : i32 to vector<16xi32>
        %gather3A_488 = tpu.vector_load_idx %arg10[%add3A_49, %broadcast_in_dim3A_487] : memref<256x64xf32, #tpu.memory_space<vmem>>[vector<16xi32>, vector<16xi32>], vector<16xf32>,
        %gather3A_489 = tpu.vector_load_idx %arg11[%add3A_49, %broadcast_in_dim3A_487] : memref<256x64xf32, #tpu.memory_space<vmem>>[vector<16xi32>, vector<16xi32>], vector<16xf32>,
        %mul3A_490 = arith.mulf %gather3A_488, %gather3A_489 : vector<16xf32>
        %slice3A_491 = vector.extract_strided_slice %get3A_7 {offsets = [12], sizes = [1], strides = [1]} : vector<16xf32> to vector<1xf32>
        %squeeze3A_492 = vector.extract %slice3A_491[0] : f32 from vector<1xf32>
        %mul3A_493 = vector.broadcast %squeeze3A_492 : f32 to vector<16xf32>
        %mul3A_494 = arith.mulf %mul3A_490, %mul3A_493 : vector<16xf32>
        %add3A_495 = arith.addf %add3A_485, %mul3A_494 : vector<16xf32>
        %broadcast_in_dim3A_496 = arith.constant 45 : i32
        %broadcast_in_dim3A_497 = vector.broadcast %broadcast_in_dim3A_496 : i32 to vector<16xi32>
        %gather3A_498 = tpu.vector_load_idx %arg10[%add3A_49, %broadcast_in_dim3A_497] : memref<256x64xf32, #tpu.memory_space<vmem>>[vector<16xi32>, vector<16xi32>], vector<16xf32>,
        %gather3A_499 = tpu.vector_load_idx %arg11[%add3A_49, %broadcast_in_dim3A_497] : memref<256x64xf32, #tpu.memory_space<vmem>>[vector<16xi32>, vector<16xi32>], vector<16xf32>,
        %mul3A_500 = arith.mulf %gather3A_498, %gather3A_499 : vector<16xf32>
        %slice3A_501 = vector.extract_strided_slice %get3A_7 {offsets = [13], sizes = [1], strides = [1]} : vector<16xf32> to vector<1xf32>
        %squeeze3A_502 = vector.extract %slice3A_501[0] : f32 from vector<1xf32>
        %mul3A_503 = vector.broadcast %squeeze3A_502 : f32 to vector<16xf32>
        %mul3A_504 = arith.mulf %mul3A_500, %mul3A_503 : vector<16xf32>
        %add3A_505 = arith.addf %add3A_495, %mul3A_504 : vector<16xf32>
        %broadcast_in_dim3A_506 = arith.constant 46 : i32
        %broadcast_in_dim3A_507 = vector.broadcast %broadcast_in_dim3A_506 : i32 to vector<16xi32>
        %gather3A_508 = tpu.vector_load_idx %arg10[%add3A_49, %broadcast_in_dim3A_507] : memref<256x64xf32, #tpu.memory_space<vmem>>[vector<16xi32>, vector<16xi32>], vector<16xf32>,
        %gather3A_509 = tpu.vector_load_idx %arg11[%add3A_49, %broadcast_in_dim3A_507] : memref<256x64xf32, #tpu.memory_space<vmem>>[vector<16xi32>, vector<16xi32>], vector<16xf32>,
        %mul3A_510 = arith.mulf %gather3A_508, %gather3A_509 : vector<16xf32>
        %slice3A_511 = vector.extract_strided_slice %get3A_7 {offsets = [14], sizes = [1], strides = [1]} : vector<16xf32> to vector<1xf32>
        %squeeze3A_512 = vector.extract %slice3A_511[0] : f32 from vector<1xf32>
        %mul3A_513 = vector.broadcast %squeeze3A_512 : f32 to vector<16xf32>
        %mul3A_514 = arith.mulf %mul3A_510, %mul3A_513 : vector<16xf32>
        %add3A_515 = arith.addf %add3A_505, %mul3A_514 : vector<16xf32>
        %broadcast_in_dim3A_516 = arith.constant 47 : i32
        %broadcast_in_dim3A_517 = vector.broadcast %broadcast_in_dim3A_516 : i32 to vector<16xi32>
        %gather3A_518 = tpu.vector_load_idx %arg10[%add3A_49, %broadcast_in_dim3A_517] : memref<256x64xf32, #tpu.memory_space<vmem>>[vector<16xi32>, vector<16xi32>], vector<16xf32>,
        %gather3A_519 = tpu.vector_load_idx %arg11[%add3A_49, %broadcast_in_dim3A_517] : memref<256x64xf32, #tpu.memory_space<vmem>>[vector<16xi32>, vector<16xi32>], vector<16xf32>,
        %mul3A_520 = arith.mulf %gather3A_518, %gather3A_519 : vector<16xf32>
        %slice3A_521 = vector.extract_strided_slice %get3A_7 {offsets = [15], sizes = [1], strides = [1]} : vector<16xf32> to vector<1xf32>
        %squeeze3A_522 = vector.extract %slice3A_521[0] : f32 from vector<1xf32>
        %mul3A_523 = vector.broadcast %squeeze3A_522 : f32 to vector<16xf32>
        %mul3A_524 = arith.mulf %mul3A_520, %mul3A_523 : vector<16xf32>
        %add3A_525 = arith.addf %add3A_515, %mul3A_524 : vector<16xf32>
        %broadcast_in_dim3A_526 = arith.constant 48 : i32
        %broadcast_in_dim3A_527 = vector.broadcast %broadcast_in_dim3A_526 : i32 to vector<16xi32>
        %gather3A_528 = tpu.vector_load_idx %arg10[%add3A_49, %broadcast_in_dim3A_527] : memref<256x64xf32, #tpu.memory_space<vmem>>[vector<16xi32>, vector<16xi32>], vector<16xf32>,
        %gather3A_529 = tpu.vector_load_idx %arg11[%add3A_49, %broadcast_in_dim3A_527] : memref<256x64xf32, #tpu.memory_space<vmem>>[vector<16xi32>, vector<16xi32>], vector<16xf32>,
        %mul3A_530 = arith.mulf %gather3A_528, %gather3A_529 : vector<16xf32>
        %slice3A_531 = vector.extract_strided_slice %get3A_9 {offsets = [0], sizes = [1], strides = [1]} : vector<16xf32> to vector<1xf32>
        %squeeze3A_532 = vector.extract %slice3A_531[0] : f32 from vector<1xf32>
        %mul3A_533 = vector.broadcast %squeeze3A_532 : f32 to vector<16xf32>
        %mul3A_534 = arith.mulf %mul3A_530, %mul3A_533 : vector<16xf32>
        %add3A_535 = arith.addf %add3A_525, %mul3A_534 : vector<16xf32>
        %broadcast_in_dim3A_536 = arith.constant 49 : i32
        %broadcast_in_dim3A_537 = vector.broadcast %broadcast_in_dim3A_536 : i32 to vector<16xi32>
        %gather3A_538 = tpu.vector_load_idx %arg10[%add3A_49, %broadcast_in_dim3A_537] : memref<256x64xf32, #tpu.memory_space<vmem>>[vector<16xi32>, vector<16xi32>], vector<16xf32>,
        %gather3A_539 = tpu.vector_load_idx %arg11[%add3A_49, %broadcast_in_dim3A_537] : memref<256x64xf32, #tpu.memory_space<vmem>>[vector<16xi32>, vector<16xi32>], vector<16xf32>,
        %mul3A_540 = arith.mulf %gather3A_538, %gather3A_539 : vector<16xf32>
        %slice3A_541 = vector.extract_strided_slice %get3A_9 {offsets = [1], sizes = [1], strides = [1]} : vector<16xf32> to vector<1xf32>
        %squeeze3A_542 = vector.extract %slice3A_541[0] : f32 from vector<1xf32>
        %mul3A_543 = vector.broadcast %squeeze3A_542 : f32 to vector<16xf32>
        %mul3A_544 = arith.mulf %mul3A_540, %mul3A_543 : vector<16xf32>
        %add3A_545 = arith.addf %add3A_535, %mul3A_544 : vector<16xf32>
        %broadcast_in_dim3A_546 = arith.constant 50 : i32
        %broadcast_in_dim3A_547 = vector.broadcast %broadcast_in_dim3A_546 : i32 to vector<16xi32>
        %gather3A_548 = tpu.vector_load_idx %arg10[%add3A_49, %broadcast_in_dim3A_547] : memref<256x64xf32, #tpu.memory_space<vmem>>[vector<16xi32>, vector<16xi32>], vector<16xf32>,
        %gather3A_549 = tpu.vector_load_idx %arg11[%add3A_49, %broadcast_in_dim3A_547] : memref<256x64xf32, #tpu.memory_space<vmem>>[vector<16xi32>, vector<16xi32>], vector<16xf32>,
        %mul3A_550 = arith.mulf %gather3A_548, %gather3A_549 : vector<16xf32>
        %slice3A_551 = vector.extract_strided_slice %get3A_9 {offsets = [2], sizes = [1], strides = [1]} : vector<16xf32> to vector<1xf32>
        %squeeze3A_552 = vector.extract %slice3A_551[0] : f32 from vector<1xf32>
        %mul3A_553 = vector.broadcast %squeeze3A_552 : f32 to vector<16xf32>
        %mul3A_554 = arith.mulf %mul3A_550, %mul3A_553 : vector<16xf32>
        %add3A_555 = arith.addf %add3A_545, %mul3A_554 : vector<16xf32>
        %broadcast_in_dim3A_556 = arith.constant 51 : i32
        %broadcast_in_dim3A_557 = vector.broadcast %broadcast_in_dim3A_556 : i32 to vector<16xi32>
        %gather3A_558 = tpu.vector_load_idx %arg10[%add3A_49, %broadcast_in_dim3A_557] : memref<256x64xf32, #tpu.memory_space<vmem>>[vector<16xi32>, vector<16xi32>], vector<16xf32>,
        %gather3A_559 = tpu.vector_load_idx %arg11[%add3A_49, %broadcast_in_dim3A_557] : memref<256x64xf32, #tpu.memory_space<vmem>>[vector<16xi32>, vector<16xi32>], vector<16xf32>,
        %mul3A_560 = arith.mulf %gather3A_558, %gather3A_559 : vector<16xf32>
        %slice3A_561 = vector.extract_strided_slice %get3A_9 {offsets = [3], sizes = [1], strides = [1]} : vector<16xf32> to vector<1xf32>
        %squeeze3A_562 = vector.extract %slice3A_561[0] : f32 from vector<1xf32>
        %mul3A_563 = vector.broadcast %squeeze3A_562 : f32 to vector<16xf32>
        %mul3A_564 = arith.mulf %mul3A_560, %mul3A_563 : vector<16xf32>
        %add3A_565 = arith.addf %add3A_555, %mul3A_564 : vector<16xf32>
        %broadcast_in_dim3A_566 = arith.constant 52 : i32
        %broadcast_in_dim3A_567 = vector.broadcast %broadcast_in_dim3A_566 : i32 to vector<16xi32>
        %gather3A_568 = tpu.vector_load_idx %arg10[%add3A_49, %broadcast_in_dim3A_567] : memref<256x64xf32, #tpu.memory_space<vmem>>[vector<16xi32>, vector<16xi32>], vector<16xf32>,
        %gather3A_569 = tpu.vector_load_idx %arg11[%add3A_49, %broadcast_in_dim3A_567] : memref<256x64xf32, #tpu.memory_space<vmem>>[vector<16xi32>, vector<16xi32>], vector<16xf32>,
        %mul3A_570 = arith.mulf %gather3A_568, %gather3A_569 : vector<16xf32>
        %slice3A_571 = vector.extract_strided_slice %get3A_9 {offsets = [4], sizes = [1], strides = [1]} : vector<16xf32> to vector<1xf32>
        %squeeze3A_572 = vector.extract %slice3A_571[0] : f32 from vector<1xf32>
        %mul3A_573 = vector.broadcast %squeeze3A_572 : f32 to vector<16xf32>
        %mul3A_574 = arith.mulf %mul3A_570, %mul3A_573 : vector<16xf32>
        %add3A_575 = arith.addf %add3A_565, %mul3A_574 : vector<16xf32>
        %broadcast_in_dim3A_576 = arith.constant 53 : i32
        %broadcast_in_dim3A_577 = vector.broadcast %broadcast_in_dim3A_576 : i32 to vector<16xi32>
        %gather3A_578 = tpu.vector_load_idx %arg10[%add3A_49, %broadcast_in_dim3A_577] : memref<256x64xf32, #tpu.memory_space<vmem>>[vector<16xi32>, vector<16xi32>], vector<16xf32>,
        %gather3A_579 = tpu.vector_load_idx %arg11[%add3A_49, %broadcast_in_dim3A_577] : memref<256x64xf32, #tpu.memory_space<vmem>>[vector<16xi32>, vector<16xi32>], vector<16xf32>,
        %mul3A_580 = arith.mulf %gather3A_578, %gather3A_579 : vector<16xf32>
        %slice3A_581 = vector.extract_strided_slice %get3A_9 {offsets = [5], sizes = [1], strides = [1]} : vector<16xf32> to vector<1xf32>
        %squeeze3A_582 = vector.extract %slice3A_581[0] : f32 from vector<1xf32>
        %mul3A_583 = vector.broadcast %squeeze3A_582 : f32 to vector<16xf32>
        %mul3A_584 = arith.mulf %mul3A_580, %mul3A_583 : vector<16xf32>
        %add3A_585 = arith.addf %add3A_575, %mul3A_584 : vector<16xf32>
        %broadcast_in_dim3A_586 = arith.constant 54 : i32
        %broadcast_in_dim3A_587 = vector.broadcast %broadcast_in_dim3A_586 : i32 to vector<16xi32>
        %gather3A_588 = tpu.vector_load_idx %arg10[%add3A_49, %broadcast_in_dim3A_587] : memref<256x64xf32, #tpu.memory_space<vmem>>[vector<16xi32>, vector<16xi32>], vector<16xf32>,
        %gather3A_589 = tpu.vector_load_idx %arg11[%add3A_49, %broadcast_in_dim3A_587] : memref<256x64xf32, #tpu.memory_space<vmem>>[vector<16xi32>, vector<16xi32>], vector<16xf32>,
        %mul3A_590 = arith.mulf %gather3A_588, %gather3A_589 : vector<16xf32>
        %slice3A_591 = vector.extract_strided_slice %get3A_9 {offsets = [6], sizes = [1], strides = [1]} : vector<16xf32> to vector<1xf32>
        %squeeze3A_592 = vector.extract %slice3A_591[0] : f32 from vector<1xf32>
        %mul3A_593 = vector.broadcast %squeeze3A_592 : f32 to vector<16xf32>
        %mul3A_594 = arith.mulf %mul3A_590, %mul3A_593 : vector<16xf32>
        %add3A_595 = arith.addf %add3A_585, %mul3A_594 : vector<16xf32>
        %broadcast_in_dim3A_596 = arith.constant 55 : i32
        %broadcast_in_dim3A_597 = vector.broadcast %broadcast_in_dim3A_596 : i32 to vector<16xi32>
        %gather3A_598 = tpu.vector_load_idx %arg10[%add3A_49, %broadcast_in_dim3A_597] : memref<256x64xf32, #tpu.memory_space<vmem>>[vector<16xi32>, vector<16xi32>], vector<16xf32>,
        %gather3A_599 = tpu.vector_load_idx %arg11[%add3A_49, %broadcast_in_dim3A_597] : memref<256x64xf32, #tpu.memory_space<vmem>>[vector<16xi32>, vector<16xi32>], vector<16xf32>,
        %mul3A_600 = arith.mulf %gather3A_598, %gather3A_599 : vector<16xf32>
        %slice3A_601 = vector.extract_strided_slice %get3A_9 {offsets = [7], sizes = [1], strides = [1]} : vector<16xf32> to vector<1xf32>
        %squeeze3A_602 = vector.extract %slice3A_601[0] : f32 from vector<1xf32>
        %mul3A_603 = vector.broadcast %squeeze3A_602 : f32 to vector<16xf32>
        %mul3A_604 = arith.mulf %mul3A_600, %mul3A_603 : vector<16xf32>
        %add3A_605 = arith.addf %add3A_595, %mul3A_604 : vector<16xf32>
        %broadcast_in_dim3A_606 = arith.constant 56 : i32
        %broadcast_in_dim3A_607 = vector.broadcast %broadcast_in_dim3A_606 : i32 to vector<16xi32>
        %gather3A_608 = tpu.vector_load_idx %arg10[%add3A_49, %broadcast_in_dim3A_607] : memref<256x64xf32, #tpu.memory_space<vmem>>[vector<16xi32>, vector<16xi32>], vector<16xf32>,
        %gather3A_609 = tpu.vector_load_idx %arg11[%add3A_49, %broadcast_in_dim3A_607] : memref<256x64xf32, #tpu.memory_space<vmem>>[vector<16xi32>, vector<16xi32>], vector<16xf32>,
        %mul3A_610 = arith.mulf %gather3A_608, %gather3A_609 : vector<16xf32>
        %slice3A_611 = vector.extract_strided_slice %get3A_9 {offsets = [8], sizes = [1], strides = [1]} : vector<16xf32> to vector<1xf32>
        %squeeze3A_612 = vector.extract %slice3A_611[0] : f32 from vector<1xf32>
        %mul3A_613 = vector.broadcast %squeeze3A_612 : f32 to vector<16xf32>
        %mul3A_614 = arith.mulf %mul3A_610, %mul3A_613 : vector<16xf32>
        %add3A_615 = arith.addf %add3A_605, %mul3A_614 : vector<16xf32>
        %broadcast_in_dim3A_616 = arith.constant 57 : i32
        %broadcast_in_dim3A_617 = vector.broadcast %broadcast_in_dim3A_616 : i32 to vector<16xi32>
        %gather3A_618 = tpu.vector_load_idx %arg10[%add3A_49, %broadcast_in_dim3A_617] : memref<256x64xf32, #tpu.memory_space<vmem>>[vector<16xi32>, vector<16xi32>], vector<16xf32>,
        %gather3A_619 = tpu.vector_load_idx %arg11[%add3A_49, %broadcast_in_dim3A_617] : memref<256x64xf32, #tpu.memory_space<vmem>>[vector<16xi32>, vector<16xi32>], vector<16xf32>,
        %mul3A_620 = arith.mulf %gather3A_618, %gather3A_619 : vector<16xf32>
        %slice3A_621 = vector.extract_strided_slice %get3A_9 {offsets = [9], sizes = [1], strides = [1]} : vector<16xf32> to vector<1xf32>
        %squeeze3A_622 = vector.extract %slice3A_621[0] : f32 from vector<1xf32>
        %mul3A_623 = vector.broadcast %squeeze3A_622 : f32 to vector<16xf32>
        %mul3A_624 = arith.mulf %mul3A_620, %mul3A_623 : vector<16xf32>
        %add3A_625 = arith.addf %add3A_615, %mul3A_624 : vector<16xf32>
        %broadcast_in_dim3A_626 = arith.constant 58 : i32
        %broadcast_in_dim3A_627 = vector.broadcast %broadcast_in_dim3A_626 : i32 to vector<16xi32>
        %gather3A_628 = tpu.vector_load_idx %arg10[%add3A_49, %broadcast_in_dim3A_627] : memref<256x64xf32, #tpu.memory_space<vmem>>[vector<16xi32>, vector<16xi32>], vector<16xf32>,
        %gather3A_629 = tpu.vector_load_idx %arg11[%add3A_49, %broadcast_in_dim3A_627] : memref<256x64xf32, #tpu.memory_space<vmem>>[vector<16xi32>, vector<16xi32>], vector<16xf32>,
        %mul3A_630 = arith.mulf %gather3A_628, %gather3A_629 : vector<16xf32>
        %slice3A_631 = vector.extract_strided_slice %get3A_9 {offsets = [10], sizes = [1], strides = [1]} : vector<16xf32> to vector<1xf32>
        %squeeze3A_632 = vector.extract %slice3A_631[0] : f32 from vector<1xf32>
        %mul3A_633 = vector.broadcast %squeeze3A_632 : f32 to vector<16xf32>
        %mul3A_634 = arith.mulf %mul3A_630, %mul3A_633 : vector<16xf32>
        %add3A_635 = arith.addf %add3A_625, %mul3A_634 : vector<16xf32>
        %broadcast_in_dim3A_636 = arith.constant 59 : i32
        %broadcast_in_dim3A_637 = vector.broadcast %broadcast_in_dim3A_636 : i32 to vector<16xi32>
        %gather3A_638 = tpu.vector_load_idx %arg10[%add3A_49, %broadcast_in_dim3A_637] : memref<256x64xf32, #tpu.memory_space<vmem>>[vector<16xi32>, vector<16xi32>], vector<16xf32>,
        %gather3A_639 = tpu.vector_load_idx %arg11[%add3A_49, %broadcast_in_dim3A_637] : memref<256x64xf32, #tpu.memory_space<vmem>>[vector<16xi32>, vector<16xi32>], vector<16xf32>,
        %mul3A_640 = arith.mulf %gather3A_638, %gather3A_639 : vector<16xf32>
        %slice3A_641 = vector.extract_strided_slice %get3A_9 {offsets = [11], sizes = [1], strides = [1]} : vector<16xf32> to vector<1xf32>
        %squeeze3A_642 = vector.extract %slice3A_641[0] : f32 from vector<1xf32>
        %mul3A_643 = vector.broadcast %squeeze3A_642 : f32 to vector<16xf32>
        %mul3A_644 = arith.mulf %mul3A_640, %mul3A_643 : vector<16xf32>
        %add3A_645 = arith.addf %add3A_635, %mul3A_644 : vector<16xf32>
        %broadcast_in_dim3A_646 = arith.constant 60 : i32
        %broadcast_in_dim3A_647 = vector.broadcast %broadcast_in_dim3A_646 : i32 to vector<16xi32>
        %gather3A_648 = tpu.vector_load_idx %arg10[%add3A_49, %broadcast_in_dim3A_647] : memref<256x64xf32, #tpu.memory_space<vmem>>[vector<16xi32>, vector<16xi32>], vector<16xf32>,
        %gather3A_649 = tpu.vector_load_idx %arg11[%add3A_49, %broadcast_in_dim3A_647] : memref<256x64xf32, #tpu.memory_space<vmem>>[vector<16xi32>, vector<16xi32>], vector<16xf32>,
        %mul3A_650 = arith.mulf %gather3A_648, %gather3A_649 : vector<16xf32>
        %slice3A_651 = vector.extract_strided_slice %get3A_9 {offsets = [12], sizes = [1], strides = [1]} : vector<16xf32> to vector<1xf32>
        %squeeze3A_652 = vector.extract %slice3A_651[0] : f32 from vector<1xf32>
        %mul3A_653 = vector.broadcast %squeeze3A_652 : f32 to vector<16xf32>
        %mul3A_654 = arith.mulf %mul3A_650, %mul3A_653 : vector<16xf32>
        %add3A_655 = arith.addf %add3A_645, %mul3A_654 : vector<16xf32>
        %broadcast_in_dim3A_656 = arith.constant 61 : i32
        %broadcast_in_dim3A_657 = vector.broadcast %broadcast_in_dim3A_656 : i32 to vector<16xi32>
        %gather3A_658 = tpu.vector_load_idx %arg10[%add3A_49, %broadcast_in_dim3A_657] : memref<256x64xf32, #tpu.memory_space<vmem>>[vector<16xi32>, vector<16xi32>], vector<16xf32>,
        %gather3A_659 = tpu.vector_load_idx %arg11[%add3A_49, %broadcast_in_dim3A_657] : memref<256x64xf32, #tpu.memory_space<vmem>>[vector<16xi32>, vector<16xi32>], vector<16xf32>,
        %mul3A_660 = arith.mulf %gather3A_658, %gather3A_659 : vector<16xf32>
        %slice3A_661 = vector.extract_strided_slice %get3A_9 {offsets = [13], sizes = [1], strides = [1]} : vector<16xf32> to vector<1xf32>
        %squeeze3A_662 = vector.extract %slice3A_661[0] : f32 from vector<1xf32>
        %mul3A_663 = vector.broadcast %squeeze3A_662 : f32 to vector<16xf32>
        %mul3A_664 = arith.mulf %mul3A_660, %mul3A_663 : vector<16xf32>
        %add3A_665 = arith.addf %add3A_655, %mul3A_664 : vector<16xf32>
        %broadcast_in_dim3A_666 = arith.constant 62 : i32
        %broadcast_in_dim3A_667 = vector.broadcast %broadcast_in_dim3A_666 : i32 to vector<16xi32>
        %gather3A_668 = tpu.vector_load_idx %arg10[%add3A_49, %broadcast_in_dim3A_667] : memref<256x64xf32, #tpu.memory_space<vmem>>[vector<16xi32>, vector<16xi32>], vector<16xf32>,
        %gather3A_669 = tpu.vector_load_idx %arg11[%add3A_49, %broadcast_in_dim3A_667] : memref<256x64xf32, #tpu.memory_space<vmem>>[vector<16xi32>, vector<16xi32>], vector<16xf32>,
        %mul3A_670 = arith.mulf %gather3A_668, %gather3A_669 : vector<16xf32>
        %slice3A_671 = vector.extract_strided_slice %get3A_9 {offsets = [14], sizes = [1], strides = [1]} : vector<16xf32> to vector<1xf32>
        %squeeze3A_672 = vector.extract %slice3A_671[0] : f32 from vector<1xf32>
        %mul3A_673 = vector.broadcast %squeeze3A_672 : f32 to vector<16xf32>
        %mul3A_674 = arith.mulf %mul3A_670, %mul3A_673 : vector<16xf32>
        %add3A_675 = arith.addf %add3A_665, %mul3A_674 : vector<16xf32>
        %broadcast_in_dim3A_676 = arith.constant 63 : i32
        %broadcast_in_dim3A_677 = vector.broadcast %broadcast_in_dim3A_676 : i32 to vector<16xi32>
        %gather3A_678 = tpu.vector_load_idx %arg10[%add3A_49, %broadcast_in_dim3A_677] : memref<256x64xf32, #tpu.memory_space<vmem>>[vector<16xi32>, vector<16xi32>], vector<16xf32>,
        %gather3A_679 = tpu.vector_load_idx %arg11[%add3A_49, %broadcast_in_dim3A_677] : memref<256x64xf32, #tpu.memory_space<vmem>>[vector<16xi32>, vector<16xi32>], vector<16xf32>,
        %mul3A_680 = arith.mulf %gather3A_678, %gather3A_679 : vector<16xf32>
        %slice3A_681 = vector.extract_strided_slice %get3A_9 {offsets = [15], sizes = [1], strides = [1]} : vector<16xf32> to vector<1xf32>
        %squeeze3A_682 = vector.extract %slice3A_681[0] : f32 from vector<1xf32>
        %mul3A_683 = vector.broadcast %squeeze3A_682 : f32 to vector<16xf32>
        %mul3A_684 = arith.mulf %mul3A_680, %mul3A_683 : vector<16xf32>
        %add3A_685 = arith.addf %add3A_675, %mul3A_684 : vector<16xf32>
        %mul3A_686 = arith.constant 16 : i32
        %mul3A_687 = arith.muli %scan3A_44, %mul3A_686 : i32
        %add3A_688 = arith.addi %mul3A_21, %mul3A_687 : i32
        %swap3A = arith.index_cast %add3A_688 : i32 to index
        %swap3A_689 = tpu.vector_load %arg12[%swap3A] {strides = array<i32>} : memref<512xf32, #tpu.memory_space<vmem>>, vector<16xf32>,
        tpu.vector_store %arg12[%swap3A], %add3A_685 {strides = array<i32>} : memref<512xf32, #tpu.memory_space<vmem>>, vector<16xf32>,
        %scan3A_690 = arith.constant 0 : i32
        scf.yield %scan3A_690 : i32
      }
      %scan3A_42 = arith.constant 16 : i32
      %scan3A_43 = arith.constant 0 : i32
      scf.yield %scan3A_43 : i32
    }
    %scan3A_17 = arith.constant 2 : i32
    "tpu.region"() ({
      %run_scoped3A = tpu.sem_alloc : memref<!tpu.dma_semaphore, #tpu.memory_space<semaphore_mem>>
      %dma_start3A = tpu.memref_slice %arg7[%mul3A_2] : memref<16384xf32, #tpu.memory_space<hbm>> -> memref<512xf32, #tpu.memory_space<hbm>>
      %dma_start3A_18 = tpu.memref_slice %arg7[%mul3A_2] : memref<16384xf32, #tpu.memory_space<hbm>> -> memref<512xf32, #tpu.memory_space<hbm>>
      tpu.enqueue_dma source(%arg12 : memref<512xf32, #tpu.memory_space<vmem>>) target(%dma_start3A_18 : memref<512xf32, #tpu.memory_space<hbm>>) target_semaphore(%run_scoped3A : memref<!tpu.dma_semaphore, #tpu.memory_space<semaphore_mem>>)
      %dma_wait3A = tpu.memref_slice %arg7[%mul3A_2] : memref<16384xf32, #tpu.memory_space<hbm>> -> memref<512xf32, #tpu.memory_space<hbm>>
      %dma_wait3A_19 = tpu.memref_slice %arg7[%mul3A_2] : memref<16384xf32, #tpu.memory_space<hbm>> -> memref<512xf32, #tpu.memory_space<hbm>>
      tpu.wait_dma2 semaphore(%run_scoped3A : memref<!tpu.dma_semaphore, #tpu.memory_space<semaphore_mem>>) src(%arg12 : memref<512xf32, #tpu.memory_space<vmem>>) dst(%dma_wait3A_19 : memref<512xf32, #tpu.memory_space<hbm>>)
      tpu.yield
    }) : () -> ()
    return
  }
}

</mosaic_0001>

<sc_bundles>
// kernel: kernel.3.cloned.1.call-start
scs
__scs_entry_jumppad:
0x0: {  	(pc) =	sbr.rel $0x88, $3  }
0x1: {  	(tag) =	ssettag $0x0;
	lr =	simm.s32 $0x1  }
0x2: {  	[smem:$0x3F9B] =	sst lr;
	_ =	strace $0xD0000000  }
0x3: {  	_ = 	snop  }
0x4: {  	_ = 	snop  }
0x5: {  	_ = 	snop  }
0x6: {  	_ = 	snop  }
0x7: {  	_ = 	snop  }
__scs_overlays_trampoline_lowered:
0x8: {  	[smem:$0x3FAA] =	sst s0  }
0x9: {  	[smem:$0x3FAB] =	sst s1  }
0xa: {  	[smem:$0x3FAC] =	sst s2  }
0xb: {  	[smem:$0x3FAD] =	sst s3  }
0xc: {  	[smem:$0x3FAE] =	sst s4  }
0xd: {  	[smem:$0x3FAF] =	sst s5  }
0xe: {  	[smem:$0x3FB0] =	sst s6  }
0xf: {  	[smem:$0x3FB1] =	sst s7  }
0x10: {  	[smem:$0x3FB2] =	sst s8  }
0x11: {  	[smem:$0x3FB3] =	sst s9;
	s0 =	simm.s32 @!p0 $0x0  }
0x12: {  	s1 =	sld [smem:$0x3F99];
	s0 =	simm.s32 @p0 $0x1  }
0x13: {  	[smem:$0x3FB4] =	sst s0;
	s0 =	simm.s32 @!p1 $0x0  }
0x14: {  	s2 =	sld [smem:$0x3F98];
	s0 =	simm.s32 @p1 $0x1  }
0x15: {  	[smem:$0x3FB5] =	sst s0;
	s0 =	simm.s32 @!p2 $0x0  }
0x16: {  	s3 =	sld [smem:$0x3FDB];
	s0 =	simm.s32 @p2 $0x1  }
0x17: {  	s4 =	simm.s32 $0x1BF5;
	[smem:$0x3FB7] =	sst s0  }
0x18: {  	s0 =	sld [smem:$0x3F9A];
	_ =	swait.ge [sflag:s4], $0x0  }
0x19: {  	s7 =	sld [smem:$0x3F9B]  }
0x1a: {  	s8 =	sadd.s32 $0xFFFFE003, lr  }
0x1b: {  	s9 =	sadd.s32 $0xFFFFFEF7, lr;
	s5 =	simm.s32 $0xFFFFFFFF;
	p2 =	slt.u32 s8, $0xFFFFF086  }
0x1c: {  	p1 =	slt.u32 s9, $0xF7A;
	s5 =	simm.s32 @!p2 $0x0  }
0x1d: {  	s5 =	simm.s32 @p1 $0x1;
	p0 =	seq.s32 s7, s2  }
0x1e: {  	s7 =	smul.u32 @!p0 $0xF7A, s2;
	p2 =	seq.s32 @!p0 s5, $0x0  }
0x1f: {  	s9 =	smul.u32 $0xF7A, s1;
	s8 =	simm.s32 @!p0 $0x1BF5;
	p2 =	por !p2, p0  }
0x20: {  	[sflag:s8] =	ssyncset.s32 @!p0 $0xFFFFF086;
	s6 =	sadd.s32 @!p0 s3, s7;
	s7 =	simm.s32 @!p0 $0x108  }
0x21: {  	s3 =	sadd.s32 s3, s9;
	s6 =	sadd.s32 @!p0 $0x88, s6;
	s7 =	simm.s32 @p2 $0x1082  }
0x22: {  	[simem:s7], [sflag:s8] =	dma.local @!p0 [hbm:s6], $0xF7A  }
0x23: {  	s9 =	sor.u32 $0xD0000000, s2;
	s6 =	simm.s32 $0x108;
	_ =	swait.ge @!p0 [sflag:s8], $0x0  }
0x24: {  	s3 =	sadd.s32 $0x88, s3;
	s6 =	simm.s32 @!p1 $0x1082;
	[sflag:s4] =	ssyncset.s32 $0xFFFFF086  }
0x25: {  	[simem:s6], [sflag:s4] =	dma.local [hbm:s3], $0xF7A  }
0x26: {  	[smem:$0x3F9B] =	sst s1;
	(tag) =	ssettag s2;
	_ =	strace s9  }
0x27: {  	s1 =	sld [smem:$0x3FAB]  }
0x28: {  	s2 =	sld [smem:$0x3FAC]  }
0x29: {  	s4 =	sld [smem:$0x3FAE]  }
0x2a: {  	p0 =	seq.s32 s5, $0x0;
	s5 =	sld [smem:$0x3FAF]  }
0x2b: {  	s6 =	sld [smem:$0x3FB0]  }
0x2c: {  	s7 =	sld [smem:$0x3FB1]  }
0x2d: {  	s3 =	simm.s32 $0x108;
	s8 =	sld [smem:$0x3FB2]  }
0x2e: {  	s3 =	simm.s32 @!p0 $0x1082;
	s9 =	sld [smem:$0x3FB3]  }
0x2f: {  	lr =	sadd.s32 s0, s3;
	s0 =	sld [smem:$0x3FAA]  }
0x30: {  	s3 =	sld [smem:$0x3FAD]  }
0x31: {  	[smem:$0x3FB6] =	sst s10  }
0x32: {  	s10 =	sld [smem:$0x3FB4];
	_ =	sdelay $0x3  }
0x33: {  	p0 =	seq.s32 s10, $0x1;
	s10 =	sld [smem:$0x3FB6];
	_ =	sdelay $0x3  }
0x34: {  	[smem:$0x3FB6] =	sst s10  }
0x35: {  	s10 =	sld [smem:$0x3FB5];
	_ =	sdelay $0x3  }
0x36: {  	p1 =	seq.s32 s10, $0x1;
	s10 =	sld [smem:$0x3FB6];
	_ =	sdelay $0x3  }
0x37: {  	[smem:$0x3FB6] =	sst s10  }
0x38: {  	s10 =	sld [smem:$0x3FB7]  }
0x39: {  	_ = 	snop;
	(pc) =	sbr.ind lr, $3  }
0x3a: {  	_ = 	snop  }
0x3b: {  	_ = 	snop  }
0x3c: {  	p2 =	seq.s32 s10, $0x1;
	s10 =	sld [smem:$0x3FB6]  }
0x3d: {  	_ =	shalt  }
0x3e: {  	_ =	shalt  }
0x3f: {  	_ =	shalt  }
0x40: {  	_ =	shalt  }
0x41: {  	_ =	shalt  }
0x42: {  	_ =	shalt  }
0x43: {  	_ =	shalt  }
0x44: {  	_ =	shalt  }
0x45: {  	_ =	shalt  }
0x46: {  	_ =	shalt  }
0x47: {  	_ =	shalt  }
0x48: {  	_ =	shalt  }
0x49: {  	_ =	shalt  }
0x4a: {  	_ =	shalt  }
0x4b: {  	_ =	shalt  }
0x4c: {  	_ =	shalt  }
0x4d: {  	_ =	shalt  }
0x4e: {  	_ =	shalt  }
0x4f: {  	_ =	shalt  }
0x50: {  	_ =	shalt  }
0x51: {  	_ =	shalt  }
0x52: {  	_ =	shalt  }
0x53: {  	_ =	shalt  }
0x54: {  	_ =	shalt  }
0x55: {  	_ =	shalt  }
0x56: {  	_ =	shalt  }
0x57: {  	_ =	shalt  }
0x58: {  	_ =	shalt  }
0x59: {  	_ =	shalt  }
0x5a: {  	_ =	shalt  }
0x5b: {  	_ =	shalt  }
0x5c: {  	_ =	shalt  }
0x5d: {  	_ =	shalt  }
0x5e: {  	_ =	shalt  }
0x5f: {  	_ =	shalt  }
0x60: {  	_ =	shalt  }
0x61: {  	_ =	shalt  }
0x62: {  	_ =	shalt  }
0x63: {  	_ =	shalt  }
0x64: {  	_ =	shalt  }
0x65: {  	_ =	shalt  }
0x66: {  	_ =	shalt  }
0x67: {  	_ =	shalt  }
0x68: {  	_ =	shalt  }
0x69: {  	_ =	shalt  }
0x6a: {  	_ =	shalt  }
0x6b: {  	_ =	shalt  }
0x6c: {  	_ =	shalt  }
0x6d: {  	_ =	shalt  }
0x6e: {  	_ =	shalt  }
0x6f: {  	_ =	shalt  }
0x70: {  	_ =	shalt  }
0x71: {  	_ =	shalt  }
0x72: {  	_ =	shalt  }
0x73: {  	_ =	shalt  }
0x74: {  	_ =	shalt  }
0x75: {  	_ =	shalt  }
0x76: {  	_ =	shalt  }
0x77: {  	_ =	shalt  }
0x78: {  	_ =	shalt  }
0x79: {  	_ =	shalt  }
0x7a: {  	_ =	shalt  }
0x7b: {  	_ =	shalt  }
0x7c: {  	_ =	shalt  }
0x7d: {  	_ =	shalt  }
0x7e: {  	_ =	shalt  }
0x7f: {  	_ =	shalt  }
0x80: {  	_ =	shalt  }
0x81: {  	_ =	shalt  }
0x82: {  	_ =	shalt  }
0x83: {  	_ =	shalt  }
0x84: {  	_ =	shalt  }
0x85: {  	_ =	shalt  }
0x86: {  	_ =	shalt  }
0x87: {  	_ =	shalt  }
.Lfunc_end0:
.L_simem_size_0:
called_computation_lowered:
.L_overlay_start_0:
0x88: {  	s2 =	sld [smem:$0x3FD9]  }
0x89: {  	s3 =	sld [smem:$0x3FFE];
	_ =	sdelay $0x1  }
0x8a: {  	s1 =	srdreg.scid  }
0x8b: {  	s0 =	sand.u32 $0x1, s1  }
0x8c: {  	s17 =	sshll.u32 s0, $0xA;
	s2 =	sadd.s32 s3, s2  }
0x8d: {  	s2 =	sadd.s32 s2, s17  }
0x8e: {  	[smem:$0x3FC2] =	sst s2  }
0x8f: {  	_ = 	snop  }
0x90: {  	s2 =	sld [smem:$0x3FC9]  }
0x91: {  	s18 =	sld [smem:$0x3FC8]  }
0x92: {  	s4 =	sld [smem:$0x3FD0];
	(tm) =	ssettm $0x1  }
0x93: {  	s5 =	sld [smem:$0x3FFB];
	_ =	sdelay $0x3  }
0x94: {  	_ =	strace s5  }
0x95: {  	s5 =	sld [smem:$0x3FFC];
	_ =	sdelay $0x3  }
0x96: {  	_ =	strace s5  }
0x97: {  	s5 =	sld [smem:$0x3FFD];
	_ =	sdelay $0x3  }
0x98: {  	_ =	strace s5  }
0x99: {  	_ =	strace $0x8FFFFFFF  }
0x9a: {  	s19 =	sld [smem:$0x3FDB];
	_ =	sdelay $0x1  }
0x9b: {  	s6 =	simm.s32 $_scs_section_size  }
0x9c: {  	s7 =	simm.s32 $_size__tile_overlayer_lowered;
	s8 =	simm.s32 $_tile_overlayer_lowered  }
0x9d: {  	s22 =	simm.s32 $0x1BFF;
	s21 =	sshll.u32 s8, $0x1;
	s5 =	sadd.s32 s6, s19  }
0x9e: {  	s9 =	simm.s32 $0x0;
	s20 =	sshll.u32 s7, $0x1;
	s7 =	sadd.s32 s21, s5  }
0x9f: {  	[timem:s9], [sflag:s22] =	dma.local [hbm:s7], s20  }
0xa0: {  	_ =	swait.ge [sflag:s22], s20  }
0xa1: {  	s6 =	ssub.s32 $0x0, s20;
	[sflag:s22] =	ssyncset.done $0x0  }
0xa2: {  	[sflag:s22] =	ssyncadd.s32 s6;
	_ =	sdelay $0x1  }
0xa3: {  	s23 =	simm.s32 $0x1B8B  }
0xa4: {  	_ =	swait.ge [sflag:s23], $0x1  }
0xa5: {  	[sflag:s23] =	ssyncset.done $0x0  }
0xa6: {  	s25 =	simm.s32 $0x1B8E;
	s24 =	sld [smem:$0x3FFE];
	[sflag:s23] =	ssyncadd.s32 $0xFFFFFFFF  }
0xa7: {  	s26 =	simm.s32 $execute0_lowered;
	[smem:$0x3FD2] =	sst s25  }
0xa8: {  	s7 =	sshll.u32 s26, $0x1;
	_ =	strace $0x80000046;
	[dreg:$0x1] =	wrdreg $0xFFFFFFFF  }
0xa9: {  	s28 =	simm.s32 $_size_execute0_lowered;
	s5 =	sadd.s32 s5, s7;
	[dreg:$0x0] =	wrdreg $0x0  }
0xaa: {  	s7 =	sshll.u32 s28, $0x1;
	[dreg:$0x2] =	wrdreg s5  }
0xab: {  	[dreg:$0x3] =	wrdreg s7  }
0xac: {  	[dreg:$0x4] =	wrdreg $0xC0  }
0xad: {  	_ =	task [dreg:s9], $0x5FFFF  }
0xae: {  	[dreg:$0x1] =	wrdreg $0xFFFFFFFF  }
0xaf: {  	[dreg:$0x0] =	wrdreg $0x60  }
0xb0: {  	[dreg:$0x2] =	wrdreg s2  }
0xb1: {  	[dreg:$0x3] =	wrdreg s18  }
0xb2: {  	[dreg:$0x4] =	wrdreg s24  }
0xb3: {  	[dreg:$0x5] =	wrdreg s4  }
0xb4: {  	[dreg:$0x6] =	wrdreg $0x9  }
0xb5: {  	_ =	task.clear_ibuf [dreg:s9], $0x7FFFF;
	_ =	strace $0x90000046  }
0xb6: {  	s29 =	simm.s32 $0x9;
	_ =	strace $0x80000048  }
0xb7: {  	_ =	swait.ge [sflag:s29], $0x1  }
0xb8: {  	[sflag:s29] =	ssyncadd.s32 $0xFFFFFFFF  }
0xb9: {  	_ =	strace $0x90000048  }
0xba: {  	_ =	sfence  }
0xbb: {  	s30 =	sld [smem:$0x0];
	_ =	sdelay $0x2  }
0xbc: {  	s31 =	sshll.u32 s1, $0xD;
	s1 =	sshrl.u32 s1, $0x2  }
0xbd: {  	s3 =	sand.u32 $0x4000, s31;
	s1 =	sadd.s32 s1, s30  }
0xbe: {  	s0 =	sor.u32 s3, s0;
	s1 =	sshll.u32 s1, $0x11  }
0xbf: {  	s0 =	sor.u32 s1, s0  }
0xc0: {  	s0 =	sadd.s32 $0x8F2B, s0  }
0xc1: {  	[sflag:s0] =	ssyncadd.remote.s32 $0x1  }
0xc2: {  	_ =	sfence.sel $0xFFFF  }
0xc3: {  	[dreg:$0x0] =	wrdreg $0xFFFFFFFF;
	(pc) =	sbr.abs _section_cstart, $3  }
0xc4: {  	[dreg:$0x1] =	wrdreg $0xFFFFFFFF  }
0xc5: {  	_ =	task.clear_ibuf [dreg:s9], $0x2FFFF;
	_ =	strace $0x9FFFFFFF  }
0xc6: {  	(tm) =	ssettm $0x7FFFFFFF  }
0xc7: {  	_ =	shalt  }
tec
execute0_lowered:
.L_overlay_start_1:
0x0: {  	(tag) =	ssettag $0x1  }
0x1: {  	s0 =	rddreg [dreg:$0x0]  }
0x2: {  	s1 =	rddreg [dreg:$0x1]  }
0x3: {  	s2 =	rddreg [dreg:$0x2]  }
0x4: {  	s3 =	rddreg [dreg:$0x3];
	s11 =	simm.s32 $0x0;
	s4 =	srdreg.scid  }
0x5: {  	s6 =	stileid.u32;
	s15 =	simm.s32 $0x400;
	s16 =	simm.s32 $0x8400  }
0x6: {  	[smem:$0x7FF] =	sst s11;
	s12 =	sadd.s32 $0x187000, s2;
	s4 =	sand.u32 $0x1, s4  }
0x7: {  	s6 =	sshll.u32 s6, $0x7;
	s5 =	ssub.s32 $0x2, s4;
	s4 =	sshll.u32 s4, $0x6  }
0x8: {  	s13 =	sadd.s32 $0x600, s2;
	s2 =	sadd.s32 $0x10C9400, s2;
	s4 =	sor.u32 s4, s6  }
0x9: {  	_ =	strace $0x80000047;
	[dreg:$0x10] =	wrdreg s2;
	s0 =	sadd.s32 s0, s4  }
0xa: {  	s7 =	sshrl.u32 s5, $0x1;
	s29 =	sadd.s32 s1, s4;
	[dreg:$0x11] =	wrdreg s0  }
0xb: {  	s28 =	ssub.s32 s5, s7;
	s30 =	sadd.s32 s3, s4;
	[dreg:$0x12] =	wrdreg s29  }
0xc: {  	v0 =	vlaneseq.u32;
	p2 =	por $0x0, $0x0;
	[dreg:$0x13] =	wrdreg s30;
	s31 =	smax.u32 s28, $0x1  }
0xd: {  	v15 =	vmul.u32 $0x80, v0;
	s2 =	simm.s32 $0x0;
	s1 =	simm.s32 $0x3;
	[dreg:$0x14] =	wrdreg s31  }
.LBB2_1:
0xe: {  	[dreg:$0x15] =	wrdreg s2  }
0xf: {  	s0 =	rddreg [dreg:$0x11]  }
0x10: {  	[tilespmem:s11], [sflag:$0x3] =	stream.linear.gather [hbm4b:s0+s11], $0x200, $0x38;
	[tilespmem:$0x10680] =	vst v63  }
0x11: {  	_ =	swait.ge [sflag:s1], $0x200  }
0x12: {  	[sflag:s1] =	ssyncset.done $0x0  }
0x13: {  	s29 =	simm.s32 $0x200;
	s28 =	rddreg [dreg:$0x12];
	[sflag:s1] =	ssyncadd.s32 $0xFFFFFE00  }
0x14: {  	[tilespmem:s29], [sflag:$0x3] =	stream.linear.gather [hbm4b:s28+s11], $0x200, $0x38;
	[tilespmem:$0x10680] =	vst v63  }
0x15: {  	_ =	swait.ge [sflag:s1], $0x200  }
0x16: {  	[sflag:s1] =	ssyncset.done $0x0  }
0x17: {  	s31 =	simm.s32 $0x10600;
	s30 =	rddreg [dreg:$0x10];
	[sflag:s1] =	ssyncadd.s32 $0xFFFFFE00  }
0x18: {  	[tilespmem:s31], [sflag:$0x3] =	stream.linear.gather [hbm4b:s30+s11], $0x80, $0x38;
	[tilespmem:$0x10680] =	vst v63  }
0x19: {  	_ =	swait.ge [sflag:s1], $0x80  }
0x1a: {  	[sflag:s1] =	ssyncset.done $0x0  }
0x1b: {  	[sflag:s1] =	ssyncadd.s32 $0xFFFFFF80  }
0x1c: {  	v0 =	vld [tilespmem:$0x10600];
	_ =	sdelay $0x4  }
0x1d: {  	v16 =	vbroadcast v0, $0x0;
	v18 =	vbroadcast v0, $0x1  }
0x1e: {  	v6 =	vbroadcast v0, $0x2;
	v1 =	vbroadcast v0, $0x3  }
0x1f: {  	v9 =	vbroadcast v0, $0x5;
	v10 =	vbroadcast v0, $0x6  }
0x20: {  	v11 =	vbroadcast v0, $0x7;
	v12 =	vbroadcast v0, $0x8  }
0x21: {  	v13 =	vbroadcast v0, $0x9;
	v14 =	vbroadcast v0, $0xA  }
0x22: {  	v8 =	vbroadcast v0, $0xB;
	v2 =	vbroadcast v0, $0xD  }
0x23: {  	v7 =	vbroadcast v0, $0xC;
	v3 =	vbroadcast v0, $0xF;
	[tilespmem:$0x1FD50] =	vst v1  }
0x24: {  	v1 =	vbroadcast v0, $0x4;
	[tilespmem:$0x1FD70] =	vst v2;
	v2 =	vbroadcast v0, $0xE;
	v0 =	vld [tilespmem:$0x10620];
	_ =	sdelay $0x2  }
0x25: {  	[tilespmem:$0x1FD60] =	vst v1;
	v1 =	vld [tilespmem:$0x10610];
	_ =	sdelay $0x1  }
0x26: {  	v32 =	vbroadcast v0, $0x1  }
0x27: {  	[tilespmem:$0x1FF80] =	vst v6;
	v24 =	vbroadcast v0, $0xC;
	v63 =	vbroadcast v0, $0xD  }
0x28: {  	[tilespmem:$0x1FF90] =	vst v9;
	v51 =	vbroadcast v0, $0xE;
	v22 =	vbroadcast v0, $0xF  }
0x29: {  	[tilespmem:$0x1FFA0] =	vst v10;
	v4 =	vbroadcast v1, $0x0;
	v5 =	vbroadcast v1, $0x1  }
0x2a: {  	[tilespmem:$0x1FFB0] =	vst v11;
	v20 =	vbroadcast v1, $0x2;
	v31 =	vbroadcast v1, $0x3  }
0x2b: {  	[tilespmem:$0x1FFC0] =	vst v12;
	v37 =	vbroadcast v1, $0x4;
	v38 =	vbroadcast v1, $0x5  }
0x2c: {  	[tilespmem:$0x1FFD0] =	vst v3;
	v39 =	vbroadcast v1, $0x6;
	v40 =	vbroadcast v1, $0x7  }
0x2d: {  	[tilespmem:$0x1FF60] =	vst v2;
	v41 =	vbroadcast v1, $0x8;
	v42 =	vbroadcast v1, $0x9  }
0x2e: {  	v43 =	vbroadcast v1, $0xA;
	v59 =	vbroadcast v1, $0xB;
	[tilespmem:$0x1FE90] =	vst v22  }
0x2f: {  	v45 =	vbroadcast v1, $0xC;
	v62 =	vbroadcast v1, $0xD;
	[tilespmem:$0x1FEA0] =	vst v51  }
0x30: {  	v47 =	vbroadcast v1, $0xE;
	v19 =	vbroadcast v1, $0xF;
	v1 =	vld [tilespmem:$0x10630];
	[tilespmem:$0x1FEB0] =	vst v63  }
0x31: {  	v57 =	vbroadcast v0, $0x8;
	[tilespmem:$0x1FEC0] =	vst v24  }
0x32: {  	v55 =	vbroadcast v0, $0x6;
	[tilespmem:$0x1FED0] =	vst v32  }
0x33: {  	v36 =	vbroadcast v0, $0xA;
	[tilespmem:$0x1FEF0] =	vst v57  }
0x34: {  	v56 =	vbroadcast v0, $0x7;
	[tilespmem:$0x1FF10] =	vst v55  }
0x35: {  	[tilespmem:$0x1FF20] =	vst v36;
	v21 =	vbroadcast v1, $0x5  }
0x36: {  	v52 =	vbroadcast v0, $0x3;
	[tilespmem:$0x1FF30] =	vst v56  }
0x37: {  	[tilespmem:$0x1FD80] =	vst v21;
	v21 =	vbroadcast v1, $0x6  }
0x38: {  	[tilespmem:$0x1FF40] =	vst v52  }
0x39: {  	[tilespmem:$0x1FD90] =	vst v21;
	v21 =	vbroadcast v1, $0x7  }
0x3a: {  	[tilespmem:$0x1FEE0] =	vst v43  }
0x3b: {  	[tilespmem:$0x1FDA0] =	vst v21;
	v21 =	vbroadcast v1, $0x8  }
0x3c: {  	[tilespmem:$0x1FF00] =	vst v31  }
0x3d: {  	[tilespmem:$0x1FDB0] =	vst v21;
	v21 =	vbroadcast v1, $0x9  }
0x3e: {  	[tilespmem:$0x1FF50] =	vst v47  }
0x3f: {  	[tilespmem:$0x1FDC0] =	vst v21;
	v21 =	vbroadcast v1, $0xA  }
0x40: {  	[tilespmem:$0x1FF70] =	vst v4  }
0x41: {  	[tilespmem:$0x1FDD0] =	vst v21;
	v21 =	vbroadcast v1, $0xB  }
0x42: {  	[tilespmem:$0x1FFE0] =	vst v5  }
0x43: {  	[tilespmem:$0x1FDE0] =	vst v21;
	v21 =	vbroadcast v1, $0xC  }
0x44: {  	[tilespmem:$0x1FFF0] =	vst v37;
	v25 =	vbroadcast v1, $0x0;
	v53 =	vbroadcast v1, $0x4  }
0x45: {  	v26 =	vbroadcast v1, $0x1;
	[tilespmem:$0x1FDF0] =	vst v21;
	v21 =	vbroadcast v1, $0xD  }
0x46: {  	v48 =	vbroadcast v1, $0x2;
	v33 =	vbroadcast v1, $0x3;
	[tilespmem:$0x1FE40] =	vst v53  }
0x47: {  	[tilespmem:$0x1FE00] =	vst v21;
	v21 =	vbroadcast v1, $0xE;
	v1 =	vbroadcast v1, $0xF  }
0x48: {  	[tilespmem:$0x1FE50] =	vst v33  }
0x49: {  	[tilespmem:$0x1FE20] =	vst v1;
	v1 =	vld [tilespmem:$0x10640]  }
0x4a: {  	[tilespmem:$0x1FE60] =	vst v48  }
0x4b: {  	[tilespmem:$0x1FE70] =	vst v26  }
0x4c: {  	v29 =	vbroadcast v0, $0x0;
	v35 =	vbroadcast v0, $0x2;
	[tilespmem:$0x1FE80] =	vst v25  }
0x4d: {  	v17 =	vbroadcast v0, $0x4;
	v54 =	vbroadcast v0, $0x5;
	[tilespmem:$0x1FE10] =	vst v21  }
0x4e: {  	p1 =	por $0x1, $0x1;
	s0 =	simm.s32 $0x0;
	v28 =	vbroadcast v0, $0x9;
	v61 =	vbroadcast v0, $0xB;
	[tilespmem:$0x1FE30] =	vst v1  }
.LBB2_2:
0x4f: {  	s18 =	sshll.u32 s0, $0x2  }
0x50: {  	s1 =	sshra.s32 s18, $0x2  }
0x51: {  	v23 =	vmov v32;
	v32 =	vmov v2;
	[dreg:$0x16] =	wrdreg s0;
	s0 =	sadd.s32 $0x200, s1;
	v2 =	vld [tilespmem:s1+$0x0]  }
0x52: {  	v34 =	vmov v4;
	v4 =	vld [tilespmem:s0+$0x0];
	_ =	sdelay $0x3  }
0x53: {  	v33 =	vmov v3;
	v3 =	vshll.u32 v2, $0x4  }
0x54: {  	v2 =	vshll.u32 v4, $0x4;
	(v2sf) =	vpush v3, $0x0  }
0x55: {  	(v2sf) =	vpush v2, $0x0  }
0x56: {  	(v2sf) =	vpush v3, $0x1;
	_ =	sdelay $0x1  }
0x57: {  	(v2sf) =	vpush v2, $0x1;
	_ =	sdelay $0x2  }
0x58: {  	(v2sf) =	vpush v3, $0x2;
	_ =	sdelay $0x1  }
0x59: {  	(v2sf) =	vpush v2, $0x2;
	_ =	sdelay $0x1  }
0x5a: {  	s21 =	simm.s32 $0x2000;
	s20 =	simm.s32 $0x0;
	s2 =	simm.s32 $0x8400;
	(v2sf) =	vpush v3, $0x3  }
0x5b: {  	s3 =	simm.s32 $0x680;
	s6 =	simm.s32 $0x880;
	s4 =	simm.s32 $0x400  }
0x5c: {  	s7 =	simm.s32 $0x600;
	s17 =	simm.s32 $0x8900;
	s23 =	simm.s32 $0x480;
	(v2sf) =	vpush v2, $0x3  }
0x5d: {  	s25 =	simm.s32 $0x8480;
	s30 =	simm.s32 $0xA00;
	s29 =	simm.s32 $0xB00  }
0x5e: {  	p0 =	por p1, p1;
	s28 =	simm.s32 $0x8B00;
	s5 =	spop (v2sf)  }
0x5f: {  	s18 =	simm.s32 $0x8500;
	s5 =	sand.u32 $0x1FFFFFF0, s5;
	s8 =	spop (v2sf)  }
0x60: {  	(v2sf) =	vpush v3, $0x4;
	s5 =	sadd.s32 s12, s5;
	s8 =	sand.u32 $0x1FFFFFF0, s8;
	s9 =	spop (v2sf)  }
0x61: {  	[tilespmem:s4], [sflag:$0x1] =	stream.linear.gather [hbm4b:s5+s11], $0x80, $0x38;
	[tilespmem:$0x10680] =	vst v63  }
0x62: {  	(v2sf) =	vpush v2, $0x4;
	s19 =	sadd.s32 s13, s8;
	s22 =	sand.u32 $0x1FFFFFF0, s9;
	s24 =	spop (v2sf)  }
0x63: {  	(v2sf) =	vpush v3, $0x5;
	s5 =	simm.s32 $0x500;
	s9 =	simm.s32 $0x8A00;
	s8 =	sadd.s32 s12, s22  }
0x64: {  	[tilespmem:s2], [sflag:$0x2] =	stream.linear.gather [hbm4b:s19+s11], $0x80, $0x38;
	[tilespmem:$0x10680] =	vst v63  }
0x65: {  	s4 =	sand.u32 $0x1FFFFFF0, s24;
	s26 =	spop (v2sf);
	s22 =	simm.s32 $0x580  }
0x66: {  	(v2sf) =	vpush v2, $0x5;
	[tilespmem:s23], [sflag:$0x1] =	stream.linear.gather [hbm4b:s8+s11], $0x80, $0x38;
	[tilespmem:$0x10680] =	vst v63  }
0x67: {  	s4 =	sadd.s32 s13, s4;
	s31 =	spop (v2sf);
	(v2sf) =	vpush v3, $0x6;
	s8 =	sand.u32 $0x1FFFFFF0, s26  }
0x68: {  	[tilespmem:s25], [sflag:$0x2] =	stream.linear.gather [hbm4b:s4+s11], $0x80, $0x38;
	[tilespmem:$0x10680] =	vst v63  }
0x69: {  	s14 =	sand.u32 $0x1FFFFFF0, s31;
	s19 =	spop (v2sf);
	(v2sf) =	vpush v2, $0x6;
	s10 =	sadd.s32 s12, s8  }
0x6a: {  	[tilespmem:s5], [sflag:$0x1] =	stream.linear.gather [hbm4b:s10+s11], $0x80, $0x38;
	[tilespmem:$0x10680] =	vst v63  }
0x6b: {  	s23 =	spop (v2sf);
	s8 =	sadd.s32 s13, s14;
	s4 =	sand.u32 $0x1FFFFFF0, s19  }
0x6c: {  	[tilespmem:s18], [sflag:$0x2] =	stream.linear.gather [hbm4b:s8+s11], $0x80, $0x38;
	[tilespmem:$0x10680] =	vst v63  }
0x6d: {  	(v2sf) =	vpush v3, $0x7;
	s25 =	simm.s32 $0x8580;
	s4 =	sadd.s32 s12, s4;
	s8 =	sand.u32 $0x1FFFFFF0, s23  }
0x6e: {  	[tilespmem:s22], [sflag:$0x1] =	stream.linear.gather [hbm4b:s4+s11], $0x80, $0x38;
	[tilespmem:$0x10680] =	vst v63  }
0x6f: {  	s10 =	simm.s32 $0x8600;
	s26 =	sadd.s32 s13, s8;
	s24 =	spop (v2sf)  }
0x70: {  	[tilespmem:s25], [sflag:$0x2] =	stream.linear.gather [hbm4b:s26+s11], $0x80, $0x38;
	[tilespmem:$0x10680] =	vst v63  }
0x71: {  	s23 =	simm.s32 $0x8680;
	(v2sf) =	vpush v2, $0x7;
	s31 =	sand.u32 $0x1FFFFFF0, s24;
	s5 =	spop (v2sf)  }
0x72: {  	s8 =	sadd.s32 s12, s31;
	s2 =	sand.u32 $0x1FFFFFF0, s5;
	s14 =	spop (v2sf)  }
0x73: {  	(v2sf) =	vpush v3, $0x8;
	[tilespmem:s7], [sflag:$0x1] =	stream.linear.gather [hbm4b:s8+s11], $0x80, $0x38;
	[tilespmem:$0x10680] =	vst v63  }
0x74: {  	(v2sf) =	vpush v2, $0x8;
	s25 =	simm.s32 $0x700;
	s2 =	sadd.s32 s13, s2;
	s7 =	sand.u32 $0x1FFFFFF0, s14  }
0x75: {  	s18 =	spop (v2sf);
	s14 =	simm.s32 $0xA80;
	s19 =	sadd.s32 s12, s7  }
0x76: {  	(v2sf) =	vpush v3, $0x9;
	s22 =	sand.u32 $0x1FFFFFF0, s18;
	s24 =	spop (v2sf);
	s7 =	simm.s32 $0x780  }
0x77: {  	[tilespmem:s10], [sflag:$0x2] =	stream.linear.gather [hbm4b:s2+s11], $0x80, $0x38;
	[tilespmem:$0x10680] =	vst v63  }
0x78: {  	(v2sf) =	vpush v2, $0x9;
	s4 =	sadd.s32 s13, s22;
	s26 =	spop (v2sf);
	s10 =	simm.s32 $0x8780  }
0x79: {  	[tilespmem:s3], [sflag:$0x1] =	stream.linear.gather [hbm4b:s19+s11], $0x80, $0x38;
	[tilespmem:$0x10680] =	vst v63  }
0x7a: {  	(v2sf) =	vpush v3, $0xA;
	s22 =	simm.s32 $0x800;
	s2 =	simm.s32 $0x8980;
	s3 =	sand.u32 $0x1FFFFFF0, s24  }
0x7b: {  	[tilespmem:s23], [sflag:$0x2] =	stream.linear.gather [hbm4b:s4+s11], $0x80, $0x38;
	[tilespmem:$0x10680] =	vst v63  }
0x7c: {  	s31 =	spop (v2sf);
	(v2sf) =	vpush v2, $0xA;
	s3 =	sadd.s32 s12, s3;
	s4 =	sand.u32 $0x1FFFFFF0, s26  }
0x7d: {  	[tilespmem:s25], [sflag:$0x1] =	stream.linear.gather [hbm4b:s3+s11], $0x80, $0x38;
	[tilespmem:$0x10680] =	vst v63  }
0x7e: {  	s5 =	sand.u32 $0x1FFFFFF0, s31;
	s4 =	sadd.s32 s13, s4;
	s3 =	simm.s32 $0x8700  }
0x7f: {  	[tilespmem:s3], [sflag:$0x2] =	stream.linear.gather [hbm4b:s4+s11], $0x80, $0x38;
	[tilespmem:$0x10680] =	vst v63  }
0x80: {  	s25 =	simm.s32 $0x8800;
	s4 =	sadd.s32 s12, s5;
	s8 =	spop (v2sf);
	(v2sf) =	vpush v3, $0xB  }
0x81: {  	[tilespmem:s7], [sflag:$0x1] =	stream.linear.gather [hbm4b:s4+s11], $0x80, $0x38;
	[tilespmem:$0x10680] =	vst v63  }
0x82: {  	(v2sf) =	vpush v2, $0xB;
	s3 =	sand.u32 $0x1FFFFFF0, s8;
	s18 =	spop (v2sf);
	s8 =	simm.s32 $0x8880  }
0x83: {  	s3 =	sadd.s32 s13, s3;
	s4 =	sand.u32 $0x1FFFFFF0, s18;
	s19 =	spop (v2sf)  }
0x84: {  	[tilespmem:s10], [sflag:$0x2] =	stream.linear.gather [hbm4b:s3+s11], $0x80, $0x38;
	[tilespmem:$0x10680] =	vst v63  }
0x85: {  	(v2sf) =	vpush v3, $0xC;
	s23 =	sadd.s32 s12, s4;
	s24 =	sand.u32 $0x1FFFFFF0, s19;
	s26 =	spop (v2sf)  }
0x86: {  	(v2sf) =	vpush v2, $0xC;
	[tilespmem:s22], [sflag:$0x1] =	stream.linear.gather [hbm4b:s23+s11], $0x80, $0x38;
	[tilespmem:$0x10680] =	vst v63  }
0x87: {  	s4 =	sadd.s32 s13, s24;
	s3 =	sand.u32 $0x1FFFFFF0, s26;
	s31 =	spop (v2sf)  }
0x88: {  	[tilespmem:s25], [sflag:$0x2] =	stream.linear.gather [hbm4b:s4+s11], $0x80, $0x38;
	[tilespmem:$0x10680] =	vst v63  }
0x89: {  	s3 =	sadd.s32 s12, s3;
	s5 =	spop (v2sf);
	s4 =	sand.u32 $0x1FFFFFF0, s31  }
0x8a: {  	[tilespmem:s6], [sflag:$0x1] =	stream.linear.gather [hbm4b:s3+s11], $0x80, $0x38;
	[tilespmem:$0x10680] =	vst v63  }
0x8b: {  	s10 =	sand.u32 $0x1FFFFFF0, s5;
	s19 =	spop (v2sf);
	s4 =	sadd.s32 s13, s4  }
0x8c: {  	[tilespmem:s8], [sflag:$0x2] =	stream.linear.gather [hbm4b:s4+s11], $0x80, $0x38;
	[tilespmem:$0x10680] =	vst v63  }
0x8d: {  	s18 =	simm.s32 $0x900;
	s22 =	sand.u32 $0x1FFFFFF0, s19;
	s6 =	sadd.s32 s12, s10  }
0x8e: {  	[tilespmem:s18], [sflag:$0x1] =	stream.linear.gather [hbm4b:s6+s11], $0x80, $0x38;
	[tilespmem:$0x10680] =	vst v63  }
0x8f: {  	s25 =	simm.s32 $0x980;
	s3 =	sadd.s32 s13, s22;
	s23 =	spop (v2sf)  }
0x90: {  	v1 =	vmov v6;
	[tilespmem:s17], [sflag:$0x2] =	stream.linear.gather [hbm4b:s3+s11], $0x80, $0x38;
	[tilespmem:$0x10680] =	vst v63  }
0x91: {  	v21 =	vmovc v36;
	v63 =	vmovc v57;
	v25 =	vmov v56;
	v56 =	vmov v55;
	s10 =	simm.s32 $0x8A80;
	(v2sf) =	vpush v3, $0xD;
	s4 =	sand.u32 $0x1FFFFFF0, s23;
	s24 =	spop (v2sf)  }
.Ltmp0:
0x92: {  	v55 =	vmovc v54;
	v26 =	vmovc v17;
	v24 =	vmov v52;
	v60 =	vmov v35;
	(v2sf) =	vpush v2, $0xD;
	s4 =	sadd.s32 s12, s4;
	s5 =	sand.u32 $0x1FFFFFF0, s24;
	(pc) =	sbr.rel @p2 .LBB2_4-.Ltmp0, $4  }
0x93: {  	v50 =	vmovc v29;
	v49 =	vmovc v19;
	v48 =	vmov v47;
	v46 =	vmov v45;
	(v2sf) =	vpush v3, $0xE;
	[tilespmem:s25], [sflag:$0x1] =	stream.linear.gather [hbm4b:s4+s11], $0x80, $0x38;
	[tilespmem:$0x10680] =	vst v63  }
0x94: {  	v44 =	vmovc v43;
	v43 =	vmovc v42;
	v42 =	vmov v41;
	v41 =	vmov v40;
	s24 =	sadd.s32 $0x10, s1;
	s31 =	spop (v2sf);
	s26 =	sadd.s32 s13, s5;
	(v2sf) =	vpush v2, $0xE  }
0x95: {  	v40 =	vmovc v39;
	v39 =	vmovc v38;
	v38 =	vmov v37;
	v37 =	vmov v31;
	s25 =	sadd.s32 $0x10, s0;
	s0 =	sand.u32 $0x1FFFFFF0, s31;
	(v2sf) =	vpush v3, $0xF;
	s1 =	spop (v2sf)  }
0x96: {  	v36 =	vmovc v20;
	v35 =	vmovc v5;
	v22 =	vmov v61;
	v27 =	vmov v28;
	[tilespmem:s2], [sflag:$0x2] =	stream.linear.gather [hbm4b:s26+s11], $0x80, $0x38;
	(v2sf) =	vpush v2, $0xF;
	[tilespmem:$0x10680] =	vst v63  }
.LBB2_3:
0x97: {  	_ =	sdelay $0x4  }
0x98: {  	s0 =	sadd.s32 s12, s0;
	s1 =	sand.u32 $0x1FFFFFF0, s1  }
0x99: {  	[tilespmem:s30], [sflag:$0x1] =	stream.linear.gather [hbm4b:s0+s11], $0x80, $0x38;
	[tilespmem:$0x10680] =	vst v63  }
0x9a: {  	s7 =	sadd.s32 s13, s1  }
0x9b: {  	[tilespmem:s9], [sflag:$0x2] =	stream.linear.gather [hbm4b:s7+s11], $0x80, $0x38;
	[tilespmem:$0x10680] =	vst v63  }
0x9c: {  	s2 =	spop (v2sf)  }
0x9d: {  	s8 =	sand.u32 $0x1FFFFFF0, s2;
	s17 =	spop (v2sf)  }
0x9e: {  	s18 =	sadd.s32 s12, s8;
	s19 =	sand.u32 $0x1FFFFFF0, s17;
	s22 =	spop (v2sf)  }
0x9f: {  	[tilespmem:s14], [sflag:$0x1] =	stream.linear.gather [hbm4b:s18+s11], $0x80, $0x38;
	[tilespmem:$0x10680] =	vst v63  }
0xa0: {  	s23 =	sadd.s32 s13, s19;
	s26 =	sand.u32 $0x1FFFFFF0, s22;
	s31 =	spop (v2sf)  }
0xa1: {  	[tilespmem:s10], [sflag:$0x2] =	stream.linear.gather [hbm4b:s23+s11], $0x80, $0x38;
	[tilespmem:$0x10680] =	vst v63  }
0xa2: {  	s3 =	sadd.s32 s12, s26;
	s4 =	sand.u32 $0x1FFFFFF0, s31;
	s5 =	spop (v2sf)  }
0xa3: {  	[tilespmem:s29], [sflag:$0x1] =	stream.linear.gather [hbm4b:s3+s11], $0x80, $0x38;
	[tilespmem:$0x10680] =	vst v63  }
0xa4: {  	s6 =	sadd.s32 s13, s4;
	s7 =	sand.u32 $0x1FFFFFF0, s5;
	s8 =	spop (v2sf)  }
0xa5: {  	[tilespmem:s28], [sflag:$0x2] =	stream.linear.gather [hbm4b:s6+s11], $0x80, $0x38;
	[tilespmem:$0x10680] =	vst v63  }
0xa6: {  	s9 =	sadd.s32 $0xB80, s20;
	s1 =	sadd.s32 s12, s7;
	s2 =	sand.u32 $0x1FFFFFF0, s8  }
0xa7: {  	[tilespmem:s9], [sflag:$0x1] =	stream.linear.gather [hbm4b:s1+s11], $0x80, $0x38;
	[tilespmem:$0x10680] =	vst v63  }
0xa8: {  	s10 =	sadd.s32 $0x8B80, s20;
	s14 =	sadd.s32 s13, s2  }
0xa9: {  	[tilespmem:s10], [sflag:$0x2] =	stream.linear.gather [hbm4b:s14+s11], $0x80, $0x38;
	[tilespmem:$0x10680] =	vst v63  }
0xaa: {  	v2 =	vld [tilespmem:s24+$0x0]  }
0xab: {  	v4 =	vld [tilespmem:s25+$0x0];
	_ =	sdelay $0x3  }
0xac: {  	v3 =	vshll.u32 v2, $0x4  }
0xad: {  	s17 =	smov.u32 s21;
	v2 =	vshll.u32 v4, $0x4;
	(v2sf) =	vpush v3, $0x0  }
0xae: {  	p1 =	seq.s32 s21, $0x1E000;
	s21 =	sadd.s32 $0x2000, s21;
	s20 =	sshra.s32 s17, $0x2;
	(v2sf) =	vpush v2, $0x0  }
0xaf: {  	s5 =	simm.s32 $0x0;
	s0 =	sadd.s32 $0x680, s20;
	s18 =	sadd.s32 $0x880, s20;
	(v2sf) =	vpush v3, $0x1  }
0xb0: {  	s19 =	sadd.s32 $0x8900, s20;
	s4 =	sadd.s32 $0x8580, s20;
	[dreg:$0xd] =	wrdreg s0  }
0xb1: {  	s31 =	sadd.s32 $0x500, s20;
	s8 =	sadd.s32 $0xA80, s20;
	[dreg:$0x7] =	wrdreg s18;
	(v2sf) =	vpush v2, $0x1  }
0xb2: {  	s7 =	sadd.s32 $0x8500, s20;
	s22 =	sadd.s32 $0x8980, s20;
	[dreg:$0x5] =	wrdreg s19  }
0xb3: {  	s23 =	sadd.s32 $0x8880, s20;
	s26 =	sadd.s32 $0x900, s20;
	[dreg:$0x6] =	wrdreg s22;
	(v2sf) =	vpush v3, $0x2  }
0xb4: {  	s17 =	sadd.s32 $0x780, s20;
	s30 =	sadd.s32 $0xA00, s20;
	[dreg:$0x9] =	wrdreg s23  }
0xb5: {  	s2 =	sadd.s32 $0x8400, s20;
	s0 =	sadd.s32 $0x580, s20;
	[dreg:$0x8] =	wrdreg s26  }
0xb6: {  	s3 =	sadd.s32 $0x8A00, s20;
	s19 =	sadd.s32 $0x8680, s20;
	[dreg:$0xf] =	wrdreg s17;
	(v2sf) =	vpush v2, $0x2  }
0xb7: {  	s18 =	sadd.s32 $0x700, s20;
	s22 =	sadd.s32 $0x8800, s20;
	[dreg:$0xa] =	wrdreg s3  }
0xb8: {  	s17 =	sadd.s32 $0x8780, s20;
	s23 =	sadd.s32 $0x800, s20;
	[dreg:$0xb] =	wrdreg s22;
	(v2sf) =	vpush v3, $0x3  }
0xb9: {  	s29 =	sadd.s32 $0xB00, s20;
	s3 =	sadd.s32 $0x8600, s20;
	[dreg:$0xe] =	wrdreg s17  }
0xba: {  	[dreg:$0xc] =	wrdreg s23;
	s17 =	sadd.s32 $0x980, s20;
	s6 =	smov.u32 s12;
	(v2sf) =	vpush v2, $0x3  }
0xbb: {  	s12 =	sadd.s32 $0x400, s20;
	s28 =	sadd.s32 $0x8B00, s20;
	s1 =	sadd.s32 $0x600, s20  }
0xbc: {  	s9 =	sadd.s32 $0x8700, s20;
	s11 =	sadd.s32 $0x8480, s20;
	(v2sf) =	vpush v3, $0x4;
	s26 =	spop (v2sf)  }
0xbd: {  	s14 =	sadd.s32 $0x480, s20;
	s22 =	sand.u32 $0x1FFFFFF0, s26;
	s23 =	spop (v2sf)  }
0xbe: {  	(v2sf) =	vpush v2, $0x4;
	s22 =	sadd.s32 s6, s22;
	s23 =	sand.u32 $0x1FFFFFF0, s23;
	s26 =	spop (v2sf)  }
0xbf: {  	[tilespmem:s12], [sflag:$0x1] =	stream.linear.gather [hbm4b:s22+s5], $0x80, $0x38;
	[tilespmem:$0x10680] =	vst v63  }
0xc0: {  	s22 =	sadd.s32 s13, s23;
	s23 =	sand.u32 $0x1FFFFFF0, s26;
	s26 =	spop (v2sf)  }
0xc1: {  	(v2sf) =	vpush v3, $0x5;
	[tilespmem:s2], [sflag:$0x2] =	stream.linear.gather [hbm4b:s22+s5], $0x80, $0x38;
	[tilespmem:$0x10680] =	vst v63  }
0xc2: {  	(v2sf) =	vpush v2, $0x5;
	s22 =	sadd.s32 s6, s23;
	s23 =	sand.u32 $0x1FFFFFF0, s26;
	s26 =	spop (v2sf)  }
0xc3: {  	[tilespmem:s14], [sflag:$0x1] =	stream.linear.gather [hbm4b:s22+s5], $0x80, $0x38;
	[tilespmem:$0x10680] =	vst v63  }
0xc4: {  	s10 =	sadd.s32 $0x8A80, s20;
	s24 =	sadd.s32 $0x10, s24;
	(v2sf) =	vpush v3, $0x6;
	s14 =	sand.u32 $0x1FFFFFF0, s26  }
0xc5: {  	s12 =	sadd.s32 s13, s23;
	s22 =	spop (v2sf);
	s23 =	sadd.s32 s6, s14  }
0xc6: {  	(v2sf) =	vpush v2, $0x6;
	[tilespmem:s11], [sflag:$0x2] =	stream.linear.gather [hbm4b:s12+s5], $0x80, $0x38;
	[tilespmem:$0x10680] =	vst v63  }
0xc7: {  	s26 =	sand.u32 $0x1FFFFFF0, s22;
	s14 =	smov.u32 s8;
	s8 =	spop (v2sf)  }
0xc8: {  	(v2sf) =	vpush v3, $0x7;
	[tilespmem:s31], [sflag:$0x1] =	stream.linear.gather [hbm4b:s23+s5], $0x80, $0x38;
	[tilespmem:$0x10680] =	vst v63  }
0xc9: {  	s11 =	sadd.s32 s13, s26;
	s22 =	sand.u32 $0x1FFFFFF0, s8;
	s23 =	spop (v2sf)  }
0xca: {  	(v2sf) =	vpush v2, $0x7;
	[tilespmem:s7], [sflag:$0x2] =	stream.linear.gather [hbm4b:s11+s5], $0x80, $0x38;
	[tilespmem:$0x10680] =	vst v63  }
0xcb: {  	s26 =	sadd.s32 s6, s22;
	s31 =	sand.u32 $0x1FFFFFF0, s23;
	s7 =	spop (v2sf)  }
0xcc: {  	[tilespmem:s0], [sflag:$0x1] =	stream.linear.gather [hbm4b:s26+s5], $0x80, $0x38;
	[tilespmem:$0x10680] =	vst v63  }
0xcd: {  	s8 =	sadd.s32 s13, s31;
	s11 =	sand.u32 $0x1FFFFFF0, s7;
	s22 =	spop (v2sf)  }
0xce: {  	(v2sf) =	vpush v3, $0x8;
	[tilespmem:s4], [sflag:$0x2] =	stream.linear.gather [hbm4b:s8+s5], $0x80, $0x38;
	[tilespmem:$0x10680] =	vst v63  }
0xcf: {  	s25 =	sadd.s32 $0x10, s25;
	s23 =	sadd.s32 s6, s11;
	s26 =	sand.u32 $0x1FFFFFF0, s22  }
0xd0: {  	s11 =	simm.s32 $0x0;
	(v2sf) =	vpush v2, $0x8;
	s31 =	spop (v2sf);
	s5 =	sadd.s32 s13, s26  }
0xd1: {  	(v2sf) =	vpush v3, $0x9;
	s7 =	sand.u32 $0x1FFFFFF0, s31;
	s8 =	spop (v2sf);
	s31 =	rddreg [dreg:$0xd]  }
0xd2: {  	[tilespmem:s1], [sflag:$0x1] =	stream.linear.gather [hbm4b:s23+s11], $0x80, $0x38;
	[tilespmem:$0x10680] =	vst v63  }
0xd3: {  	s22 =	sadd.s32 s6, s7;
	s23 =	sand.u32 $0x1FFFFFF0, s8;
	s26 =	spop (v2sf)  }
0xd4: {  	(v2sf) =	vpush v2, $0x9;
	[tilespmem:s3], [sflag:$0x2] =	stream.linear.gather [hbm4b:s5+s11], $0x80, $0x38;
	[tilespmem:$0x10680] =	vst v63  }
0xd5: {  	s1 =	sadd.s32 s13, s23;
	s2 =	sand.u32 $0x1FFFFFF0, s26;
	s3 =	spop (v2sf)  }
0xd6: {  	(v2sf) =	vpush v3, $0xA;
	[tilespmem:s31], [sflag:$0x1] =	stream.linear.gather [hbm4b:s22+s11], $0x80, $0x38;
	[tilespmem:$0x10680] =	vst v63  }
0xd7: {  	s4 =	sadd.s32 s6, s2;
	s5 =	sand.u32 $0x1FFFFFF0, s3;
	s7 =	spop (v2sf)  }
0xd8: {  	[tilespmem:s19], [sflag:$0x2] =	stream.linear.gather [hbm4b:s1+s11], $0x80, $0x38;
	[tilespmem:$0x10680] =	vst v63  }
0xd9: {  	s31 =	rddreg [dreg:$0xf];
	s8 =	sadd.s32 s13, s5;
	s19 =	spop (v2sf)  }
0xda: {  	(v2sf) =	vpush v2, $0xA;
	[tilespmem:s18], [sflag:$0x1] =	stream.linear.gather [hbm4b:s4+s11], $0x80, $0x38;
	[tilespmem:$0x10680] =	vst v63  }
0xdb: {  	s5 =	rddreg [dreg:$0xe];
	s18 =	sand.u32 $0x1FFFFFF0, s7;
	s23 =	sand.u32 $0x1FFFFFF0, s19  }
0xdc: {  	(v2sf) =	vpush v3, $0xB;
	[tilespmem:s9], [sflag:$0x2] =	stream.linear.gather [hbm4b:s8+s11], $0x80, $0x38;
	[tilespmem:$0x10680] =	vst v63  }
0xdd: {  	s19 =	rddreg [dreg:$0xc];
	s22 =	sadd.s32 s6, s18;
	s26 =	spop (v2sf)  }
0xde: {  	[tilespmem:s31], [sflag:$0x1] =	stream.linear.gather [hbm4b:s22+s11], $0x80, $0x38;
	[tilespmem:$0x10680] =	vst v63  }
0xdf: {  	s1 =	sadd.s32 s13, s23;
	s2 =	sand.u32 $0x1FFFFFF0, s26;
	s4 =	spop (v2sf)  }
0xe0: {  	(v2sf) =	vpush v2, $0xB;
	s9 =	rddreg [dreg:$0xa];
	s7 =	sadd.s32 s6, s2;
	s18 =	spop (v2sf)  }
0xe1: {  	(v2sf) =	vpush v3, $0xC;
	[tilespmem:s5], [sflag:$0x2] =	stream.linear.gather [hbm4b:s1+s11], $0x80, $0x38;
	[tilespmem:$0x10680] =	vst v63  }
0xe2: {  	s31 =	rddreg [dreg:$0xb];
	s8 =	sand.u32 $0x1FFFFFF0, s4;
	s23 =	sand.u32 $0x1FFFFFF0, s18  }
0xe3: {  	(v2sf) =	vpush v2, $0xC;
	s22 =	sadd.s32 s13, s8;
	s26 =	spop (v2sf);
	s3 =	sadd.s32 s6, s23  }
0xe4: {  	[tilespmem:s19], [sflag:$0x1] =	stream.linear.gather [hbm4b:s7+s11], $0x80, $0x38;
	[tilespmem:$0x10680] =	vst v63  }
0xe5: {  	s4 =	sand.u32 $0x1FFFFFF0, s26;
	s5 =	spop (v2sf);
	s7 =	rddreg [dreg:$0x7]  }
0xe6: {  	[tilespmem:s31], [sflag:$0x2] =	stream.linear.gather [hbm4b:s22+s11], $0x80, $0x38;
	[tilespmem:$0x10680] =	vst v63  }
0xe7: {  	s8 =	sadd.s32 s13, s4;
	s4 =	rddreg [dreg:$0x8];
	s18 =	sand.u32 $0x1FFFFFF0, s5  }
0xe8: {  	[tilespmem:s7], [sflag:$0x1] =	stream.linear.gather [hbm4b:s3+s11], $0x80, $0x38;
	[tilespmem:$0x10680] =	vst v63  }
0xe9: {  	s19 =	spop (v2sf);
	s22 =	rddreg [dreg:$0x9];
	s23 =	sadd.s32 s6, s18  }
0xea: {  	[tilespmem:s22], [sflag:$0x2] =	stream.linear.gather [hbm4b:s8+s11], $0x80, $0x38;
	[tilespmem:$0x10680] =	vst v63  }
0xeb: {  	s18 =	rddreg [dreg:$0x5];
	s26 =	sand.u32 $0x1FFFFFF0, s19;
	s31 =	spop (v2sf)  }
0xec: {  	[tilespmem:s4], [sflag:$0x1] =	stream.linear.gather [hbm4b:s23+s11], $0x80, $0x38;
	[tilespmem:$0x10680] =	vst v63  }
0xed: {  	s5 =	sadd.s32 s13, s26;
	s7 =	sand.u32 $0x1FFFFFF0, s31;
	s31 =	rddreg [dreg:$0x6]  }
0xee: {  	(v2sf) =	vpush v3, $0xD;
	[tilespmem:s18], [sflag:$0x2] =	stream.linear.gather [hbm4b:s5+s11], $0x80, $0x38;
	[tilespmem:$0x10680] =	vst v63  }
.Ltmp1:
0xef: {  	s12 =	smov.u32 s6;
	(v2sf) =	vpush v2, $0xD;
	s8 =	spop (v2sf);
	(pc) =	sbr.rel @!p1 .LBB2_3-.Ltmp1, $4  }
0xf0: {  	(v2sf) =	vpush v3, $0xE;
	s19 =	sadd.s32 s6, s7;
	s22 =	sand.u32 $0x1FFFFFF0, s8;
	s23 =	spop (v2sf)  }
0xf1: {  	(v2sf) =	vpush v2, $0xE;
	[tilespmem:s17], [sflag:$0x1] =	stream.linear.gather [hbm4b:s19+s11], $0x80, $0x38;
	[tilespmem:$0x10680] =	vst v63  }
0xf2: {  	(v2sf) =	vpush v3, $0xF;
	s26 =	sadd.s32 s13, s22;
	s0 =	sand.u32 $0x1FFFFFF0, s23;
	s1 =	spop (v2sf)  }
0xf3: {  	(v2sf) =	vpush v2, $0xF;
	[tilespmem:s31], [sflag:$0x2] =	stream.linear.gather [hbm4b:s26+s11], $0x80, $0x38;
	[tilespmem:$0x10680] =	vst v63  }
.LBB2_4:
0xf4: {  	_ =	sdelay $0x4  }
0xf5: {  	s0 =	sadd.s32 s12, s0;
	s1 =	sand.u32 $0x1FFFFFF0, s1  }
0xf6: {  	[tilespmem:s30], [sflag:$0x1] =	stream.linear.gather [hbm4b:s0+s11], $0x80, $0x38;
	[tilespmem:$0x10680] =	vst v63  }
0xf7: {  	s4 =	sadd.s32 s13, s1  }
0xf8: {  	[tilespmem:s9], [sflag:$0x2] =	stream.linear.gather [hbm4b:s4+s11], $0x80, $0x38;
	[tilespmem:$0x10680] =	vst v63  }
0xf9: {  	s2 =	spop (v2sf)  }
0xfa: {  	s5 =	sand.u32 $0x1FFFFFF0, s2;
	s6 =	spop (v2sf)  }
0xfb: {  	s7 =	sadd.s32 s12, s5;
	s8 =	sand.u32 $0x1FFFFFF0, s6;
	s9 =	spop (v2sf)  }
0xfc: {  	[tilespmem:s14], [sflag:$0x1] =	stream.linear.gather [hbm4b:s7+s11], $0x80, $0x38;
	[tilespmem:$0x10680] =	vst v63  }
0xfd: {  	s17 =	sadd.s32 s13, s8;
	s18 =	sand.u32 $0x1FFFFFF0, s9;
	s19 =	spop (v2sf)  }
0xfe: {  	[tilespmem:s10], [sflag:$0x2] =	stream.linear.gather [hbm4b:s17+s11], $0x80, $0x38;
	[tilespmem:$0x10680] =	vst v63  }
0xff: {  	s21 =	sadd.s32 s12, s18;
	s22 =	sand.u32 $0x1FFFFFF0, s19;
	s23 =	spop (v2sf)  }
0x100: {  	[tilespmem:s29], [sflag:$0x1] =	stream.linear.gather [hbm4b:s21+s11], $0x80, $0x38;
	[tilespmem:$0x10680] =	vst v63  }
0x101: {  	s24 =	sadd.s32 s13, s22;
	s25 =	sand.u32 $0x1FFFFFF0, s23;
	s26 =	spop (v2sf)  }
0x102: {  	[tilespmem:s28], [sflag:$0x2] =	stream.linear.gather [hbm4b:s24+s11], $0x80, $0x38;
	[tilespmem:$0x10680] =	vst v63  }
0x103: {  	s1 =	sadd.s32 s12, s25;
	s2 =	sand.u32 $0x1FFFFFF0, s26;
	s29 =	sadd.s32 $0xB80, s20  }
0x104: {  	[tilespmem:s29], [sflag:$0x1] =	stream.linear.gather [hbm4b:s1+s11], $0x80, $0x38;
	[tilespmem:$0x10680] =	vst v63  }
0x105: {  	v20 =	vld [tilespmem:$0x1FD70];
	s30 =	sadd.s32 $0x8B80, s20;
	s0 =	simm.s32 $0x1;
	s31 =	sadd.s32 s13, s2  }
0x106: {  	v28 =	vld [tilespmem:$0x1FD90];
	[tilespmem:s30], [sflag:$0x2] =	stream.linear.gather [hbm4b:s31+s11], $0x80, $0x38  }
0x107: {  	v0 =	vld [tilespmem:$0x1FE30];
	_ =	swait.ge [sflag:s0], $0x80  }
0x108: {  	[sflag:s0] =	ssyncset.done $0x0  }
0x109: {  	s1 =	simm.s32 $0x2;
	[sflag:s0] =	ssyncadd.s32 $0xFFFFFF80  }
0x10a: {  	_ =	swait.ge [sflag:s1], $0x80  }
0x10b: {  	[sflag:s1] =	ssyncset.done $0x0  }
0x10c: {  	[sflag:s1] =	ssyncadd.s32 $0xFFFFFF80  }
0x10d: {  	_ =	swait.ge [sflag:s0], $0x80  }
0x10e: {  	[sflag:s0] =	ssyncset.done $0x0  }
0x10f: {  	[sflag:s0] =	ssyncadd.s32 $0xFFFFFF80  }
0x110: {  	_ =	swait.ge [sflag:s1], $0x80  }
0x111: {  	[sflag:s1] =	ssyncset.done $0x0  }
0x112: {  	[sflag:s1] =	ssyncadd.s32 $0xFFFFFF80  }
0x113: {  	_ =	swait.ge [sflag:s0], $0x80  }
0x114: {  	[sflag:s0] =	ssyncset.done $0x0  }
0x115: {  	[sflag:s0] =	ssyncadd.s32 $0xFFFFFF80  }
0x116: {  	_ =	swait.ge [sflag:s1], $0x80  }
0x117: {  	[sflag:s1] =	ssyncset.done $0x0  }
0x118: {  	[sflag:s1] =	ssyncadd.s32 $0xFFFFFF80  }
0x119: {  	_ =	swait.ge [sflag:s0], $0x80  }
0x11a: {  	[sflag:s0] =	ssyncset.done $0x0  }
0x11b: {  	[sflag:s0] =	ssyncadd.s32 $0xFFFFFF80  }
0x11c: {  	_ =	swait.ge [sflag:s1], $0x80  }
0x11d: {  	[sflag:s1] =	ssyncset.done $0x0  }
0x11e: {  	[sflag:s1] =	ssyncadd.s32 $0xFFFFFF80  }
0x11f: {  	_ =	swait.ge [sflag:s0], $0x80  }
0x120: {  	[sflag:s0] =	ssyncset.done $0x0  }
0x121: {  	[sflag:s0] =	ssyncadd.s32 $0xFFFFFF80  }
0x122: {  	_ =	swait.ge [sflag:s1], $0x80  }
0x123: {  	[sflag:s1] =	ssyncset.done $0x0  }
0x124: {  	[sflag:s1] =	ssyncadd.s32 $0xFFFFFF80  }
0x125: {  	_ =	swait.ge [sflag:s0], $0x80  }
0x126: {  	[sflag:s0] =	ssyncset.done $0x0  }
0x127: {  	[sflag:s0] =	ssyncadd.s32 $0xFFFFFF80  }
0x128: {  	_ =	swait.ge [sflag:s1], $0x80  }
0x129: {  	[sflag:s1] =	ssyncset.done $0x0  }
0x12a: {  	[sflag:s1] =	ssyncadd.s32 $0xFFFFFF80  }
0x12b: {  	_ =	swait.ge [sflag:s0], $0x80  }
0x12c: {  	[sflag:s0] =	ssyncset.done $0x0  }
0x12d: {  	[sflag:s0] =	ssyncadd.s32 $0xFFFFFF80  }
0x12e: {  	_ =	swait.ge [sflag:s1], $0x80  }
0x12f: {  	[sflag:s1] =	ssyncset.done $0x0  }
0x130: {  	[sflag:s1] =	ssyncadd.s32 $0xFFFFFF80  }
0x131: {  	_ =	swait.ge [sflag:s0], $0x80  }
0x132: {  	[sflag:s0] =	ssyncset.done $0x0  }
0x133: {  	[sflag:s0] =	ssyncadd.s32 $0xFFFFFF80  }
0x134: {  	_ =	swait.ge [sflag:s1], $0x80  }
0x135: {  	[sflag:s1] =	ssyncset.done $0x0  }
0x136: {  	[sflag:s1] =	ssyncadd.s32 $0xFFFFFF80  }
0x137: {  	_ =	swait.ge [sflag:s0], $0x80  }
0x138: {  	[sflag:s0] =	ssyncset.done $0x0  }
0x139: {  	[sflag:s0] =	ssyncadd.s32 $0xFFFFFF80  }
0x13a: {  	_ =	swait.ge [sflag:s1], $0x80  }
0x13b: {  	[sflag:s1] =	ssyncset.done $0x0  }
0x13c: {  	[sflag:s1] =	ssyncadd.s32 $0xFFFFFF80  }
0x13d: {  	_ =	swait.ge [sflag:s0], $0x80  }
0x13e: {  	[sflag:s0] =	ssyncset.done $0x0  }
0x13f: {  	[sflag:s0] =	ssyncadd.s32 $0xFFFFFF80  }
0x140: {  	_ =	swait.ge [sflag:s1], $0x80  }
0x141: {  	[sflag:s1] =	ssyncset.done $0x0  }
0x142: {  	[sflag:s1] =	ssyncadd.s32 $0xFFFFFF80  }
0x143: {  	_ =	swait.ge [sflag:s0], $0x80  }
0x144: {  	[sflag:s0] =	ssyncset.done $0x0  }
0x145: {  	[sflag:s0] =	ssyncadd.s32 $0xFFFFFF80  }
0x146: {  	_ =	swait.ge [sflag:s1], $0x80  }
0x147: {  	[sflag:s1] =	ssyncset.done $0x0  }
0x148: {  	[sflag:s1] =	ssyncadd.s32 $0xFFFFFF80  }
0x149: {  	_ =	swait.ge [sflag:s0], $0x80  }
0x14a: {  	[sflag:s0] =	ssyncset.done $0x0  }
0x14b: {  	[sflag:s0] =	ssyncadd.s32 $0xFFFFFF80  }
0x14c: {  	_ =	swait.ge [sflag:s1], $0x80  }
0x14d: {  	[sflag:s1] =	ssyncset.done $0x0  }
0x14e: {  	[sflag:s1] =	ssyncadd.s32 $0xFFFFFF80  }
0x14f: {  	_ =	swait.ge [sflag:s0], $0x80  }
0x150: {  	[sflag:s0] =	ssyncset.done $0x0  }
0x151: {  	[sflag:s0] =	ssyncadd.s32 $0xFFFFFF80  }
0x152: {  	_ =	swait.ge [sflag:s1], $0x80  }
0x153: {  	[sflag:s1] =	ssyncset.done $0x0  }
0x154: {  	[sflag:s1] =	ssyncadd.s32 $0xFFFFFF80  }
0x155: {  	_ =	swait.ge [sflag:s0], $0x80  }
0x156: {  	[sflag:s0] =	ssyncset.done $0x0  }
0x157: {  	[sflag:s0] =	ssyncadd.s32 $0xFFFFFF80  }
0x158: {  	_ =	swait.ge [sflag:s1], $0x80  }
0x159: {  	[sflag:s1] =	ssyncset.done $0x0  }
0x15a: {  	[sflag:s1] =	ssyncadd.s32 $0xFFFFFF80  }
0x15b: {  	_ =	swait.ge [sflag:s0], $0x80  }
0x15c: {  	[sflag:s0] =	ssyncset.done $0x0  }
0x15d: {  	[sflag:s0] =	ssyncadd.s32 $0xFFFFFF80  }
0x15e: {  	_ =	swait.ge [sflag:s1], $0x80  }
0x15f: {  	[sflag:s1] =	ssyncset.done $0x0  }
0x160: {  	[sflag:s1] =	ssyncadd.s32 $0xFFFFFF80  }
0x161: {  	_ =	swait.ge [sflag:s0], $0x80  }
0x162: {  	[sflag:s0] =	ssyncset.done $0x0  }
0x163: {  	[sflag:s0] =	ssyncadd.s32 $0xFFFFFF80  }
0x164: {  	_ =	swait.ge [sflag:s1], $0x80  }
0x165: {  	v31 =	vmov v8;
	v30 =	vmov v12;
	v29 =	vmov v9;
	s20 =	simm.s32 $0xF;
	[sflag:s1] =	ssyncset.done $0x0  }
.LBB2_5:
0x166: {  	p1 =	seq.s32 s20, $0x1;
	s20 =	sadd.s32 $0xFFFFFFFF, s20;
	[sflag:s1] =	ssyncadd.s32 $0xFFFFFF80  }
0x167: {  	_ =	swait.ge [sflag:s0], $0x80  }
0x168: {  	[sflag:s0] =	ssyncset.done $0x0  }
0x169: {  	[sflag:s0] =	ssyncadd.s32 $0xFFFFFF80  }
0x16a: {  	_ =	swait.ge [sflag:s1], $0x80  }
0x16b: {  	[sflag:s1] =	ssyncset.done $0x0  }
0x16c: {  	[sflag:s1] =	ssyncadd.s32 $0xFFFFFF80  }
0x16d: {  	_ =	swait.ge [sflag:s0], $0x80  }
0x16e: {  	[sflag:s0] =	ssyncset.done $0x0  }
0x16f: {  	[sflag:s0] =	ssyncadd.s32 $0xFFFFFF80  }
0x170: {  	_ =	swait.ge [sflag:s1], $0x80  }
0x171: {  	[sflag:s1] =	ssyncset.done $0x0  }
0x172: {  	[sflag:s1] =	ssyncadd.s32 $0xFFFFFF80  }
0x173: {  	_ =	swait.ge [sflag:s0], $0x80  }
0x174: {  	[sflag:s0] =	ssyncset.done $0x0  }
0x175: {  	[sflag:s0] =	ssyncadd.s32 $0xFFFFFF80  }
0x176: {  	_ =	swait.ge [sflag:s1], $0x80  }
0x177: {  	[sflag:s1] =	ssyncset.done $0x0  }
0x178: {  	[sflag:s1] =	ssyncadd.s32 $0xFFFFFF80  }
0x179: {  	_ =	swait.ge [sflag:s0], $0x80  }
0x17a: {  	[sflag:s0] =	ssyncset.done $0x0  }
0x17b: {  	[sflag:s0] =	ssyncadd.s32 $0xFFFFFF80  }
0x17c: {  	_ =	swait.ge [sflag:s1], $0x80  }
0x17d: {  	[sflag:s1] =	ssyncset.done $0x0  }
0x17e: {  	[sflag:s1] =	ssyncadd.s32 $0xFFFFFF80  }
0x17f: {  	_ =	swait.ge [sflag:s0], $0x80  }
0x180: {  	[sflag:s0] =	ssyncset.done $0x0  }
0x181: {  	[sflag:s0] =	ssyncadd.s32 $0xFFFFFF80  }
0x182: {  	_ =	swait.ge [sflag:s1], $0x80  }
0x183: {  	[sflag:s1] =	ssyncset.done $0x0  }
0x184: {  	[sflag:s1] =	ssyncadd.s32 $0xFFFFFF80  }
0x185: {  	_ =	swait.ge [sflag:s0], $0x80  }
0x186: {  	[sflag:s0] =	ssyncset.done $0x0  }
0x187: {  	[sflag:s0] =	ssyncadd.s32 $0xFFFFFF80  }
0x188: {  	_ =	swait.ge [sflag:s1], $0x80  }
0x189: {  	[sflag:s1] =	ssyncset.done $0x0  }
0x18a: {  	[sflag:s1] =	ssyncadd.s32 $0xFFFFFF80  }
0x18b: {  	_ =	swait.ge [sflag:s0], $0x80  }
0x18c: {  	[sflag:s0] =	ssyncset.done $0x0  }
0x18d: {  	[sflag:s0] =	ssyncadd.s32 $0xFFFFFF80  }
0x18e: {  	_ =	swait.ge [sflag:s1], $0x80  }
0x18f: {  	[sflag:s1] =	ssyncset.done $0x0  }
0x190: {  	[sflag:s1] =	ssyncadd.s32 $0xFFFFFF80  }
0x191: {  	_ =	swait.ge [sflag:s0], $0x80  }
0x192: {  	[sflag:s0] =	ssyncset.done $0x0  }
0x193: {  	[sflag:s0] =	ssyncadd.s32 $0xFFFFFF80  }
0x194: {  	_ =	swait.ge [sflag:s1], $0x80  }
0x195: {  	[sflag:s1] =	ssyncset.done $0x0  }
0x196: {  	[sflag:s1] =	ssyncadd.s32 $0xFFFFFF80  }
0x197: {  	_ =	swait.ge [sflag:s0], $0x80  }
0x198: {  	[sflag:s0] =	ssyncset.done $0x0  }
0x199: {  	[sflag:s0] =	ssyncadd.s32 $0xFFFFFF80  }
0x19a: {  	_ =	swait.ge [sflag:s1], $0x80  }
0x19b: {  	[sflag:s1] =	ssyncset.done $0x0  }
0x19c: {  	[sflag:s1] =	ssyncadd.s32 $0xFFFFFF80  }
0x19d: {  	_ =	swait.ge [sflag:s0], $0x80  }
0x19e: {  	[sflag:s0] =	ssyncset.done $0x0  }
0x19f: {  	[sflag:s0] =	ssyncadd.s32 $0xFFFFFF80  }
0x1a0: {  	_ =	swait.ge [sflag:s1], $0x80  }
0x1a1: {  	[sflag:s1] =	ssyncset.done $0x0  }
0x1a2: {  	[sflag:s1] =	ssyncadd.s32 $0xFFFFFF80  }
0x1a3: {  	_ =	swait.ge [sflag:s0], $0x80  }
0x1a4: {  	[sflag:s0] =	ssyncset.done $0x0  }
0x1a5: {  	[sflag:s0] =	ssyncadd.s32 $0xFFFFFF80  }
0x1a6: {  	_ =	swait.ge [sflag:s1], $0x80  }
0x1a7: {  	[sflag:s1] =	ssyncset.done $0x0  }
0x1a8: {  	[sflag:s1] =	ssyncadd.s32 $0xFFFFFF80  }
0x1a9: {  	_ =	swait.ge [sflag:s0], $0x80  }
0x1aa: {  	[sflag:s0] =	ssyncset.done $0x0  }
0x1ab: {  	[sflag:s0] =	ssyncadd.s32 $0xFFFFFF80  }
0x1ac: {  	_ =	swait.ge [sflag:s1], $0x80  }
0x1ad: {  	[sflag:s1] =	ssyncset.done $0x0  }
0x1ae: {  	[sflag:s1] =	ssyncadd.s32 $0xFFFFFF80  }
0x1af: {  	_ =	swait.ge [sflag:s0], $0x80  }
0x1b0: {  	[sflag:s0] =	ssyncset.done $0x0  }
0x1b1: {  	[sflag:s0] =	ssyncadd.s32 $0xFFFFFF80  }
0x1b2: {  	_ =	swait.ge [sflag:s1], $0x80  }
0x1b3: {  	[sflag:s1] =	ssyncset.done $0x0  }
0x1b4: {  	[sflag:s1] =	ssyncadd.s32 $0xFFFFFF80  }
0x1b5: {  	_ =	swait.ge [sflag:s0], $0x80  }
0x1b6: {  	[sflag:s0] =	ssyncset.done $0x0  }
0x1b7: {  	[sflag:s0] =	ssyncadd.s32 $0xFFFFFF80  }
0x1b8: {  	_ =	swait.ge [sflag:s1], $0x80  }
0x1b9: {  	[sflag:s1] =	ssyncset.done $0x0  }
0x1ba: {  	[sflag:s1] =	ssyncadd.s32 $0xFFFFFF80  }
0x1bb: {  	_ =	swait.ge [sflag:s0], $0x80  }
0x1bc: {  	[sflag:s0] =	ssyncset.done $0x0  }
0x1bd: {  	[sflag:s0] =	ssyncadd.s32 $0xFFFFFF80  }
0x1be: {  	_ =	swait.ge [sflag:s1], $0x80  }
0x1bf: {  	[sflag:s1] =	ssyncset.done $0x0  }
0x1c0: {  	[sflag:s1] =	ssyncadd.s32 $0xFFFFFF80  }
.Ltmp2:
0x1c1: {  	_ =	swait.ge [sflag:s0], $0x80;
	(pc) =	sbr.rel @!p1 .LBB2_5-.Ltmp2, $4  }
0x1c2: {  	[sflag:s0] =	ssyncset.done $0x0  }
0x1c3: {  	[sflag:s0] =	ssyncadd.s32 $0xFFFFFF80  }
0x1c4: {  	_ =	swait.ge [sflag:s1], $0x80  }
0x1c5: {  	[sflag:s1] =	ssyncset.done $0x0  }
0x1c6: {  	s21 =	simm.s32 $0x0  }
0x1c7: {  	v2 =	vmov s21  }
0x1c8: {  	v2 =	vshll.u32 v2, $0x7  }
0x1c9: {  	v2 =	vor.u32 v15, v2;
	_ =	sdelay $0x1  }
0x1ca: {  	v3 =	vor.u32 $0x1, v2;
	_ =	sdelay $0x1  }
0x1cb: {  	[sflag:s1] =	ssyncadd.s32 $0xFFFFFF80;
	v8 =	vld [tilespmem:$0x1FD50];
	v4 =	vor.u32 $0x2, v2  }
0x1cc: {  	v58 =	vld.idx.msk [tilespmem:v2+s16+$0x0], $0xffff  }
0x1cd: {  	v5 =	vor.u32 $0x3, v2;
	v52 =	vld.idx.msk [tilespmem:v2+s15+$0x0], $0xffff  }
0x1ce: {  	v6 =	vmov v7;
	v7 =	vld.idx.msk [tilespmem:v3+s15+$0x0], $0xffff  }
0x1cf: {  	v19 =	vld.idx.msk [tilespmem:v3+s16+$0x0], $0xffff;
	v3 =	vor.u32 $0x4, v2  }
0x1d0: {  	v17 =	vmov v14;
	v14 =	vmov v13;
	v13 =	vld.idx.msk [tilespmem:v4+s15+$0x0], $0xffff  }
0x1d1: {  	v54 =	vld.idx.msk [tilespmem:v4+s16+$0x0], $0xffff;
	v4 =	vor.u32 $0x5, v2  }
0x1d2: {  	v51 =	vld.idx.msk [tilespmem:v5+s15+$0x0], $0xffff  }
0x1d3: {  	v53 =	vld.idx.msk [tilespmem:v5+s16+$0x0], $0xffff;
	v52 =	vmul.f32 v58, v52  }
0x1d4: {  	v12 =	vmov v11;
	v11 =	vmov v10;
	v5 =	vor.u32 $0x6, v2;
	v10 =	vld.idx.msk [tilespmem:v3+s15+$0x0], $0xffff  }
0x1d5: {  	v7 =	vmul.f32 v19, v7;
	v57 =	vmul.f32 v52, v16;
	v52 =	vld.idx.msk [tilespmem:v3+s16+$0x0], $0xffff  }
0x1d6: {  	v58 =	vmul.f32 v54, v13;
	v13 =	vld.idx.msk [tilespmem:v4+s15+$0x0], $0xffff  }
0x1d7: {  	v19 =	vor.u32 $0x7, v2;
	v61 =	vld.idx.msk [tilespmem:v4+s16+$0x0], $0xffff;
	v3 =	vmul.f32 v7, v18;
	v57 =	vadd.f32 v57, v0  }
0x1d8: {  	v9 =	vld [tilespmem:$0x1FD60];
	v45 =	vmul.f32 v58, v1  }
0x1d9: {  	v47 =	vld.idx.msk [tilespmem:v5+s16+$0x0], $0xffff;
	v7 =	vmovc v1;
	v1 =	vor.u32 $0x8, v2;
	v4 =	vadd.f32 v3, v57;
	v3 =	vmul.f32 v53, v51  }
0x1da: {  	v51 =	vld.idx.msk [tilespmem:v5+s15+$0x0], $0xffff;
	v5 =	vmul.f32 v52, v10  }
0x1db: {  	v57 =	vadd.f32 v45, v4;
	v3 =	vmul.f32 v3, v8;
	v4 =	vor.u32 $0x9, v2  }
0x1dc: {  	v54 =	vmul.f32 v61, v13;
	v52 =	vld.idx.msk [tilespmem:v19+s15+$0x0], $0xffff  }
0x1dd: {  	v19 =	vld.idx.msk [tilespmem:v19+s16+$0x0], $0xffff;
	v5 =	vmul.f32 v5, v9;
	v58 =	vadd.f32 v3, v57;
	v3 =	vor.u32 $0xA, v2  }
0x1de: {  	v13 =	vld.idx.msk [tilespmem:v1+s15+$0x0], $0xffff  }
0x1df: {  	v61 =	vmul.f32 v54, v29;
	v45 =	vld.idx.msk [tilespmem:v1+s16+$0x0], $0xffff;
	v57 =	vadd.f32 v5, v58  }
0x1e0: {  	v10 =	vmov v29;
	v5 =	vor.u32 $0xB, v2;
	v29 =	vld.idx.msk [tilespmem:v4+s15+$0x0], $0xffff  }
0x1e1: {  	v53 =	vmul.f32 v47, v51;
	v47 =	vadd.f32 v61, v57;
	v57 =	vld.idx.msk [tilespmem:v4+s16+$0x0], $0xffff  }
0x1e2: {  	v1 =	vor.u32 $0xC, v2;
	v61 =	vmul.f32 v19, v52;
	v19 =	vld.idx.msk [tilespmem:v3+s15+$0x0], $0xffff  }
0x1e3: {  	v4 =	vmul.f32 v53, v11;
	v52 =	vld.idx.msk [tilespmem:v3+s16+$0x0], $0xffff  }
0x1e4: {  	v3 =	vor.u32 $0xD, v2  }
0x1e5: {  	v54 =	vmul.f32 v45, v13;
	v58 =	vadd.f32 v4, v47;
	v4 =	vmul.f32 v61, v12;
	v45 =	vld.idx.msk [tilespmem:v5+s15+$0x0], $0xffff  }
0x1e6: {  	v47 =	vld.idx.msk [tilespmem:v5+s16+$0x0], $0xffff;
	v5 =	vor.u32 $0xE, v2  }
0x1e7: {  	v61 =	vld.idx.msk [tilespmem:v1+s16+$0x0], $0xffff;
	v58 =	vadd.f32 v4, v58;
	v4 =	vmul.f32 v54, v30;
	v57 =	vmul.f32 v57, v29  }
0x1e8: {  	v29 =	vld.idx.msk [tilespmem:v1+s15+$0x0], $0xffff;
	v19 =	vmul.f32 v52, v19  }
0x1e9: {  	v13 =	vmovc v30;
	v1 =	vor.u32 $0xF, v2;
	v4 =	vadd.f32 v4, v58;
	v30 =	vld.idx.msk [tilespmem:v3+s15+$0x0], $0xffff;
	v57 =	vmul.f32 v57, v14  }
0x1ea: {  	v52 =	vld.idx.msk [tilespmem:v3+s16+$0x0], $0xffff;
	v19 =	vmul.f32 v19, v17  }
0x1eb: {  	v3 =	vadd.f32 v57, v4;
	v4 =	vor.u32 $0x10, v2  }
0x1ec: {  	v45 =	vmul.f32 v47, v45;
	v51 =	vld.idx.msk [tilespmem:v5+s15+$0x0], $0xffff  }
0x1ed: {  	v53 =	vld.idx.msk [tilespmem:v5+s16+$0x0], $0xffff;
	v47 =	vadd.f32 v19, v3;
	v3 =	vor.u32 $0x11, v2  }
0x1ee: {  	v5 =	vmul.f32 v45, v31;
	v45 =	vld.idx.msk [tilespmem:v1+s16+$0x0], $0xffff;
	v19 =	vmov v31;
	v31 =	vmul.f32 v61, v29  }
0x1ef: {  	v52 =	vmul.f32 v52, v30;
	v30 =	vor.u32 $0x13, v2;
	v29 =	vld.idx.msk [tilespmem:v1+s15+$0x0], $0xffff  }
0x1f0: {  	v57 =	vadd.f32 v5, v47;
	v5 =	vor.u32 $0x12, v2;
	v61 =	vmul.f32 v31, v6;
	v31 =	vld.idx.msk [tilespmem:v4+s15+$0x0], $0xffff  }
0x1f1: {  	v47 =	vld.idx.msk [tilespmem:v4+s16+$0x0], $0xffff  }
0x1f2: {  	v53 =	vmul.f32 v53, v51;
	v51 =	vld.idx.msk [tilespmem:v3+s15+$0x0], $0xffff  }
0x1f3: {  	v4 =	vmul.f32 v52, v20;
	v1 =	vadd.f32 v61, v57;
	v52 =	vld.idx.msk [tilespmem:v3+s16+$0x0], $0xffff  }
0x1f4: {  	v54 =	vmul.f32 v45, v29;
	v29 =	vld.idx.msk [tilespmem:v30+s15+$0x0], $0xffff  }
0x1f5: {  	v3 =	vor.u32 $0x14, v2;
	v58 =	vadd.f32 v4, v1;
	v4 =	vmul.f32 v53, v32;
	v61 =	vld.idx.msk [tilespmem:v5+s15+$0x0], $0xffff  }
0x1f6: {  	v45 =	vld.idx.msk [tilespmem:v5+s16+$0x0], $0xffff;
	v5 =	vor.u32 $0x15, v2  }
0x1f7: {  	v31 =	vmul.f32 v47, v31;
	v47 =	vld.idx.msk [tilespmem:v30+s16+$0x0], $0xffff;
	v58 =	vadd.f32 v4, v58;
	v4 =	vmul.f32 v54, v33  }
0x1f8: {  	v51 =	vmul.f32 v52, v51  }
0x1f9: {  	v30 =	vor.u32 $0x16, v2;
	v1 =	vmul.f32 v31, v34;
	v4 =	vadd.f32 v4, v58  }
0x1fa: {  	v31 =	vld.idx.msk [tilespmem:v3+s15+$0x0], $0xffff;
	v51 =	vmul.f32 v51, v35  }
0x1fb: {  	v58 =	vld.idx.msk [tilespmem:v3+s16+$0x0], $0xffff;
	v61 =	vmul.f32 v45, v61;
	v3 =	vadd.f32 v1, v4;
	v4 =	vor.u32 $0x17, v2  }
0x1fc: {  	v45 =	vld.idx.msk [tilespmem:v5+s16+$0x0], $0xffff;
	v47 =	vmul.f32 v47, v29  }
0x1fd: {  	v1 =	vld.idx.msk [tilespmem:v5+s15+$0x0], $0xffff;
	v5 =	vmul.f32 v61, v36;
	v51 =	vadd.f32 v51, v3;
	v3 =	vor.u32 $0x18, v2  }
0x1fe: {  	v29 =	vld.idx.msk [tilespmem:v30+s15+$0x0], $0xffff  }
0x1ff: {  	v54 =	vmovc v36;
	v57 =	vmul.f32 v47, v37;
	v37 =	vld.idx.msk [tilespmem:v30+s16+$0x0], $0xffff;
	v30 =	vor.u32 $0x1A, v2;
	v36 =	vadd.f32 v5, v51  }
0x200: {  	v58 =	vmul.f32 v58, v31;
	v5 =	vor.u32 $0x19, v2;
	v31 =	vld.idx.msk [tilespmem:v4+s15+$0x0], $0xffff  }
0x201: {  	v61 =	vadd.f32 v57, v36;
	v57 =	vld.idx.msk [tilespmem:v4+s16+$0x0], $0xffff  }
0x202: {  	v32 =	vld.idx.msk [tilespmem:v3+s15+$0x0], $0xffff  }
0x203: {  	v45 =	vmul.f32 v45, v1;
	v4 =	vmul.f32 v58, v38;
	v47 =	vld.idx.msk [tilespmem:v3+s16+$0x0], $0xffff  }
0x204: {  	v58 =	vmul.f32 v37, v29;
	v29 =	vld.idx.msk [tilespmem:v30+s15+$0x0], $0xffff  }
0x205: {  	v3 =	vor.u32 $0x1B, v2;
	v53 =	vadd.f32 v4, v61;
	v4 =	vmul.f32 v45, v39;
	v34 =	vld.idx.msk [tilespmem:v5+s15+$0x0], $0xffff  }
0x206: {  	v61 =	vld.idx.msk [tilespmem:v5+s16+$0x0], $0xffff;
	v5 =	vor.u32 $0x1C, v2  }
0x207: {  	v45 =	vld.idx.msk [tilespmem:v30+s16+$0x0], $0xffff;
	v53 =	vadd.f32 v4, v53;
	v4 =	vmul.f32 v58, v40;
	v31 =	vmul.f32 v57, v31  }
0x208: {  	v36 =	vmul.f32 v47, v32  }
0x209: {  	v1 =	vor.u32 $0x1D, v2;
	v4 =	vadd.f32 v4, v53;
	v31 =	vmul.f32 v31, v41  }
0x20a: {  	v30 =	vld.idx.msk [tilespmem:v3+s15+$0x0], $0xffff;
	v36 =	vmul.f32 v36, v42  }
0x20b: {  	v47 =	vld.idx.msk [tilespmem:v3+s16+$0x0], $0xffff;
	v37 =	vmul.f32 v61, v34;
	v3 =	vadd.f32 v31, v4;
	v4 =	vor.u32 $0x1E, v2  }
0x20c: {  	v52 =	vmov v38;
	v38 =	vmul.f32 v45, v29;
	v61 =	vld.idx.msk [tilespmem:v5+s16+$0x0], $0xffff  }
0x20d: {  	v31 =	vld.idx.msk [tilespmem:v5+s15+$0x0], $0xffff;
	v5 =	vmul.f32 v37, v43;
	v36 =	vadd.f32 v36, v3;
	v3 =	vor.u32 $0x1F, v2  }
0x20e: {  	v29 =	vld.idx.msk [tilespmem:v1+s15+$0x0], $0xffff  }
0x20f: {  	v38 =	vmul.f32 v38, v44;
	v37 =	vadd.f32 v5, v36;
	v5 =	vor.u32 $0x20, v2;
	v36 =	vld.idx.msk [tilespmem:v1+s16+$0x0], $0xffff  }
0x210: {  	v45 =	vmul.f32 v47, v30;
	v30 =	vld.idx.msk [tilespmem:v4+s15+$0x0], $0xffff  }
0x211: {  	v47 =	vadd.f32 v38, v37;
	v37 =	vld.idx.msk [tilespmem:v4+s16+$0x0], $0xffff  }
0x212: {  	v53 =	vmul.f32 v61, v31;
	v4 =	vmul.f32 v45, v59;
	v31 =	vld.idx.msk [tilespmem:v3+s15+$0x0], $0xffff  }
0x213: {  	v1 =	vor.u32 $0x21, v2;
	v44 =	vld.idx.msk [tilespmem:v3+s16+$0x0], $0xffff  }
0x214: {  	v57 =	vmovc v41;
	v61 =	vmov v46;
	v41 =	vadd.f32 v4, v47;
	v4 =	vmul.f32 v53, v46;
	v46 =	vld.idx.msk [tilespmem:v5+s15+$0x0], $0xffff  }
0x215: {  	v3 =	vor.u32 $0x22, v2;
	v45 =	vmul.f32 v36, v29;
	v47 =	vld.idx.msk [tilespmem:v5+s16+$0x0], $0xffff  }
0x216: {  	v5 =	vor.u32 $0x23, v2  }
0x217: {  	v41 =	vadd.f32 v4, v41;
	v30 =	vmul.f32 v37, v30;
	v4 =	vmul.f32 v45, v62  }
0x218: {  	v51 =	vmov v43;
	v29 =	vld.idx.msk [tilespmem:v1+s15+$0x0], $0xffff;
	v43 =	vmul.f32 v44, v31  }
0x219: {  	v53 =	vld.idx.msk [tilespmem:v1+s16+$0x0], $0xffff;
	v4 =	vadd.f32 v4, v41;
	v1 =	vmul.f32 v30, v48;
	v30 =	vor.u32 $0x24, v2  }
0x21a: {  	v31 =	vld.idx.msk [tilespmem:v3+s15+$0x0], $0xffff;
	v45 =	vmul.f32 v47, v46  }
0x21b: {  	v44 =	vld.idx.msk [tilespmem:v3+s16+$0x0], $0xffff;
	v3 =	vadd.f32 v1, v4;
	v1 =	vmul.f32 v43, v49;
	v4 =	vor.u32 $0x25, v2  }
0x21c: {  	v46 =	vld.idx.msk [tilespmem:v5+s15+$0x0], $0xffff  }
0x21d: {  	v47 =	vld.idx.msk [tilespmem:v5+s16+$0x0], $0xffff;
	v5 =	vmul.f32 v45, v50;
	v48 =	vadd.f32 v1, v3;
	v3 =	vor.u32 $0x26, v2  }
0x21e: {  	v37 =	vmul.f32 v53, v29;
	v29 =	vld.idx.msk [tilespmem:v30+s15+$0x0], $0xffff  }
0x21f: {  	v53 =	vld.idx.msk [tilespmem:v30+s16+$0x0], $0xffff;
	v38 =	vadd.f32 v5, v48;
	v5 =	vor.u32 $0x27, v2  }
0x220: {  	v1 =	vmul.f32 v37, v23;
	v31 =	vmul.f32 v44, v31;
	v30 =	vld.idx.msk [tilespmem:v4+s15+$0x0], $0xffff  }
0x221: {  	v23 =	vor.u32 $0x28, v2;
	v45 =	vld.idx.msk [tilespmem:v4+s16+$0x0], $0xffff  }
0x222: {  	v36 =	vmul.f32 v47, v46;
	v4 =	vmul.f32 v31, v60;
	v44 =	vadd.f32 v1, v38;
	v31 =	vld.idx.msk [tilespmem:v3+s15+$0x0], $0xffff  }
0x223: {  	v46 =	vld.idx.msk [tilespmem:v3+s16+$0x0], $0xffff;
	v3 =	vor.u32 $0x29, v2  }
0x224: {  	v47 =	vadd.f32 v4, v44;
	v4 =	vmul.f32 v36, v24;
	v48 =	vmul.f32 v53, v29;
	v29 =	vld.idx.msk [tilespmem:v5+s15+$0x0], $0xffff  }
0x225: {  	v53 =	vld.idx.msk [tilespmem:v5+s16+$0x0], $0xffff;
	v5 =	vor.u32 $0x2A, v2  }
0x226: {  	v41 =	vadd.f32 v4, v47;
	v30 =	vmul.f32 v45, v30;
	v4 =	vmul.f32 v48, v26  }
0x227: {  	v58 =	vmov v42;
	v42 =	vld.idx.msk [tilespmem:v23+s16+$0x0], $0xffff  }
0x228: {  	v1 =	vor.u32 $0x2B, v2;
	v24 =	vld.idx.msk [tilespmem:v23+s15+$0x0], $0xffff;
	v4 =	vadd.f32 v4, v41;
	v43 =	vmul.f32 v30, v55  }
0x229: {  	v31 =	vmul.f32 v46, v31;
	v23 =	vld.idx.msk [tilespmem:v3+s15+$0x0], $0xffff  }
0x22a: {  	v30 =	vld.idx.msk [tilespmem:v3+s16+$0x0], $0xffff;
	v3 =	vadd.f32 v43, v4  }
0x22b: {  	v32 =	vmul.f32 v31, v56;
	v34 =	vmul.f32 v53, v29;
	v4 =	vor.u32 $0x2C, v2;
	v29 =	vld.idx.msk [tilespmem:v5+s15+$0x0], $0xffff  }
0x22c: {  	v31 =	vld.idx.msk [tilespmem:v5+s16+$0x0], $0xffff  }
0x22d: {  	v45 =	vld.idx.msk [tilespmem:v1+s16+$0x0], $0xffff;
	v44 =	vmul.f32 v42, v24;
	v32 =	vadd.f32 v32, v3;
	v5 =	vmul.f32 v34, v25  }
0x22e: {  	v24 =	vld.idx.msk [tilespmem:v1+s15+$0x0], $0xffff  }
0x22f: {  	v34 =	vmul.f32 v44, v63;
	v46 =	vmul.f32 v30, v23;
	v25 =	vadd.f32 v5, v32  }
0x230: {  	v3 =	vor.u32 $0x2D, v2;
	v23 =	vld.idx.msk [tilespmem:v4+s15+$0x0], $0xffff  }
0x231: {  	v47 =	vld.idx.msk [tilespmem:v4+s16+$0x0], $0xffff;
	v4 =	vmul.f32 v46, v27;
	v31 =	vmul.f32 v31, v29;
	v30 =	vadd.f32 v34, v25;
	_ =	sdelay $0x1  }
0x232: {  	v36 =	vadd.f32 v4, v30;
	v4 =	vmul.f32 v31, v21;
	v31 =	vmul.f32 v45, v24;
	_ =	sdelay $0x1  }
0x233: {  	v25 =	vld.idx.msk [tilespmem:v3+s15+$0x0], $0xffff;
	v48 =	vadd.f32 v4, v36;
	v4 =	vmul.f32 v31, v22  }
0x234: {  	v29 =	vld.idx.msk [tilespmem:v3+s16+$0x0], $0xffff;
	v3 =	vor.u32 $0x30, v2  }
0x235: {  	v32 =	vadd.f32 v4, v48;
	v4 =	vld [tilespmem:$0x1FEC0];
	_ =	sdelay $0x2  }
0x236: {  	v23 =	vmul.f32 v47, v23  }
0x237: {  	v29 =	vmul.f32 v29, v25;
	v25 =	vld.idx.msk [tilespmem:v3+s16+$0x0], $0xffff  }
0x238: {  	v5 =	vor.u32 $0x2E, v2;
	v4 =	vmul.f32 v23, v4;
	v23 =	vld.idx.msk [tilespmem:v3+s15+$0x0], $0xffff  }
0x239: {  	v3 =	vld [tilespmem:$0x1FEB0];
	_ =	sdelay $0x3  }
0x23a: {  	v1 =	vor.u32 $0x2F, v2;
	v24 =	vld.idx.msk [tilespmem:v5+s15+$0x0], $0xffff  }
0x23b: {  	v30 =	vld.idx.msk [tilespmem:v5+s16+$0x0], $0xffff;
	v32 =	vadd.f32 v4, v32;
	v63 =	vmov v3;
	v3 =	vmul.f32 v29, v3  }
0x23c: {  	v5 =	vor.u32 $0x31, v2  }
0x23d: {  	v32 =	vadd.f32 v3, v32;
	v3 =	vld [tilespmem:$0x1FEA0];
	_ =	sdelay $0x1  }
0x23e: {  	v21 =	vld.idx.msk [tilespmem:v1+s15+$0x0], $0xffff  }
0x23f: {  	v31 =	vld.idx.msk [tilespmem:v1+s16+$0x0], $0xffff;
	v30 =	vmul.f32 v30, v24  }
0x240: {  	v24 =	vld.idx.msk [tilespmem:v5+s15+$0x0], $0xffff;
	v4 =	vor.u32 $0x33, v2  }
0x241: {  	v29 =	vld.idx.msk [tilespmem:v5+s16+$0x0], $0xffff;
	v5 =	vmul.f32 v30, v3  }
0x242: {  	v47 =	vmov v0;
	v0 =	vld [tilespmem:$0x1FE80]  }
0x243: {  	v30 =	vadd.f32 v5, v32;
	v5 =	vld [tilespmem:$0x1FE90]  }
0x244: {  	v1 =	vor.u32 $0x32, v2  }
0x245: {  	v56 =	vmul.f32 v25, v23;
	v23 =	vld.idx.msk [tilespmem:v4+s15+$0x0], $0xffff  }
0x246: {  	v31 =	vmul.f32 v31, v21;
	v41 =	vld.idx.msk [tilespmem:v4+s16+$0x0], $0xffff;
	v3 =	vor.u32 $0x34, v2  }
0x247: {  	v25 =	vmov v0;
	v4 =	vmul.f32 v56, v0;
	v0 =	vld [tilespmem:$0x1FE70]  }
0x248: {  	v53 =	vmul.f32 v31, v5  }
0x249: {  	v21 =	vld.idx.msk [tilespmem:v1+s15+$0x0], $0xffff;
	v5 =	vor.u32 $0x35, v2  }
0x24a: {  	v29 =	vmul.f32 v29, v24;
	v31 =	vld.idx.msk [tilespmem:v1+s16+$0x0], $0xffff;
	v38 =	vadd.f32 v53, v30  }
0x24b: {  	v24 =	vld.idx.msk [tilespmem:v3+s15+$0x0], $0xffff;
	v1 =	vor.u32 $0x36, v2  }
0x24c: {  	v36 =	vadd.f32 v4, v38;
	v4 =	vmul.f32 v29, v0;
	v0 =	vld [tilespmem:$0x1FE60]  }
0x24d: {  	v30 =	vld.idx.msk [tilespmem:v3+s16+$0x0], $0xffff;
	v3 =	vor.u32 $0x37, v2  }
0x24e: {  	v29 =	vld.idx.msk [tilespmem:v5+s15+$0x0], $0xffff  }
0x24f: {  	v42 =	vmul.f32 v31, v21;
	v31 =	vld.idx.msk [tilespmem:v5+s16+$0x0], $0xffff  }
0x250: {  	v21 =	vld.idx.msk [tilespmem:v1+s15+$0x0], $0xffff  }
0x251: {  	v44 =	vld.idx.msk [tilespmem:v1+s16+$0x0], $0xffff;
	v36 =	vadd.f32 v4, v36;
	v4 =	vmul.f32 v42, v0  }
0x252: {  	v1 =	vld.idx.msk [tilespmem:v3+s15+$0x0], $0xffff  }
0x253: {  	v43 =	vmul.f32 v41, v23;
	v23 =	vadd.f32 v4, v36;
	v4 =	vld [tilespmem:$0x1FE50]  }
0x254: {  	v45 =	vmul.f32 v30, v24;
	v24 =	vld.idx.msk [tilespmem:v3+s16+$0x0], $0xffff  }
0x255: {  	v3 =	vld [tilespmem:$0x1FE40]  }
0x256: {  	v5 =	vor.u32 $0x38, v2  }
0x257: {  	v36 =	vld [tilespmem:$0x1FD80]  }
0x258: {  	v48 =	vmov v0;
	v0 =	vor.u32 $0x39, v2;
	v4 =	vmul.f32 v43, v4  }
0x259: {  	v31 =	vmul.f32 v31, v29  }
0x25a: {  	v38 =	vld [tilespmem:$0x1FDA0];
	v53 =	vmovc v3;
	v3 =	vmul.f32 v45, v3;
	v30 =	vadd.f32 v4, v23;
	v4 =	vor.u32 $0x3A, v2  }
0x25b: {  	v29 =	vld.idx.msk [tilespmem:v5+s16+$0x0], $0xffff  }
0x25c: {  	v32 =	vmul.f32 v44, v21;
	v23 =	vld.idx.msk [tilespmem:v5+s15+$0x0], $0xffff;
	v5 =	vmul.f32 v31, v36;
	v30 =	vadd.f32 v3, v30  }
0x25d: {  	v21 =	vld.idx.msk [tilespmem:v0+s15+$0x0], $0xffff  }
0x25e: {  	v32 =	vmul.f32 v32, v28;
	v46 =	vmul.f32 v24, v1;
	v31 =	vadd.f32 v5, v30;
	v30 =	vld.idx.msk [tilespmem:v0+s16+$0x0], $0xffff  }
0x25f: {  	v24 =	vld.idx.msk [tilespmem:v4+s15+$0x0], $0xffff  }
0x260: {  	v0 =	vadd.f32 v32, v31;
	v31 =	vld.idx.msk [tilespmem:v4+s16+$0x0], $0xffff;
	v4 =	vmul.f32 v46, v38;
	_ =	sdelay $0x1  }
0x261: {  	v32 =	vadd.f32 v4, v0;
	v0 =	vld [tilespmem:$0x1FDB0]  }
0x262: {  	v41 =	vld [tilespmem:$0x1FDD0];
	v3 =	vor.u32 $0x3B, v2  }
0x263: {  	v42 =	vld [tilespmem:$0x1FDE0]  }
0x264: {  	v44 =	vld [tilespmem:$0x1FE00];
	v5 =	vor.u32 $0x3C, v2;
	v56 =	vmul.f32 v29, v23  }
0x265: {  	v43 =	vld [tilespmem:$0x1FDF0]  }
0x266: {  	v1 =	vor.u32 $0x3D, v2;
	v4 =	vmul.f32 v56, v0;
	v56 =	vld [tilespmem:$0x1FDC0]  }
0x267: {  	v23 =	vld.idx.msk [tilespmem:v3+s15+$0x0], $0xffff  }
0x268: {  	v29 =	vld.idx.msk [tilespmem:v3+s16+$0x0], $0xffff;
	v3 =	vor.u32 $0x3E, v2  }
0x269: {  	v30 =	vmul.f32 v30, v21;
	v21 =	vld.idx.msk [tilespmem:v5+s16+$0x0], $0xffff  }
0x26a: {  	v0 =	vld.idx.msk [tilespmem:v5+s15+$0x0], $0xffff;
	v32 =	vadd.f32 v4, v32;
	v4 =	vor.u32 $0x3F, v2  }
0x26b: {  	v5 =	vmul.f32 v31, v24;
	v24 =	vld.idx.msk [tilespmem:v1+s15+$0x0], $0xffff;
	v2 =	vmul.f32 v30, v56  }
0x26c: {  	v30 =	vld.idx.msk [tilespmem:v1+s16+$0x0], $0xffff  }
0x26d: {  	v29 =	vmul.f32 v29, v23;
	v23 =	vld.idx.msk [tilespmem:v3+s16+$0x0], $0xffff;
	v5 =	vmul.f32 v5, v41;
	v2 =	vadd.f32 v2, v32  }
0x26e: {  	v1 =	vld.idx.msk [tilespmem:v3+s15+$0x0], $0xffff  }
0x26f: {  	v3 =	vmul.f32 v21, v0;
	v0 =	vld.idx.msk [tilespmem:v4+s15+$0x0], $0xffff;
	v2 =	vadd.f32 v5, v2;
	v5 =	vmul.f32 v29, v42  }
0x270: {  	v4 =	vld.idx.msk [tilespmem:v4+s16+$0x0], $0xffff  }
0x271: {  	v45 =	vld [tilespmem:$0x1FE10];
	v3 =	vmul.f32 v3, v43;
	v2 =	vadd.f32 v5, v2;
	v5 =	vmul.f32 v30, v24;
	_ =	sdelay $0x1  }
0x272: {  	v37 =	vmovc v28;
	v34 =	vmovc v6;
	v28 =	vmov v12;
	v46 =	vld [tilespmem:$0x1FE20];
	v2 =	vadd.f32 v3, v2;
	v3 =	vmul.f32 v5, v44  }
0x273: {  	s20 =	simm.s32 $0x10;
	v31 =	vmovc v17;
	v21 =	vmovc v9;
	v32 =	vmov v19;
	v29 =	vmov v13;
	v5 =	vmul.f32 v23, v1  }
0x274: {  	s0 =	rddreg [dreg:$0x16];
	v24 =	vmovc v11;
	v30 =	vmovc v14;
	v4 =	vmul.f32 v4, v0;
	v3 =	vadd.f32 v3, v2;
	v2 =	vmov s20  }
0x275: {  	s22 =	simm.s32 $0x20;
	s19 =	sadd.s32 $0x10400, s0;
	v0 =	vmovc v7;
	v1 =	vmovc v8;
	v23 =	vmov v10;
	v5 =	vmul.f32 v5, v45;
	v2 =	vshll.u32 v2, $0x7  }
.LBB2_7:
0x276: {  	_ = 	snop  }
0x277: {  	v2 =	vor.u32 v15, v2;
	v3 =	vadd.f32 v5, v3;
	v4 =	vmul.f32 v4, v46  }
0x278: {  	s0 =	sand.u32 $0x80, s21  }
0x279: {  	s1 =	sand.u32 $0x70, s21;
	v5 =	vor.u32 $0x1, v2;
	s0 =	sadd.s32 s0, s19;
	v3 =	vadd.f32 v4, v3  }
0x27a: {  	s0 =	sadd.s32 s1, s0  }
0x27b: {  	v4 =	vor.u32 $0x2, v2;
	[tilespmem:s0+$0x0] =	vst v3  }
0x27c: {  	v3 =	vld.idx.msk [tilespmem:v2+s16+$0x0], $0xffff  }
0x27d: {  	v7 =	vor.u32 $0x3, v2;
	v6 =	vld.idx.msk [tilespmem:v2+s15+$0x0], $0xffff  }
0x27e: {  	v8 =	vld.idx.msk [tilespmem:v5+s15+$0x0], $0xffff  }
0x27f: {  	v9 =	vor.u32 $0x4, v2;
	v5 =	vld.idx.msk [tilespmem:v5+s16+$0x0], $0xffff  }
0x280: {  	v10 =	vld.idx.msk [tilespmem:v4+s15+$0x0], $0xffff  }
0x281: {  	v11 =	vor.u32 $0x5, v2;
	v4 =	vld.idx.msk [tilespmem:v4+s16+$0x0], $0xffff  }
0x282: {  	v12 =	vld.idx.msk [tilespmem:v7+s15+$0x0], $0xffff;
	v3 =	vmul.f32 v3, v6  }
0x283: {  	v6 =	vld.idx.msk [tilespmem:v7+s16+$0x0], $0xffff;
	v7 =	vor.u32 $0x6, v2  }
0x284: {  	v13 =	vld.idx.msk [tilespmem:v9+s15+$0x0], $0xffff;
	v5 =	vmul.f32 v5, v8;
	v3 =	vmul.f32 v3, v16  }
0x285: {  	v8 =	vld.idx.msk [tilespmem:v9+s16+$0x0], $0xffff;
	v9 =	vor.u32 $0x7, v2  }
0x286: {  	v14 =	vld.idx.msk [tilespmem:v11+s15+$0x0], $0xffff;
	v5 =	vmul.f32 v5, v18;
	v4 =	vmul.f32 v4, v10;
	v3 =	vadd.f32 v3, v47  }
0x287: {  	v17 =	vmov v15;
	v15 =	vor.u32 $0x8, v2;
	v10 =	vld.idx.msk [tilespmem:v11+s16+$0x0], $0xffff  }
0x288: {  	v4 =	vmul.f32 v4, v0;
	v11 =	vld.idx.msk [tilespmem:v7+s15+$0x0], $0xffff;
	v3 =	vadd.f32 v5, v3;
	v5 =	vmul.f32 v6, v12  }
0x289: {  	v19 =	vmov v18;
	v18 =	vmov v16;
	v16 =	vor.u32 $0x9, v2;
	v6 =	vld.idx.msk [tilespmem:v7+s16+$0x0], $0xffff  }
0x28a: {  	v7 =	vld.idx.msk [tilespmem:v9+s15+$0x0], $0xffff;
	v3 =	vadd.f32 v4, v3;
	v4 =	vmul.f32 v5, v1;
	v5 =	vmul.f32 v8, v13  }
0x28b: {  	v12 =	vor.u32 $0xA, v2;
	v8 =	vld.idx.msk [tilespmem:v9+s16+$0x0], $0xffff  }
0x28c: {  	v9 =	vld.idx.msk [tilespmem:v15+s15+$0x0], $0xffff;
	v3 =	vadd.f32 v4, v3;
	v4 =	vmul.f32 v5, v21;
	v5 =	vmul.f32 v10, v14  }
0x28d: {  	v13 =	vor.u32 $0xB, v2;
	v10 =	vld.idx.msk [tilespmem:v15+s16+$0x0], $0xffff  }
0x28e: {  	v14 =	vld.idx.msk [tilespmem:v16+s15+$0x0], $0xffff;
	v3 =	vadd.f32 v4, v3;
	v4 =	vmul.f32 v5, v23;
	v5 =	vmul.f32 v6, v11  }
0x28f: {  	v15 =	vor.u32 $0xC, v2;
	v6 =	vld.idx.msk [tilespmem:v16+s16+$0x0], $0xffff  }
0x290: {  	v11 =	vld.idx.msk [tilespmem:v12+s15+$0x0], $0xffff;
	v3 =	vadd.f32 v4, v3;
	v4 =	vmul.f32 v5, v24;
	v5 =	vmul.f32 v8, v7  }
0x291: {  	v16 =	vor.u32 $0xD, v2;
	v7 =	vld.idx.msk [tilespmem:v12+s16+$0x0], $0xffff  }
0x292: {  	v8 =	vld.idx.msk [tilespmem:v13+s15+$0x0], $0xffff;
	v3 =	vadd.f32 v4, v3;
	v4 =	vmul.f32 v5, v28;
	v5 =	vmul.f32 v10, v9  }
0x293: {  	v9 =	vld.idx.msk [tilespmem:v13+s16+$0x0], $0xffff  }
0x294: {  	v10 =	vld.idx.msk [tilespmem:v15+s15+$0x0], $0xffff;
	v3 =	vadd.f32 v4, v3;
	v4 =	vmul.f32 v5, v29;
	v5 =	vmul.f32 v6, v14  }
0x295: {  	v6 =	vld.idx.msk [tilespmem:v15+s16+$0x0], $0xffff  }
0x296: {  	v14 =	vld.idx.msk [tilespmem:v16+s15+$0x0], $0xffff;
	v3 =	vadd.f32 v4, v3;
	v4 =	vmul.f32 v5, v30;
	v5 =	vmul.f32 v7, v11  }
0x297: {  	v12 =	vor.u32 $0xE, v2;
	v7 =	vld.idx.msk [tilespmem:v16+s16+$0x0], $0xffff  }
0x298: {  	v3 =	vadd.f32 v4, v3;
	v4 =	vmul.f32 v5, v31;
	v5 =	vmul.f32 v9, v8  }
0x299: {  	v13 =	vor.u32 $0xF, v2  }
0x29a: {  	v3 =	vadd.f32 v4, v3;
	v4 =	vmul.f32 v5, v32;
	v5 =	vmul.f32 v6, v10;
	_ =	sdelay $0x1  }
0x29b: {  	v11 =	vld.idx.msk [tilespmem:v12+s15+$0x0], $0xffff;
	v3 =	vadd.f32 v4, v3;
	v4 =	vmul.f32 v5, v34;
	v5 =	vmul.f32 v7, v14  }
0x29c: {  	v8 =	vld.idx.msk [tilespmem:v12+s16+$0x0], $0xffff  }
0x29d: {  	v9 =	vld.idx.msk [tilespmem:v13+s15+$0x0], $0xffff;
	v3 =	vadd.f32 v4, v3;
	v4 =	vmul.f32 v5, v20  }
0x29e: {  	v6 =	vld.idx.msk [tilespmem:v13+s16+$0x0], $0xffff  }
0x29f: {  	v15 =	vor.u32 $0x10, v2;
	v3 =	vadd.f32 v4, v3;
	v4 =	vld [tilespmem:$0x1FF60];
	_ =	sdelay $0x1  }
0x2a0: {  	v16 =	vor.u32 $0x11, v2  }
0x2a1: {  	v5 =	vmul.f32 v8, v11;
	_ =	sdelay $0x1  }
0x2a2: {  	v12 =	vor.u32 $0x12, v2;
	v10 =	vld.idx.msk [tilespmem:v15+s15+$0x0], $0xffff;
	v4 =	vmul.f32 v5, v4;
	v5 =	vmul.f32 v6, v9  }
0x2a3: {  	v7 =	vld.idx.msk [tilespmem:v15+s16+$0x0], $0xffff  }
0x2a4: {  	v14 =	vld.idx.msk [tilespmem:v16+s15+$0x0], $0xffff;
	v3 =	vadd.f32 v4, v3;
	v4 =	vmul.f32 v5, v33  }
0x2a5: {  	v8 =	vld.idx.msk [tilespmem:v16+s16+$0x0], $0xffff  }
0x2a6: {  	v3 =	vadd.f32 v4, v3;
	v4 =	vld [tilespmem:$0x1FF70]  }
0x2a7: {  	v11 =	vld.idx.msk [tilespmem:v12+s15+$0x0], $0xffff  }
0x2a8: {  	v13 =	vor.u32 $0x13, v2;
	v6 =	vld.idx.msk [tilespmem:v12+s16+$0x0], $0xffff  }
0x2a9: {  	v5 =	vmul.f32 v7, v10  }
0x2aa: {  	v15 =	vor.u32 $0x14, v2  }
0x2ab: {  	v4 =	vmul.f32 v5, v4;
	v5 =	vmul.f32 v8, v14  }
0x2ac: {  	v16 =	vor.u32 $0x15, v2  }
0x2ad: {  	v9 =	vld.idx.msk [tilespmem:v13+s15+$0x0], $0xffff;
	v3 =	vadd.f32 v4, v3;
	v4 =	vmul.f32 v5, v35;
	v5 =	vmul.f32 v6, v11  }
0x2ae: {  	v7 =	vld.idx.msk [tilespmem:v13+s16+$0x0], $0xffff  }
0x2af: {  	v12 =	vor.u32 $0x16, v2;
	v10 =	vld.idx.msk [tilespmem:v15+s15+$0x0], $0xffff;
	v3 =	vadd.f32 v4, v3;
	v4 =	vmul.f32 v5, v54  }
0x2b0: {  	v8 =	vld.idx.msk [tilespmem:v15+s16+$0x0], $0xffff  }
0x2b1: {  	v13 =	vor.u32 $0x17, v2;
	v3 =	vadd.f32 v4, v3;
	v4 =	vld [tilespmem:$0x1FF00]  }
0x2b2: {  	v14 =	vld.idx.msk [tilespmem:v16+s15+$0x0], $0xffff  }
0x2b3: {  	v15 =	vor.u32 $0x18, v2;
	v6 =	vld.idx.msk [tilespmem:v16+s16+$0x0], $0xffff  }
0x2b4: {  	v11 =	vld.idx.msk [tilespmem:v12+s15+$0x0], $0xffff;
	v5 =	vmul.f32 v7, v9  }
0x2b5: {  	v16 =	vor.u32 $0x19, v2;
	v7 =	vld.idx.msk [tilespmem:v12+s16+$0x0], $0xffff  }
0x2b6: {  	v9 =	vld.idx.msk [tilespmem:v13+s15+$0x0], $0xffff;
	v4 =	vmul.f32 v5, v4;
	v5 =	vmul.f32 v8, v10  }
0x2b7: {  	v8 =	vld.idx.msk [tilespmem:v13+s16+$0x0], $0xffff  }
0x2b8: {  	v10 =	vld.idx.msk [tilespmem:v15+s15+$0x0], $0xffff;
	v3 =	vadd.f32 v4, v3;
	v4 =	vmul.f32 v5, v52;
	v5 =	vmul.f32 v6, v14  }
0x2b9: {  	v6 =	vld.idx.msk [tilespmem:v15+s16+$0x0], $0xffff  }
0x2ba: {  	v14 =	vld.idx.msk [tilespmem:v16+s15+$0x0], $0xffff;
	v3 =	vadd.f32 v4, v3;
	v4 =	vmul.f32 v5, v39;
	v5 =	vmul.f32 v7, v11  }
0x2bb: {  	v12 =	vor.u32 $0x1A, v2;
	v7 =	vld.idx.msk [tilespmem:v16+s16+$0x0], $0xffff  }
0x2bc: {  	v3 =	vadd.f32 v4, v3;
	v4 =	vmul.f32 v5, v40;
	v5 =	vmul.f32 v8, v9  }
0x2bd: {  	v13 =	vor.u32 $0x1B, v2  }
0x2be: {  	v3 =	vadd.f32 v4, v3;
	v4 =	vmul.f32 v5, v57;
	v5 =	vmul.f32 v6, v10  }
0x2bf: {  	v15 =	vor.u32 $0x1C, v2  }
0x2c0: {  	v11 =	vld.idx.msk [tilespmem:v12+s15+$0x0], $0xffff;
	v3 =	vadd.f32 v4, v3;
	v4 =	vmul.f32 v5, v58;
	v5 =	vmul.f32 v7, v14  }
0x2c1: {  	v8 =	vld.idx.msk [tilespmem:v12+s16+$0x0], $0xffff  }
0x2c2: {  	v16 =	vor.u32 $0x1D, v2;
	v9 =	vld.idx.msk [tilespmem:v13+s15+$0x0], $0xffff;
	v3 =	vadd.f32 v4, v3;
	v4 =	vmul.f32 v5, v51  }
0x2c3: {  	v6 =	vld.idx.msk [tilespmem:v13+s16+$0x0], $0xffff  }
0x2c4: {  	v3 =	vadd.f32 v4, v3;
	v4 =	vld [tilespmem:$0x1FEE0]  }
0x2c5: {  	v10 =	vld.idx.msk [tilespmem:v15+s15+$0x0], $0xffff  }
0x2c6: {  	v7 =	vld.idx.msk [tilespmem:v15+s16+$0x0], $0xffff  }
0x2c7: {  	v14 =	vld.idx.msk [tilespmem:v16+s15+$0x0], $0xffff;
	v5 =	vmul.f32 v8, v11  }
0x2c8: {  	v12 =	vor.u32 $0x1E, v2;
	v8 =	vld.idx.msk [tilespmem:v16+s16+$0x0], $0xffff  }
0x2c9: {  	v4 =	vmul.f32 v5, v4;
	v5 =	vmul.f32 v6, v9  }
0x2ca: {  	v13 =	vor.u32 $0x1F, v2  }
0x2cb: {  	v3 =	vadd.f32 v4, v3;
	v4 =	vmul.f32 v5, v59;
	v5 =	vmul.f32 v7, v10  }
0x2cc: {  	v15 =	vor.u32 $0x20, v2  }
0x2cd: {  	v11 =	vld.idx.msk [tilespmem:v12+s15+$0x0], $0xffff;
	v3 =	vadd.f32 v4, v3;
	v4 =	vmul.f32 v5, v61;
	v5 =	vmul.f32 v8, v14  }
0x2ce: {  	v6 =	vld.idx.msk [tilespmem:v12+s16+$0x0], $0xffff  }
0x2cf: {  	v9 =	vld.idx.msk [tilespmem:v13+s15+$0x0], $0xffff;
	v3 =	vadd.f32 v4, v3;
	v4 =	vmul.f32 v5, v62  }
0x2d0: {  	v7 =	vld.idx.msk [tilespmem:v13+s16+$0x0], $0xffff  }
0x2d1: {  	v3 =	vadd.f32 v4, v3;
	v4 =	vld [tilespmem:$0x1FF50]  }
0x2d2: {  	v10 =	vld.idx.msk [tilespmem:v15+s15+$0x0], $0xffff  }
0x2d3: {  	v16 =	vor.u32 $0x21, v2;
	v8 =	vld.idx.msk [tilespmem:v15+s16+$0x0], $0xffff  }
0x2d4: {  	v5 =	vmul.f32 v6, v11  }
0x2d5: {  	v12 =	vor.u32 $0x22, v2  }
0x2d6: {  	v4 =	vmul.f32 v5, v4;
	v5 =	vmul.f32 v7, v9;
	_ =	sdelay $0x1  }
0x2d7: {  	v14 =	vld.idx.msk [tilespmem:v16+s15+$0x0], $0xffff;
	v3 =	vadd.f32 v4, v3;
	v4 =	vmul.f32 v5, v49;
	v5 =	vmul.f32 v8, v10  }
0x2d8: {  	v6 =	vld.idx.msk [tilespmem:v16+s16+$0x0], $0xffff  }
0x2d9: {  	v11 =	vld.idx.msk [tilespmem:v12+s15+$0x0], $0xffff;
	v3 =	vadd.f32 v4, v3;
	v4 =	vmul.f32 v5, v50  }
0x2da: {  	v7 =	vld.idx.msk [tilespmem:v12+s16+$0x0], $0xffff  }
0x2db: {  	v13 =	vor.u32 $0x23, v2;
	v3 =	vadd.f32 v4, v3;
	v4 =	vld [tilespmem:$0x1FED0];
	_ =	sdelay $0x1  }
0x2dc: {  	v15 =	vor.u32 $0x24, v2  }
0x2dd: {  	v5 =	vmul.f32 v6, v14;
	_ =	sdelay $0x1  }
0x2de: {  	v16 =	vor.u32 $0x25, v2;
	v9 =	vld.idx.msk [tilespmem:v13+s15+$0x0], $0xffff;
	v4 =	vmul.f32 v5, v4;
	v5 =	vmul.f32 v7, v11  }
0x2df: {  	v8 =	vld.idx.msk [tilespmem:v13+s16+$0x0], $0xffff  }
0x2e0: {  	v10 =	vld.idx.msk [tilespmem:v15+s15+$0x0], $0xffff;
	v3 =	vadd.f32 v4, v3;
	v4 =	vmul.f32 v5, v60  }
0x2e1: {  	v6 =	vld.idx.msk [tilespmem:v15+s16+$0x0], $0xffff  }
0x2e2: {  	v3 =	vadd.f32 v4, v3;
	v4 =	vld [tilespmem:$0x1FF40]  }
0x2e3: {  	v14 =	vld.idx.msk [tilespmem:v16+s15+$0x0], $0xffff  }
0x2e4: {  	v7 =	vld.idx.msk [tilespmem:v16+s16+$0x0], $0xffff  }
0x2e5: {  	v12 =	vor.u32 $0x26, v2;
	v5 =	vmul.f32 v8, v9;
	_ =	sdelay $0x1  }
0x2e6: {  	v4 =	vmul.f32 v5, v4;
	v5 =	vmul.f32 v6, v10;
	_ =	sdelay $0x1  }
0x2e7: {  	v3 =	vadd.f32 v4, v3;
	v4 =	vmul.f32 v5, v26;
	v5 =	vmul.f32 v7, v14  }
0x2e8: {  	v11 =	vld.idx.msk [tilespmem:v12+s15+$0x0], $0xffff  }
0x2e9: {  	v8 =	vld.idx.msk [tilespmem:v12+s16+$0x0], $0xffff;
	v3 =	vadd.f32 v4, v3;
	v4 =	vmul.f32 v5, v55  }
0x2ea: {  	v13 =	vor.u32 $0x27, v2  }
0x2eb: {  	v3 =	vadd.f32 v4, v3;
	v4 =	vld [tilespmem:$0x1FF10];
	_ =	sdelay $0x2  }
0x2ec: {  	v5 =	vmul.f32 v8, v11  }
0x2ed: {  	v9 =	vld.idx.msk [tilespmem:v13+s15+$0x0], $0xffff  }
0x2ee: {  	v15 =	vor.u32 $0x28, v2;
	v6 =	vld.idx.msk [tilespmem:v13+s16+$0x0], $0xffff;
	v4 =	vmul.f32 v5, v4;
	_ =	sdelay $0x1  }
0x2ef: {  	v16 =	vor.u32 $0x29, v2;
	v3 =	vadd.f32 v4, v3;
	v4 =	vld [tilespmem:$0x1FF30];
	_ =	sdelay $0x2  }
0x2f0: {  	v10 =	vld.idx.msk [tilespmem:v15+s15+$0x0], $0xffff;
	v5 =	vmul.f32 v6, v9  }
0x2f1: {  	v7 =	vld.idx.msk [tilespmem:v15+s16+$0x0], $0xffff  }
0x2f2: {  	v14 =	vld.idx.msk [tilespmem:v16+s15+$0x0], $0xffff;
	v4 =	vmul.f32 v5, v4  }
0x2f3: {  	v8 =	vld.idx.msk [tilespmem:v16+s16+$0x0], $0xffff  }
0x2f4: {  	v12 =	vor.u32 $0x2A, v2;
	v3 =	vadd.f32 v4, v3;
	v4 =	vld [tilespmem:$0x1FEF0];
	_ =	sdelay $0x1  }
0x2f5: {  	v13 =	vor.u32 $0x2B, v2  }
0x2f6: {  	v5 =	vmul.f32 v7, v10;
	_ =	sdelay $0x1  }
0x2f7: {  	v11 =	vld.idx.msk [tilespmem:v12+s15+$0x0], $0xffff;
	v4 =	vmul.f32 v5, v4;
	v5 =	vmul.f32 v8, v14  }
0x2f8: {  	v6 =	vld.idx.msk [tilespmem:v12+s16+$0x0], $0xffff  }
0x2f9: {  	v9 =	vld.idx.msk [tilespmem:v13+s15+$0x0], $0xffff;
	v3 =	vadd.f32 v4, v3;
	v4 =	vmul.f32 v5, v27  }
0x2fa: {  	v7 =	vld.idx.msk [tilespmem:v13+s16+$0x0], $0xffff  }
0x2fb: {  	v15 =	vor.u32 $0x2C, v2;
	v3 =	vadd.f32 v4, v3;
	v4 =	vld [tilespmem:$0x1FF20];
	_ =	sdelay $0x1  }
0x2fc: {  	v16 =	vor.u32 $0x2D, v2  }
0x2fd: {  	v5 =	vmul.f32 v6, v11;
	_ =	sdelay $0x1  }
0x2fe: {  	v10 =	vld.idx.msk [tilespmem:v15+s15+$0x0], $0xffff;
	v4 =	vmul.f32 v5, v4;
	v5 =	vmul.f32 v7, v9  }
0x2ff: {  	v8 =	vld.idx.msk [tilespmem:v15+s16+$0x0], $0xffff  }
0x300: {  	v14 =	vld.idx.msk [tilespmem:v16+s15+$0x0], $0xffff;
	v3 =	vadd.f32 v4, v3;
	v4 =	vmul.f32 v5, v22  }
0x301: {  	v6 =	vld.idx.msk [tilespmem:v16+s16+$0x0], $0xffff  }
0x302: {  	v3 =	vadd.f32 v4, v3;
	v4 =	vld [tilespmem:$0x1FEC0]  }
0x303: {  	v12 =	vor.u32 $0x2E, v2;
	_ =	sdelay $0x1  }
0x304: {  	v5 =	vmul.f32 v8, v10;
	_ =	sdelay $0x1  }
0x305: {  	v4 =	vmul.f32 v5, v4;
	v5 =	vmul.f32 v6, v14  }
0x306: {  	v11 =	vld.idx.msk [tilespmem:v12+s15+$0x0], $0xffff  }
0x307: {  	v13 =	vor.u32 $0x2F, v2;
	v7 =	vld.idx.msk [tilespmem:v12+s16+$0x0], $0xffff;
	v3 =	vadd.f32 v4, v3;
	v4 =	vmul.f32 v5, v63;
	_ =	sdelay $0x1  }
0x308: {  	v15 =	vor.u32 $0x30, v2;
	v3 =	vadd.f32 v4, v3;
	v4 =	vld [tilespmem:$0x1FEA0];
	_ =	sdelay $0x2  }
0x309: {  	v9 =	vld.idx.msk [tilespmem:v13+s15+$0x0], $0xffff;
	v5 =	vmul.f32 v7, v11  }
0x30a: {  	v8 =	vld.idx.msk [tilespmem:v13+s16+$0x0], $0xffff  }
0x30b: {  	v10 =	vld.idx.msk [tilespmem:v15+s15+$0x0], $0xffff;
	v4 =	vmul.f32 v5, v4  }
0x30c: {  	v6 =	vld.idx.msk [tilespmem:v15+s16+$0x0], $0xffff  }
0x30d: {  	v16 =	vor.u32 $0x31, v2;
	v3 =	vadd.f32 v4, v3;
	v4 =	vld [tilespmem:$0x1FE90];
	_ =	sdelay $0x1  }
0x30e: {  	v12 =	vor.u32 $0x32, v2  }
0x30f: {  	v5 =	vmul.f32 v8, v9;
	_ =	sdelay $0x1  }
0x310: {  	v14 =	vld.idx.msk [tilespmem:v16+s15+$0x0], $0xffff;
	v4 =	vmul.f32 v5, v4;
	v5 =	vmul.f32 v6, v10  }
0x311: {  	v7 =	vld.idx.msk [tilespmem:v16+s16+$0x0], $0xffff  }
0x312: {  	v11 =	vld.idx.msk [tilespmem:v12+s15+$0x0], $0xffff;
	v3 =	vadd.f32 v4, v3;
	v4 =	vmul.f32 v5, v25  }
0x313: {  	v8 =	vld.idx.msk [tilespmem:v12+s16+$0x0], $0xffff  }
0x314: {  	v13 =	vor.u32 $0x33, v2;
	v3 =	vadd.f32 v4, v3;
	v4 =	vld [tilespmem:$0x1FE70];
	_ =	sdelay $0x1  }
0x315: {  	v15 =	vor.u32 $0x34, v2  }
0x316: {  	v5 =	vmul.f32 v7, v14;
	_ =	sdelay $0x1  }
0x317: {  	v16 =	vor.u32 $0x35, v2;
	v9 =	vld.idx.msk [tilespmem:v13+s15+$0x0], $0xffff;
	v4 =	vmul.f32 v5, v4;
	v5 =	vmul.f32 v8, v11  }
0x318: {  	v6 =	vld.idx.msk [tilespmem:v13+s16+$0x0], $0xffff  }
0x319: {  	v12 =	vor.u32 $0x36, v2;
	v10 =	vld.idx.msk [tilespmem:v15+s15+$0x0], $0xffff;
	v3 =	vadd.f32 v4, v3;
	v4 =	vmul.f32 v5, v48  }
0x31a: {  	v7 =	vld.idx.msk [tilespmem:v15+s16+$0x0], $0xffff  }
0x31b: {  	v13 =	vor.u32 $0x37, v2;
	v3 =	vadd.f32 v4, v3;
	v4 =	vld [tilespmem:$0x1FE50]  }
0x31c: {  	v14 =	vld.idx.msk [tilespmem:v16+s15+$0x0], $0xffff  }
0x31d: {  	v8 =	vld.idx.msk [tilespmem:v16+s16+$0x0], $0xffff  }
0x31e: {  	v11 =	vld.idx.msk [tilespmem:v12+s15+$0x0], $0xffff;
	v5 =	vmul.f32 v6, v9  }
0x31f: {  	v6 =	vld.idx.msk [tilespmem:v12+s16+$0x0], $0xffff  }
0x320: {  	v9 =	vld.idx.msk [tilespmem:v13+s15+$0x0], $0xffff;
	v4 =	vmul.f32 v5, v4;
	v5 =	vmul.f32 v7, v10  }
0x321: {  	v15 =	vor.u32 $0x38, v2;
	v7 =	vld.idx.msk [tilespmem:v13+s16+$0x0], $0xffff  }
0x322: {  	v3 =	vadd.f32 v4, v3;
	v4 =	vmul.f32 v5, v53;
	v5 =	vmul.f32 v8, v14  }
0x323: {  	v16 =	vor.u32 $0x39, v2  }
0x324: {  	v3 =	vadd.f32 v4, v3;
	v4 =	vmul.f32 v5, v36;
	v5 =	vmul.f32 v6, v11  }
0x325: {  	v12 =	vor.u32 $0x3A, v2  }
0x326: {  	v10 =	vld.idx.msk [tilespmem:v15+s15+$0x0], $0xffff;
	v3 =	vadd.f32 v4, v3;
	v4 =	vmul.f32 v5, v37;
	v5 =	vmul.f32 v7, v9  }
0x327: {  	v8 =	vld.idx.msk [tilespmem:v15+s16+$0x0], $0xffff  }
0x328: {  	v13 =	vor.u32 $0x3B, v2;
	v14 =	vld.idx.msk [tilespmem:v16+s15+$0x0], $0xffff;
	v3 =	vadd.f32 v4, v3;
	v4 =	vmul.f32 v5, v38  }
0x329: {  	v6 =	vld.idx.msk [tilespmem:v16+s16+$0x0], $0xffff  }
0x32a: {  	v15 =	vor.u32 $0x3C, v2;
	v3 =	vadd.f32 v4, v3;
	v4 =	vld [tilespmem:$0x1FDB0]  }
0x32b: {  	v11 =	vld.idx.msk [tilespmem:v12+s15+$0x0], $0xffff  }
0x32c: {  	v16 =	vor.u32 $0x3D, v2;
	v7 =	vld.idx.msk [tilespmem:v12+s16+$0x0], $0xffff  }
0x32d: {  	v9 =	vld.idx.msk [tilespmem:v13+s15+$0x0], $0xffff;
	v5 =	vmul.f32 v8, v10  }
0x32e: {  	v8 =	vld.idx.msk [tilespmem:v13+s16+$0x0], $0xffff  }
0x32f: {  	v12 =	vor.u32 $0x3E, v2;
	v10 =	vld.idx.msk [tilespmem:v15+s15+$0x0], $0xffff;
	v4 =	vmul.f32 v5, v4;
	v5 =	vmul.f32 v6, v14  }
0x330: {  	v2 =	vor.u32 $0x3F, v2;
	v6 =	vld.idx.msk [tilespmem:v15+s16+$0x0], $0xffff  }
0x331: {  	v13 =	vld.idx.msk [tilespmem:v16+s15+$0x0], $0xffff;
	v3 =	vadd.f32 v4, v3;
	v4 =	vmul.f32 v5, v56;
	v5 =	vmul.f32 v7, v11  }
0x332: {  	v7 =	vld.idx.msk [tilespmem:v16+s16+$0x0], $0xffff  }
0x333: {  	v3 =	vadd.f32 v4, v3;
	v4 =	vmul.f32 v5, v41;
	v5 =	vmul.f32 v8, v9  }
0x334: {  	v11 =	vld.idx.msk [tilespmem:v12+s15+$0x0], $0xffff  }
0x335: {  	v8 =	vld.idx.msk [tilespmem:v12+s16+$0x0], $0xffff;
	v3 =	vadd.f32 v4, v3;
	v4 =	vmul.f32 v5, v42;
	v5 =	vmul.f32 v6, v10  }
0x336: {  	v9 =	vld.idx.msk [tilespmem:v2+s15+$0x0], $0xffff  }
0x337: {  	p1 =	sne.s32 s22, $0xF0;
	v2 =	vld.idx.msk [tilespmem:v2+s16+$0x0], $0xffff;
	v3 =	vadd.f32 v4, v3;
	v4 =	vmul.f32 v5, v43;
	v5 =	vmul.f32 v7, v13  }
.Ltmp3:
0x338: {  	_ = 	snop;
	(pc) =	sbr.rel @p1 .LBB2_7-.Ltmp3, $4  }
0x339: {  	v3 =	vadd.f32 v4, v3;
	v4 =	vmul.f32 v5, v44  }
0x33a: {  	v5 =	vmul.f32 v8, v11  }
0x33b: {  	v15 =	vmov v17;
	v6 =	vmov s22;
	v3 =	vadd.f32 v4, v3  }
0x33c: {  	s21 =	smov.u32 s20;
	s20 =	smov.u32 s22;
	v16 =	vmovc v18;
	v18 =	vmovc v19;
	s22 =	sadd.s32 $0x10, s22;
	v5 =	vmul.f32 v5, v45;
	v4 =	vmul.f32 v2, v9;
	v2 =	vshll.u32 v6, $0x7  }
0x33d: {  	_ = 	snop  }
0x33e: {  	v2 =	vor.u32 v15, v2;
	v3 =	vadd.f32 v5, v3;
	v4 =	vmul.f32 v4, v46  }
0x33f: {  	s0 =	sand.u32 $0x80, s21  }
0x340: {  	s1 =	sand.u32 $0x70, s21;
	v5 =	vor.u32 $0x1, v2;
	s0 =	sadd.s32 s0, s19;
	v3 =	vadd.f32 v4, v3  }
0x341: {  	s0 =	sadd.s32 s1, s0  }
0x342: {  	v4 =	vor.u32 $0x2, v2;
	[tilespmem:s0+$0x0] =	vst v3  }
0x343: {  	v3 =	vld.idx.msk [tilespmem:v2+s16+$0x0], $0xffff  }
0x344: {  	v7 =	vor.u32 $0x3, v2;
	v6 =	vld.idx.msk [tilespmem:v2+s15+$0x0], $0xffff  }
0x345: {  	v9 =	vor.u32 $0x4, v2;
	v8 =	vld.idx.msk [tilespmem:v5+s15+$0x0], $0xffff  }
0x346: {  	v11 =	vor.u32 $0x5, v2;
	v5 =	vld.idx.msk [tilespmem:v5+s16+$0x0], $0xffff  }
0x347: {  	v10 =	vld.idx.msk [tilespmem:v4+s15+$0x0], $0xffff  }
0x348: {  	v4 =	vld.idx.msk [tilespmem:v4+s16+$0x0], $0xffff  }
0x349: {  	v12 =	vld.idx.msk [tilespmem:v7+s15+$0x0], $0xffff  }
0x34a: {  	v13 =	vld.idx.msk [tilespmem:v9+s15+$0x0], $0xffff  }
0x34b: {  	v14 =	vld.idx.msk [tilespmem:v11+s15+$0x0], $0xffff;
	v3 =	vmul.f32 v3, v6  }
0x34c: {  	v6 =	vld.idx.msk [tilespmem:v7+s16+$0x0], $0xffff;
	v7 =	vor.u32 $0x6, v2;
	v5 =	vmul.f32 v5, v8  }
0x34d: {  	v11 =	vld.idx.msk [tilespmem:v11+s16+$0x0], $0xffff;
	v3 =	vmul.f32 v3, v16;
	v4 =	vmul.f32 v4, v10  }
0x34e: {  	v8 =	vld.idx.msk [tilespmem:v9+s16+$0x0], $0xffff;
	v9 =	vor.u32 $0x7, v2  }
0x34f: {  	v5 =	vmul.f32 v5, v18;
	v3 =	vadd.f32 v3, v47;
	v4 =	vmul.f32 v4, v0;
	v0 =	vld [tilespmem:$0x1FF60]  }
0x350: {  	v47 =	vld [tilespmem:$0x1FF50]  }
0x351: {  	v10 =	vor.u32 $0x8, v2;
	v6 =	vmul.f32 v6, v12;
	v3 =	vadd.f32 v5, v3;
	v5 =	vld.idx.msk [tilespmem:v7+s15+$0x0], $0xffff  }
0x352: {  	v7 =	vld.idx.msk [tilespmem:v7+s16+$0x0], $0xffff  }
0x353: {  	v12 =	vor.u32 $0x9, v2;
	v6 =	vmul.f32 v6, v1;
	v1 =	vld [tilespmem:$0x1FF30]  }
0x354: {  	v8 =	vmul.f32 v8, v13;
	v3 =	vadd.f32 v4, v3;
	v4 =	vld.idx.msk [tilespmem:v9+s15+$0x0], $0xffff  }
0x355: {  	v13 =	vor.u32 $0xA, v2;
	v9 =	vld.idx.msk [tilespmem:v9+s16+$0x0], $0xffff  }
0x356: {  	v11 =	vmul.f32 v11, v14;
	v8 =	vmul.f32 v8, v21;
	v3 =	vadd.f32 v6, v3;
	v6 =	vld.idx.msk [tilespmem:v10+s15+$0x0], $0xffff  }
0x357: {  	v14 =	vor.u32 $0xB, v2;
	v10 =	vld.idx.msk [tilespmem:v10+s16+$0x0], $0xffff  }
0x358: {  	v11 =	vmul.f32 v11, v23;
	v5 =	vmul.f32 v7, v5;
	v3 =	vadd.f32 v8, v3;
	v8 =	vld.idx.msk [tilespmem:v12+s15+$0x0], $0xffff  }
0x359: {  	v7 =	vor.u32 $0xC, v2;
	v12 =	vld.idx.msk [tilespmem:v12+s16+$0x0], $0xffff  }
0x35a: {  	v5 =	vmul.f32 v5, v24;
	v4 =	vmul.f32 v9, v4;
	v3 =	vadd.f32 v11, v3;
	v11 =	vld.idx.msk [tilespmem:v13+s15+$0x0], $0xffff  }
0x35b: {  	v9 =	vor.u32 $0xD, v2;
	v13 =	vld.idx.msk [tilespmem:v13+s16+$0x0], $0xffff  }
0x35c: {  	v4 =	vmul.f32 v4, v28;
	v6 =	vmul.f32 v10, v6;
	v3 =	vadd.f32 v5, v3;
	v5 =	vld.idx.msk [tilespmem:v14+s15+$0x0], $0xffff  }
0x35d: {  	v10 =	vor.u32 $0xE, v2;
	v14 =	vld.idx.msk [tilespmem:v14+s16+$0x0], $0xffff  }
0x35e: {  	v6 =	vmul.f32 v6, v29;
	v8 =	vmul.f32 v12, v8;
	v3 =	vadd.f32 v4, v3;
	v4 =	vld.idx.msk [tilespmem:v7+s15+$0x0], $0xffff  }
0x35f: {  	v12 =	vor.u32 $0xF, v2;
	v7 =	vld.idx.msk [tilespmem:v7+s16+$0x0], $0xffff  }
0x360: {  	v8 =	vmul.f32 v8, v30;
	v11 =	vmul.f32 v13, v11;
	v3 =	vadd.f32 v6, v3;
	v6 =	vld.idx.msk [tilespmem:v9+s15+$0x0], $0xffff  }
0x361: {  	v13 =	vor.u32 $0x10, v2;
	v9 =	vld.idx.msk [tilespmem:v9+s16+$0x0], $0xffff  }
0x362: {  	v11 =	vmul.f32 v11, v31;
	v5 =	vmul.f32 v14, v5;
	v3 =	vadd.f32 v8, v3;
	v8 =	vld.idx.msk [tilespmem:v10+s15+$0x0], $0xffff  }
0x363: {  	v14 =	vor.u32 $0x11, v2;
	v10 =	vld.idx.msk [tilespmem:v10+s16+$0x0], $0xffff  }
0x364: {  	v5 =	vmul.f32 v5, v32;
	v4 =	vmul.f32 v7, v4;
	v3 =	vadd.f32 v11, v3;
	v11 =	vld.idx.msk [tilespmem:v12+s15+$0x0], $0xffff  }
0x365: {  	v12 =	vld.idx.msk [tilespmem:v12+s16+$0x0], $0xffff  }
0x366: {  	v7 =	vor.u32 $0x12, v2;
	v4 =	vmul.f32 v4, v34;
	v3 =	vadd.f32 v5, v3;
	v5 =	vld.idx.msk [tilespmem:v13+s15+$0x0], $0xffff  }
0x367: {  	v6 =	vmul.f32 v9, v6;
	v13 =	vld.idx.msk [tilespmem:v13+s16+$0x0], $0xffff  }
0x368: {  	v8 =	vmul.f32 v10, v8;
	v3 =	vadd.f32 v4, v3;
	v4 =	vld.idx.msk [tilespmem:v14+s15+$0x0], $0xffff  }
0x369: {  	v9 =	vor.u32 $0x13, v2;
	v6 =	vmul.f32 v6, v20;
	v14 =	vld.idx.msk [tilespmem:v14+s16+$0x0], $0xffff  }
0x36a: {  	v8 =	vmul.f32 v8, v0;
	v0 =	vld [tilespmem:$0x1FF70]  }
0x36b: {  	v10 =	vor.u32 $0x14, v2;
	v11 =	vmul.f32 v12, v11;
	v3 =	vadd.f32 v6, v3;
	v6 =	vld.idx.msk [tilespmem:v7+s15+$0x0], $0xffff  }
0x36c: {  	v7 =	vld.idx.msk [tilespmem:v7+s16+$0x0], $0xffff  }
0x36d: {  	v11 =	vmul.f32 v11, v33;
	v33 =	vld [tilespmem:$0x1FEA0]  }
0x36e: {  	v12 =	vor.u32 $0x15, v2;
	v3 =	vadd.f32 v8, v3;
	v8 =	vld.idx.msk [tilespmem:v9+s15+$0x0], $0xffff  }
0x36f: {  	v5 =	vmul.f32 v13, v5;
	v9 =	vld.idx.msk [tilespmem:v9+s16+$0x0], $0xffff  }
0x370: {  	v13 =	vor.u32 $0x16, v2;
	v3 =	vadd.f32 v11, v3;
	v11 =	vld.idx.msk [tilespmem:v10+s15+$0x0], $0xffff  }
0x371: {  	v4 =	vmul.f32 v14, v4;
	v5 =	vmul.f32 v5, v0;
	v10 =	vld.idx.msk [tilespmem:v10+s16+$0x0], $0xffff  }
0x372: {  	v14 =	vor.u32 $0x17, v2;
	v0 =	vld [tilespmem:$0x1FF00]  }
0x373: {  	v4 =	vmul.f32 v4, v35;
	v6 =	vmul.f32 v7, v6;
	v3 =	vadd.f32 v5, v3;
	v5 =	vld.idx.msk [tilespmem:v12+s15+$0x0], $0xffff  }
0x374: {  	v7 =	vor.u32 $0x18, v2;
	v12 =	vld.idx.msk [tilespmem:v12+s16+$0x0], $0xffff  }
0x375: {  	v6 =	vmul.f32 v6, v54;
	v8 =	vmul.f32 v9, v8;
	v3 =	vadd.f32 v4, v3;
	v4 =	vld.idx.msk [tilespmem:v13+s15+$0x0], $0xffff  }
0x376: {  	v9 =	vor.u32 $0x19, v2;
	v13 =	vld.idx.msk [tilespmem:v13+s16+$0x0], $0xffff  }
0x377: {  	v8 =	vmul.f32 v8, v0;
	v10 =	vmul.f32 v10, v11;
	v3 =	vadd.f32 v6, v3;
	v6 =	vld.idx.msk [tilespmem:v14+s15+$0x0], $0xffff  }
0x378: {  	v11 =	vor.u32 $0x1A, v2;
	v14 =	vld.idx.msk [tilespmem:v14+s16+$0x0], $0xffff  }
0x379: {  	v10 =	vmul.f32 v10, v52;
	v5 =	vmul.f32 v12, v5;
	v3 =	vadd.f32 v8, v3;
	v8 =	vld.idx.msk [tilespmem:v7+s15+$0x0], $0xffff  }
0x37a: {  	v7 =	vld.idx.msk [tilespmem:v7+s16+$0x0], $0xffff  }
0x37b: {  	v12 =	vor.u32 $0x1B, v2;
	v5 =	vmul.f32 v5, v39;
	v3 =	vadd.f32 v10, v3;
	v10 =	vld.idx.msk [tilespmem:v9+s15+$0x0], $0xffff  }
0x37c: {  	v4 =	vmul.f32 v13, v4;
	v9 =	vld.idx.msk [tilespmem:v9+s16+$0x0], $0xffff  }
0x37d: {  	v6 =	vmul.f32 v14, v6;
	v3 =	vadd.f32 v5, v3;
	v5 =	vld.idx.msk [tilespmem:v11+s15+$0x0], $0xffff  }
0x37e: {  	v13 =	vor.u32 $0x1C, v2;
	v4 =	vmul.f32 v4, v40;
	v11 =	vld.idx.msk [tilespmem:v11+s16+$0x0], $0xffff  }
0x37f: {  	v52 =	vmovc v39;
	v39 =	vmov v40;
	v40 =	vmov v57;
	v6 =	vmul.f32 v6, v57;
	v57 =	vld [tilespmem:$0x1FEF0]  }
0x380: {  	v14 =	vor.u32 $0x1D, v2;
	v7 =	vmul.f32 v7, v8;
	v3 =	vadd.f32 v4, v3;
	v4 =	vld.idx.msk [tilespmem:v12+s15+$0x0], $0xffff  }
0x381: {  	v12 =	vld.idx.msk [tilespmem:v12+s16+$0x0], $0xffff  }
0x382: {  	v23 =	vmovc v34;
	v34 =	vmov v58;
	v8 =	vor.u32 $0x1E, v2;
	v7 =	vmul.f32 v7, v58;
	v58 =	vld [tilespmem:$0x1FEE0]  }
0x383: {  	v9 =	vmul.f32 v9, v10;
	v3 =	vadd.f32 v6, v3;
	v6 =	vld.idx.msk [tilespmem:v13+s15+$0x0], $0xffff  }
0x384: {  	v10 =	vor.u32 $0x1F, v2;
	v13 =	vld.idx.msk [tilespmem:v13+s16+$0x0], $0xffff  }
0x385: {  	v9 =	vmul.f32 v9, v51;
	v5 =	vmul.f32 v11, v5;
	v3 =	vadd.f32 v7, v3;
	v7 =	vld.idx.msk [tilespmem:v14+s15+$0x0], $0xffff  }
0x386: {  	v11 =	vor.u32 $0x20, v2;
	v14 =	vld.idx.msk [tilespmem:v14+s16+$0x0], $0xffff  }
0x387: {  	v4 =	vmul.f32 v12, v4;
	v3 =	vadd.f32 v9, v3;
	v9 =	vld.idx.msk [tilespmem:v8+s15+$0x0], $0xffff;
	v5 =	vmul.f32 v5, v58  }
0x388: {  	v12 =	vor.u32 $0x21, v2;
	v8 =	vld.idx.msk [tilespmem:v8+s16+$0x0], $0xffff  }
0x389: {  	v4 =	vmul.f32 v4, v59;
	v6 =	vmul.f32 v13, v6;
	v3 =	vadd.f32 v5, v3;
	v5 =	vld.idx.msk [tilespmem:v10+s15+$0x0], $0xffff  }
0x38a: {  	v13 =	vor.u32 $0x22, v2;
	v10 =	vld.idx.msk [tilespmem:v10+s16+$0x0], $0xffff  }
0x38b: {  	v6 =	vmul.f32 v6, v61;
	v7 =	vmul.f32 v14, v7;
	v3 =	vadd.f32 v4, v3;
	v4 =	vld.idx.msk [tilespmem:v11+s15+$0x0], $0xffff  }
0x38c: {  	v14 =	vor.u32 $0x23, v2;
	v11 =	vld.idx.msk [tilespmem:v11+s16+$0x0], $0xffff  }
0x38d: {  	v7 =	vmul.f32 v7, v62;
	v8 =	vmul.f32 v8, v9;
	v3 =	vadd.f32 v6, v3;
	v6 =	vld.idx.msk [tilespmem:v12+s15+$0x0], $0xffff  }
0x38e: {  	v12 =	vld.idx.msk [tilespmem:v12+s16+$0x0], $0xffff  }
0x38f: {  	v9 =	vor.u32 $0x24, v2;
	v8 =	vmul.f32 v8, v47;
	v3 =	vadd.f32 v7, v3;
	v7 =	vld.idx.msk [tilespmem:v13+s15+$0x0], $0xffff  }
0x390: {  	v5 =	vmul.f32 v10, v5;
	v13 =	vld.idx.msk [tilespmem:v13+s16+$0x0], $0xffff  }
0x391: {  	v10 =	vor.u32 $0x25, v2;
	v4 =	vmul.f32 v11, v4;
	v3 =	vadd.f32 v8, v3;
	v8 =	vld.idx.msk [tilespmem:v14+s15+$0x0], $0xffff  }
0x392: {  	v5 =	vmul.f32 v5, v49;
	v14 =	vld.idx.msk [tilespmem:v14+s16+$0x0], $0xffff  }
0x393: {  	v19 =	vmov v49;
	v49 =	vmov v50;
	v4 =	vmul.f32 v4, v50;
	v50 =	vld [tilespmem:$0x1FED0]  }
0x394: {  	v3 =	vadd.f32 v5, v3;
	v5 =	vld.idx.msk [tilespmem:v9+s15+$0x0], $0xffff  }
0x395: {  	v11 =	vor.u32 $0x26, v2;
	v9 =	vld.idx.msk [tilespmem:v9+s16+$0x0], $0xffff  }
0x396: {  	v6 =	vmul.f32 v12, v6;
	v7 =	vmul.f32 v13, v7;
	v3 =	vadd.f32 v4, v3;
	v4 =	vld.idx.msk [tilespmem:v10+s15+$0x0], $0xffff  }
0x397: {  	v12 =	vor.u32 $0x27, v2;
	v10 =	vld.idx.msk [tilespmem:v10+s16+$0x0], $0xffff  }
0x398: {  	v35 =	vmov v60;
	v7 =	vmul.f32 v7, v60;
	v60 =	vld [tilespmem:$0x1FF40];
	v6 =	vmul.f32 v6, v50  }
0x399: {  	v29 =	vmov v32;
	v32 =	vmov v51;
	v51 =	vld [tilespmem:$0x1FEC0]  }
0x39a: {  	v13 =	vor.u32 $0x28, v2;
	v3 =	vadd.f32 v6, v3;
	v6 =	vld.idx.msk [tilespmem:v11+s15+$0x0], $0xffff  }
0x39b: {  	v8 =	vmul.f32 v14, v8;
	v11 =	vld.idx.msk [tilespmem:v11+s16+$0x0], $0xffff  }
0x39c: {  	v14 =	vor.u32 $0x29, v2;
	v4 =	vmul.f32 v10, v4;
	v3 =	vadd.f32 v7, v3;
	v7 =	vld.idx.msk [tilespmem:v12+s15+$0x0], $0xffff  }
0x39d: {  	v5 =	vmul.f32 v9, v5;
	v8 =	vmul.f32 v8, v60;
	v12 =	vld.idx.msk [tilespmem:v12+s16+$0x0], $0xffff  }
0x39e: {  	v20 =	vmovc v54;
	v54 =	vmov v55;
	v9 =	vor.u32 $0x2A, v2;
	v4 =	vmul.f32 v4, v55;
	v55 =	vld [tilespmem:$0x1FF10]  }
0x39f: {  	v5 =	vmul.f32 v5, v26;
	v3 =	vadd.f32 v8, v3;
	v8 =	vld.idx.msk [tilespmem:v13+s15+$0x0], $0xffff  }
0x3a0: {  	v10 =	vor.u32 $0x2B, v2;
	v13 =	vld.idx.msk [tilespmem:v13+s16+$0x0], $0xffff  }
0x3a1: {  	v6 =	vmul.f32 v11, v6;
	v3 =	vadd.f32 v5, v3;
	v5 =	vld.idx.msk [tilespmem:v14+s15+$0x0], $0xffff  }
0x3a2: {  	v11 =	vor.u32 $0x2C, v2;
	v14 =	vld.idx.msk [tilespmem:v14+s16+$0x0], $0xffff  }
0x3a3: {  	v7 =	vmul.f32 v12, v7;
	v3 =	vadd.f32 v4, v3;
	v4 =	vld.idx.msk [tilespmem:v9+s15+$0x0], $0xffff;
	v6 =	vmul.f32 v6, v55  }
0x3a4: {  	v9 =	vld.idx.msk [tilespmem:v9+s16+$0x0], $0xffff  }
0x3a5: {  	v12 =	vor.u32 $0x2D, v2;
	v7 =	vmul.f32 v7, v1;
	v3 =	vadd.f32 v6, v3;
	v6 =	vld.idx.msk [tilespmem:v10+s15+$0x0], $0xffff  }
0x3a6: {  	v8 =	vmul.f32 v13, v8;
	v10 =	vld.idx.msk [tilespmem:v10+s16+$0x0], $0xffff  }
0x3a7: {  	v13 =	vor.u32 $0x2E, v2;
	v5 =	vmul.f32 v14, v5;
	v3 =	vadd.f32 v7, v3;
	v7 =	vld.idx.msk [tilespmem:v11+s15+$0x0], $0xffff  }
0x3a8: {  	v8 =	vmul.f32 v8, v57;
	v11 =	vld.idx.msk [tilespmem:v11+s16+$0x0], $0xffff  }
0x3a9: {  	v28 =	vmov v27;
	v5 =	vmul.f32 v5, v27;
	v27 =	vld [tilespmem:$0x1FF20]  }
0x3aa: {  	v3 =	vadd.f32 v8, v3;
	v8 =	vld.idx.msk [tilespmem:v12+s15+$0x0], $0xffff  }
0x3ab: {  	v14 =	vor.u32 $0x2F, v2;
	v12 =	vld.idx.msk [tilespmem:v12+s16+$0x0], $0xffff  }
0x3ac: {  	v4 =	vmul.f32 v9, v4;
	v6 =	vmul.f32 v10, v6;
	v3 =	vadd.f32 v5, v3;
	v5 =	vld.idx.msk [tilespmem:v13+s15+$0x0], $0xffff  }
0x3ad: {  	v13 =	vld.idx.msk [tilespmem:v13+s16+$0x0], $0xffff;
	v7 =	vmul.f32 v11, v7  }
0x3ae: {  	v21 =	vmovc v22;
	v9 =	vor.u32 $0x30, v2;
	v6 =	vmul.f32 v6, v22;
	v22 =	vld [tilespmem:$0x1FE90];
	v4 =	vmul.f32 v4, v27  }
0x3af: {  	v7 =	vmul.f32 v7, v51;
	v51 =	vld [tilespmem:$0x1FE70]  }
0x3b0: {  	v10 =	vor.u32 $0x31, v2;
	v8 =	vmul.f32 v12, v8;
	v3 =	vadd.f32 v4, v3;
	v4 =	vld.idx.msk [tilespmem:v14+s15+$0x0], $0xffff  }
0x3b1: {  	v14 =	vld.idx.msk [tilespmem:v14+s16+$0x0], $0xffff  }
0x3b2: {  	v11 =	vor.u32 $0x32, v2;
	v8 =	vmul.f32 v8, v63;
	v63 =	vld [tilespmem:$0x1FE50]  }
0x3b3: {  	v3 =	vadd.f32 v6, v3;
	v6 =	vld.idx.msk [tilespmem:v9+s15+$0x0], $0xffff  }
0x3b4: {  	v12 =	vor.u32 $0x33, v2;
	v9 =	vld.idx.msk [tilespmem:v9+s16+$0x0], $0xffff  }
0x3b5: {  	v5 =	vmul.f32 v13, v5;
	v3 =	vadd.f32 v7, v3;
	v7 =	vld.idx.msk [tilespmem:v10+s15+$0x0], $0xffff  }
0x3b6: {  	v13 =	vor.u32 $0x34, v2;
	v10 =	vld.idx.msk [tilespmem:v10+s16+$0x0], $0xffff  }
0x3b7: {  	v5 =	vmul.f32 v5, v33;
	v4 =	vmul.f32 v14, v4;
	v3 =	vadd.f32 v8, v3;
	v8 =	vld.idx.msk [tilespmem:v11+s15+$0x0], $0xffff  }
0x3b8: {  	v11 =	vld.idx.msk [tilespmem:v11+s16+$0x0], $0xffff  }
0x3b9: {  	v4 =	vmul.f32 v4, v22;
	v6 =	vmul.f32 v9, v6;
	v3 =	vadd.f32 v5, v3;
	v5 =	vld.idx.msk [tilespmem:v12+s15+$0x0], $0xffff  }
0x3ba: {  	v14 =	vor.u32 $0x35, v2;
	v12 =	vld.idx.msk [tilespmem:v12+s16+$0x0], $0xffff  }
0x3bb: {  	v6 =	vmul.f32 v6, v25;
	v7 =	vmul.f32 v10, v7;
	v3 =	vadd.f32 v4, v3;
	v4 =	vld.idx.msk [tilespmem:v13+s15+$0x0], $0xffff  }
0x3bc: {  	v9 =	vor.u32 $0x36, v2;
	v13 =	vld.idx.msk [tilespmem:v13+s16+$0x0], $0xffff  }
0x3bd: {  	v7 =	vmul.f32 v7, v51;
	v8 =	vmul.f32 v11, v8;
	v3 =	vadd.f32 v6, v3  }
0x3be: {  	v10 =	vor.u32 $0x37, v2  }
0x3bf: {  	v8 =	vmul.f32 v8, v48;
	v5 =	vmul.f32 v12, v5;
	v3 =	vadd.f32 v7, v3  }
0x3c0: {  	v6 =	vld.idx.msk [tilespmem:v14+s15+$0x0], $0xffff;
	v12 =	vor.u32 $0x39, v2  }
0x3c1: {  	v14 =	vld.idx.msk [tilespmem:v14+s16+$0x0], $0xffff;
	v5 =	vmul.f32 v5, v63;
	v4 =	vmul.f32 v13, v4;
	v3 =	vadd.f32 v8, v3  }
0x3c2: {  	v7 =	vld.idx.msk [tilespmem:v9+s15+$0x0], $0xffff  }
0x3c3: {  	v11 =	vor.u32 $0x38, v2;
	v9 =	vld.idx.msk [tilespmem:v9+s16+$0x0], $0xffff;
	v4 =	vmul.f32 v4, v53;
	v3 =	vadd.f32 v5, v3  }
0x3c4: {  	v8 =	vld.idx.msk [tilespmem:v10+s15+$0x0], $0xffff  }
0x3c5: {  	v3 =	vadd.f32 v4, v3;
	v4 =	vld.idx.msk [tilespmem:v12+s15+$0x0], $0xffff  }
0x3c6: {  	v12 =	vld.idx.msk [tilespmem:v12+s16+$0x0], $0xffff  }
0x3c7: {  	v13 =	vor.u32 $0x3A, v2;
	v10 =	vld.idx.msk [tilespmem:v10+s16+$0x0], $0xffff  }
0x3c8: {  	v6 =	vmul.f32 v14, v6;
	v5 =	vld.idx.msk [tilespmem:v11+s15+$0x0], $0xffff  }
0x3c9: {  	v14 =	vor.u32 $0x3B, v2;
	v11 =	vld.idx.msk [tilespmem:v11+s16+$0x0], $0xffff  }
0x3ca: {  	v6 =	vmul.f32 v6, v36;
	v7 =	vmul.f32 v9, v7  }
0x3cb: {  	v9 =	vor.u32 $0x3C, v2;
	v4 =	vmul.f32 v12, v4;
	v12 =	vld [tilespmem:$0x1FDB0]  }
0x3cc: {  	v7 =	vmul.f32 v7, v37;
	v8 =	vmul.f32 v10, v8;
	v3 =	vadd.f32 v6, v3;
	v6 =	vld.idx.msk [tilespmem:v13+s15+$0x0], $0xffff  }
0x3cd: {  	v10 =	vor.u32 $0x3D, v2;
	v13 =	vld.idx.msk [tilespmem:v13+s16+$0x0], $0xffff  }
0x3ce: {  	v8 =	vmul.f32 v8, v38;
	v5 =	vmul.f32 v11, v5;
	v3 =	vadd.f32 v7, v3;
	v7 =	vld.idx.msk [tilespmem:v14+s15+$0x0], $0xffff  }
0x3cf: {  	v11 =	vor.u32 $0x3E, v2;
	v14 =	vld.idx.msk [tilespmem:v14+s16+$0x0], $0xffff  }
0x3d0: {  	v3 =	vadd.f32 v8, v3;
	v8 =	vld.idx.msk [tilespmem:v9+s15+$0x0], $0xffff;
	v5 =	vmul.f32 v5, v12  }
0x3d1: {  	v2 =	vor.u32 $0x3F, v2;
	v9 =	vld.idx.msk [tilespmem:v9+s16+$0x0], $0xffff  }
0x3d2: {  	v4 =	vmul.f32 v4, v56;
	v3 =	vadd.f32 v5, v3;
	v5 =	vmul.f32 v13, v6;
	v6 =	vld.idx.msk [tilespmem:v10+s15+$0x0], $0xffff  }
0x3d3: {  	v10 =	vld.idx.msk [tilespmem:v10+s16+$0x0], $0xffff  }
0x3d4: {  	v3 =	vadd.f32 v4, v3;
	v4 =	vmul.f32 v14, v7;
	v7 =	vld.idx.msk [tilespmem:v11+s15+$0x0], $0xffff;
	v5 =	vmul.f32 v5, v41  }
0x3d5: {  	v11 =	vld.idx.msk [tilespmem:v11+s16+$0x0], $0xffff  }
0x3d6: {  	v3 =	vadd.f32 v5, v3;
	v5 =	vmul.f32 v9, v8;
	v8 =	vld.idx.msk [tilespmem:v2+s15+$0x0], $0xffff;
	v4 =	vmul.f32 v4, v42  }
0x3d7: {  	v2 =	vld.idx.msk [tilespmem:v2+s16+$0x0], $0xffff  }
0x3d8: {  	v3 =	vadd.f32 v4, v3;
	v4 =	vmul.f32 v10, v6;
	v5 =	vmul.f32 v5, v43;
	_ =	sdelay $0x1  }
0x3d9: {  	v37 =	vld [tilespmem:$0x1FFF0];
	v3 =	vadd.f32 v5, v3;
	v5 =	vmul.f32 v11, v7;
	v4 =	vmul.f32 v4, v44  }
0x3da: {  	v12 =	vld [tilespmem:$0x1FFC0]  }
0x3db: {  	v14 =	vmovc v31;
	v31 =	vld [tilespmem:$0x1FF00];
	v2 =	vmul.f32 v2, v8;
	v3 =	vadd.f32 v4, v3;
	v4 =	vmul.f32 v5, v45  }
0x3dc: {  	v9 =	vld [tilespmem:$0x1FF90]  }
0x3dd: {  	v6 =	vld [tilespmem:$0x1FF80];
	v2 =	vmul.f32 v2, v46;
	v3 =	vadd.f32 v4, v3  }
0x3de: {  	s30 =	sand.u32 $0x80, s20;
	v10 =	vld [tilespmem:$0x1FFA0]  }
.Ltmp4:
0x3df: {  	s31 =	sand.u32 $0x70, s20;
	s0 =	sadd.s32 s30, s19;
	v11 =	vld [tilespmem:$0x1FFB0];
	v2 =	vadd.f32 v2, v3;
	(pc) =	sbr.rel @p0 .LBB2_2-.Ltmp4, $4  }
0x3e0: {  	s0 =	sadd.s32 s31, s0;
	v5 =	vld [tilespmem:$0x1FFE0]  }
0x3e1: {  	v17 =	vmovc v26;
	v36 =	vmovc v27;
	v38 =	vmov v52;
	v52 =	vmov v60;
	v56 =	vmov v1;
	[tilespmem:s0+$0x0] =	vst v2;
	v2 =	vld [tilespmem:$0x1FF60]  }
0x3e2: {  	v13 =	vmovc v30;
	v41 =	vmovc v34;
	v42 =	vmov v32;
	v32 =	vmov v50;
	v43 =	vmov v58;
	v4 =	vld [tilespmem:$0x1FF70]  }
0x3e3: {  	p1 =	por $0x0, $0x0;
	v7 =	vmovc v23;
	v8 =	vmovc v29;
	v29 =	vmov v49;
	v45 =	vmov v61;
	v61 =	vmov v21;
	v3 =	vld [tilespmem:$0x1FFD0];
	s0 =	simm.s32 $0x100  }
0x3e4: {  	s0 =	rddreg [dreg:$0x13];
	s1 =	simm.s32 $0x10400  }
0x3e5: {  	[hbm4b:s0+s11] =	stream.linear.scatter [tilespmem:s1], [sflag:$0x3], $0x200, $0x38;
	[tilespmem:$0x10680] =	vst v63  }
0x3e6: {  	s1 =	simm.s32 $0x3  }
0x3e7: {  	_ =	swait.ge [sflag:s1], $0x200  }
0x3e8: {  	s2 =	rddreg [dreg:$0x15]  }
0x3e9: {  	s31 =	rddreg [dreg:$0x14];
	s2 =	sadd.s32 $0x1, s2  }
0x3ea: {  	p0 =	sne.s32 s2, s31  }
.Ltmp5:
0x3eb: {  	_ = 	snop;
	(pc) =	sbr.rel @p0 .LBB2_1-.Ltmp5, $3  }
0x3ec: {  	_ =	sdelay $0x1  }
0x3ed: {  	[sflag:s1] =	ssyncset.done $0x0  }
0x3ee: {  	[sflag:s1] =	ssyncadd.s32 $0xFFFFFE00  }
0x3ef: {  	_ =	sfence.sel $0x180000  }
0x3f0: {  	[bflag:$0x0] =	sbarrier.arrive $0xFFFF  }
0x3f1: {  	_ =	strace $0x90000047  }
0x3f2: {  	s0 =	stileid.u32;
	[bflag:$0x2] =	sbarrier.arrive $0xFFFF  }
0x3f3: {  	p0 =	sne.s32 s0, $0x0;
	s0 =	rddreg [dreg:$0x4]  }
0x3f4: {  	s0 =	sadd.s32 @!p0 $0x100000, s0  }
0x3f5: {  	[sflag:s0] =	ssyncadd.tile.s32 @!p0 $0x1;
	_ =	shalt  }
.Lfunc_end2:
_tile_overlayer_lowered:
.L_overlay_start_2:
0x3f6: {  	(tag) =	ssettag $0x2  }
0x3f7: {  	s0 =	rddreg [dreg:$0x0];
	s2 =	stileid.u32  }
0x3f8: {  	s1 =	rddreg [dreg:$0x1];
	p0 =	sne.s32 s2, $0x0  }
0x3f9: {  	s3 =	rddreg [dreg:$0x2];
	[bflag:$0x3] =	sbarrier.arrive $0xFFFF;
	s2 =	simm.s32 @!p0 $0x1C03  }
0x3fa: {  	[timem:s3], [sflag:s2] =	dma.local @!p0 [hbm:s0], s1  }
0x3fb: {  	s0 =	simm.s32 @!p0 $0x3  }
0x3fc: {  	_ =	swait.ge @!p0 [sflag:s0], s1  }
0x3fd: {  	s1 =	ssub.s32 @!p0 $0x0, s1;
	[sflag:s0] =	ssyncset.done @!p0 $0x0  }
0x3fe: {  	[sflag:s0] =	ssyncadd.s32 @!p0 s1  }
0x3ff: {  	[bflag:$0x3] =	sbarrier.arrive $0xFFFF  }
0x400: {  	_ =	shalt  }

</sc_bundles>
